<compile_context>
chip_gen: v7x
topology: tpu7x:2x2x1
jax: 0.10.2.dev20260603
libtpu: 0.0.44.dev20260713+nightly
codegen_flags: <defaults>
</compile_context>

<pallas_src>
import functools

import jax
import jax.numpy as jnp
from jax import lax
from jax.experimental import pallas as pl
from jax.experimental.pallas import tpu as pltpu
from jax.experimental.pallas import tpu_sc as plsc

B = 4096
S = 200
D = 32
V = 1000000
NC = 2
NS = 16
NW = NC * NS
TOTAL = B * S
PER_W = TOTAL // NW
R = 800
SEQ_C = R // S
NCH = PER_W // R

_mesh = plsc.VectorSubcoreMesh(core_axis_name="c", subcore_axis_name="s")


@functools.partial(
    pl.kernel,
    mesh=_mesh,
    compiler_params=pltpu.CompilerParams(use_tc_tiling_on_sc=False),
    out_type=jax.ShapeDtypeStruct((TOTAL, D), jnp.float32),
    scratch_types=[
        pltpu.VMEM((PER_W,), jnp.int32),
        pltpu.VMEM((R, D), jnp.float32),
        pltpu.VMEM((R, D), jnp.float32),
        pltpu.VMEM((S, D), jnp.float32),
        pltpu.SemaphoreType.DMA,
        pltpu.SemaphoreType.DMA,
        pltpu.SemaphoreType.DMA,
        pltpu.SemaphoreType.DMA,
    ],
)
def _embed(x_hbm, tok_hbm, pos_hbm, out_hbm,
           idx_v, rows0, rows1, pos_v,
           gsem0, gsem1, ssem0, ssem1):
    wid = lax.axis_index("s") * NC + lax.axis_index("c")
    base = wid * PER_W

    rows = (rows0, rows1)
    gsem = (gsem0, gsem1)
    ssem = (ssem0, ssem1)

    pltpu.sync_copy(x_hbm.at[pl.ds(base, PER_W)], idx_v)
    pltpu.sync_copy(pos_hbm, pos_v)

    def start_gather(c):
        buf = c % 2
        return pltpu.async_copy(
            tok_hbm.at[idx_v.at[pl.ds(c * R, R)]], rows[buf], gsem[buf])

    def add_pos(buf):
        rv = rows[buf]

        def body(p, _):
            lo = pos_v[p, pl.ds(0, 16)]
            hi = pos_v[p, pl.ds(16, 16)]
            for k in range(SEQ_C):
                r = k * S + p
                rv[r, pl.ds(0, 16)] = rv[r, pl.ds(0, 16)] + lo
                rv[r, pl.ds(16, 16)] = rv[r, pl.ds(16, 16)] + hi
            return 0

        lax.fori_loop(0, S, body, 0)

    def start_scatter(c):
        buf = c % 2
        return pltpu.async_copy(
            rows[buf], out_hbm.at[pl.ds(base + c * R, R)], ssem[buf])

    gd = [None, None]
    sd = [None, None]
    gd[0] = start_gather(0)
    for c in range(NCH):
        buf = c % 2
        oth = 1 - buf
        if c + 1 < NCH:
            if sd[oth] is not None:
                sd[oth].wait()
            gd[oth] = start_gather(c + 1)
        gd[buf].wait()
        add_pos(buf)
        sd[buf] = start_scatter(c)
    sd[0].wait()
    sd[1].wait()


def kernel(x, token_table, pos_table):
    xf = x.reshape(-1).astype(jnp.int32)
    out = _embed(xf, token_table, pos_table)
    return out.reshape(B, S, D)

# --- scband reference (transcript-rebuilt; emitter-appended) ---
"""Pipeline reference for scband-token-position-embedding-88639535055123 (READ-ONLY COPY).

The authoritative reference and input builder live on the scoring server;
editing this copy changes nothing except your own understanding.
"""

import jax, jax.numpy as jnp
import numpy as np

CONTEXT_WIN = 200
MAX_VOCAB = 1000000
EMBED_DIM = 32
BATCH = 4096


def setup_inputs(seed: int = 0) -> dict:
    key = jax.random.key(seed)
    k1, k2, k3 = jax.random.split(key, 3)
    x = jax.random.randint(k1, (BATCH, CONTEXT_WIN), 0, MAX_VOCAB, dtype=jnp.int64 if jax.config.read('jax_enable_x64') else jnp.int32)
    token_table = jax.random.normal(k2, (MAX_VOCAB, EMBED_DIM), dtype=jnp.float32) * 0.02
    pos_table = jax.random.normal(k3, (CONTEXT_WIN, EMBED_DIM), dtype=jnp.float32) * 0.02
    return {"x": x, "token_table": token_table, "pos_table": pos_table}


def reference(x, token_table, pos_table):
    # context_win = x.shape[-1]; positions = position_embed(range(context_win))
    seq_len = x.shape[-1]
    positions = jnp.take(pos_table, jnp.arange(seq_len), axis=0)  # [S, D]
    tok = jnp.take(token_table, x, axis=0)  # [B, S, D]
    return tok + positions[None, :, :]

if __name__ == "__main__":
    import jax
    _d = setup_inputs()
    print(jax.jit(kernel)(*tuple(_d.values())))

</pallas_src>

<mosaic_0001>
#map = affine_map<(d0, d1) -> (0)>
#map1 = affine_map<(d0, d1) -> (0, 0)>
module attributes {stable_mosaic.version = 14 : i64} {
  func.func @_embed(%arg0: i32, %arg1: i32, %arg2: memref<819200xi32, #tpu.memory_space<hbm>>, %arg3: memref<1000000x32xf32, #tpu.memory_space<hbm>>, %arg4: memref<200x32xf32, #tpu.memory_space<hbm>>, %arg5: memref<819200x32xf32, #tpu.memory_space<hbm>>, %arg6: memref<25600xi32, #tpu.memory_space<vmem>>, %arg7: memref<800x32xf32, #tpu.memory_space<vmem>>, %arg8: memref<800x32xf32, #tpu.memory_space<vmem>>, %arg9: memref<200x32xf32, #tpu.memory_space<vmem>>, %arg10: memref<!tpu.dma_semaphore, #tpu.memory_space<semaphore_mem>>, %arg11: memref<!tpu.dma_semaphore, #tpu.memory_space<semaphore_mem>>, %arg12: memref<!tpu.dma_semaphore, #tpu.memory_space<semaphore_mem>>, %arg13: memref<!tpu.dma_semaphore, #tpu.memory_space<semaphore_mem>>) attributes {dimension_semantics = [#tpu.dimension_semantics<core_parallel>, #tpu.dimension_semantics<subcore_parallel>], iteration_bounds = array<i64: 2, 16>, scalar_prefetch = 0 : i64, scratch_operands = 8 : i64, tpu.core_type = #tpu.core_type<sc_vector_subcore>, window_params = [{transform_indices = #map}, {transform_indices = #map1}, {transform_indices = #map1}, {transform_indices = #map1}]} {
    %mul3A = arith.constant 2 : i32
    %mul3A_0 = arith.muli %arg1, %mul3A : i32
    %add3A = arith.addi %mul3A_0, %arg0 : i32
    %mul3A_1 = arith.constant 25600 : i32
    %mul3A_2 = arith.muli %add3A, %mul3A_1 : i32
    "tpu.region"() ({
      %run_scoped3A = tpu.sem_alloc : memref<!tpu.dma_semaphore, #tpu.memory_space<semaphore_mem>>
      %dma_start3A_864 = tpu.memref_slice %arg2[%mul3A_2] : memref<819200xi32, #tpu.memory_space<hbm>> -> memref<25600xi32, #tpu.memory_space<hbm>>
      %dma_start3A_865 = tpu.memref_slice %arg2[%mul3A_2] : memref<819200xi32, #tpu.memory_space<hbm>> -> memref<25600xi32, #tpu.memory_space<hbm>>
      tpu.enqueue_dma source(%dma_start3A_865 : memref<25600xi32, #tpu.memory_space<hbm>>) target(%arg6 : memref<25600xi32, #tpu.memory_space<vmem>>) target_semaphore(%run_scoped3A : memref<!tpu.dma_semaphore, #tpu.memory_space<semaphore_mem>>)
      %dma_wait3A_866 = tpu.memref_slice %arg2[%mul3A_2] : memref<819200xi32, #tpu.memory_space<hbm>> -> memref<25600xi32, #tpu.memory_space<hbm>>
      %dma_wait3A_867 = tpu.memref_slice %arg2[%mul3A_2] : memref<819200xi32, #tpu.memory_space<hbm>> -> memref<25600xi32, #tpu.memory_space<hbm>>
      tpu.wait_dma2 semaphore(%run_scoped3A : memref<!tpu.dma_semaphore, #tpu.memory_space<semaphore_mem>>) src(%dma_wait3A_867 : memref<25600xi32, #tpu.memory_space<hbm>>) dst(%arg6 : memref<25600xi32, #tpu.memory_space<vmem>>)
      tpu.yield
    }) : () -> ()
    "tpu.region"() ({
      %run_scoped3A = tpu.sem_alloc : memref<!tpu.dma_semaphore, #tpu.memory_space<semaphore_mem>>
      tpu.enqueue_dma source(%arg4 : memref<200x32xf32, #tpu.memory_space<hbm>>) target(%arg9 : memref<200x32xf32, #tpu.memory_space<vmem>>) target_semaphore(%run_scoped3A : memref<!tpu.dma_semaphore, #tpu.memory_space<semaphore_mem>>)
      tpu.wait_dma2 semaphore(%run_scoped3A : memref<!tpu.dma_semaphore, #tpu.memory_space<semaphore_mem>>) src(%arg4 : memref<200x32xf32, #tpu.memory_space<hbm>>) dst(%arg9 : memref<200x32xf32, #tpu.memory_space<vmem>>)
      tpu.yield
    }) : () -> ()
    %dma_start3A = arith.constant 0 : i32
    %dma_start3A_3 = tpu.memref_slice %arg6[%dma_start3A] : memref<25600xi32, #tpu.memory_space<vmem>> -> memref<800xi32, #tpu.memory_space<vmem>>
    %dma_start3A_4 = arith.constant 0 : i32
    %dma_start3A_5 = arith.constant 0 : i32
    %dma_start3A_6 = tpu.memref_slice %arg3[%dma_start3A_4, %dma_start3A_5] : memref<1000000x32xf32, #tpu.memory_space<hbm>> -> memref<1000000x32xf32, #tpu.memory_space<hbm>>
    tpu.enqueue_indirect_dma source(%dma_start3A_6 : memref<1000000x32xf32, #tpu.memory_space<hbm>>) target(%arg7 : memref<800x32xf32, #tpu.memory_space<vmem>>) offsets(%dma_start3A_3 : memref<800xi32, #tpu.memory_space<vmem>>) semaphore(%arg10 : memref<!tpu.dma_semaphore, #tpu.memory_space<semaphore_mem>>)
    %dma_start3A_7 = arith.constant 800 : i32
    %dma_start3A_8 = tpu.memref_slice %arg6[%dma_start3A_7] : memref<25600xi32, #tpu.memory_space<vmem>> -> memref<800xi32, #tpu.memory_space<vmem>>
    %dma_start3A_9 = arith.constant 0 : i32
    %dma_start3A_10 = arith.constant 0 : i32
    %dma_start3A_11 = tpu.memref_slice %arg3[%dma_start3A_9, %dma_start3A_10] : memref<1000000x32xf32, #tpu.memory_space<hbm>> -> memref<1000000x32xf32, #tpu.memory_space<hbm>>
    tpu.enqueue_indirect_dma source(%dma_start3A_11 : memref<1000000x32xf32, #tpu.memory_space<hbm>>) target(%arg8 : memref<800x32xf32, #tpu.memory_space<vmem>>) offsets(%dma_start3A_8 : memref<800xi32, #tpu.memory_space<vmem>>) semaphore(%arg11 : memref<!tpu.dma_semaphore, #tpu.memory_space<semaphore_mem>>)
    %dma_wait3A = arith.constant 0 : i32
    %dma_wait3A_12 = tpu.memref_slice %arg6[%dma_wait3A] : memref<25600xi32, #tpu.memory_space<vmem>> -> memref<800xi32, #tpu.memory_space<vmem>>
    %dma_wait3A_13 = arith.constant 0 : i32
    %dma_wait3A_14 = arith.constant 0 : i32
    %dma_wait3A_15 = tpu.memref_slice %arg3[%dma_wait3A_13, %dma_wait3A_14] : memref<1000000x32xf32, #tpu.memory_space<hbm>> -> memref<1000000x32xf32, #tpu.memory_space<hbm>>
    tpu.wait_indirect_dma semaphore(%arg10 : memref<!tpu.dma_semaphore, #tpu.memory_space<semaphore_mem>>) src(%dma_wait3A_15 : memref<1000000x32xf32, #tpu.memory_space<hbm>>) dst(%arg7 : memref<800x32xf32, #tpu.memory_space<vmem>>)
    %scan3A = arith.constant 0 : i32
    %scan3A_16 = arith.constant 0 : i32
    %scan3A_17 = arith.constant 200 : i32
    %scan3A_18 = arith.addi %scan3A_16, %scan3A_17 : i32
    %scan3A_19 = arith.constant 1 : i32
    %scan3A_20 = scf.for %scan3A_864 = %scan3A_16 to %scan3A_18 step %scan3A_19 iter_args(%scan3A_865 = %scan3A) -> (i32)  : i32 {
      %get3A = arith.index_cast %scan3A_864 : i32 to index
      %get3A_866 = arith.constant 0 : index
      %get3A_867 = tpu.vector_load %arg9[%get3A, %get3A_866] {strides = array<i32>} : memref<200x32xf32, #tpu.memory_space<vmem>>, vector<1x16xf32>,
      %get3A_868 = vector.shape_cast %get3A_867 : vector<1x16xf32> to vector<16xf32>
      %get3A_869 = arith.index_cast %scan3A_864 : i32 to index
      %get3A_870 = arith.constant 16 : index
      %get3A_871 = tpu.vector_load %arg9[%get3A_869, %get3A_870] {strides = array<i32>} : memref<200x32xf32, #tpu.memory_space<vmem>>, vector<1x16xf32>,
      %get3A_872 = vector.shape_cast %get3A_871 : vector<1x16xf32> to vector<16xf32>
      %add3A_873 = arith.constant 0 : i32
      %add3A_874 = arith.addi %add3A_873, %scan3A_864 : i32
      %get3A_875 = arith.index_cast %add3A_874 : i32 to index
      %get3A_876 = arith.constant 0 : index
      %get3A_877 = tpu.vector_load %arg7[%get3A_875, %get3A_876] {strides = array<i32>} : memref<800x32xf32, #tpu.memory_space<vmem>>, vector<1x16xf32>,
      %get3A_878 = vector.shape_cast %get3A_877 : vector<1x16xf32> to vector<16xf32>
      %add3A_879 = arith.addf %get3A_878, %get3A_868 : vector<16xf32>
      %swap3A = arith.index_cast %add3A_874 : i32 to index
      %swap3A_880 = arith.constant 0 : index
      %swap3A_881 = tpu.vector_load %arg7[%swap3A, %swap3A_880] {strides = array<i32>} : memref<800x32xf32, #tpu.memory_space<vmem>>, vector<1x16xf32>,
      %swap3A_882 = vector.shape_cast %swap3A_881 : vector<1x16xf32> to vector<16xf32>
      %swap3A_883 = vector.shape_cast %add3A_879 : vector<16xf32> to vector<1x16xf32>
      tpu.vector_store %arg7[%swap3A, %swap3A_880], %swap3A_883 {strides = array<i32>} : memref<800x32xf32, #tpu.memory_space<vmem>>, vector<1x16xf32>,
      %get3A_884 = arith.index_cast %add3A_874 : i32 to index
      %get3A_885 = arith.constant 16 : index
      %get3A_886 = tpu.vector_load %arg7[%get3A_884, %get3A_885] {strides = array<i32>} : memref<800x32xf32, #tpu.memory_space<vmem>>, vector<1x16xf32>,
      %get3A_887 = vector.shape_cast %get3A_886 : vector<1x16xf32> to vector<16xf32>
      %add3A_888 = arith.addf %get3A_887, %get3A_872 : vector<16xf32>
      %swap3A_889 = arith.index_cast %add3A_874 : i32 to index
      %swap3A_890 = arith.constant 16 : index
      %swap3A_891 = tpu.vector_load %arg7[%swap3A_889, %swap3A_890] {strides = array<i32>} : memref<800x32xf32, #tpu.memory_space<vmem>>, vector<1x16xf32>,
      %swap3A_892 = vector.shape_cast %swap3A_891 : vector<1x16xf32> to vector<16xf32>
      %swap3A_893 = vector.shape_cast %add3A_888 : vector<16xf32> to vector<1x16xf32>
      tpu.vector_store %arg7[%swap3A_889, %swap3A_890], %swap3A_893 {strides = array<i32>} : memref<800x32xf32, #tpu.memory_space<vmem>>, vector<1x16xf32>,
      %add3A_894 = arith.constant 200 : i32
      %add3A_895 = arith.addi %add3A_894, %scan3A_864 : i32
      %get3A_896 = arith.index_cast %add3A_895 : i32 to index
      %get3A_897 = arith.constant 0 : index
      %get3A_898 = tpu.vector_load %arg7[%get3A_896, %get3A_897] {strides = array<i32>} : memref<800x32xf32, #tpu.memory_space<vmem>>, vector<1x16xf32>,
      %get3A_899 = vector.shape_cast %get3A_898 : vector<1x16xf32> to vector<16xf32>
      %add3A_900 = arith.addf %get3A_899, %get3A_868 : vector<16xf32>
      %swap3A_901 = arith.index_cast %add3A_895 : i32 to index
      %swap3A_902 = arith.constant 0 : index
      %swap3A_903 = tpu.vector_load %arg7[%swap3A_901, %swap3A_902] {strides = array<i32>} : memref<800x32xf32, #tpu.memory_space<vmem>>, vector<1x16xf32>,
      %swap3A_904 = vector.shape_cast %swap3A_903 : vector<1x16xf32> to vector<16xf32>
      %swap3A_905 = vector.shape_cast %add3A_900 : vector<16xf32> to vector<1x16xf32>
      tpu.vector_store %arg7[%swap3A_901, %swap3A_902], %swap3A_905 {strides = array<i32>} : memref<800x32xf32, #tpu.memory_space<vmem>>, vector<1x16xf32>,
      %get3A_906 = arith.index_cast %add3A_895 : i32 to index
      %get3A_907 = arith.constant 16 : index
      %get3A_908 = tpu.vector_load %arg7[%get3A_906, %get3A_907] {strides = array<i32>} : memref<800x32xf32, #tpu.memory_space<vmem>>, vector<1x16xf32>,
      %get3A_909 = vector.shape_cast %get3A_908 : vector<1x16xf32> to vector<16xf32>
      %add3A_910 = arith.addf %get3A_909, %get3A_872 : vector<16xf32>
      %swap3A_911 = arith.index_cast %add3A_895 : i32 to index
      %swap3A_912 = arith.constant 16 : index
      %swap3A_913 = tpu.vector_load %arg7[%swap3A_911, %swap3A_912] {strides = array<i32>} : memref<800x32xf32, #tpu.memory_space<vmem>>, vector<1x16xf32>,
      %swap3A_914 = vector.shape_cast %swap3A_913 : vector<1x16xf32> to vector<16xf32>
      %swap3A_915 = vector.shape_cast %add3A_910 : vector<16xf32> to vector<1x16xf32>
      tpu.vector_store %arg7[%swap3A_911, %swap3A_912], %swap3A_915 {strides = array<i32>} : memref<800x32xf32, #tpu.memory_space<vmem>>, vector<1x16xf32>,
      %add3A_916 = arith.constant 400 : i32
      %add3A_917 = arith.addi %add3A_916, %scan3A_864 : i32
      %get3A_918 = arith.index_cast %add3A_917 : i32 to index
      %get3A_919 = arith.constant 0 : index
      %get3A_920 = tpu.vector_load %arg7[%get3A_918, %get3A_919] {strides = array<i32>} : memref<800x32xf32, #tpu.memory_space<vmem>>, vector<1x16xf32>,
      %get3A_921 = vector.shape_cast %get3A_920 : vector<1x16xf32> to vector<16xf32>
      %add3A_922 = arith.addf %get3A_921, %get3A_868 : vector<16xf32>
      %swap3A_923 = arith.index_cast %add3A_917 : i32 to index
      %swap3A_924 = arith.constant 0 : index
      %swap3A_925 = tpu.vector_load %arg7[%swap3A_923, %swap3A_924] {strides = array<i32>} : memref<800x32xf32, #tpu.memory_space<vmem>>, vector<1x16xf32>,
      %swap3A_926 = vector.shape_cast %swap3A_925 : vector<1x16xf32> to vector<16xf32>
      %swap3A_927 = vector.shape_cast %add3A_922 : vector<16xf32> to vector<1x16xf32>
      tpu.vector_store %arg7[%swap3A_923, %swap3A_924], %swap3A_927 {strides = array<i32>} : memref<800x32xf32, #tpu.memory_space<vmem>>, vector<1x16xf32>,
      %get3A_928 = arith.index_cast %add3A_917 : i32 to index
      %get3A_929 = arith.constant 16 : index
      %get3A_930 = tpu.vector_load %arg7[%get3A_928, %get3A_929] {strides = array<i32>} : memref<800x32xf32, #tpu.memory_space<vmem>>, vector<1x16xf32>,
      %get3A_931 = vector.shape_cast %get3A_930 : vector<1x16xf32> to vector<16xf32>
      %add3A_932 = arith.addf %get3A_931, %get3A_872 : vector<16xf32>
      %swap3A_933 = arith.index_cast %add3A_917 : i32 to index
      %swap3A_934 = arith.constant 16 : index
      %swap3A_935 = tpu.vector_load %arg7[%swap3A_933, %swap3A_934] {strides = array<i32>} : memref<800x32xf32, #tpu.memory_space<vmem>>, vector<1x16xf32>,
      %swap3A_936 = vector.shape_cast %swap3A_935 : vector<1x16xf32> to vector<16xf32>
      %swap3A_937 = vector.shape_cast %add3A_932 : vector<16xf32> to vector<1x16xf32>
      tpu.vector_store %arg7[%swap3A_933, %swap3A_934], %swap3A_937 {strides = array<i32>} : memref<800x32xf32, #tpu.memory_space<vmem>>, vector<1x16xf32>,
      %add3A_938 = arith.constant 600 : i32
      %add3A_939 = arith.addi %add3A_938, %scan3A_864 : i32
      %get3A_940 = arith.index_cast %add3A_939 : i32 to index
      %get3A_941 = arith.constant 0 : index
      %get3A_942 = tpu.vector_load %arg7[%get3A_940, %get3A_941] {strides = array<i32>} : memref<800x32xf32, #tpu.memory_space<vmem>>, vector<1x16xf32>,
      %get3A_943 = vector.shape_cast %get3A_942 : vector<1x16xf32> to vector<16xf32>
      %add3A_944 = arith.addf %get3A_943, %get3A_868 : vector<16xf32>
      %swap3A_945 = arith.index_cast %add3A_939 : i32 to index
      %swap3A_946 = arith.constant 0 : index
      %swap3A_947 = tpu.vector_load %arg7[%swap3A_945, %swap3A_946] {strides = array<i32>} : memref<800x32xf32, #tpu.memory_space<vmem>>, vector<1x16xf32>,
      %swap3A_948 = vector.shape_cast %swap3A_947 : vector<1x16xf32> to vector<16xf32>
      %swap3A_949 = vector.shape_cast %add3A_944 : vector<16xf32> to vector<1x16xf32>
      tpu.vector_store %arg7[%swap3A_945, %swap3A_946], %swap3A_949 {strides = array<i32>} : memref<800x32xf32, #tpu.memory_space<vmem>>, vector<1x16xf32>,
      %get3A_950 = arith.index_cast %add3A_939 : i32 to index
      %get3A_951 = arith.constant 16 : index
      %get3A_952 = tpu.vector_load %arg7[%get3A_950, %get3A_951] {strides = array<i32>} : memref<800x32xf32, #tpu.memory_space<vmem>>, vector<1x16xf32>,
      %get3A_953 = vector.shape_cast %get3A_952 : vector<1x16xf32> to vector<16xf32>
      %add3A_954 = arith.addf %get3A_953, %get3A_872 : vector<16xf32>
      %swap3A_955 = arith.index_cast %add3A_939 : i32 to index
      %swap3A_956 = arith.constant 16 : index
      %swap3A_957 = tpu.vector_load %arg7[%swap3A_955, %swap3A_956] {strides = array<i32>} : memref<800x32xf32, #tpu.memory_space<vmem>>, vector<1x16xf32>,
      %swap3A_958 = vector.shape_cast %swap3A_957 : vector<1x16xf32> to vector<16xf32>
      %swap3A_959 = vector.shape_cast %add3A_954 : vector<16xf32> to vector<1x16xf32>
      tpu.vector_store %arg7[%swap3A_955, %swap3A_956], %swap3A_959 {strides = array<i32>} : memref<800x32xf32, #tpu.memory_space<vmem>>, vector<1x16xf32>,
      %scan3A_960 = arith.constant 0 : i32
      scf.yield %scan3A_960 : i32
    }
    %scan3A_21 = arith.constant 200 : i32
    %add3A_22 = arith.constant 0 : i32
    %add3A_23 = arith.addi %mul3A_2, %add3A_22 : i32
    %dma_start3A_24 = arith.constant 0 : i32
    %dma_start3A_25 = tpu.memref_slice %arg5[%add3A_23, %dma_start3A_24] : memref<819200x32xf32, #tpu.memory_space<hbm>> -> memref<800x32xf32, #tpu.memory_space<hbm>>
    %dma_start3A_26 = arith.constant 0 : i32
    %dma_start3A_27 = tpu.memref_slice %arg5[%add3A_23, %dma_start3A_26] : memref<819200x32xf32, #tpu.memory_space<hbm>> -> memref<800x32xf32, #tpu.memory_space<hbm>>
    tpu.enqueue_dma source(%arg7 : memref<800x32xf32, #tpu.memory_space<vmem>>) target(%dma_start3A_27 : memref<800x32xf32, #tpu.memory_space<hbm>>) target_semaphore(%arg12 : memref<!tpu.dma_semaphore, #tpu.memory_space<semaphore_mem>>)
    %dma_wait3A_28 = arith.constant 0 : i32
    %dma_wait3A_29 = tpu.memref_slice %arg5[%add3A_23, %dma_wait3A_28] : memref<819200x32xf32, #tpu.memory_space<hbm>> -> memref<800x32xf32, #tpu.memory_space<hbm>>
    %dma_wait3A_30 = arith.constant 0 : i32
    %dma_wait3A_31 = tpu.memref_slice %arg5[%add3A_23, %dma_wait3A_30] : memref<819200x32xf32, #tpu.memory_space<hbm>> -> memref<800x32xf32, #tpu.memory_space<hbm>>
    tpu.wait_dma2 semaphore(%arg12 : memref<!tpu.dma_semaphore, #tpu.memory_space<semaphore_mem>>) src(%arg7 : memref<800x32xf32, #tpu.memory_space<vmem>>) dst(%dma_wait3A_31 : memref<800x32xf32, #tpu.memory_space<hbm>>)
    %dma_start3A_32 = arith.constant 1600 : i32
    %dma_start3A_33 = tpu.memref_slice %arg6[%dma_start3A_32] : memref<25600xi32, #tpu.memory_space<vmem>> -> memref<800xi32, #tpu.memory_space<vmem>>
    %dma_start3A_34 = arith.constant 0 : i32
    %dma_start3A_35 = arith.constant 0 : i32
    %dma_start3A_36 = tpu.memref_slice %arg3[%dma_start3A_34, %dma_start3A_35] : memref<1000000x32xf32, #tpu.memory_space<hbm>> -> memref<1000000x32xf32, #tpu.memory_space<hbm>>
    tpu.enqueue_indirect_dma source(%dma_start3A_36 : memref<1000000x32xf32, #tpu.memory_space<hbm>>) target(%arg7 : memref<800x32xf32, #tpu.memory_space<vmem>>) offsets(%dma_start3A_33 : memref<800xi32, #tpu.memory_space<vmem>>) semaphore(%arg10 : memref<!tpu.dma_semaphore, #tpu.memory_space<semaphore_mem>>)
    %dma_wait3A_37 = arith.constant 800 : i32
    %dma_wait3A_38 = tpu.memref_slice %arg6[%dma_wait3A_37] : memref<25600xi32, #tpu.memory_space<vmem>> -> memref<800xi32, #tpu.memory_space<vmem>>
    %dma_wait3A_39 = arith.constant 0 : i32
    %dma_wait3A_40 = arith.constant 0 : i32
    %dma_wait3A_41 = tpu.memref_slice %arg3[%dma_wait3A_39, %dma_wait3A_40] : memref<1000000x32xf32, #tpu.memory_space<hbm>> -> memref<1000000x32xf32, #tpu.memory_space<hbm>>
    tpu.wait_indirect_dma semaphore(%arg11 : memref<!tpu.dma_semaphore, #tpu.memory_space<semaphore_mem>>) src(%dma_wait3A_41 : memref<1000000x32xf32, #tpu.memory_space<hbm>>) dst(%arg8 : memref<800x32xf32, #tpu.memory_space<vmem>>)
    %scan3A_42 = arith.constant 0 : i32
    %scan3A_43 = arith.constant 0 : i32
    %scan3A_44 = arith.constant 200 : i32
    %scan3A_45 = arith.addi %scan3A_43, %scan3A_44 : i32
    %scan3A_46 = arith.constant 1 : i32
    %scan3A_47 = scf.for %scan3A_864 = %scan3A_43 to %scan3A_45 step %scan3A_46 iter_args(%scan3A_865 = %scan3A_42) -> (i32)  : i32 {
      %get3A = arith.index_cast %scan3A_864 : i32 to index
      %get3A_866 = arith.constant 0 : index
      %get3A_867 = tpu.vector_load %arg9[%get3A, %get3A_866] {strides = array<i32>} : memref<200x32xf32, #tpu.memory_space<vmem>>, vector<1x16xf32>,
      %get3A_868 = vector.shape_cast %get3A_867 : vector<1x16xf32> to vector<16xf32>
      %get3A_869 = arith.index_cast %scan3A_864 : i32 to index
      %get3A_870 = arith.constant 16 : index
      %get3A_871 = tpu.vector_load %arg9[%get3A_869, %get3A_870] {strides = array<i32>} : memref<200x32xf32, #tpu.memory_space<vmem>>, vector<1x16xf32>,
      %get3A_872 = vector.shape_cast %get3A_871 : vector<1x16xf32> to vector<16xf32>
      %add3A_873 = arith.constant 0 : i32
      %add3A_874 = arith.addi %add3A_873, %scan3A_864 : i32
      %get3A_875 = arith.index_cast %add3A_874 : i32 to index
      %get3A_876 = arith.constant 0 : index
      %get3A_877 = tpu.vector_load %arg8[%get3A_875, %get3A_876] {strides = array<i32>} : memref<800x32xf32, #tpu.memory_space<vmem>>, vector<1x16xf32>,
      %get3A_878 = vector.shape_cast %get3A_877 : vector<1x16xf32> to vector<16xf32>
      %add3A_879 = arith.addf %get3A_878, %get3A_868 : vector<16xf32>
      %swap3A = arith.index_cast %add3A_874 : i32 to index
      %swap3A_880 = arith.constant 0 : index
      %swap3A_881 = tpu.vector_load %arg8[%swap3A, %swap3A_880] {strides = array<i32>} : memref<800x32xf32, #tpu.memory_space<vmem>>, vector<1x16xf32>,
      %swap3A_882 = vector.shape_cast %swap3A_881 : vector<1x16xf32> to vector<16xf32>
      %swap3A_883 = vector.shape_cast %add3A_879 : vector<16xf32> to vector<1x16xf32>
      tpu.vector_store %arg8[%swap3A, %swap3A_880], %swap3A_883 {strides = array<i32>} : memref<800x32xf32, #tpu.memory_space<vmem>>, vector<1x16xf32>,
      %get3A_884 = arith.index_cast %add3A_874 : i32 to index
      %get3A_885 = arith.constant 16 : index
      %get3A_886 = tpu.vector_load %arg8[%get3A_884, %get3A_885] {strides = array<i32>} : memref<800x32xf32, #tpu.memory_space<vmem>>, vector<1x16xf32>,
      %get3A_887 = vector.shape_cast %get3A_886 : vector<1x16xf32> to vector<16xf32>
      %add3A_888 = arith.addf %get3A_887, %get3A_872 : vector<16xf32>
      %swap3A_889 = arith.index_cast %add3A_874 : i32 to index
      %swap3A_890 = arith.constant 16 : index
      %swap3A_891 = tpu.vector_load %arg8[%swap3A_889, %swap3A_890] {strides = array<i32>} : memref<800x32xf32, #tpu.memory_space<vmem>>, vector<1x16xf32>,
      %swap3A_892 = vector.shape_cast %swap3A_891 : vector<1x16xf32> to vector<16xf32>
      %swap3A_893 = vector.shape_cast %add3A_888 : vector<16xf32> to vector<1x16xf32>
      tpu.vector_store %arg8[%swap3A_889, %swap3A_890], %swap3A_893 {strides = array<i32>} : memref<800x32xf32, #tpu.memory_space<vmem>>, vector<1x16xf32>,
      %add3A_894 = arith.constant 200 : i32
      %add3A_895 = arith.addi %add3A_894, %scan3A_864 : i32
      %get3A_896 = arith.index_cast %add3A_895 : i32 to index
      %get3A_897 = arith.constant 0 : index
      %get3A_898 = tpu.vector_load %arg8[%get3A_896, %get3A_897] {strides = array<i32>} : memref<800x32xf32, #tpu.memory_space<vmem>>, vector<1x16xf32>,
      %get3A_899 = vector.shape_cast %get3A_898 : vector<1x16xf32> to vector<16xf32>
      %add3A_900 = arith.addf %get3A_899, %get3A_868 : vector<16xf32>
      %swap3A_901 = arith.index_cast %add3A_895 : i32 to index
      %swap3A_902 = arith.constant 0 : index
      %swap3A_903 = tpu.vector_load %arg8[%swap3A_901, %swap3A_902] {strides = array<i32>} : memref<800x32xf32, #tpu.memory_space<vmem>>, vector<1x16xf32>,
      %swap3A_904 = vector.shape_cast %swap3A_903 : vector<1x16xf32> to vector<16xf32>
      %swap3A_905 = vector.shape_cast %add3A_900 : vector<16xf32> to vector<1x16xf32>
      tpu.vector_store %arg8[%swap3A_901, %swap3A_902], %swap3A_905 {strides = array<i32>} : memref<800x32xf32, #tpu.memory_space<vmem>>, vector<1x16xf32>,
      %get3A_906 = arith.index_cast %add3A_895 : i32 to index
      %get3A_907 = arith.constant 16 : index
      %get3A_908 = tpu.vector_load %arg8[%get3A_906, %get3A_907] {strides = array<i32>} : memref<800x32xf32, #tpu.memory_space<vmem>>, vector<1x16xf32>,
      %get3A_909 = vector.shape_cast %get3A_908 : vector<1x16xf32> to vector<16xf32>
      %add3A_910 = arith.addf %get3A_909, %get3A_872 : vector<16xf32>
      %swap3A_911 = arith.index_cast %add3A_895 : i32 to index
      %swap3A_912 = arith.constant 16 : index
      %swap3A_913 = tpu.vector_load %arg8[%swap3A_911, %swap3A_912] {strides = array<i32>} : memref<800x32xf32, #tpu.memory_space<vmem>>, vector<1x16xf32>,
      %swap3A_914 = vector.shape_cast %swap3A_913 : vector<1x16xf32> to vector<16xf32>
      %swap3A_915 = vector.shape_cast %add3A_910 : vector<16xf32> to vector<1x16xf32>
      tpu.vector_store %arg8[%swap3A_911, %swap3A_912], %swap3A_915 {strides = array<i32>} : memref<800x32xf32, #tpu.memory_space<vmem>>, vector<1x16xf32>,
      %add3A_916 = arith.constant 400 : i32
      %add3A_917 = arith.addi %add3A_916, %scan3A_864 : i32
      %get3A_918 = arith.index_cast %add3A_917 : i32 to index
      %get3A_919 = arith.constant 0 : index
      %get3A_920 = tpu.vector_load %arg8[%get3A_918, %get3A_919] {strides = array<i32>} : memref<800x32xf32, #tpu.memory_space<vmem>>, vector<1x16xf32>,
      %get3A_921 = vector.shape_cast %get3A_920 : vector<1x16xf32> to vector<16xf32>
      %add3A_922 = arith.addf %get3A_921, %get3A_868 : vector<16xf32>
      %swap3A_923 = arith.index_cast %add3A_917 : i32 to index
      %swap3A_924 = arith.constant 0 : index
      %swap3A_925 = tpu.vector_load %arg8[%swap3A_923, %swap3A_924] {strides = array<i32>} : memref<800x32xf32, #tpu.memory_space<vmem>>, vector<1x16xf32>,
      %swap3A_926 = vector.shape_cast %swap3A_925 : vector<1x16xf32> to vector<16xf32>
      %swap3A_927 = vector.shape_cast %add3A_922 : vector<16xf32> to vector<1x16xf32>
      tpu.vector_store %arg8[%swap3A_923, %swap3A_924], %swap3A_927 {strides = array<i32>} : memref<800x32xf32, #tpu.memory_space<vmem>>, vector<1x16xf32>,
      %get3A_928 = arith.index_cast %add3A_917 : i32 to index
      %get3A_929 = arith.constant 16 : index
      %get3A_930 = tpu.vector_load %arg8[%get3A_928, %get3A_929] {strides = array<i32>} : memref<800x32xf32, #tpu.memory_space<vmem>>, vector<1x16xf32>,
      %get3A_931 = vector.shape_cast %get3A_930 : vector<1x16xf32> to vector<16xf32>
      %add3A_932 = arith.addf %get3A_931, %get3A_872 : vector<16xf32>
      %swap3A_933 = arith.index_cast %add3A_917 : i32 to index
      %swap3A_934 = arith.constant 16 : index
      %swap3A_935 = tpu.vector_load %arg8[%swap3A_933, %swap3A_934] {strides = array<i32>} : memref<800x32xf32, #tpu.memory_space<vmem>>, vector<1x16xf32>,
      %swap3A_936 = vector.shape_cast %swap3A_935 : vector<1x16xf32> to vector<16xf32>
      %swap3A_937 = vector.shape_cast %add3A_932 : vector<16xf32> to vector<1x16xf32>
      tpu.vector_store %arg8[%swap3A_933, %swap3A_934], %swap3A_937 {strides = array<i32>} : memref<800x32xf32, #tpu.memory_space<vmem>>, vector<1x16xf32>,
      %add3A_938 = arith.constant 600 : i32
      %add3A_939 = arith.addi %add3A_938, %scan3A_864 : i32
      %get3A_940 = arith.index_cast %add3A_939 : i32 to index
      %get3A_941 = arith.constant 0 : index
      %get3A_942 = tpu.vector_load %arg8[%get3A_940, %get3A_941] {strides = array<i32>} : memref<800x32xf32, #tpu.memory_space<vmem>>, vector<1x16xf32>,
      %get3A_943 = vector.shape_cast %get3A_942 : vector<1x16xf32> to vector<16xf32>
      %add3A_944 = arith.addf %get3A_943, %get3A_868 : vector<16xf32>
      %swap3A_945 = arith.index_cast %add3A_939 : i32 to index
      %swap3A_946 = arith.constant 0 : index
      %swap3A_947 = tpu.vector_load %arg8[%swap3A_945, %swap3A_946] {strides = array<i32>} : memref<800x32xf32, #tpu.memory_space<vmem>>, vector<1x16xf32>,
      %swap3A_948 = vector.shape_cast %swap3A_947 : vector<1x16xf32> to vector<16xf32>
      %swap3A_949 = vector.shape_cast %add3A_944 : vector<16xf32> to vector<1x16xf32>
      tpu.vector_store %arg8[%swap3A_945, %swap3A_946], %swap3A_949 {strides = array<i32>} : memref<800x32xf32, #tpu.memory_space<vmem>>, vector<1x16xf32>,
      %get3A_950 = arith.index_cast %add3A_939 : i32 to index
      %get3A_951 = arith.constant 16 : index
      %get3A_952 = tpu.vector_load %arg8[%get3A_950, %get3A_951] {strides = array<i32>} : memref<800x32xf32, #tpu.memory_space<vmem>>, vector<1x16xf32>,
      %get3A_953 = vector.shape_cast %get3A_952 : vector<1x16xf32> to vector<16xf32>
      %add3A_954 = arith.addf %get3A_953, %get3A_872 : vector<16xf32>
      %swap3A_955 = arith.index_cast %add3A_939 : i32 to index
      %swap3A_956 = arith.constant 16 : index
      %swap3A_957 = tpu.vector_load %arg8[%swap3A_955, %swap3A_956] {strides = array<i32>} : memref<800x32xf32, #tpu.memory_space<vmem>>, vector<1x16xf32>,
      %swap3A_958 = vector.shape_cast %swap3A_957 : vector<1x16xf32> to vector<16xf32>
      %swap3A_959 = vector.shape_cast %add3A_954 : vector<16xf32> to vector<1x16xf32>
      tpu.vector_store %arg8[%swap3A_955, %swap3A_956], %swap3A_959 {strides = array<i32>} : memref<800x32xf32, #tpu.memory_space<vmem>>, vector<1x16xf32>,
      %scan3A_960 = arith.constant 0 : i32
      scf.yield %scan3A_960 : i32
    }
    %scan3A_48 = arith.constant 200 : i32
    %add3A_49 = arith.constant 800 : i32
    %add3A_50 = arith.addi %mul3A_2, %add3A_49 : i32
    %dma_start3A_51 = arith.constant 0 : i32
    %dma_start3A_52 = tpu.memref_slice %arg5[%add3A_50, %dma_start3A_51] : memref<819200x32xf32, #tpu.memory_space<hbm>> -> memref<800x32xf32, #tpu.memory_space<hbm>>
    %dma_start3A_53 = arith.constant 0 : i32
    %dma_start3A_54 = tpu.memref_slice %arg5[%add3A_50, %dma_start3A_53] : memref<819200x32xf32, #tpu.memory_space<hbm>> -> memref<800x32xf32, #tpu.memory_space<hbm>>
    tpu.enqueue_dma source(%arg8 : memref<800x32xf32, #tpu.memory_space<vmem>>) target(%dma_start3A_54 : memref<800x32xf32, #tpu.memory_space<hbm>>) target_semaphore(%arg13 : memref<!tpu.dma_semaphore, #tpu.memory_space<semaphore_mem>>)
    %dma_wait3A_55 = arith.constant 0 : i32
    %dma_wait3A_56 = tpu.memref_slice %arg5[%add3A_50, %dma_wait3A_55] : memref<819200x32xf32, #tpu.memory_space<hbm>> -> memref<800x32xf32, #tpu.memory_space<hbm>>
    %dma_wait3A_57 = arith.constant 0 : i32
    %dma_wait3A_58 = tpu.memref_slice %arg5[%add3A_50, %dma_wait3A_57] : memref<819200x32xf32, #tpu.memory_space<hbm>> -> memref<800x32xf32, #tpu.memory_space<hbm>>
    tpu.wait_dma2 semaphore(%arg13 : memref<!tpu.dma_semaphore, #tpu.memory_space<semaphore_mem>>) src(%arg8 : memref<800x32xf32, #tpu.memory_space<vmem>>) dst(%dma_wait3A_58 : memref<800x32xf32, #tpu.memory_space<hbm>>)
    %dma_start3A_59 = arith.constant 2400 : i32
    %dma_start3A_60 = tpu.memref_slice %arg6[%dma_start3A_59] : memref<25600xi32, #tpu.memory_space<vmem>> -> memref<800xi32, #tpu.memory_space<vmem>>
    %dma_start3A_61 = arith.constant 0 : i32
    %dma_start3A_62 = arith.constant 0 : i32
    %dma_start3A_63 = tpu.memref_slice %arg3[%dma_start3A_61, %dma_start3A_62] : memref<1000000x32xf32, #tpu.memory_space<hbm>> -> memref<1000000x32xf32, #tpu.memory_space<hbm>>
    tpu.enqueue_indirect_dma source(%dma_start3A_63 : memref<1000000x32xf32, #tpu.memory_space<hbm>>) target(%arg8 : memref<800x32xf32, #tpu.memory_space<vmem>>) offsets(%dma_start3A_60 : memref<800xi32, #tpu.memory_space<vmem>>) semaphore(%arg11 : memref<!tpu.dma_semaphore, #tpu.memory_space<semaphore_mem>>)
    %dma_wait3A_64 = arith.constant 1600 : i32
    %dma_wait3A_65 = tpu.memref_slice %arg6[%dma_wait3A_64] : memref<25600xi32, #tpu.memory_space<vmem>> -> memref<800xi32, #tpu.memory_space<vmem>>
    %dma_wait3A_66 = arith.constant 0 : i32
    %dma_wait3A_67 = arith.constant 0 : i32
    %dma_wait3A_68 = tpu.memref_slice %arg3[%dma_wait3A_66, %dma_wait3A_67] : memref<1000000x32xf32, #tpu.memory_space<hbm>> -> memref<1000000x32xf32, #tpu.memory_space<hbm>>
    tpu.wait_indirect_dma semaphore(%arg10 : memref<!tpu.dma_semaphore, #tpu.memory_space<semaphore_mem>>) src(%dma_wait3A_68 : memref<1000000x32xf32, #tpu.memory_space<hbm>>) dst(%arg7 : memref<800x32xf32, #tpu.memory_space<vmem>>)
    %scan3A_69 = arith.constant 0 : i32
    %scan3A_70 = arith.constant 0 : i32
    %scan3A_71 = arith.constant 200 : i32
    %scan3A_72 = arith.addi %scan3A_70, %scan3A_71 : i32
    %scan3A_73 = arith.constant 1 : i32
    %scan3A_74 = scf.for %scan3A_864 = %scan3A_70 to %scan3A_72 step %scan3A_73 iter_args(%scan3A_865 = %scan3A_69) -> (i32)  : i32 {
      %get3A = arith.index_cast %scan3A_864 : i32 to index
      %get3A_866 = arith.constant 0 : index
      %get3A_867 = tpu.vector_load %arg9[%get3A, %get3A_866] {strides = array<i32>} : memref<200x32xf32, #tpu.memory_space<vmem>>, vector<1x16xf32>,
      %get3A_868 = vector.shape_cast %get3A_867 : vector<1x16xf32> to vector<16xf32>
      %get3A_869 = arith.index_cast %scan3A_864 : i32 to index
      %get3A_870 = arith.constant 16 : index
      %get3A_871 = tpu.vector_load %arg9[%get3A_869, %get3A_870] {strides = array<i32>} : memref<200x32xf32, #tpu.memory_space<vmem>>, vector<1x16xf32>,
      %get3A_872 = vector.shape_cast %get3A_871 : vector<1x16xf32> to vector<16xf32>
      %add3A_873 = arith.constant 0 : i32
      %add3A_874 = arith.addi %add3A_873, %scan3A_864 : i32
      %get3A_875 = arith.index_cast %add3A_874 : i32 to index
      %get3A_876 = arith.constant 0 : index
      %get3A_877 = tpu.vector_load %arg7[%get3A_875, %get3A_876] {strides = array<i32>} : memref<800x32xf32, #tpu.memory_space<vmem>>, vector<1x16xf32>,
      %get3A_878 = vector.shape_cast %get3A_877 : vector<1x16xf32> to vector<16xf32>
      %add3A_879 = arith.addf %get3A_878, %get3A_868 : vector<16xf32>
      %swap3A = arith.index_cast %add3A_874 : i32 to index
      %swap3A_880 = arith.constant 0 : index
      %swap3A_881 = tpu.vector_load %arg7[%swap3A, %swap3A_880] {strides = array<i32>} : memref<800x32xf32, #tpu.memory_space<vmem>>, vector<1x16xf32>,
      %swap3A_882 = vector.shape_cast %swap3A_881 : vector<1x16xf32> to vector<16xf32>
      %swap3A_883 = vector.shape_cast %add3A_879 : vector<16xf32> to vector<1x16xf32>
      tpu.vector_store %arg7[%swap3A, %swap3A_880], %swap3A_883 {strides = array<i32>} : memref<800x32xf32, #tpu.memory_space<vmem>>, vector<1x16xf32>,
      %get3A_884 = arith.index_cast %add3A_874 : i32 to index
      %get3A_885 = arith.constant 16 : index
      %get3A_886 = tpu.vector_load %arg7[%get3A_884, %get3A_885] {strides = array<i32>} : memref<800x32xf32, #tpu.memory_space<vmem>>, vector<1x16xf32>,
      %get3A_887 = vector.shape_cast %get3A_886 : vector<1x16xf32> to vector<16xf32>
      %add3A_888 = arith.addf %get3A_887, %get3A_872 : vector<16xf32>
      %swap3A_889 = arith.index_cast %add3A_874 : i32 to index
      %swap3A_890 = arith.constant 16 : index
      %swap3A_891 = tpu.vector_load %arg7[%swap3A_889, %swap3A_890] {strides = array<i32>} : memref<800x32xf32, #tpu.memory_space<vmem>>, vector<1x16xf32>,
      %swap3A_892 = vector.shape_cast %swap3A_891 : vector<1x16xf32> to vector<16xf32>
      %swap3A_893 = vector.shape_cast %add3A_888 : vector<16xf32> to vector<1x16xf32>
      tpu.vector_store %arg7[%swap3A_889, %swap3A_890], %swap3A_893 {strides = array<i32>} : memref<800x32xf32, #tpu.memory_space<vmem>>, vector<1x16xf32>,
      %add3A_894 = arith.constant 200 : i32
      %add3A_895 = arith.addi %add3A_894, %scan3A_864 : i32
      %get3A_896 = arith.index_cast %add3A_895 : i32 to index
      %get3A_897 = arith.constant 0 : index
      %get3A_898 = tpu.vector_load %arg7[%get3A_896, %get3A_897] {strides = array<i32>} : memref<800x32xf32, #tpu.memory_space<vmem>>, vector<1x16xf32>,
      %get3A_899 = vector.shape_cast %get3A_898 : vector<1x16xf32> to vector<16xf32>
      %add3A_900 = arith.addf %get3A_899, %get3A_868 : vector<16xf32>
      %swap3A_901 = arith.index_cast %add3A_895 : i32 to index
      %swap3A_902 = arith.constant 0 : index
      %swap3A_903 = tpu.vector_load %arg7[%swap3A_901, %swap3A_902] {strides = array<i32>} : memref<800x32xf32, #tpu.memory_space<vmem>>, vector<1x16xf32>,
      %swap3A_904 = vector.shape_cast %swap3A_903 : vector<1x16xf32> to vector<16xf32>
      %swap3A_905 = vector.shape_cast %add3A_900 : vector<16xf32> to vector<1x16xf32>
      tpu.vector_store %arg7[%swap3A_901, %swap3A_902], %swap3A_905 {strides = array<i32>} : memref<800x32xf32, #tpu.memory_space<vmem>>, vector<1x16xf32>,
      %get3A_906 = arith.index_cast %add3A_895 : i32 to index
      %get3A_907 = arith.constant 16 : index
      %get3A_908 = tpu.vector_load %arg7[%get3A_906, %get3A_907] {strides = array<i32>} : memref<800x32xf32, #tpu.memory_space<vmem>>, vector<1x16xf32>,
      %get3A_909 = vector.shape_cast %get3A_908 : vector<1x16xf32> to vector<16xf32>
      %add3A_910 = arith.addf %get3A_909, %get3A_872 : vector<16xf32>
      %swap3A_911 = arith.index_cast %add3A_895 : i32 to index
      %swap3A_912 = arith.constant 16 : index
      %swap3A_913 = tpu.vector_load %arg7[%swap3A_911, %swap3A_912] {strides = array<i32>} : memref<800x32xf32, #tpu.memory_space<vmem>>, vector<1x16xf32>,
      %swap3A_914 = vector.shape_cast %swap3A_913 : vector<1x16xf32> to vector<16xf32>
      %swap3A_915 = vector.shape_cast %add3A_910 : vector<16xf32> to vector<1x16xf32>
      tpu.vector_store %arg7[%swap3A_911, %swap3A_912], %swap3A_915 {strides = array<i32>} : memref<800x32xf32, #tpu.memory_space<vmem>>, vector<1x16xf32>,
      %add3A_916 = arith.constant 400 : i32
      %add3A_917 = arith.addi %add3A_916, %scan3A_864 : i32
      %get3A_918 = arith.index_cast %add3A_917 : i32 to index
      %get3A_919 = arith.constant 0 : index
      %get3A_920 = tpu.vector_load %arg7[%get3A_918, %get3A_919] {strides = array<i32>} : memref<800x32xf32, #tpu.memory_space<vmem>>, vector<1x16xf32>,
      %get3A_921 = vector.shape_cast %get3A_920 : vector<1x16xf32> to vector<16xf32>
      %add3A_922 = arith.addf %get3A_921, %get3A_868 : vector<16xf32>
      %swap3A_923 = arith.index_cast %add3A_917 : i32 to index
      %swap3A_924 = arith.constant 0 : index
      %swap3A_925 = tpu.vector_load %arg7[%swap3A_923, %swap3A_924] {strides = array<i32>} : memref<800x32xf32, #tpu.memory_space<vmem>>, vector<1x16xf32>,
      %swap3A_926 = vector.shape_cast %swap3A_925 : vector<1x16xf32> to vector<16xf32>
      %swap3A_927 = vector.shape_cast %add3A_922 : vector<16xf32> to vector<1x16xf32>
      tpu.vector_store %arg7[%swap3A_923, %swap3A_924], %swap3A_927 {strides = array<i32>} : memref<800x32xf32, #tpu.memory_space<vmem>>, vector<1x16xf32>,
      %get3A_928 = arith.index_cast %add3A_917 : i32 to index
      %get3A_929 = arith.constant 16 : index
      %get3A_930 = tpu.vector_load %arg7[%get3A_928, %get3A_929] {strides = array<i32>} : memref<800x32xf32, #tpu.memory_space<vmem>>, vector<1x16xf32>,
      %get3A_931 = vector.shape_cast %get3A_930 : vector<1x16xf32> to vector<16xf32>
      %add3A_932 = arith.addf %get3A_931, %get3A_872 : vector<16xf32>
      %swap3A_933 = arith.index_cast %add3A_917 : i32 to index
      %swap3A_934 = arith.constant 16 : index
      %swap3A_935 = tpu.vector_load %arg7[%swap3A_933, %swap3A_934] {strides = array<i32>} : memref<800x32xf32, #tpu.memory_space<vmem>>, vector<1x16xf32>,
      %swap3A_936 = vector.shape_cast %swap3A_935 : vector<1x16xf32> to vector<16xf32>
      %swap3A_937 = vector.shape_cast %add3A_932 : vector<16xf32> to vector<1x16xf32>
      tpu.vector_store %arg7[%swap3A_933, %swap3A_934], %swap3A_937 {strides = array<i32>} : memref<800x32xf32, #tpu.memory_space<vmem>>, vector<1x16xf32>,
      %add3A_938 = arith.constant 600 : i32
      %add3A_939 = arith.addi %add3A_938, %scan3A_864 : i32
      %get3A_940 = arith.index_cast %add3A_939 : i32 to index
      %get3A_941 = arith.constant 0 : index
      %get3A_942 = tpu.vector_load %arg7[%get3A_940, %get3A_941] {strides = array<i32>} : memref<800x32xf32, #tpu.memory_space<vmem>>, vector<1x16xf32>,
      %get3A_943 = vector.shape_cast %get3A_942 : vector<1x16xf32> to vector<16xf32>
      %add3A_944 = arith.addf %get3A_943, %get3A_868 : vector<16xf32>
      %swap3A_945 = arith.index_cast %add3A_939 : i32 to index
      %swap3A_946 = arith.constant 0 : index
      %swap3A_947 = tpu.vector_load %arg7[%swap3A_945, %swap3A_946] {strides = array<i32>} : memref<800x32xf32, #tpu.memory_space<vmem>>, vector<1x16xf32>,
      %swap3A_948 = vector.shape_cast %swap3A_947 : vector<1x16xf32> to vector<16xf32>
      %swap3A_949 = vector.shape_cast %add3A_944 : vector<16xf32> to vector<1x16xf32>
      tpu.vector_store %arg7[%swap3A_945, %swap3A_946], %swap3A_949 {strides = array<i32>} : memref<800x32xf32, #tpu.memory_space<vmem>>, vector<1x16xf32>,
      %get3A_950 = arith.index_cast %add3A_939 : i32 to index
      %get3A_951 = arith.constant 16 : index
      %get3A_952 = tpu.vector_load %arg7[%get3A_950, %get3A_951] {strides = array<i32>} : memref<800x32xf32, #tpu.memory_space<vmem>>, vector<1x16xf32>,
      %get3A_953 = vector.shape_cast %get3A_952 : vector<1x16xf32> to vector<16xf32>
      %add3A_954 = arith.addf %get3A_953, %get3A_872 : vector<16xf32>
      %swap3A_955 = arith.index_cast %add3A_939 : i32 to index
      %swap3A_956 = arith.constant 16 : index
      %swap3A_957 = tpu.vector_load %arg7[%swap3A_955, %swap3A_956] {strides = array<i32>} : memref<800x32xf32, #tpu.memory_space<vmem>>, vector<1x16xf32>,
      %swap3A_958 = vector.shape_cast %swap3A_957 : vector<1x16xf32> to vector<16xf32>
      %swap3A_959 = vector.shape_cast %add3A_954 : vector<16xf32> to vector<1x16xf32>
      tpu.vector_store %arg7[%swap3A_955, %swap3A_956], %swap3A_959 {strides = array<i32>} : memref<800x32xf32, #tpu.memory_space<vmem>>, vector<1x16xf32>,
      %scan3A_960 = arith.constant 0 : i32
      scf.yield %scan3A_960 : i32
    }
    %scan3A_75 = arith.constant 200 : i32
    %add3A_76 = arith.constant 1600 : i32
    %add3A_77 = arith.addi %mul3A_2, %add3A_76 : i32
    %dma_start3A_78 = arith.constant 0 : i32
    %dma_start3A_79 = tpu.memref_slice %arg5[%add3A_77, %dma_start3A_78] : memref<819200x32xf32, #tpu.memory_space<hbm>> -> memref<800x32xf32, #tpu.memory_space<hbm>>
    %dma_start3A_80 = arith.constant 0 : i32
    %dma_start3A_81 = tpu.memref_slice %arg5[%add3A_77, %dma_start3A_80] : memref<819200x32xf32, #tpu.memory_space<hbm>> -> memref<800x32xf32, #tpu.memory_space<hbm>>
    tpu.enqueue_dma source(%arg7 : memref<800x32xf32, #tpu.memory_space<vmem>>) target(%dma_start3A_81 : memref<800x32xf32, #tpu.memory_space<hbm>>) target_semaphore(%arg12 : memref<!tpu.dma_semaphore, #tpu.memory_space<semaphore_mem>>)
    %dma_wait3A_82 = arith.constant 0 : i32
    %dma_wait3A_83 = tpu.memref_slice %arg5[%add3A_77, %dma_wait3A_82] : memref<819200x32xf32, #tpu.memory_space<hbm>> -> memref<800x32xf32, #tpu.memory_space<hbm>>
    %dma_wait3A_84 = arith.constant 0 : i32
    %dma_wait3A_85 = tpu.memref_slice %arg5[%add3A_77, %dma_wait3A_84] : memref<819200x32xf32, #tpu.memory_space<hbm>> -> memref<800x32xf32, #tpu.memory_space<hbm>>
    tpu.wait_dma2 semaphore(%arg12 : memref<!tpu.dma_semaphore, #tpu.memory_space<semaphore_mem>>) src(%arg7 : memref<800x32xf32, #tpu.memory_space<vmem>>) dst(%dma_wait3A_85 : memref<800x32xf32, #tpu.memory_space<hbm>>)
    %dma_start3A_86 = arith.constant 3200 : i32
    %dma_start3A_87 = tpu.memref_slice %arg6[%dma_start3A_86] : memref<25600xi32, #tpu.memory_space<vmem>> -> memref<800xi32, #tpu.memory_space<vmem>>
    %dma_start3A_88 = arith.constant 0 : i32
    %dma_start3A_89 = arith.constant 0 : i32
    %dma_start3A_90 = tpu.memref_slice %arg3[%dma_start3A_88, %dma_start3A_89] : memref<1000000x32xf32, #tpu.memory_space<hbm>> -> memref<1000000x32xf32, #tpu.memory_space<hbm>>
    tpu.enqueue_indirect_dma source(%dma_start3A_90 : memref<1000000x32xf32, #tpu.memory_space<hbm>>) target(%arg7 : memref<800x32xf32, #tpu.memory_space<vmem>>) offsets(%dma_start3A_87 : memref<800xi32, #tpu.memory_space<vmem>>) semaphore(%arg10 : memref<!tpu.dma_semaphore, #tpu.memory_space<semaphore_mem>>)
    %dma_wait3A_91 = arith.constant 2400 : i32
    %dma_wait3A_92 = tpu.memref_slice %arg6[%dma_wait3A_91] : memref<25600xi32, #tpu.memory_space<vmem>> -> memref<800xi32, #tpu.memory_space<vmem>>
    %dma_wait3A_93 = arith.constant 0 : i32
    %dma_wait3A_94 = arith.constant 0 : i32
    %dma_wait3A_95 = tpu.memref_slice %arg3[%dma_wait3A_93, %dma_wait3A_94] : memref<1000000x32xf32, #tpu.memory_space<hbm>> -> memref<1000000x32xf32, #tpu.memory_space<hbm>>
    tpu.wait_indirect_dma semaphore(%arg11 : memref<!tpu.dma_semaphore, #tpu.memory_space<semaphore_mem>>) src(%dma_wait3A_95 : memref<1000000x32xf32, #tpu.memory_space<hbm>>) dst(%arg8 : memref<800x32xf32, #tpu.memory_space<vmem>>)
    %scan3A_96 = arith.constant 0 : i32
    %scan3A_97 = arith.constant 0 : i32
    %scan3A_98 = arith.constant 200 : i32
    %scan3A_99 = arith.addi %scan3A_97, %scan3A_98 : i32
    %scan3A_100 = arith.constant 1 : i32
    %scan3A_101 = scf.for %scan3A_864 = %scan3A_97 to %scan3A_99 step %scan3A_100 iter_args(%scan3A_865 = %scan3A_96) -> (i32)  : i32 {
      %get3A = arith.index_cast %scan3A_864 : i32 to index
      %get3A_866 = arith.constant 0 : index
      %get3A_867 = tpu.vector_load %arg9[%get3A, %get3A_866] {strides = array<i32>} : memref<200x32xf32, #tpu.memory_space<vmem>>, vector<1x16xf32>,
      %get3A_868 = vector.shape_cast %get3A_867 : vector<1x16xf32> to vector<16xf32>
      %get3A_869 = arith.index_cast %scan3A_864 : i32 to index
      %get3A_870 = arith.constant 16 : index
      %get3A_871 = tpu.vector_load %arg9[%get3A_869, %get3A_870] {strides = array<i32>} : memref<200x32xf32, #tpu.memory_space<vmem>>, vector<1x16xf32>,
      %get3A_872 = vector.shape_cast %get3A_871 : vector<1x16xf32> to vector<16xf32>
      %add3A_873 = arith.constant 0 : i32
      %add3A_874 = arith.addi %add3A_873, %scan3A_864 : i32
      %get3A_875 = arith.index_cast %add3A_874 : i32 to index
      %get3A_876 = arith.constant 0 : index
      %get3A_877 = tpu.vector_load %arg8[%get3A_875, %get3A_876] {strides = array<i32>} : memref<800x32xf32, #tpu.memory_space<vmem>>, vector<1x16xf32>,
      %get3A_878 = vector.shape_cast %get3A_877 : vector<1x16xf32> to vector<16xf32>
      %add3A_879 = arith.addf %get3A_878, %get3A_868 : vector<16xf32>
      %swap3A = arith.index_cast %add3A_874 : i32 to index
      %swap3A_880 = arith.constant 0 : index
      %swap3A_881 = tpu.vector_load %arg8[%swap3A, %swap3A_880] {strides = array<i32>} : memref<800x32xf32, #tpu.memory_space<vmem>>, vector<1x16xf32>,
      %swap3A_882 = vector.shape_cast %swap3A_881 : vector<1x16xf32> to vector<16xf32>
      %swap3A_883 = vector.shape_cast %add3A_879 : vector<16xf32> to vector<1x16xf32>
      tpu.vector_store %arg8[%swap3A, %swap3A_880], %swap3A_883 {strides = array<i32>} : memref<800x32xf32, #tpu.memory_space<vmem>>, vector<1x16xf32>,
      %get3A_884 = arith.index_cast %add3A_874 : i32 to index
      %get3A_885 = arith.constant 16 : index
      %get3A_886 = tpu.vector_load %arg8[%get3A_884, %get3A_885] {strides = array<i32>} : memref<800x32xf32, #tpu.memory_space<vmem>>, vector<1x16xf32>,
      %get3A_887 = vector.shape_cast %get3A_886 : vector<1x16xf32> to vector<16xf32>
      %add3A_888 = arith.addf %get3A_887, %get3A_872 : vector<16xf32>
      %swap3A_889 = arith.index_cast %add3A_874 : i32 to index
      %swap3A_890 = arith.constant 16 : index
      %swap3A_891 = tpu.vector_load %arg8[%swap3A_889, %swap3A_890] {strides = array<i32>} : memref<800x32xf32, #tpu.memory_space<vmem>>, vector<1x16xf32>,
      %swap3A_892 = vector.shape_cast %swap3A_891 : vector<1x16xf32> to vector<16xf32>
      %swap3A_893 = vector.shape_cast %add3A_888 : vector<16xf32> to vector<1x16xf32>
      tpu.vector_store %arg8[%swap3A_889, %swap3A_890], %swap3A_893 {strides = array<i32>} : memref<800x32xf32, #tpu.memory_space<vmem>>, vector<1x16xf32>,
      %add3A_894 = arith.constant 200 : i32
      %add3A_895 = arith.addi %add3A_894, %scan3A_864 : i32
      %get3A_896 = arith.index_cast %add3A_895 : i32 to index
      %get3A_897 = arith.constant 0 : index
      %get3A_898 = tpu.vector_load %arg8[%get3A_896, %get3A_897] {strides = array<i32>} : memref<800x32xf32, #tpu.memory_space<vmem>>, vector<1x16xf32>,
      %get3A_899 = vector.shape_cast %get3A_898 : vector<1x16xf32> to vector<16xf32>
      %add3A_900 = arith.addf %get3A_899, %get3A_868 : vector<16xf32>
      %swap3A_901 = arith.index_cast %add3A_895 : i32 to index
      %swap3A_902 = arith.constant 0 : index
      %swap3A_903 = tpu.vector_load %arg8[%swap3A_901, %swap3A_902] {strides = array<i32>} : memref<800x32xf32, #tpu.memory_space<vmem>>, vector<1x16xf32>,
      %swap3A_904 = vector.shape_cast %swap3A_903 : vector<1x16xf32> to vector<16xf32>
      %swap3A_905 = vector.shape_cast %add3A_900 : vector<16xf32> to vector<1x16xf32>
      tpu.vector_store %arg8[%swap3A_901, %swap3A_902], %swap3A_905 {strides = array<i32>} : memref<800x32xf32, #tpu.memory_space<vmem>>, vector<1x16xf32>,
      %get3A_906 = arith.index_cast %add3A_895 : i32 to index
      %get3A_907 = arith.constant 16 : index
      %get3A_908 = tpu.vector_load %arg8[%get3A_906, %get3A_907] {strides = array<i32>} : memref<800x32xf32, #tpu.memory_space<vmem>>, vector<1x16xf32>,
      %get3A_909 = vector.shape_cast %get3A_908 : vector<1x16xf32> to vector<16xf32>
      %add3A_910 = arith.addf %get3A_909, %get3A_872 : vector<16xf32>
      %swap3A_911 = arith.index_cast %add3A_895 : i32 to index
      %swap3A_912 = arith.constant 16 : index
      %swap3A_913 = tpu.vector_load %arg8[%swap3A_911, %swap3A_912] {strides = array<i32>} : memref<800x32xf32, #tpu.memory_space<vmem>>, vector<1x16xf32>,
      %swap3A_914 = vector.shape_cast %swap3A_913 : vector<1x16xf32> to vector<16xf32>
      %swap3A_915 = vector.shape_cast %add3A_910 : vector<16xf32> to vector<1x16xf32>
      tpu.vector_store %arg8[%swap3A_911, %swap3A_912], %swap3A_915 {strides = array<i32>} : memref<800x32xf32, #tpu.memory_space<vmem>>, vector<1x16xf32>,
      %add3A_916 = arith.constant 400 : i32
      %add3A_917 = arith.addi %add3A_916, %scan3A_864 : i32
      %get3A_918 = arith.index_cast %add3A_917 : i32 to index
      %get3A_919 = arith.constant 0 : index
      %get3A_920 = tpu.vector_load %arg8[%get3A_918, %get3A_919] {strides = array<i32>} : memref<800x32xf32, #tpu.memory_space<vmem>>, vector<1x16xf32>,
      %get3A_921 = vector.shape_cast %get3A_920 : vector<1x16xf32> to vector<16xf32>
      %add3A_922 = arith.addf %get3A_921, %get3A_868 : vector<16xf32>
      %swap3A_923 = arith.index_cast %add3A_917 : i32 to index
      %swap3A_924 = arith.constant 0 : index
      %swap3A_925 = tpu.vector_load %arg8[%swap3A_923, %swap3A_924] {strides = array<i32>} : memref<800x32xf32, #tpu.memory_space<vmem>>, vector<1x16xf32>,
      %swap3A_926 = vector.shape_cast %swap3A_925 : vector<1x16xf32> to vector<16xf32>
      %swap3A_927 = vector.shape_cast %add3A_922 : vector<16xf32> to vector<1x16xf32>
      tpu.vector_store %arg8[%swap3A_923, %swap3A_924], %swap3A_927 {strides = array<i32>} : memref<800x32xf32, #tpu.memory_space<vmem>>, vector<1x16xf32>,
      %get3A_928 = arith.index_cast %add3A_917 : i32 to index
      %get3A_929 = arith.constant 16 : index
      %get3A_930 = tpu.vector_load %arg8[%get3A_928, %get3A_929] {strides = array<i32>} : memref<800x32xf32, #tpu.memory_space<vmem>>, vector<1x16xf32>,
      %get3A_931 = vector.shape_cast %get3A_930 : vector<1x16xf32> to vector<16xf32>
      %add3A_932 = arith.addf %get3A_931, %get3A_872 : vector<16xf32>
      %swap3A_933 = arith.index_cast %add3A_917 : i32 to index
      %swap3A_934 = arith.constant 16 : index
      %swap3A_935 = tpu.vector_load %arg8[%swap3A_933, %swap3A_934] {strides = array<i32>} : memref<800x32xf32, #tpu.memory_space<vmem>>, vector<1x16xf32>,
      %swap3A_936 = vector.shape_cast %swap3A_935 : vector<1x16xf32> to vector<16xf32>
      %swap3A_937 = vector.shape_cast %add3A_932 : vector<16xf32> to vector<1x16xf32>
      tpu.vector_store %arg8[%swap3A_933, %swap3A_934], %swap3A_937 {strides = array<i32>} : memref<800x32xf32, #tpu.memory_space<vmem>>, vector<1x16xf32>,
      %add3A_938 = arith.constant 600 : i32
      %add3A_939 = arith.addi %add3A_938, %scan3A_864 : i32
      %get3A_940 = arith.index_cast %add3A_939 : i32 to index
      %get3A_941 = arith.constant 0 : index
      %get3A_942 = tpu.vector_load %arg8[%get3A_940, %get3A_941] {strides = array<i32>} : memref<800x32xf32, #tpu.memory_space<vmem>>, vector<1x16xf32>,
      %get3A_943 = vector.shape_cast %get3A_942 : vector<1x16xf32> to vector<16xf32>
      %add3A_944 = arith.addf %get3A_943, %get3A_868 : vector<16xf32>
      %swap3A_945 = arith.index_cast %add3A_939 : i32 to index
      %swap3A_946 = arith.constant 0 : index
      %swap3A_947 = tpu.vector_load %arg8[%swap3A_945, %swap3A_946] {strides = array<i32>} : memref<800x32xf32, #tpu.memory_space<vmem>>, vector<1x16xf32>,
      %swap3A_948 = vector.shape_cast %swap3A_947 : vector<1x16xf32> to vector<16xf32>
      %swap3A_949 = vector.shape_cast %add3A_944 : vector<16xf32> to vector<1x16xf32>
      tpu.vector_store %arg8[%swap3A_945, %swap3A_946], %swap3A_949 {strides = array<i32>} : memref<800x32xf32, #tpu.memory_space<vmem>>, vector<1x16xf32>,
      %get3A_950 = arith.index_cast %add3A_939 : i32 to index
      %get3A_951 = arith.constant 16 : index
      %get3A_952 = tpu.vector_load %arg8[%get3A_950, %get3A_951] {strides = array<i32>} : memref<800x32xf32, #tpu.memory_space<vmem>>, vector<1x16xf32>,
      %get3A_953 = vector.shape_cast %get3A_952 : vector<1x16xf32> to vector<16xf32>
      %add3A_954 = arith.addf %get3A_953, %get3A_872 : vector<16xf32>
      %swap3A_955 = arith.index_cast %add3A_939 : i32 to index
      %swap3A_956 = arith.constant 16 : index
      %swap3A_957 = tpu.vector_load %arg8[%swap3A_955, %swap3A_956] {strides = array<i32>} : memref<800x32xf32, #tpu.memory_space<vmem>>, vector<1x16xf32>,
      %swap3A_958 = vector.shape_cast %swap3A_957 : vector<1x16xf32> to vector<16xf32>
      %swap3A_959 = vector.shape_cast %add3A_954 : vector<16xf32> to vector<1x16xf32>
      tpu.vector_store %arg8[%swap3A_955, %swap3A_956], %swap3A_959 {strides = array<i32>} : memref<800x32xf32, #tpu.memory_space<vmem>>, vector<1x16xf32>,
      %scan3A_960 = arith.constant 0 : i32
      scf.yield %scan3A_960 : i32
    }
    %scan3A_102 = arith.constant 200 : i32
    %add3A_103 = arith.constant 2400 : i32
    %add3A_104 = arith.addi %mul3A_2, %add3A_103 : i32
    %dma_start3A_105 = arith.constant 0 : i32
    %dma_start3A_106 = tpu.memref_slice %arg5[%add3A_104, %dma_start3A_105] : memref<819200x32xf32, #tpu.memory_space<hbm>> -> memref<800x32xf32, #tpu.memory_space<hbm>>
    %dma_start3A_107 = arith.constant 0 : i32
    %dma_start3A_108 = tpu.memref_slice %arg5[%add3A_104, %dma_start3A_107] : memref<819200x32xf32, #tpu.memory_space<hbm>> -> memref<800x32xf32, #tpu.memory_space<hbm>>
    tpu.enqueue_dma source(%arg8 : memref<800x32xf32, #tpu.memory_space<vmem>>) target(%dma_start3A_108 : memref<800x32xf32, #tpu.memory_space<hbm>>) target_semaphore(%arg13 : memref<!tpu.dma_semaphore, #tpu.memory_space<semaphore_mem>>)
    %dma_wait3A_109 = arith.constant 0 : i32
    %dma_wait3A_110 = tpu.memref_slice %arg5[%add3A_104, %dma_wait3A_109] : memref<819200x32xf32, #tpu.memory_space<hbm>> -> memref<800x32xf32, #tpu.memory_space<hbm>>
    %dma_wait3A_111 = arith.constant 0 : i32
    %dma_wait3A_112 = tpu.memref_slice %arg5[%add3A_104, %dma_wait3A_111] : memref<819200x32xf32, #tpu.memory_space<hbm>> -> memref<800x32xf32, #tpu.memory_space<hbm>>
    tpu.wait_dma2 semaphore(%arg13 : memref<!tpu.dma_semaphore, #tpu.memory_space<semaphore_mem>>) src(%arg8 : memref<800x32xf32, #tpu.memory_space<vmem>>) dst(%dma_wait3A_112 : memref<800x32xf32, #tpu.memory_space<hbm>>)
    %dma_start3A_113 = arith.constant 4000 : i32
    %dma_start3A_114 = tpu.memref_slice %arg6[%dma_start3A_113] : memref<25600xi32, #tpu.memory_space<vmem>> -> memref<800xi32, #tpu.memory_space<vmem>>
    %dma_start3A_115 = arith.constant 0 : i32
    %dma_start3A_116 = arith.constant 0 : i32
    %dma_start3A_117 = tpu.memref_slice %arg3[%dma_start3A_115, %dma_start3A_116] : memref<1000000x32xf32, #tpu.memory_space<hbm>> -> memref<1000000x32xf32, #tpu.memory_space<hbm>>
    tpu.enqueue_indirect_dma source(%dma_start3A_117 : memref<1000000x32xf32, #tpu.memory_space<hbm>>) target(%arg8 : memref<800x32xf32, #tpu.memory_space<vmem>>) offsets(%dma_start3A_114 : memref<800xi32, #tpu.memory_space<vmem>>) semaphore(%arg11 : memref<!tpu.dma_semaphore, #tpu.memory_space<semaphore_mem>>)
    %dma_wait3A_118 = arith.constant 3200 : i32
    %dma_wait3A_119 = tpu.memref_slice %arg6[%dma_wait3A_118] : memref<25600xi32, #tpu.memory_space<vmem>> -> memref<800xi32, #tpu.memory_space<vmem>>
    %dma_wait3A_120 = arith.constant 0 : i32
    %dma_wait3A_121 = arith.constant 0 : i32
    %dma_wait3A_122 = tpu.memref_slice %arg3[%dma_wait3A_120, %dma_wait3A_121] : memref<1000000x32xf32, #tpu.memory_space<hbm>> -> memref<1000000x32xf32, #tpu.memory_space<hbm>>
    tpu.wait_indirect_dma semaphore(%arg10 : memref<!tpu.dma_semaphore, #tpu.memory_space<semaphore_mem>>) src(%dma_wait3A_122 : memref<1000000x32xf32, #tpu.memory_space<hbm>>) dst(%arg7 : memref<800x32xf32, #tpu.memory_space<vmem>>)
    %scan3A_123 = arith.constant 0 : i32
    %scan3A_124 = arith.constant 0 : i32
    %scan3A_125 = arith.constant 200 : i32
    %scan3A_126 = arith.addi %scan3A_124, %scan3A_125 : i32
    %scan3A_127 = arith.constant 1 : i32
    %scan3A_128 = scf.for %scan3A_864 = %scan3A_124 to %scan3A_126 step %scan3A_127 iter_args(%scan3A_865 = %scan3A_123) -> (i32)  : i32 {
      %get3A = arith.index_cast %scan3A_864 : i32 to index
      %get3A_866 = arith.constant 0 : index
      %get3A_867 = tpu.vector_load %arg9[%get3A, %get3A_866] {strides = array<i32>} : memref<200x32xf32, #tpu.memory_space<vmem>>, vector<1x16xf32>,
      %get3A_868 = vector.shape_cast %get3A_867 : vector<1x16xf32> to vector<16xf32>
      %get3A_869 = arith.index_cast %scan3A_864 : i32 to index
      %get3A_870 = arith.constant 16 : index
      %get3A_871 = tpu.vector_load %arg9[%get3A_869, %get3A_870] {strides = array<i32>} : memref<200x32xf32, #tpu.memory_space<vmem>>, vector<1x16xf32>,
      %get3A_872 = vector.shape_cast %get3A_871 : vector<1x16xf32> to vector<16xf32>
      %add3A_873 = arith.constant 0 : i32
      %add3A_874 = arith.addi %add3A_873, %scan3A_864 : i32
      %get3A_875 = arith.index_cast %add3A_874 : i32 to index
      %get3A_876 = arith.constant 0 : index
      %get3A_877 = tpu.vector_load %arg7[%get3A_875, %get3A_876] {strides = array<i32>} : memref<800x32xf32, #tpu.memory_space<vmem>>, vector<1x16xf32>,
      %get3A_878 = vector.shape_cast %get3A_877 : vector<1x16xf32> to vector<16xf32>
      %add3A_879 = arith.addf %get3A_878, %get3A_868 : vector<16xf32>
      %swap3A = arith.index_cast %add3A_874 : i32 to index
      %swap3A_880 = arith.constant 0 : index
      %swap3A_881 = tpu.vector_load %arg7[%swap3A, %swap3A_880] {strides = array<i32>} : memref<800x32xf32, #tpu.memory_space<vmem>>, vector<1x16xf32>,
      %swap3A_882 = vector.shape_cast %swap3A_881 : vector<1x16xf32> to vector<16xf32>
      %swap3A_883 = vector.shape_cast %add3A_879 : vector<16xf32> to vector<1x16xf32>
      tpu.vector_store %arg7[%swap3A, %swap3A_880], %swap3A_883 {strides = array<i32>} : memref<800x32xf32, #tpu.memory_space<vmem>>, vector<1x16xf32>,
      %get3A_884 = arith.index_cast %add3A_874 : i32 to index
      %get3A_885 = arith.constant 16 : index
      %get3A_886 = tpu.vector_load %arg7[%get3A_884, %get3A_885] {strides = array<i32>} : memref<800x32xf32, #tpu.memory_space<vmem>>, vector<1x16xf32>,
      %get3A_887 = vector.shape_cast %get3A_886 : vector<1x16xf32> to vector<16xf32>
      %add3A_888 = arith.addf %get3A_887, %get3A_872 : vector<16xf32>
      %swap3A_889 = arith.index_cast %add3A_874 : i32 to index
      %swap3A_890 = arith.constant 16 : index
      %swap3A_891 = tpu.vector_load %arg7[%swap3A_889, %swap3A_890] {strides = array<i32>} : memref<800x32xf32, #tpu.memory_space<vmem>>, vector<1x16xf32>,
      %swap3A_892 = vector.shape_cast %swap3A_891 : vector<1x16xf32> to vector<16xf32>
      %swap3A_893 = vector.shape_cast %add3A_888 : vector<16xf32> to vector<1x16xf32>
      tpu.vector_store %arg7[%swap3A_889, %swap3A_890], %swap3A_893 {strides = array<i32>} : memref<800x32xf32, #tpu.memory_space<vmem>>, vector<1x16xf32>,
      %add3A_894 = arith.constant 200 : i32
      %add3A_895 = arith.addi %add3A_894, %scan3A_864 : i32
      %get3A_896 = arith.index_cast %add3A_895 : i32 to index
      %get3A_897 = arith.constant 0 : index
      %get3A_898 = tpu.vector_load %arg7[%get3A_896, %get3A_897] {strides = array<i32>} : memref<800x32xf32, #tpu.memory_space<vmem>>, vector<1x16xf32>,
      %get3A_899 = vector.shape_cast %get3A_898 : vector<1x16xf32> to vector<16xf32>
      %add3A_900 = arith.addf %get3A_899, %get3A_868 : vector<16xf32>
      %swap3A_901 = arith.index_cast %add3A_895 : i32 to index
      %swap3A_902 = arith.constant 0 : index
      %swap3A_903 = tpu.vector_load %arg7[%swap3A_901, %swap3A_902] {strides = array<i32>} : memref<800x32xf32, #tpu.memory_space<vmem>>, vector<1x16xf32>,
      %swap3A_904 = vector.shape_cast %swap3A_903 : vector<1x16xf32> to vector<16xf32>
      %swap3A_905 = vector.shape_cast %add3A_900 : vector<16xf32> to vector<1x16xf32>
      tpu.vector_store %arg7[%swap3A_901, %swap3A_902], %swap3A_905 {strides = array<i32>} : memref<800x32xf32, #tpu.memory_space<vmem>>, vector<1x16xf32>,
      %get3A_906 = arith.index_cast %add3A_895 : i32 to index
      %get3A_907 = arith.constant 16 : index
      %get3A_908 = tpu.vector_load %arg7[%get3A_906, %get3A_907] {strides = array<i32>} : memref<800x32xf32, #tpu.memory_space<vmem>>, vector<1x16xf32>,
      %get3A_909 = vector.shape_cast %get3A_908 : vector<1x16xf32> to vector<16xf32>
      %add3A_910 = arith.addf %get3A_909, %get3A_872 : vector<16xf32>
      %swap3A_911 = arith.index_cast %add3A_895 : i32 to index
      %swap3A_912 = arith.constant 16 : index
      %swap3A_913 = tpu.vector_load %arg7[%swap3A_911, %swap3A_912] {strides = array<i32>} : memref<800x32xf32, #tpu.memory_space<vmem>>, vector<1x16xf32>,
      %swap3A_914 = vector.shape_cast %swap3A_913 : vector<1x16xf32> to vector<16xf32>
      %swap3A_915 = vector.shape_cast %add3A_910 : vector<16xf32> to vector<1x16xf32>
      tpu.vector_store %arg7[%swap3A_911, %swap3A_912], %swap3A_915 {strides = array<i32>} : memref<800x32xf32, #tpu.memory_space<vmem>>, vector<1x16xf32>,
      %add3A_916 = arith.constant 400 : i32
      %add3A_917 = arith.addi %add3A_916, %scan3A_864 : i32
      %get3A_918 = arith.index_cast %add3A_917 : i32 to index
      %get3A_919 = arith.constant 0 : index
      %get3A_920 = tpu.vector_load %arg7[%get3A_918, %get3A_919] {strides = array<i32>} : memref<800x32xf32, #tpu.memory_space<vmem>>, vector<1x16xf32>,
      %get3A_921 = vector.shape_cast %get3A_920 : vector<1x16xf32> to vector<16xf32>
      %add3A_922 = arith.addf %get3A_921, %get3A_868 : vector<16xf32>
      %swap3A_923 = arith.index_cast %add3A_917 : i32 to index
      %swap3A_924 = arith.constant 0 : index
      %swap3A_925 = tpu.vector_load %arg7[%swap3A_923, %swap3A_924] {strides = array<i32>} : memref<800x32xf32, #tpu.memory_space<vmem>>, vector<1x16xf32>,
      %swap3A_926 = vector.shape_cast %swap3A_925 : vector<1x16xf32> to vector<16xf32>
      %swap3A_927 = vector.shape_cast %add3A_922 : vector<16xf32> to vector<1x16xf32>
      tpu.vector_store %arg7[%swap3A_923, %swap3A_924], %swap3A_927 {strides = array<i32>} : memref<800x32xf32, #tpu.memory_space<vmem>>, vector<1x16xf32>,
      %get3A_928 = arith.index_cast %add3A_917 : i32 to index
      %get3A_929 = arith.constant 16 : index
      %get3A_930 = tpu.vector_load %arg7[%get3A_928, %get3A_929] {strides = array<i32>} : memref<800x32xf32, #tpu.memory_space<vmem>>, vector<1x16xf32>,
      %get3A_931 = vector.shape_cast %get3A_930 : vector<1x16xf32> to vector<16xf32>
      %add3A_932 = arith.addf %get3A_931, %get3A_872 : vector<16xf32>
      %swap3A_933 = arith.index_cast %add3A_917 : i32 to index
      %swap3A_934 = arith.constant 16 : index
      %swap3A_935 = tpu.vector_load %arg7[%swap3A_933, %swap3A_934] {strides = array<i32>} : memref<800x32xf32, #tpu.memory_space<vmem>>, vector<1x16xf32>,
      %swap3A_936 = vector.shape_cast %swap3A_935 : vector<1x16xf32> to vector<16xf32>
      %swap3A_937 = vector.shape_cast %add3A_932 : vector<16xf32> to vector<1x16xf32>
      tpu.vector_store %arg7[%swap3A_933, %swap3A_934], %swap3A_937 {strides = array<i32>} : memref<800x32xf32, #tpu.memory_space<vmem>>, vector<1x16xf32>,
      %add3A_938 = arith.constant 600 : i32
      %add3A_939 = arith.addi %add3A_938, %scan3A_864 : i32
      %get3A_940 = arith.index_cast %add3A_939 : i32 to index
      %get3A_941 = arith.constant 0 : index
      %get3A_942 = tpu.vector_load %arg7[%get3A_940, %get3A_941] {strides = array<i32>} : memref<800x32xf32, #tpu.memory_space<vmem>>, vector<1x16xf32>,
      %get3A_943 = vector.shape_cast %get3A_942 : vector<1x16xf32> to vector<16xf32>
      %add3A_944 = arith.addf %get3A_943, %get3A_868 : vector<16xf32>
      %swap3A_945 = arith.index_cast %add3A_939 : i32 to index
      %swap3A_946 = arith.constant 0 : index
      %swap3A_947 = tpu.vector_load %arg7[%swap3A_945, %swap3A_946] {strides = array<i32>} : memref<800x32xf32, #tpu.memory_space<vmem>>, vector<1x16xf32>,
      %swap3A_948 = vector.shape_cast %swap3A_947 : vector<1x16xf32> to vector<16xf32>
      %swap3A_949 = vector.shape_cast %add3A_944 : vector<16xf32> to vector<1x16xf32>
      tpu.vector_store %arg7[%swap3A_945, %swap3A_946], %swap3A_949 {strides = array<i32>} : memref<800x32xf32, #tpu.memory_space<vmem>>, vector<1x16xf32>,
      %get3A_950 = arith.index_cast %add3A_939 : i32 to index
      %get3A_951 = arith.constant 16 : index
      %get3A_952 = tpu.vector_load %arg7[%get3A_950, %get3A_951] {strides = array<i32>} : memref<800x32xf32, #tpu.memory_space<vmem>>, vector<1x16xf32>,
      %get3A_953 = vector.shape_cast %get3A_952 : vector<1x16xf32> to vector<16xf32>
      %add3A_954 = arith.addf %get3A_953, %get3A_872 : vector<16xf32>
      %swap3A_955 = arith.index_cast %add3A_939 : i32 to index
      %swap3A_956 = arith.constant 16 : index
      %swap3A_957 = tpu.vector_load %arg7[%swap3A_955, %swap3A_956] {strides = array<i32>} : memref<800x32xf32, #tpu.memory_space<vmem>>, vector<1x16xf32>,
      %swap3A_958 = vector.shape_cast %swap3A_957 : vector<1x16xf32> to vector<16xf32>
      %swap3A_959 = vector.shape_cast %add3A_954 : vector<16xf32> to vector<1x16xf32>
      tpu.vector_store %arg7[%swap3A_955, %swap3A_956], %swap3A_959 {strides = array<i32>} : memref<800x32xf32, #tpu.memory_space<vmem>>, vector<1x16xf32>,
      %scan3A_960 = arith.constant 0 : i32
      scf.yield %scan3A_960 : i32
    }
    %scan3A_129 = arith.constant 200 : i32
    %add3A_130 = arith.constant 3200 : i32
    %add3A_131 = arith.addi %mul3A_2, %add3A_130 : i32
    %dma_start3A_132 = arith.constant 0 : i32
    %dma_start3A_133 = tpu.memref_slice %arg5[%add3A_131, %dma_start3A_132] : memref<819200x32xf32, #tpu.memory_space<hbm>> -> memref<800x32xf32, #tpu.memory_space<hbm>>
    %dma_start3A_134 = arith.constant 0 : i32
    %dma_start3A_135 = tpu.memref_slice %arg5[%add3A_131, %dma_start3A_134] : memref<819200x32xf32, #tpu.memory_space<hbm>> -> memref<800x32xf32, #tpu.memory_space<hbm>>
    tpu.enqueue_dma source(%arg7 : memref<800x32xf32, #tpu.memory_space<vmem>>) target(%dma_start3A_135 : memref<800x32xf32, #tpu.memory_space<hbm>>) target_semaphore(%arg12 : memref<!tpu.dma_semaphore, #tpu.memory_space<semaphore_mem>>)
    %dma_wait3A_136 = arith.constant 0 : i32
    %dma_wait3A_137 = tpu.memref_slice %arg5[%add3A_131, %dma_wait3A_136] : memref<819200x32xf32, #tpu.memory_space<hbm>> -> memref<800x32xf32, #tpu.memory_space<hbm>>
    %dma_wait3A_138 = arith.constant 0 : i32
    %dma_wait3A_139 = tpu.memref_slice %arg5[%add3A_131, %dma_wait3A_138] : memref<819200x32xf32, #tpu.memory_space<hbm>> -> memref<800x32xf32, #tpu.memory_space<hbm>>
    tpu.wait_dma2 semaphore(%arg12 : memref<!tpu.dma_semaphore, #tpu.memory_space<semaphore_mem>>) src(%arg7 : memref<800x32xf32, #tpu.memory_space<vmem>>) dst(%dma_wait3A_139 : memref<800x32xf32, #tpu.memory_space<hbm>>)
    %dma_start3A_140 = arith.constant 4800 : i32
    %dma_start3A_141 = tpu.memref_slice %arg6[%dma_start3A_140] : memref<25600xi32, #tpu.memory_space<vmem>> -> memref<800xi32, #tpu.memory_space<vmem>>
    %dma_start3A_142 = arith.constant 0 : i32
    %dma_start3A_143 = arith.constant 0 : i32
    %dma_start3A_144 = tpu.memref_slice %arg3[%dma_start3A_142, %dma_start3A_143] : memref<1000000x32xf32, #tpu.memory_space<hbm>> -> memref<1000000x32xf32, #tpu.memory_space<hbm>>
    tpu.enqueue_indirect_dma source(%dma_start3A_144 : memref<1000000x32xf32, #tpu.memory_space<hbm>>) target(%arg7 : memref<800x32xf32, #tpu.memory_space<vmem>>) offsets(%dma_start3A_141 : memref<800xi32, #tpu.memory_space<vmem>>) semaphore(%arg10 : memref<!tpu.dma_semaphore, #tpu.memory_space<semaphore_mem>>)
    %dma_wait3A_145 = arith.constant 4000 : i32
    %dma_wait3A_146 = tpu.memref_slice %arg6[%dma_wait3A_145] : memref<25600xi32, #tpu.memory_space<vmem>> -> memref<800xi32, #tpu.memory_space<vmem>>
    %dma_wait3A_147 = arith.constant 0 : i32
    %dma_wait3A_148 = arith.constant 0 : i32
    %dma_wait3A_149 = tpu.memref_slice %arg3[%dma_wait3A_147, %dma_wait3A_148] : memref<1000000x32xf32, #tpu.memory_space<hbm>> -> memref<1000000x32xf32, #tpu.memory_space<hbm>>
    tpu.wait_indirect_dma semaphore(%arg11 : memref<!tpu.dma_semaphore, #tpu.memory_space<semaphore_mem>>) src(%dma_wait3A_149 : memref<1000000x32xf32, #tpu.memory_space<hbm>>) dst(%arg8 : memref<800x32xf32, #tpu.memory_space<vmem>>)
    %scan3A_150 = arith.constant 0 : i32
    %scan3A_151 = arith.constant 0 : i32
    %scan3A_152 = arith.constant 200 : i32
    %scan3A_153 = arith.addi %scan3A_151, %scan3A_152 : i32
    %scan3A_154 = arith.constant 1 : i32
    %scan3A_155 = scf.for %scan3A_864 = %scan3A_151 to %scan3A_153 step %scan3A_154 iter_args(%scan3A_865 = %scan3A_150) -> (i32)  : i32 {
      %get3A = arith.index_cast %scan3A_864 : i32 to index
      %get3A_866 = arith.constant 0 : index
      %get3A_867 = tpu.vector_load %arg9[%get3A, %get3A_866] {strides = array<i32>} : memref<200x32xf32, #tpu.memory_space<vmem>>, vector<1x16xf32>,
      %get3A_868 = vector.shape_cast %get3A_867 : vector<1x16xf32> to vector<16xf32>
      %get3A_869 = arith.index_cast %scan3A_864 : i32 to index
      %get3A_870 = arith.constant 16 : index
      %get3A_871 = tpu.vector_load %arg9[%get3A_869, %get3A_870] {strides = array<i32>} : memref<200x32xf32, #tpu.memory_space<vmem>>, vector<1x16xf32>,
      %get3A_872 = vector.shape_cast %get3A_871 : vector<1x16xf32> to vector<16xf32>
      %add3A_873 = arith.constant 0 : i32
      %add3A_874 = arith.addi %add3A_873, %scan3A_864 : i32
      %get3A_875 = arith.index_cast %add3A_874 : i32 to index
      %get3A_876 = arith.constant 0 : index
      %get3A_877 = tpu.vector_load %arg8[%get3A_875, %get3A_876] {strides = array<i32>} : memref<800x32xf32, #tpu.memory_space<vmem>>, vector<1x16xf32>,
      %get3A_878 = vector.shape_cast %get3A_877 : vector<1x16xf32> to vector<16xf32>
      %add3A_879 = arith.addf %get3A_878, %get3A_868 : vector<16xf32>
      %swap3A = arith.index_cast %add3A_874 : i32 to index
      %swap3A_880 = arith.constant 0 : index
      %swap3A_881 = tpu.vector_load %arg8[%swap3A, %swap3A_880] {strides = array<i32>} : memref<800x32xf32, #tpu.memory_space<vmem>>, vector<1x16xf32>,
      %swap3A_882 = vector.shape_cast %swap3A_881 : vector<1x16xf32> to vector<16xf32>
      %swap3A_883 = vector.shape_cast %add3A_879 : vector<16xf32> to vector<1x16xf32>
      tpu.vector_store %arg8[%swap3A, %swap3A_880], %swap3A_883 {strides = array<i32>} : memref<800x32xf32, #tpu.memory_space<vmem>>, vector<1x16xf32>,
      %get3A_884 = arith.index_cast %add3A_874 : i32 to index
      %get3A_885 = arith.constant 16 : index
      %get3A_886 = tpu.vector_load %arg8[%get3A_884, %get3A_885] {strides = array<i32>} : memref<800x32xf32, #tpu.memory_space<vmem>>, vector<1x16xf32>,
      %get3A_887 = vector.shape_cast %get3A_886 : vector<1x16xf32> to vector<16xf32>
      %add3A_888 = arith.addf %get3A_887, %get3A_872 : vector<16xf32>
      %swap3A_889 = arith.index_cast %add3A_874 : i32 to index
      %swap3A_890 = arith.constant 16 : index
      %swap3A_891 = tpu.vector_load %arg8[%swap3A_889, %swap3A_890] {strides = array<i32>} : memref<800x32xf32, #tpu.memory_space<vmem>>, vector<1x16xf32>,
      %swap3A_892 = vector.shape_cast %swap3A_891 : vector<1x16xf32> to vector<16xf32>
      %swap3A_893 = vector.shape_cast %add3A_888 : vector<16xf32> to vector<1x16xf32>
      tpu.vector_store %arg8[%swap3A_889, %swap3A_890], %swap3A_893 {strides = array<i32>} : memref<800x32xf32, #tpu.memory_space<vmem>>, vector<1x16xf32>,
      %add3A_894 = arith.constant 200 : i32
      %add3A_895 = arith.addi %add3A_894, %scan3A_864 : i32
      %get3A_896 = arith.index_cast %add3A_895 : i32 to index
      %get3A_897 = arith.constant 0 : index
      %get3A_898 = tpu.vector_load %arg8[%get3A_896, %get3A_897] {strides = array<i32>} : memref<800x32xf32, #tpu.memory_space<vmem>>, vector<1x16xf32>,
      %get3A_899 = vector.shape_cast %get3A_898 : vector<1x16xf32> to vector<16xf32>
      %add3A_900 = arith.addf %get3A_899, %get3A_868 : vector<16xf32>
      %swap3A_901 = arith.index_cast %add3A_895 : i32 to index
      %swap3A_902 = arith.constant 0 : index
      %swap3A_903 = tpu.vector_load %arg8[%swap3A_901, %swap3A_902] {strides = array<i32>} : memref<800x32xf32, #tpu.memory_space<vmem>>, vector<1x16xf32>,
      %swap3A_904 = vector.shape_cast %swap3A_903 : vector<1x16xf32> to vector<16xf32>
      %swap3A_905 = vector.shape_cast %add3A_900 : vector<16xf32> to vector<1x16xf32>
      tpu.vector_store %arg8[%swap3A_901, %swap3A_902], %swap3A_905 {strides = array<i32>} : memref<800x32xf32, #tpu.memory_space<vmem>>, vector<1x16xf32>,
      %get3A_906 = arith.index_cast %add3A_895 : i32 to index
      %get3A_907 = arith.constant 16 : index
      %get3A_908 = tpu.vector_load %arg8[%get3A_906, %get3A_907] {strides = array<i32>} : memref<800x32xf32, #tpu.memory_space<vmem>>, vector<1x16xf32>,
      %get3A_909 = vector.shape_cast %get3A_908 : vector<1x16xf32> to vector<16xf32>
      %add3A_910 = arith.addf %get3A_909, %get3A_872 : vector<16xf32>
      %swap3A_911 = arith.index_cast %add3A_895 : i32 to index
      %swap3A_912 = arith.constant 16 : index
      %swap3A_913 = tpu.vector_load %arg8[%swap3A_911, %swap3A_912] {strides = array<i32>} : memref<800x32xf32, #tpu.memory_space<vmem>>, vector<1x16xf32>,
      %swap3A_914 = vector.shape_cast %swap3A_913 : vector<1x16xf32> to vector<16xf32>
      %swap3A_915 = vector.shape_cast %add3A_910 : vector<16xf32> to vector<1x16xf32>
      tpu.vector_store %arg8[%swap3A_911, %swap3A_912], %swap3A_915 {strides = array<i32>} : memref<800x32xf32, #tpu.memory_space<vmem>>, vector<1x16xf32>,
      %add3A_916 = arith.constant 400 : i32
      %add3A_917 = arith.addi %add3A_916, %scan3A_864 : i32
      %get3A_918 = arith.index_cast %add3A_917 : i32 to index
      %get3A_919 = arith.constant 0 : index
      %get3A_920 = tpu.vector_load %arg8[%get3A_918, %get3A_919] {strides = array<i32>} : memref<800x32xf32, #tpu.memory_space<vmem>>, vector<1x16xf32>,
      %get3A_921 = vector.shape_cast %get3A_920 : vector<1x16xf32> to vector<16xf32>
      %add3A_922 = arith.addf %get3A_921, %get3A_868 : vector<16xf32>
      %swap3A_923 = arith.index_cast %add3A_917 : i32 to index
      %swap3A_924 = arith.constant 0 : index
      %swap3A_925 = tpu.vector_load %arg8[%swap3A_923, %swap3A_924] {strides = array<i32>} : memref<800x32xf32, #tpu.memory_space<vmem>>, vector<1x16xf32>,
      %swap3A_926 = vector.shape_cast %swap3A_925 : vector<1x16xf32> to vector<16xf32>
      %swap3A_927 = vector.shape_cast %add3A_922 : vector<16xf32> to vector<1x16xf32>
      tpu.vector_store %arg8[%swap3A_923, %swap3A_924], %swap3A_927 {strides = array<i32>} : memref<800x32xf32, #tpu.memory_space<vmem>>, vector<1x16xf32>,
      %get3A_928 = arith.index_cast %add3A_917 : i32 to index
      %get3A_929 = arith.constant 16 : index
      %get3A_930 = tpu.vector_load %arg8[%get3A_928, %get3A_929] {strides = array<i32>} : memref<800x32xf32, #tpu.memory_space<vmem>>, vector<1x16xf32>,
      %get3A_931 = vector.shape_cast %get3A_930 : vector<1x16xf32> to vector<16xf32>
      %add3A_932 = arith.addf %get3A_931, %get3A_872 : vector<16xf32>
      %swap3A_933 = arith.index_cast %add3A_917 : i32 to index
      %swap3A_934 = arith.constant 16 : index
      %swap3A_935 = tpu.vector_load %arg8[%swap3A_933, %swap3A_934] {strides = array<i32>} : memref<800x32xf32, #tpu.memory_space<vmem>>, vector<1x16xf32>,
      %swap3A_936 = vector.shape_cast %swap3A_935 : vector<1x16xf32> to vector<16xf32>
      %swap3A_937 = vector.shape_cast %add3A_932 : vector<16xf32> to vector<1x16xf32>
      tpu.vector_store %arg8[%swap3A_933, %swap3A_934], %swap3A_937 {strides = array<i32>} : memref<800x32xf32, #tpu.memory_space<vmem>>, vector<1x16xf32>,
      %add3A_938 = arith.constant 600 : i32
      %add3A_939 = arith.addi %add3A_938, %scan3A_864 : i32
      %get3A_940 = arith.index_cast %add3A_939 : i32 to index
      %get3A_941 = arith.constant 0 : index
      %get3A_942 = tpu.vector_load %arg8[%get3A_940, %get3A_941] {strides = array<i32>} : memref<800x32xf32, #tpu.memory_space<vmem>>, vector<1x16xf32>,
      %get3A_943 = vector.shape_cast %get3A_942 : vector<1x16xf32> to vector<16xf32>
      %add3A_944 = arith.addf %get3A_943, %get3A_868 : vector<16xf32>
      %swap3A_945 = arith.index_cast %add3A_939 : i32 to index
      %swap3A_946 = arith.constant 0 : index
      %swap3A_947 = tpu.vector_load %arg8[%swap3A_945, %swap3A_946] {strides = array<i32>} : memref<800x32xf32, #tpu.memory_space<vmem>>, vector<1x16xf32>,
      %swap3A_948 = vector.shape_cast %swap3A_947 : vector<1x16xf32> to vector<16xf32>
      %swap3A_949 = vector.shape_cast %add3A_944 : vector<16xf32> to vector<1x16xf32>
      tpu.vector_store %arg8[%swap3A_945, %swap3A_946], %swap3A_949 {strides = array<i32>} : memref<800x32xf32, #tpu.memory_space<vmem>>, vector<1x16xf32>,
      %get3A_950 = arith.index_cast %add3A_939 : i32 to index
      %get3A_951 = arith.constant 16 : index
      %get3A_952 = tpu.vector_load %arg8[%get3A_950, %get3A_951] {strides = array<i32>} : memref<800x32xf32, #tpu.memory_space<vmem>>, vector<1x16xf32>,
      %get3A_953 = vector.shape_cast %get3A_952 : vector<1x16xf32> to vector<16xf32>
      %add3A_954 = arith.addf %get3A_953, %get3A_872 : vector<16xf32>
      %swap3A_955 = arith.index_cast %add3A_939 : i32 to index
      %swap3A_956 = arith.constant 16 : index
      %swap3A_957 = tpu.vector_load %arg8[%swap3A_955, %swap3A_956] {strides = array<i32>} : memref<800x32xf32, #tpu.memory_space<vmem>>, vector<1x16xf32>,
      %swap3A_958 = vector.shape_cast %swap3A_957 : vector<1x16xf32> to vector<16xf32>
      %swap3A_959 = vector.shape_cast %add3A_954 : vector<16xf32> to vector<1x16xf32>
      tpu.vector_store %arg8[%swap3A_955, %swap3A_956], %swap3A_959 {strides = array<i32>} : memref<800x32xf32, #tpu.memory_space<vmem>>, vector<1x16xf32>,
      %scan3A_960 = arith.constant 0 : i32
      scf.yield %scan3A_960 : i32
    }
    %scan3A_156 = arith.constant 200 : i32
    %add3A_157 = arith.constant 4000 : i32
    %add3A_158 = arith.addi %mul3A_2, %add3A_157 : i32
    %dma_start3A_159 = arith.constant 0 : i32
    %dma_start3A_160 = tpu.memref_slice %arg5[%add3A_158, %dma_start3A_159] : memref<819200x32xf32, #tpu.memory_space<hbm>> -> memref<800x32xf32, #tpu.memory_space<hbm>>
    %dma_start3A_161 = arith.constant 0 : i32
    %dma_start3A_162 = tpu.memref_slice %arg5[%add3A_158, %dma_start3A_161] : memref<819200x32xf32, #tpu.memory_space<hbm>> -> memref<800x32xf32, #tpu.memory_space<hbm>>
    tpu.enqueue_dma source(%arg8 : memref<800x32xf32, #tpu.memory_space<vmem>>) target(%dma_start3A_162 : memref<800x32xf32, #tpu.memory_space<hbm>>) target_semaphore(%arg13 : memref<!tpu.dma_semaphore, #tpu.memory_space<semaphore_mem>>)
    %dma_wait3A_163 = arith.constant 0 : i32
    %dma_wait3A_164 = tpu.memref_slice %arg5[%add3A_158, %dma_wait3A_163] : memref<819200x32xf32, #tpu.memory_space<hbm>> -> memref<800x32xf32, #tpu.memory_space<hbm>>
    %dma_wait3A_165 = arith.constant 0 : i32
    %dma_wait3A_166 = tpu.memref_slice %arg5[%add3A_158, %dma_wait3A_165] : memref<819200x32xf32, #tpu.memory_space<hbm>> -> memref<800x32xf32, #tpu.memory_space<hbm>>
    tpu.wait_dma2 semaphore(%arg13 : memref<!tpu.dma_semaphore, #tpu.memory_space<semaphore_mem>>) src(%arg8 : memref<800x32xf32, #tpu.memory_space<vmem>>) dst(%dma_wait3A_166 : memref<800x32xf32, #tpu.memory_space<hbm>>)
    %dma_start3A_167 = arith.constant 5600 : i32
    %dma_start3A_168 = tpu.memref_slice %arg6[%dma_start3A_167] : memref<25600xi32, #tpu.memory_space<vmem>> -> memref<800xi32, #tpu.memory_space<vmem>>
    %dma_start3A_169 = arith.constant 0 : i32
    %dma_start3A_170 = arith.constant 0 : i32
    %dma_start3A_171 = tpu.memref_slice %arg3[%dma_start3A_169, %dma_start3A_170] : memref<1000000x32xf32, #tpu.memory_space<hbm>> -> memref<1000000x32xf32, #tpu.memory_space<hbm>>
    tpu.enqueue_indirect_dma source(%dma_start3A_171 : memref<1000000x32xf32, #tpu.memory_space<hbm>>) target(%arg8 : memref<800x32xf32, #tpu.memory_space<vmem>>) offsets(%dma_start3A_168 : memref<800xi32, #tpu.memory_space<vmem>>) semaphore(%arg11 : memref<!tpu.dma_semaphore, #tpu.memory_space<semaphore_mem>>)
    %dma_wait3A_172 = arith.constant 4800 : i32
    %dma_wait3A_173 = tpu.memref_slice %arg6[%dma_wait3A_172] : memref<25600xi32, #tpu.memory_space<vmem>> -> memref<800xi32, #tpu.memory_space<vmem>>
    %dma_wait3A_174 = arith.constant 0 : i32
    %dma_wait3A_175 = arith.constant 0 : i32
    %dma_wait3A_176 = tpu.memref_slice %arg3[%dma_wait3A_174, %dma_wait3A_175] : memref<1000000x32xf32, #tpu.memory_space<hbm>> -> memref<1000000x32xf32, #tpu.memory_space<hbm>>
    tpu.wait_indirect_dma semaphore(%arg10 : memref<!tpu.dma_semaphore, #tpu.memory_space<semaphore_mem>>) src(%dma_wait3A_176 : memref<1000000x32xf32, #tpu.memory_space<hbm>>) dst(%arg7 : memref<800x32xf32, #tpu.memory_space<vmem>>)
    %scan3A_177 = arith.constant 0 : i32
    %scan3A_178 = arith.constant 0 : i32
    %scan3A_179 = arith.constant 200 : i32
    %scan3A_180 = arith.addi %scan3A_178, %scan3A_179 : i32
    %scan3A_181 = arith.constant 1 : i32
    %scan3A_182 = scf.for %scan3A_864 = %scan3A_178 to %scan3A_180 step %scan3A_181 iter_args(%scan3A_865 = %scan3A_177) -> (i32)  : i32 {
      %get3A = arith.index_cast %scan3A_864 : i32 to index
      %get3A_866 = arith.constant 0 : index
      %get3A_867 = tpu.vector_load %arg9[%get3A, %get3A_866] {strides = array<i32>} : memref<200x32xf32, #tpu.memory_space<vmem>>, vector<1x16xf32>,
      %get3A_868 = vector.shape_cast %get3A_867 : vector<1x16xf32> to vector<16xf32>
      %get3A_869 = arith.index_cast %scan3A_864 : i32 to index
      %get3A_870 = arith.constant 16 : index
      %get3A_871 = tpu.vector_load %arg9[%get3A_869, %get3A_870] {strides = array<i32>} : memref<200x32xf32, #tpu.memory_space<vmem>>, vector<1x16xf32>,
      %get3A_872 = vector.shape_cast %get3A_871 : vector<1x16xf32> to vector<16xf32>
      %add3A_873 = arith.constant 0 : i32
      %add3A_874 = arith.addi %add3A_873, %scan3A_864 : i32
      %get3A_875 = arith.index_cast %add3A_874 : i32 to index
      %get3A_876 = arith.constant 0 : index
      %get3A_877 = tpu.vector_load %arg7[%get3A_875, %get3A_876] {strides = array<i32>} : memref<800x32xf32, #tpu.memory_space<vmem>>, vector<1x16xf32>,
      %get3A_878 = vector.shape_cast %get3A_877 : vector<1x16xf32> to vector<16xf32>
      %add3A_879 = arith.addf %get3A_878, %get3A_868 : vector<16xf32>
      %swap3A = arith.index_cast %add3A_874 : i32 to index
      %swap3A_880 = arith.constant 0 : index
      %swap3A_881 = tpu.vector_load %arg7[%swap3A, %swap3A_880] {strides = array<i32>} : memref<800x32xf32, #tpu.memory_space<vmem>>, vector<1x16xf32>,
      %swap3A_882 = vector.shape_cast %swap3A_881 : vector<1x16xf32> to vector<16xf32>
      %swap3A_883 = vector.shape_cast %add3A_879 : vector<16xf32> to vector<1x16xf32>
      tpu.vector_store %arg7[%swap3A, %swap3A_880], %swap3A_883 {strides = array<i32>} : memref<800x32xf32, #tpu.memory_space<vmem>>, vector<1x16xf32>,
      %get3A_884 = arith.index_cast %add3A_874 : i32 to index
      %get3A_885 = arith.constant 16 : index
      %get3A_886 = tpu.vector_load %arg7[%get3A_884, %get3A_885] {strides = array<i32>} : memref<800x32xf32, #tpu.memory_space<vmem>>, vector<1x16xf32>,
      %get3A_887 = vector.shape_cast %get3A_886 : vector<1x16xf32> to vector<16xf32>
      %add3A_888 = arith.addf %get3A_887, %get3A_872 : vector<16xf32>
      %swap3A_889 = arith.index_cast %add3A_874 : i32 to index
      %swap3A_890 = arith.constant 16 : index
      %swap3A_891 = tpu.vector_load %arg7[%swap3A_889, %swap3A_890] {strides = array<i32>} : memref<800x32xf32, #tpu.memory_space<vmem>>, vector<1x16xf32>,
      %swap3A_892 = vector.shape_cast %swap3A_891 : vector<1x16xf32> to vector<16xf32>
      %swap3A_893 = vector.shape_cast %add3A_888 : vector<16xf32> to vector<1x16xf32>
      tpu.vector_store %arg7[%swap3A_889, %swap3A_890], %swap3A_893 {strides = array<i32>} : memref<800x32xf32, #tpu.memory_space<vmem>>, vector<1x16xf32>,
      %add3A_894 = arith.constant 200 : i32
      %add3A_895 = arith.addi %add3A_894, %scan3A_864 : i32
      %get3A_896 = arith.index_cast %add3A_895 : i32 to index
      %get3A_897 = arith.constant 0 : index
      %get3A_898 = tpu.vector_load %arg7[%get3A_896, %get3A_897] {strides = array<i32>} : memref<800x32xf32, #tpu.memory_space<vmem>>, vector<1x16xf32>,
      %get3A_899 = vector.shape_cast %get3A_898 : vector<1x16xf32> to vector<16xf32>
      %add3A_900 = arith.addf %get3A_899, %get3A_868 : vector<16xf32>
      %swap3A_901 = arith.index_cast %add3A_895 : i32 to index
      %swap3A_902 = arith.constant 0 : index
      %swap3A_903 = tpu.vector_load %arg7[%swap3A_901, %swap3A_902] {strides = array<i32>} : memref<800x32xf32, #tpu.memory_space<vmem>>, vector<1x16xf32>,
      %swap3A_904 = vector.shape_cast %swap3A_903 : vector<1x16xf32> to vector<16xf32>
      %swap3A_905 = vector.shape_cast %add3A_900 : vector<16xf32> to vector<1x16xf32>
      tpu.vector_store %arg7[%swap3A_901, %swap3A_902], %swap3A_905 {strides = array<i32>} : memref<800x32xf32, #tpu.memory_space<vmem>>, vector<1x16xf32>,
      %get3A_906 = arith.index_cast %add3A_895 : i32 to index
      %get3A_907 = arith.constant 16 : index
      %get3A_908 = tpu.vector_load %arg7[%get3A_906, %get3A_907] {strides = array<i32>} : memref<800x32xf32, #tpu.memory_space<vmem>>, vector<1x16xf32>,
      %get3A_909 = vector.shape_cast %get3A_908 : vector<1x16xf32> to vector<16xf32>
      %add3A_910 = arith.addf %get3A_909, %get3A_872 : vector<16xf32>
      %swap3A_911 = arith.index_cast %add3A_895 : i32 to index
      %swap3A_912 = arith.constant 16 : index
      %swap3A_913 = tpu.vector_load %arg7[%swap3A_911, %swap3A_912] {strides = array<i32>} : memref<800x32xf32, #tpu.memory_space<vmem>>, vector<1x16xf32>,
      %swap3A_914 = vector.shape_cast %swap3A_913 : vector<1x16xf32> to vector<16xf32>
      %swap3A_915 = vector.shape_cast %add3A_910 : vector<16xf32> to vector<1x16xf32>
      tpu.vector_store %arg7[%swap3A_911, %swap3A_912], %swap3A_915 {strides = array<i32>} : memref<800x32xf32, #tpu.memory_space<vmem>>, vector<1x16xf32>,
      %add3A_916 = arith.constant 400 : i32
      %add3A_917 = arith.addi %add3A_916, %scan3A_864 : i32
      %get3A_918 = arith.index_cast %add3A_917 : i32 to index
      %get3A_919 = arith.constant 0 : index
      %get3A_920 = tpu.vector_load %arg7[%get3A_918, %get3A_919] {strides = array<i32>} : memref<800x32xf32, #tpu.memory_space<vmem>>, vector<1x16xf32>,
      %get3A_921 = vector.shape_cast %get3A_920 : vector<1x16xf32> to vector<16xf32>
      %add3A_922 = arith.addf %get3A_921, %get3A_868 : vector<16xf32>
      %swap3A_923 = arith.index_cast %add3A_917 : i32 to index
      %swap3A_924 = arith.constant 0 : index
      %swap3A_925 = tpu.vector_load %arg7[%swap3A_923, %swap3A_924] {strides = array<i32>} : memref<800x32xf32, #tpu.memory_space<vmem>>, vector<1x16xf32>,
      %swap3A_926 = vector.shape_cast %swap3A_925 : vector<1x16xf32> to vector<16xf32>
      %swap3A_927 = vector.shape_cast %add3A_922 : vector<16xf32> to vector<1x16xf32>
      tpu.vector_store %arg7[%swap3A_923, %swap3A_924], %swap3A_927 {strides = array<i32>} : memref<800x32xf32, #tpu.memory_space<vmem>>, vector<1x16xf32>,
      %get3A_928 = arith.index_cast %add3A_917 : i32 to index
      %get3A_929 = arith.constant 16 : index
      %get3A_930 = tpu.vector_load %arg7[%get3A_928, %get3A_929] {strides = array<i32>} : memref<800x32xf32, #tpu.memory_space<vmem>>, vector<1x16xf32>,
      %get3A_931 = vector.shape_cast %get3A_930 : vector<1x16xf32> to vector<16xf32>
      %add3A_932 = arith.addf %get3A_931, %get3A_872 : vector<16xf32>
      %swap3A_933 = arith.index_cast %add3A_917 : i32 to index
      %swap3A_934 = arith.constant 16 : index
      %swap3A_935 = tpu.vector_load %arg7[%swap3A_933, %swap3A_934] {strides = array<i32>} : memref<800x32xf32, #tpu.memory_space<vmem>>, vector<1x16xf32>,
      %swap3A_936 = vector.shape_cast %swap3A_935 : vector<1x16xf32> to vector<16xf32>
      %swap3A_937 = vector.shape_cast %add3A_932 : vector<16xf32> to vector<1x16xf32>
      tpu.vector_store %arg7[%swap3A_933, %swap3A_934], %swap3A_937 {strides = array<i32>} : memref<800x32xf32, #tpu.memory_space<vmem>>, vector<1x16xf32>,
      %add3A_938 = arith.constant 600 : i32
      %add3A_939 = arith.addi %add3A_938, %scan3A_864 : i32
      %get3A_940 = arith.index_cast %add3A_939 : i32 to index
      %get3A_941 = arith.constant 0 : index
      %get3A_942 = tpu.vector_load %arg7[%get3A_940, %get3A_941] {strides = array<i32>} : memref<800x32xf32, #tpu.memory_space<vmem>>, vector<1x16xf32>,
      %get3A_943 = vector.shape_cast %get3A_942 : vector<1x16xf32> to vector<16xf32>
      %add3A_944 = arith.addf %get3A_943, %get3A_868 : vector<16xf32>
      %swap3A_945 = arith.index_cast %add3A_939 : i32 to index
      %swap3A_946 = arith.constant 0 : index
      %swap3A_947 = tpu.vector_load %arg7[%swap3A_945, %swap3A_946] {strides = array<i32>} : memref<800x32xf32, #tpu.memory_space<vmem>>, vector<1x16xf32>,
      %swap3A_948 = vector.shape_cast %swap3A_947 : vector<1x16xf32> to vector<16xf32>
      %swap3A_949 = vector.shape_cast %add3A_944 : vector<16xf32> to vector<1x16xf32>
      tpu.vector_store %arg7[%swap3A_945, %swap3A_946], %swap3A_949 {strides = array<i32>} : memref<800x32xf32, #tpu.memory_space<vmem>>, vector<1x16xf32>,
      %get3A_950 = arith.index_cast %add3A_939 : i32 to index
      %get3A_951 = arith.constant 16 : index
      %get3A_952 = tpu.vector_load %arg7[%get3A_950, %get3A_951] {strides = array<i32>} : memref<800x32xf32, #tpu.memory_space<vmem>>, vector<1x16xf32>,
      %get3A_953 = vector.shape_cast %get3A_952 : vector<1x16xf32> to vector<16xf32>
      %add3A_954 = arith.addf %get3A_953, %get3A_872 : vector<16xf32>
      %swap3A_955 = arith.index_cast %add3A_939 : i32 to index
      %swap3A_956 = arith.constant 16 : index
      %swap3A_957 = tpu.vector_load %arg7[%swap3A_955, %swap3A_956] {strides = array<i32>} : memref<800x32xf32, #tpu.memory_space<vmem>>, vector<1x16xf32>,
      %swap3A_958 = vector.shape_cast %swap3A_957 : vector<1x16xf32> to vector<16xf32>
      %swap3A_959 = vector.shape_cast %add3A_954 : vector<16xf32> to vector<1x16xf32>
      tpu.vector_store %arg7[%swap3A_955, %swap3A_956], %swap3A_959 {strides = array<i32>} : memref<800x32xf32, #tpu.memory_space<vmem>>, vector<1x16xf32>,
      %scan3A_960 = arith.constant 0 : i32
      scf.yield %scan3A_960 : i32
    }
    %scan3A_183 = arith.constant 200 : i32
    %add3A_184 = arith.constant 4800 : i32
    %add3A_185 = arith.addi %mul3A_2, %add3A_184 : i32
    %dma_start3A_186 = arith.constant 0 : i32
    %dma_start3A_187 = tpu.memref_slice %arg5[%add3A_185, %dma_start3A_186] : memref<819200x32xf32, #tpu.memory_space<hbm>> -> memref<800x32xf32, #tpu.memory_space<hbm>>
    %dma_start3A_188 = arith.constant 0 : i32
    %dma_start3A_189 = tpu.memref_slice %arg5[%add3A_185, %dma_start3A_188] : memref<819200x32xf32, #tpu.memory_space<hbm>> -> memref<800x32xf32, #tpu.memory_space<hbm>>
    tpu.enqueue_dma source(%arg7 : memref<800x32xf32, #tpu.memory_space<vmem>>) target(%dma_start3A_189 : memref<800x32xf32, #tpu.memory_space<hbm>>) target_semaphore(%arg12 : memref<!tpu.dma_semaphore, #tpu.memory_space<semaphore_mem>>)
    %dma_wait3A_190 = arith.constant 0 : i32
    %dma_wait3A_191 = tpu.memref_slice %arg5[%add3A_185, %dma_wait3A_190] : memref<819200x32xf32, #tpu.memory_space<hbm>> -> memref<800x32xf32, #tpu.memory_space<hbm>>
    %dma_wait3A_192 = arith.constant 0 : i32
    %dma_wait3A_193 = tpu.memref_slice %arg5[%add3A_185, %dma_wait3A_192] : memref<819200x32xf32, #tpu.memory_space<hbm>> -> memref<800x32xf32, #tpu.memory_space<hbm>>
    tpu.wait_dma2 semaphore(%arg12 : memref<!tpu.dma_semaphore, #tpu.memory_space<semaphore_mem>>) src(%arg7 : memref<800x32xf32, #tpu.memory_space<vmem>>) dst(%dma_wait3A_193 : memref<800x32xf32, #tpu.memory_space<hbm>>)
    %dma_start3A_194 = arith.constant 6400 : i32
    %dma_start3A_195 = tpu.memref_slice %arg6[%dma_start3A_194] : memref<25600xi32, #tpu.memory_space<vmem>> -> memref<800xi32, #tpu.memory_space<vmem>>
    %dma_start3A_196 = arith.constant 0 : i32
    %dma_start3A_197 = arith.constant 0 : i32
    %dma_start3A_198 = tpu.memref_slice %arg3[%dma_start3A_196, %dma_start3A_197] : memref<1000000x32xf32, #tpu.memory_space<hbm>> -> memref<1000000x32xf32, #tpu.memory_space<hbm>>
    tpu.enqueue_indirect_dma source(%dma_start3A_198 : memref<1000000x32xf32, #tpu.memory_space<hbm>>) target(%arg7 : memref<800x32xf32, #tpu.memory_space<vmem>>) offsets(%dma_start3A_195 : memref<800xi32, #tpu.memory_space<vmem>>) semaphore(%arg10 : memref<!tpu.dma_semaphore, #tpu.memory_space<semaphore_mem>>)
    %dma_wait3A_199 = arith.constant 5600 : i32
    %dma_wait3A_200 = tpu.memref_slice %arg6[%dma_wait3A_199] : memref<25600xi32, #tpu.memory_space<vmem>> -> memref<800xi32, #tpu.memory_space<vmem>>
    %dma_wait3A_201 = arith.constant 0 : i32
    %dma_wait3A_202 = arith.constant 0 : i32
    %dma_wait3A_203 = tpu.memref_slice %arg3[%dma_wait3A_201, %dma_wait3A_202] : memref<1000000x32xf32, #tpu.memory_space<hbm>> -> memref<1000000x32xf32, #tpu.memory_space<hbm>>
    tpu.wait_indirect_dma semaphore(%arg11 : memref<!tpu.dma_semaphore, #tpu.memory_space<semaphore_mem>>) src(%dma_wait3A_203 : memref<1000000x32xf32, #tpu.memory_space<hbm>>) dst(%arg8 : memref<800x32xf32, #tpu.memory_space<vmem>>)
    %scan3A_204 = arith.constant 0 : i32
    %scan3A_205 = arith.constant 0 : i32
    %scan3A_206 = arith.constant 200 : i32
    %scan3A_207 = arith.addi %scan3A_205, %scan3A_206 : i32
    %scan3A_208 = arith.constant 1 : i32
    %scan3A_209 = scf.for %scan3A_864 = %scan3A_205 to %scan3A_207 step %scan3A_208 iter_args(%scan3A_865 = %scan3A_204) -> (i32)  : i32 {
      %get3A = arith.index_cast %scan3A_864 : i32 to index
      %get3A_866 = arith.constant 0 : index
      %get3A_867 = tpu.vector_load %arg9[%get3A, %get3A_866] {strides = array<i32>} : memref<200x32xf32, #tpu.memory_space<vmem>>, vector<1x16xf32>,
      %get3A_868 = vector.shape_cast %get3A_867 : vector<1x16xf32> to vector<16xf32>
      %get3A_869 = arith.index_cast %scan3A_864 : i32 to index
      %get3A_870 = arith.constant 16 : index
      %get3A_871 = tpu.vector_load %arg9[%get3A_869, %get3A_870] {strides = array<i32>} : memref<200x32xf32, #tpu.memory_space<vmem>>, vector<1x16xf32>,
      %get3A_872 = vector.shape_cast %get3A_871 : vector<1x16xf32> to vector<16xf32>
      %add3A_873 = arith.constant 0 : i32
      %add3A_874 = arith.addi %add3A_873, %scan3A_864 : i32
      %get3A_875 = arith.index_cast %add3A_874 : i32 to index
      %get3A_876 = arith.constant 0 : index
      %get3A_877 = tpu.vector_load %arg8[%get3A_875, %get3A_876] {strides = array<i32>} : memref<800x32xf32, #tpu.memory_space<vmem>>, vector<1x16xf32>,
      %get3A_878 = vector.shape_cast %get3A_877 : vector<1x16xf32> to vector<16xf32>
      %add3A_879 = arith.addf %get3A_878, %get3A_868 : vector<16xf32>
      %swap3A = arith.index_cast %add3A_874 : i32 to index
      %swap3A_880 = arith.constant 0 : index
      %swap3A_881 = tpu.vector_load %arg8[%swap3A, %swap3A_880] {strides = array<i32>} : memref<800x32xf32, #tpu.memory_space<vmem>>, vector<1x16xf32>,
      %swap3A_882 = vector.shape_cast %swap3A_881 : vector<1x16xf32> to vector<16xf32>
      %swap3A_883 = vector.shape_cast %add3A_879 : vector<16xf32> to vector<1x16xf32>
      tpu.vector_store %arg8[%swap3A, %swap3A_880], %swap3A_883 {strides = array<i32>} : memref<800x32xf32, #tpu.memory_space<vmem>>, vector<1x16xf32>,
      %get3A_884 = arith.index_cast %add3A_874 : i32 to index
      %get3A_885 = arith.constant 16 : index
      %get3A_886 = tpu.vector_load %arg8[%get3A_884, %get3A_885] {strides = array<i32>} : memref<800x32xf32, #tpu.memory_space<vmem>>, vector<1x16xf32>,
      %get3A_887 = vector.shape_cast %get3A_886 : vector<1x16xf32> to vector<16xf32>
      %add3A_888 = arith.addf %get3A_887, %get3A_872 : vector<16xf32>
      %swap3A_889 = arith.index_cast %add3A_874 : i32 to index
      %swap3A_890 = arith.constant 16 : index
      %swap3A_891 = tpu.vector_load %arg8[%swap3A_889, %swap3A_890] {strides = array<i32>} : memref<800x32xf32, #tpu.memory_space<vmem>>, vector<1x16xf32>,
      %swap3A_892 = vector.shape_cast %swap3A_891 : vector<1x16xf32> to vector<16xf32>
      %swap3A_893 = vector.shape_cast %add3A_888 : vector<16xf32> to vector<1x16xf32>
      tpu.vector_store %arg8[%swap3A_889, %swap3A_890], %swap3A_893 {strides = array<i32>} : memref<800x32xf32, #tpu.memory_space<vmem>>, vector<1x16xf32>,
      %add3A_894 = arith.constant 200 : i32
      %add3A_895 = arith.addi %add3A_894, %scan3A_864 : i32
      %get3A_896 = arith.index_cast %add3A_895 : i32 to index
      %get3A_897 = arith.constant 0 : index
      %get3A_898 = tpu.vector_load %arg8[%get3A_896, %get3A_897] {strides = array<i32>} : memref<800x32xf32, #tpu.memory_space<vmem>>, vector<1x16xf32>,
      %get3A_899 = vector.shape_cast %get3A_898 : vector<1x16xf32> to vector<16xf32>
      %add3A_900 = arith.addf %get3A_899, %get3A_868 : vector<16xf32>
      %swap3A_901 = arith.index_cast %add3A_895 : i32 to index
      %swap3A_902 = arith.constant 0 : index
      %swap3A_903 = tpu.vector_load %arg8[%swap3A_901, %swap3A_902] {strides = array<i32>} : memref<800x32xf32, #tpu.memory_space<vmem>>, vector<1x16xf32>,
      %swap3A_904 = vector.shape_cast %swap3A_903 : vector<1x16xf32> to vector<16xf32>
      %swap3A_905 = vector.shape_cast %add3A_900 : vector<16xf32> to vector<1x16xf32>
      tpu.vector_store %arg8[%swap3A_901, %swap3A_902], %swap3A_905 {strides = array<i32>} : memref<800x32xf32, #tpu.memory_space<vmem>>, vector<1x16xf32>,
      %get3A_906 = arith.index_cast %add3A_895 : i32 to index
      %get3A_907 = arith.constant 16 : index
      %get3A_908 = tpu.vector_load %arg8[%get3A_906, %get3A_907] {strides = array<i32>} : memref<800x32xf32, #tpu.memory_space<vmem>>, vector<1x16xf32>,
      %get3A_909 = vector.shape_cast %get3A_908 : vector<1x16xf32> to vector<16xf32>
      %add3A_910 = arith.addf %get3A_909, %get3A_872 : vector<16xf32>
      %swap3A_911 = arith.index_cast %add3A_895 : i32 to index
      %swap3A_912 = arith.constant 16 : index
      %swap3A_913 = tpu.vector_load %arg8[%swap3A_911, %swap3A_912] {strides = array<i32>} : memref<800x32xf32, #tpu.memory_space<vmem>>, vector<1x16xf32>,
      %swap3A_914 = vector.shape_cast %swap3A_913 : vector<1x16xf32> to vector<16xf32>
      %swap3A_915 = vector.shape_cast %add3A_910 : vector<16xf32> to vector<1x16xf32>
      tpu.vector_store %arg8[%swap3A_911, %swap3A_912], %swap3A_915 {strides = array<i32>} : memref<800x32xf32, #tpu.memory_space<vmem>>, vector<1x16xf32>,
      %add3A_916 = arith.constant 400 : i32
      %add3A_917 = arith.addi %add3A_916, %scan3A_864 : i32
      %get3A_918 = arith.index_cast %add3A_917 : i32 to index
      %get3A_919 = arith.constant 0 : index
      %get3A_920 = tpu.vector_load %arg8[%get3A_918, %get3A_919] {strides = array<i32>} : memref<800x32xf32, #tpu.memory_space<vmem>>, vector<1x16xf32>,
      %get3A_921 = vector.shape_cast %get3A_920 : vector<1x16xf32> to vector<16xf32>
      %add3A_922 = arith.addf %get3A_921, %get3A_868 : vector<16xf32>
      %swap3A_923 = arith.index_cast %add3A_917 : i32 to index
      %swap3A_924 = arith.constant 0 : index
      %swap3A_925 = tpu.vector_load %arg8[%swap3A_923, %swap3A_924] {strides = array<i32>} : memref<800x32xf32, #tpu.memory_space<vmem>>, vector<1x16xf32>,
      %swap3A_926 = vector.shape_cast %swap3A_925 : vector<1x16xf32> to vector<16xf32>
      %swap3A_927 = vector.shape_cast %add3A_922 : vector<16xf32> to vector<1x16xf32>
      tpu.vector_store %arg8[%swap3A_923, %swap3A_924], %swap3A_927 {strides = array<i32>} : memref<800x32xf32, #tpu.memory_space<vmem>>, vector<1x16xf32>,
      %get3A_928 = arith.index_cast %add3A_917 : i32 to index
      %get3A_929 = arith.constant 16 : index
      %get3A_930 = tpu.vector_load %arg8[%get3A_928, %get3A_929] {strides = array<i32>} : memref<800x32xf32, #tpu.memory_space<vmem>>, vector<1x16xf32>,
      %get3A_931 = vector.shape_cast %get3A_930 : vector<1x16xf32> to vector<16xf32>
      %add3A_932 = arith.addf %get3A_931, %get3A_872 : vector<16xf32>
      %swap3A_933 = arith.index_cast %add3A_917 : i32 to index
      %swap3A_934 = arith.constant 16 : index
      %swap3A_935 = tpu.vector_load %arg8[%swap3A_933, %swap3A_934] {strides = array<i32>} : memref<800x32xf32, #tpu.memory_space<vmem>>, vector<1x16xf32>,
      %swap3A_936 = vector.shape_cast %swap3A_935 : vector<1x16xf32> to vector<16xf32>
      %swap3A_937 = vector.shape_cast %add3A_932 : vector<16xf32> to vector<1x16xf32>
      tpu.vector_store %arg8[%swap3A_933, %swap3A_934], %swap3A_937 {strides = array<i32>} : memref<800x32xf32, #tpu.memory_space<vmem>>, vector<1x16xf32>,
      %add3A_938 = arith.constant 600 : i32
      %add3A_939 = arith.addi %add3A_938, %scan3A_864 : i32
      %get3A_940 = arith.index_cast %add3A_939 : i32 to index
      %get3A_941 = arith.constant 0 : index
      %get3A_942 = tpu.vector_load %arg8[%get3A_940, %get3A_941] {strides = array<i32>} : memref<800x32xf32, #tpu.memory_space<vmem>>, vector<1x16xf32>,
      %get3A_943 = vector.shape_cast %get3A_942 : vector<1x16xf32> to vector<16xf32>
      %add3A_944 = arith.addf %get3A_943, %get3A_868 : vector<16xf32>
      %swap3A_945 = arith.index_cast %add3A_939 : i32 to index
      %swap3A_946 = arith.constant 0 : index
      %swap3A_947 = tpu.vector_load %arg8[%swap3A_945, %swap3A_946] {strides = array<i32>} : memref<800x32xf32, #tpu.memory_space<vmem>>, vector<1x16xf32>,
      %swap3A_948 = vector.shape_cast %swap3A_947 : vector<1x16xf32> to vector<16xf32>
      %swap3A_949 = vector.shape_cast %add3A_944 : vector<16xf32> to vector<1x16xf32>
      tpu.vector_store %arg8[%swap3A_945, %swap3A_946], %swap3A_949 {strides = array<i32>} : memref<800x32xf32, #tpu.memory_space<vmem>>, vector<1x16xf32>,
      %get3A_950 = arith.index_cast %add3A_939 : i32 to index
      %get3A_951 = arith.constant 16 : index
      %get3A_952 = tpu.vector_load %arg8[%get3A_950, %get3A_951] {strides = array<i32>} : memref<800x32xf32, #tpu.memory_space<vmem>>, vector<1x16xf32>,
      %get3A_953 = vector.shape_cast %get3A_952 : vector<1x16xf32> to vector<16xf32>
      %add3A_954 = arith.addf %get3A_953, %get3A_872 : vector<16xf32>
      %swap3A_955 = arith.index_cast %add3A_939 : i32 to index
      %swap3A_956 = arith.constant 16 : index
      %swap3A_957 = tpu.vector_load %arg8[%swap3A_955, %swap3A_956] {strides = array<i32>} : memref<800x32xf32, #tpu.memory_space<vmem>>, vector<1x16xf32>,
      %swap3A_958 = vector.shape_cast %swap3A_957 : vector<1x16xf32> to vector<16xf32>
      %swap3A_959 = vector.shape_cast %add3A_954 : vector<16xf32> to vector<1x16xf32>
      tpu.vector_store %arg8[%swap3A_955, %swap3A_956], %swap3A_959 {strides = array<i32>} : memref<800x32xf32, #tpu.memory_space<vmem>>, vector<1x16xf32>,
      %scan3A_960 = arith.constant 0 : i32
      scf.yield %scan3A_960 : i32
    }
    %scan3A_210 = arith.constant 200 : i32
    %add3A_211 = arith.constant 5600 : i32
    %add3A_212 = arith.addi %mul3A_2, %add3A_211 : i32
    %dma_start3A_213 = arith.constant 0 : i32
    %dma_start3A_214 = tpu.memref_slice %arg5[%add3A_212, %dma_start3A_213] : memref<819200x32xf32, #tpu.memory_space<hbm>> -> memref<800x32xf32, #tpu.memory_space<hbm>>
    %dma_start3A_215 = arith.constant 0 : i32
    %dma_start3A_216 = tpu.memref_slice %arg5[%add3A_212, %dma_start3A_215] : memref<819200x32xf32, #tpu.memory_space<hbm>> -> memref<800x32xf32, #tpu.memory_space<hbm>>
    tpu.enqueue_dma source(%arg8 : memref<800x32xf32, #tpu.memory_space<vmem>>) target(%dma_start3A_216 : memref<800x32xf32, #tpu.memory_space<hbm>>) target_semaphore(%arg13 : memref<!tpu.dma_semaphore, #tpu.memory_space<semaphore_mem>>)
    %dma_wait3A_217 = arith.constant 0 : i32
    %dma_wait3A_218 = tpu.memref_slice %arg5[%add3A_212, %dma_wait3A_217] : memref<819200x32xf32, #tpu.memory_space<hbm>> -> memref<800x32xf32, #tpu.memory_space<hbm>>
    %dma_wait3A_219 = arith.constant 0 : i32
    %dma_wait3A_220 = tpu.memref_slice %arg5[%add3A_212, %dma_wait3A_219] : memref<819200x32xf32, #tpu.memory_space<hbm>> -> memref<800x32xf32, #tpu.memory_space<hbm>>
    tpu.wait_dma2 semaphore(%arg13 : memref<!tpu.dma_semaphore, #tpu.memory_space<semaphore_mem>>) src(%arg8 : memref<800x32xf32, #tpu.memory_space<vmem>>) dst(%dma_wait3A_220 : memref<800x32xf32, #tpu.memory_space<hbm>>)
    %dma_start3A_221 = arith.constant 7200 : i32
    %dma_start3A_222 = tpu.memref_slice %arg6[%dma_start3A_221] : memref<25600xi32, #tpu.memory_space<vmem>> -> memref<800xi32, #tpu.memory_space<vmem>>
    %dma_start3A_223 = arith.constant 0 : i32
    %dma_start3A_224 = arith.constant 0 : i32
    %dma_start3A_225 = tpu.memref_slice %arg3[%dma_start3A_223, %dma_start3A_224] : memref<1000000x32xf32, #tpu.memory_space<hbm>> -> memref<1000000x32xf32, #tpu.memory_space<hbm>>
    tpu.enqueue_indirect_dma source(%dma_start3A_225 : memref<1000000x32xf32, #tpu.memory_space<hbm>>) target(%arg8 : memref<800x32xf32, #tpu.memory_space<vmem>>) offsets(%dma_start3A_222 : memref<800xi32, #tpu.memory_space<vmem>>) semaphore(%arg11 : memref<!tpu.dma_semaphore, #tpu.memory_space<semaphore_mem>>)
    %dma_wait3A_226 = arith.constant 6400 : i32
    %dma_wait3A_227 = tpu.memref_slice %arg6[%dma_wait3A_226] : memref<25600xi32, #tpu.memory_space<vmem>> -> memref<800xi32, #tpu.memory_space<vmem>>
    %dma_wait3A_228 = arith.constant 0 : i32
    %dma_wait3A_229 = arith.constant 0 : i32
    %dma_wait3A_230 = tpu.memref_slice %arg3[%dma_wait3A_228, %dma_wait3A_229] : memref<1000000x32xf32, #tpu.memory_space<hbm>> -> memref<1000000x32xf32, #tpu.memory_space<hbm>>
    tpu.wait_indirect_dma semaphore(%arg10 : memref<!tpu.dma_semaphore, #tpu.memory_space<semaphore_mem>>) src(%dma_wait3A_230 : memref<1000000x32xf32, #tpu.memory_space<hbm>>) dst(%arg7 : memref<800x32xf32, #tpu.memory_space<vmem>>)
    %scan3A_231 = arith.constant 0 : i32
    %scan3A_232 = arith.constant 0 : i32
    %scan3A_233 = arith.constant 200 : i32
    %scan3A_234 = arith.addi %scan3A_232, %scan3A_233 : i32
    %scan3A_235 = arith.constant 1 : i32
    %scan3A_236 = scf.for %scan3A_864 = %scan3A_232 to %scan3A_234 step %scan3A_235 iter_args(%scan3A_865 = %scan3A_231) -> (i32)  : i32 {
      %get3A = arith.index_cast %scan3A_864 : i32 to index
      %get3A_866 = arith.constant 0 : index
      %get3A_867 = tpu.vector_load %arg9[%get3A, %get3A_866] {strides = array<i32>} : memref<200x32xf32, #tpu.memory_space<vmem>>, vector<1x16xf32>,
      %get3A_868 = vector.shape_cast %get3A_867 : vector<1x16xf32> to vector<16xf32>
      %get3A_869 = arith.index_cast %scan3A_864 : i32 to index
      %get3A_870 = arith.constant 16 : index
      %get3A_871 = tpu.vector_load %arg9[%get3A_869, %get3A_870] {strides = array<i32>} : memref<200x32xf32, #tpu.memory_space<vmem>>, vector<1x16xf32>,
      %get3A_872 = vector.shape_cast %get3A_871 : vector<1x16xf32> to vector<16xf32>
      %add3A_873 = arith.constant 0 : i32
      %add3A_874 = arith.addi %add3A_873, %scan3A_864 : i32
      %get3A_875 = arith.index_cast %add3A_874 : i32 to index
      %get3A_876 = arith.constant 0 : index
      %get3A_877 = tpu.vector_load %arg7[%get3A_875, %get3A_876] {strides = array<i32>} : memref<800x32xf32, #tpu.memory_space<vmem>>, vector<1x16xf32>,
      %get3A_878 = vector.shape_cast %get3A_877 : vector<1x16xf32> to vector<16xf32>
      %add3A_879 = arith.addf %get3A_878, %get3A_868 : vector<16xf32>
      %swap3A = arith.index_cast %add3A_874 : i32 to index
      %swap3A_880 = arith.constant 0 : index
      %swap3A_881 = tpu.vector_load %arg7[%swap3A, %swap3A_880] {strides = array<i32>} : memref<800x32xf32, #tpu.memory_space<vmem>>, vector<1x16xf32>,
      %swap3A_882 = vector.shape_cast %swap3A_881 : vector<1x16xf32> to vector<16xf32>
      %swap3A_883 = vector.shape_cast %add3A_879 : vector<16xf32> to vector<1x16xf32>
      tpu.vector_store %arg7[%swap3A, %swap3A_880], %swap3A_883 {strides = array<i32>} : memref<800x32xf32, #tpu.memory_space<vmem>>, vector<1x16xf32>,
      %get3A_884 = arith.index_cast %add3A_874 : i32 to index
      %get3A_885 = arith.constant 16 : index
      %get3A_886 = tpu.vector_load %arg7[%get3A_884, %get3A_885] {strides = array<i32>} : memref<800x32xf32, #tpu.memory_space<vmem>>, vector<1x16xf32>,
      %get3A_887 = vector.shape_cast %get3A_886 : vector<1x16xf32> to vector<16xf32>
      %add3A_888 = arith.addf %get3A_887, %get3A_872 : vector<16xf32>
      %swap3A_889 = arith.index_cast %add3A_874 : i32 to index
      %swap3A_890 = arith.constant 16 : index
      %swap3A_891 = tpu.vector_load %arg7[%swap3A_889, %swap3A_890] {strides = array<i32>} : memref<800x32xf32, #tpu.memory_space<vmem>>, vector<1x16xf32>,
      %swap3A_892 = vector.shape_cast %swap3A_891 : vector<1x16xf32> to vector<16xf32>
      %swap3A_893 = vector.shape_cast %add3A_888 : vector<16xf32> to vector<1x16xf32>
      tpu.vector_store %arg7[%swap3A_889, %swap3A_890], %swap3A_893 {strides = array<i32>} : memref<800x32xf32, #tpu.memory_space<vmem>>, vector<1x16xf32>,
      %add3A_894 = arith.constant 200 : i32
      %add3A_895 = arith.addi %add3A_894, %scan3A_864 : i32
      %get3A_896 = arith.index_cast %add3A_895 : i32 to index
      %get3A_897 = arith.constant 0 : index
      %get3A_898 = tpu.vector_load %arg7[%get3A_896, %get3A_897] {strides = array<i32>} : memref<800x32xf32, #tpu.memory_space<vmem>>, vector<1x16xf32>,
      %get3A_899 = vector.shape_cast %get3A_898 : vector<1x16xf32> to vector<16xf32>
      %add3A_900 = arith.addf %get3A_899, %get3A_868 : vector<16xf32>
      %swap3A_901 = arith.index_cast %add3A_895 : i32 to index
      %swap3A_902 = arith.constant 0 : index
      %swap3A_903 = tpu.vector_load %arg7[%swap3A_901, %swap3A_902] {strides = array<i32>} : memref<800x32xf32, #tpu.memory_space<vmem>>, vector<1x16xf32>,
      %swap3A_904 = vector.shape_cast %swap3A_903 : vector<1x16xf32> to vector<16xf32>
      %swap3A_905 = vector.shape_cast %add3A_900 : vector<16xf32> to vector<1x16xf32>
      tpu.vector_store %arg7[%swap3A_901, %swap3A_902], %swap3A_905 {strides = array<i32>} : memref<800x32xf32, #tpu.memory_space<vmem>>, vector<1x16xf32>,
      %get3A_906 = arith.index_cast %add3A_895 : i32 to index
      %get3A_907 = arith.constant 16 : index
      %get3A_908 = tpu.vector_load %arg7[%get3A_906, %get3A_907] {strides = array<i32>} : memref<800x32xf32, #tpu.memory_space<vmem>>, vector<1x16xf32>,
      %get3A_909 = vector.shape_cast %get3A_908 : vector<1x16xf32> to vector<16xf32>
      %add3A_910 = arith.addf %get3A_909, %get3A_872 : vector<16xf32>
      %swap3A_911 = arith.index_cast %add3A_895 : i32 to index
      %swap3A_912 = arith.constant 16 : index
      %swap3A_913 = tpu.vector_load %arg7[%swap3A_911, %swap3A_912] {strides = array<i32>} : memref<800x32xf32, #tpu.memory_space<vmem>>, vector<1x16xf32>,
      %swap3A_914 = vector.shape_cast %swap3A_913 : vector<1x16xf32> to vector<16xf32>
      %swap3A_915 = vector.shape_cast %add3A_910 : vector<16xf32> to vector<1x16xf32>
      tpu.vector_store %arg7[%swap3A_911, %swap3A_912], %swap3A_915 {strides = array<i32>} : memref<800x32xf32, #tpu.memory_space<vmem>>, vector<1x16xf32>,
      %add3A_916 = arith.constant 400 : i32
      %add3A_917 = arith.addi %add3A_916, %scan3A_864 : i32
      %get3A_918 = arith.index_cast %add3A_917 : i32 to index
      %get3A_919 = arith.constant 0 : index
      %get3A_920 = tpu.vector_load %arg7[%get3A_918, %get3A_919] {strides = array<i32>} : memref<800x32xf32, #tpu.memory_space<vmem>>, vector<1x16xf32>,
      %get3A_921 = vector.shape_cast %get3A_920 : vector<1x16xf32> to vector<16xf32>
      %add3A_922 = arith.addf %get3A_921, %get3A_868 : vector<16xf32>
      %swap3A_923 = arith.index_cast %add3A_917 : i32 to index
      %swap3A_924 = arith.constant 0 : index
      %swap3A_925 = tpu.vector_load %arg7[%swap3A_923, %swap3A_924] {strides = array<i32>} : memref<800x32xf32, #tpu.memory_space<vmem>>, vector<1x16xf32>,
      %swap3A_926 = vector.shape_cast %swap3A_925 : vector<1x16xf32> to vector<16xf32>
      %swap3A_927 = vector.shape_cast %add3A_922 : vector<16xf32> to vector<1x16xf32>
      tpu.vector_store %arg7[%swap3A_923, %swap3A_924], %swap3A_927 {strides = array<i32>} : memref<800x32xf32, #tpu.memory_space<vmem>>, vector<1x16xf32>,
      %get3A_928 = arith.index_cast %add3A_917 : i32 to index
      %get3A_929 = arith.constant 16 : index
      %get3A_930 = tpu.vector_load %arg7[%get3A_928, %get3A_929] {strides = array<i32>} : memref<800x32xf32, #tpu.memory_space<vmem>>, vector<1x16xf32>,
      %get3A_931 = vector.shape_cast %get3A_930 : vector<1x16xf32> to vector<16xf32>
      %add3A_932 = arith.addf %get3A_931, %get3A_872 : vector<16xf32>
      %swap3A_933 = arith.index_cast %add3A_917 : i32 to index
      %swap3A_934 = arith.constant 16 : index
      %swap3A_935 = tpu.vector_load %arg7[%swap3A_933, %swap3A_934] {strides = array<i32>} : memref<800x32xf32, #tpu.memory_space<vmem>>, vector<1x16xf32>,
      %swap3A_936 = vector.shape_cast %swap3A_935 : vector<1x16xf32> to vector<16xf32>
      %swap3A_937 = vector.shape_cast %add3A_932 : vector<16xf32> to vector<1x16xf32>
      tpu.vector_store %arg7[%swap3A_933, %swap3A_934], %swap3A_937 {strides = array<i32>} : memref<800x32xf32, #tpu.memory_space<vmem>>, vector<1x16xf32>,
      %add3A_938 = arith.constant 600 : i32
      %add3A_939 = arith.addi %add3A_938, %scan3A_864 : i32
      %get3A_940 = arith.index_cast %add3A_939 : i32 to index
      %get3A_941 = arith.constant 0 : index
      %get3A_942 = tpu.vector_load %arg7[%get3A_940, %get3A_941] {strides = array<i32>} : memref<800x32xf32, #tpu.memory_space<vmem>>, vector<1x16xf32>,
      %get3A_943 = vector.shape_cast %get3A_942 : vector<1x16xf32> to vector<16xf32>
      %add3A_944 = arith.addf %get3A_943, %get3A_868 : vector<16xf32>
      %swap3A_945 = arith.index_cast %add3A_939 : i32 to index
      %swap3A_946 = arith.constant 0 : index
      %swap3A_947 = tpu.vector_load %arg7[%swap3A_945, %swap3A_946] {strides = array<i32>} : memref<800x32xf32, #tpu.memory_space<vmem>>, vector<1x16xf32>,
      %swap3A_948 = vector.shape_cast %swap3A_947 : vector<1x16xf32> to vector<16xf32>
      %swap3A_949 = vector.shape_cast %add3A_944 : vector<16xf32> to vector<1x16xf32>
      tpu.vector_store %arg7[%swap3A_945, %swap3A_946], %swap3A_949 {strides = array<i32>} : memref<800x32xf32, #tpu.memory_space<vmem>>, vector<1x16xf32>,
      %get3A_950 = arith.index_cast %add3A_939 : i32 to index
      %get3A_951 = arith.constant 16 : index
      %get3A_952 = tpu.vector_load %arg7[%get3A_950, %get3A_951] {strides = array<i32>} : memref<800x32xf32, #tpu.memory_space<vmem>>, vector<1x16xf32>,
      %get3A_953 = vector.shape_cast %get3A_952 : vector<1x16xf32> to vector<16xf32>
      %add3A_954 = arith.addf %get3A_953, %get3A_872 : vector<16xf32>
      %swap3A_955 = arith.index_cast %add3A_939 : i32 to index
      %swap3A_956 = arith.constant 16 : index
      %swap3A_957 = tpu.vector_load %arg7[%swap3A_955, %swap3A_956] {strides = array<i32>} : memref<800x32xf32, #tpu.memory_space<vmem>>, vector<1x16xf32>,
      %swap3A_958 = vector.shape_cast %swap3A_957 : vector<1x16xf32> to vector<16xf32>
      %swap3A_959 = vector.shape_cast %add3A_954 : vector<16xf32> to vector<1x16xf32>
      tpu.vector_store %arg7[%swap3A_955, %swap3A_956], %swap3A_959 {strides = array<i32>} : memref<800x32xf32, #tpu.memory_space<vmem>>, vector<1x16xf32>,
      %scan3A_960 = arith.constant 0 : i32
      scf.yield %scan3A_960 : i32
    }
    %scan3A_237 = arith.constant 200 : i32
    %add3A_238 = arith.constant 6400 : i32
    %add3A_239 = arith.addi %mul3A_2, %add3A_238 : i32
    %dma_start3A_240 = arith.constant 0 : i32
    %dma_start3A_241 = tpu.memref_slice %arg5[%add3A_239, %dma_start3A_240] : memref<819200x32xf32, #tpu.memory_space<hbm>> -> memref<800x32xf32, #tpu.memory_space<hbm>>
    %dma_start3A_242 = arith.constant 0 : i32
    %dma_start3A_243 = tpu.memref_slice %arg5[%add3A_239, %dma_start3A_242] : memref<819200x32xf32, #tpu.memory_space<hbm>> -> memref<800x32xf32, #tpu.memory_space<hbm>>
    tpu.enqueue_dma source(%arg7 : memref<800x32xf32, #tpu.memory_space<vmem>>) target(%dma_start3A_243 : memref<800x32xf32, #tpu.memory_space<hbm>>) target_semaphore(%arg12 : memref<!tpu.dma_semaphore, #tpu.memory_space<semaphore_mem>>)
    %dma_wait3A_244 = arith.constant 0 : i32
    %dma_wait3A_245 = tpu.memref_slice %arg5[%add3A_239, %dma_wait3A_244] : memref<819200x32xf32, #tpu.memory_space<hbm>> -> memref<800x32xf32, #tpu.memory_space<hbm>>
    %dma_wait3A_246 = arith.constant 0 : i32
    %dma_wait3A_247 = tpu.memref_slice %arg5[%add3A_239, %dma_wait3A_246] : memref<819200x32xf32, #tpu.memory_space<hbm>> -> memref<800x32xf32, #tpu.memory_space<hbm>>
    tpu.wait_dma2 semaphore(%arg12 : memref<!tpu.dma_semaphore, #tpu.memory_space<semaphore_mem>>) src(%arg7 : memref<800x32xf32, #tpu.memory_space<vmem>>) dst(%dma_wait3A_247 : memref<800x32xf32, #tpu.memory_space<hbm>>)
    %dma_start3A_248 = arith.constant 8000 : i32
    %dma_start3A_249 = tpu.memref_slice %arg6[%dma_start3A_248] : memref<25600xi32, #tpu.memory_space<vmem>> -> memref<800xi32, #tpu.memory_space<vmem>>
    %dma_start3A_250 = arith.constant 0 : i32
    %dma_start3A_251 = arith.constant 0 : i32
    %dma_start3A_252 = tpu.memref_slice %arg3[%dma_start3A_250, %dma_start3A_251] : memref<1000000x32xf32, #tpu.memory_space<hbm>> -> memref<1000000x32xf32, #tpu.memory_space<hbm>>
    tpu.enqueue_indirect_dma source(%dma_start3A_252 : memref<1000000x32xf32, #tpu.memory_space<hbm>>) target(%arg7 : memref<800x32xf32, #tpu.memory_space<vmem>>) offsets(%dma_start3A_249 : memref<800xi32, #tpu.memory_space<vmem>>) semaphore(%arg10 : memref<!tpu.dma_semaphore, #tpu.memory_space<semaphore_mem>>)
    %dma_wait3A_253 = arith.constant 7200 : i32
    %dma_wait3A_254 = tpu.memref_slice %arg6[%dma_wait3A_253] : memref<25600xi32, #tpu.memory_space<vmem>> -> memref<800xi32, #tpu.memory_space<vmem>>
    %dma_wait3A_255 = arith.constant 0 : i32
    %dma_wait3A_256 = arith.constant 0 : i32
    %dma_wait3A_257 = tpu.memref_slice %arg3[%dma_wait3A_255, %dma_wait3A_256] : memref<1000000x32xf32, #tpu.memory_space<hbm>> -> memref<1000000x32xf32, #tpu.memory_space<hbm>>
    tpu.wait_indirect_dma semaphore(%arg11 : memref<!tpu.dma_semaphore, #tpu.memory_space<semaphore_mem>>) src(%dma_wait3A_257 : memref<1000000x32xf32, #tpu.memory_space<hbm>>) dst(%arg8 : memref<800x32xf32, #tpu.memory_space<vmem>>)
    %scan3A_258 = arith.constant 0 : i32
    %scan3A_259 = arith.constant 0 : i32
    %scan3A_260 = arith.constant 200 : i32
    %scan3A_261 = arith.addi %scan3A_259, %scan3A_260 : i32
    %scan3A_262 = arith.constant 1 : i32
    %scan3A_263 = scf.for %scan3A_864 = %scan3A_259 to %scan3A_261 step %scan3A_262 iter_args(%scan3A_865 = %scan3A_258) -> (i32)  : i32 {
      %get3A = arith.index_cast %scan3A_864 : i32 to index
      %get3A_866 = arith.constant 0 : index
      %get3A_867 = tpu.vector_load %arg9[%get3A, %get3A_866] {strides = array<i32>} : memref<200x32xf32, #tpu.memory_space<vmem>>, vector<1x16xf32>,
      %get3A_868 = vector.shape_cast %get3A_867 : vector<1x16xf32> to vector<16xf32>
      %get3A_869 = arith.index_cast %scan3A_864 : i32 to index
      %get3A_870 = arith.constant 16 : index
      %get3A_871 = tpu.vector_load %arg9[%get3A_869, %get3A_870] {strides = array<i32>} : memref<200x32xf32, #tpu.memory_space<vmem>>, vector<1x16xf32>,
      %get3A_872 = vector.shape_cast %get3A_871 : vector<1x16xf32> to vector<16xf32>
      %add3A_873 = arith.constant 0 : i32
      %add3A_874 = arith.addi %add3A_873, %scan3A_864 : i32
      %get3A_875 = arith.index_cast %add3A_874 : i32 to index
      %get3A_876 = arith.constant 0 : index
      %get3A_877 = tpu.vector_load %arg8[%get3A_875, %get3A_876] {strides = array<i32>} : memref<800x32xf32, #tpu.memory_space<vmem>>, vector<1x16xf32>,
      %get3A_878 = vector.shape_cast %get3A_877 : vector<1x16xf32> to vector<16xf32>
      %add3A_879 = arith.addf %get3A_878, %get3A_868 : vector<16xf32>
      %swap3A = arith.index_cast %add3A_874 : i32 to index
      %swap3A_880 = arith.constant 0 : index
      %swap3A_881 = tpu.vector_load %arg8[%swap3A, %swap3A_880] {strides = array<i32>} : memref<800x32xf32, #tpu.memory_space<vmem>>, vector<1x16xf32>,
      %swap3A_882 = vector.shape_cast %swap3A_881 : vector<1x16xf32> to vector<16xf32>
      %swap3A_883 = vector.shape_cast %add3A_879 : vector<16xf32> to vector<1x16xf32>
      tpu.vector_store %arg8[%swap3A, %swap3A_880], %swap3A_883 {strides = array<i32>} : memref<800x32xf32, #tpu.memory_space<vmem>>, vector<1x16xf32>,
      %get3A_884 = arith.index_cast %add3A_874 : i32 to index
      %get3A_885 = arith.constant 16 : index
      %get3A_886 = tpu.vector_load %arg8[%get3A_884, %get3A_885] {strides = array<i32>} : memref<800x32xf32, #tpu.memory_space<vmem>>, vector<1x16xf32>,
      %get3A_887 = vector.shape_cast %get3A_886 : vector<1x16xf32> to vector<16xf32>
      %add3A_888 = arith.addf %get3A_887, %get3A_872 : vector<16xf32>
      %swap3A_889 = arith.index_cast %add3A_874 : i32 to index
      %swap3A_890 = arith.constant 16 : index
      %swap3A_891 = tpu.vector_load %arg8[%swap3A_889, %swap3A_890] {strides = array<i32>} : memref<800x32xf32, #tpu.memory_space<vmem>>, vector<1x16xf32>,
      %swap3A_892 = vector.shape_cast %swap3A_891 : vector<1x16xf32> to vector<16xf32>
      %swap3A_893 = vector.shape_cast %add3A_888 : vector<16xf32> to vector<1x16xf32>
      tpu.vector_store %arg8[%swap3A_889, %swap3A_890], %swap3A_893 {strides = array<i32>} : memref<800x32xf32, #tpu.memory_space<vmem>>, vector<1x16xf32>,
      %add3A_894 = arith.constant 200 : i32
      %add3A_895 = arith.addi %add3A_894, %scan3A_864 : i32
      %get3A_896 = arith.index_cast %add3A_895 : i32 to index
      %get3A_897 = arith.constant 0 : index
      %get3A_898 = tpu.vector_load %arg8[%get3A_896, %get3A_897] {strides = array<i32>} : memref<800x32xf32, #tpu.memory_space<vmem>>, vector<1x16xf32>,
      %get3A_899 = vector.shape_cast %get3A_898 : vector<1x16xf32> to vector<16xf32>
      %add3A_900 = arith.addf %get3A_899, %get3A_868 : vector<16xf32>
      %swap3A_901 = arith.index_cast %add3A_895 : i32 to index
      %swap3A_902 = arith.constant 0 : index
      %swap3A_903 = tpu.vector_load %arg8[%swap3A_901, %swap3A_902] {strides = array<i32>} : memref<800x32xf32, #tpu.memory_space<vmem>>, vector<1x16xf32>,
      %swap3A_904 = vector.shape_cast %swap3A_903 : vector<1x16xf32> to vector<16xf32>
      %swap3A_905 = vector.shape_cast %add3A_900 : vector<16xf32> to vector<1x16xf32>
      tpu.vector_store %arg8[%swap3A_901, %swap3A_902], %swap3A_905 {strides = array<i32>} : memref<800x32xf32, #tpu.memory_space<vmem>>, vector<1x16xf32>,
      %get3A_906 = arith.index_cast %add3A_895 : i32 to index
      %get3A_907 = arith.constant 16 : index
      %get3A_908 = tpu.vector_load %arg8[%get3A_906, %get3A_907] {strides = array<i32>} : memref<800x32xf32, #tpu.memory_space<vmem>>, vector<1x16xf32>,
      %get3A_909 = vector.shape_cast %get3A_908 : vector<1x16xf32> to vector<16xf32>
      %add3A_910 = arith.addf %get3A_909, %get3A_872 : vector<16xf32>
      %swap3A_911 = arith.index_cast %add3A_895 : i32 to index
      %swap3A_912 = arith.constant 16 : index
      %swap3A_913 = tpu.vector_load %arg8[%swap3A_911, %swap3A_912] {strides = array<i32>} : memref<800x32xf32, #tpu.memory_space<vmem>>, vector<1x16xf32>,
      %swap3A_914 = vector.shape_cast %swap3A_913 : vector<1x16xf32> to vector<16xf32>
      %swap3A_915 = vector.shape_cast %add3A_910 : vector<16xf32> to vector<1x16xf32>
      tpu.vector_store %arg8[%swap3A_911, %swap3A_912], %swap3A_915 {strides = array<i32>} : memref<800x32xf32, #tpu.memory_space<vmem>>, vector<1x16xf32>,
      %add3A_916 = arith.constant 400 : i32
      %add3A_917 = arith.addi %add3A_916, %scan3A_864 : i32
      %get3A_918 = arith.index_cast %add3A_917 : i32 to index
      %get3A_919 = arith.constant 0 : index
      %get3A_920 = tpu.vector_load %arg8[%get3A_918, %get3A_919] {strides = array<i32>} : memref<800x32xf32, #tpu.memory_space<vmem>>, vector<1x16xf32>,
      %get3A_921 = vector.shape_cast %get3A_920 : vector<1x16xf32> to vector<16xf32>
      %add3A_922 = arith.addf %get3A_921, %get3A_868 : vector<16xf32>
      %swap3A_923 = arith.index_cast %add3A_917 : i32 to index
      %swap3A_924 = arith.constant 0 : index
      %swap3A_925 = tpu.vector_load %arg8[%swap3A_923, %swap3A_924] {strides = array<i32>} : memref<800x32xf32, #tpu.memory_space<vmem>>, vector<1x16xf32>,
      %swap3A_926 = vector.shape_cast %swap3A_925 : vector<1x16xf32> to vector<16xf32>
      %swap3A_927 = vector.shape_cast %add3A_922 : vector<16xf32> to vector<1x16xf32>
      tpu.vector_store %arg8[%swap3A_923, %swap3A_924], %swap3A_927 {strides = array<i32>} : memref<800x32xf32, #tpu.memory_space<vmem>>, vector<1x16xf32>,
      %get3A_928 = arith.index_cast %add3A_917 : i32 to index
      %get3A_929 = arith.constant 16 : index
      %get3A_930 = tpu.vector_load %arg8[%get3A_928, %get3A_929] {strides = array<i32>} : memref<800x32xf32, #tpu.memory_space<vmem>>, vector<1x16xf32>,
      %get3A_931 = vector.shape_cast %get3A_930 : vector<1x16xf32> to vector<16xf32>
      %add3A_932 = arith.addf %get3A_931, %get3A_872 : vector<16xf32>
      %swap3A_933 = arith.index_cast %add3A_917 : i32 to index
      %swap3A_934 = arith.constant 16 : index
      %swap3A_935 = tpu.vector_load %arg8[%swap3A_933, %swap3A_934] {strides = array<i32>} : memref<800x32xf32, #tpu.memory_space<vmem>>, vector<1x16xf32>,
      %swap3A_936 = vector.shape_cast %swap3A_935 : vector<1x16xf32> to vector<16xf32>
      %swap3A_937 = vector.shape_cast %add3A_932 : vector<16xf32> to vector<1x16xf32>
      tpu.vector_store %arg8[%swap3A_933, %swap3A_934], %swap3A_937 {strides = array<i32>} : memref<800x32xf32, #tpu.memory_space<vmem>>, vector<1x16xf32>,
      %add3A_938 = arith.constant 600 : i32
      %add3A_939 = arith.addi %add3A_938, %scan3A_864 : i32
      %get3A_940 = arith.index_cast %add3A_939 : i32 to index
      %get3A_941 = arith.constant 0 : index
      %get3A_942 = tpu.vector_load %arg8[%get3A_940, %get3A_941] {strides = array<i32>} : memref<800x32xf32, #tpu.memory_space<vmem>>, vector<1x16xf32>,
      %get3A_943 = vector.shape_cast %get3A_942 : vector<1x16xf32> to vector<16xf32>
      %add3A_944 = arith.addf %get3A_943, %get3A_868 : vector<16xf32>
      %swap3A_945 = arith.index_cast %add3A_939 : i32 to index
      %swap3A_946 = arith.constant 0 : index
      %swap3A_947 = tpu.vector_load %arg8[%swap3A_945, %swap3A_946] {strides = array<i32>} : memref<800x32xf32, #tpu.memory_space<vmem>>, vector<1x16xf32>,
      %swap3A_948 = vector.shape_cast %swap3A_947 : vector<1x16xf32> to vector<16xf32>
      %swap3A_949 = vector.shape_cast %add3A_944 : vector<16xf32> to vector<1x16xf32>
      tpu.vector_store %arg8[%swap3A_945, %swap3A_946], %swap3A_949 {strides = array<i32>} : memref<800x32xf32, #tpu.memory_space<vmem>>, vector<1x16xf32>,
      %get3A_950 = arith.index_cast %add3A_939 : i32 to index
      %get3A_951 = arith.constant 16 : index
      %get3A_952 = tpu.vector_load %arg8[%get3A_950, %get3A_951] {strides = array<i32>} : memref<800x32xf32, #tpu.memory_space<vmem>>, vector<1x16xf32>,
      %get3A_953 = vector.shape_cast %get3A_952 : vector<1x16xf32> to vector<16xf32>
      %add3A_954 = arith.addf %get3A_953, %get3A_872 : vector<16xf32>
      %swap3A_955 = arith.index_cast %add3A_939 : i32 to index
      %swap3A_956 = arith.constant 16 : index
      %swap3A_957 = tpu.vector_load %arg8[%swap3A_955, %swap3A_956] {strides = array<i32>} : memref<800x32xf32, #tpu.memory_space<vmem>>, vector<1x16xf32>,
      %swap3A_958 = vector.shape_cast %swap3A_957 : vector<1x16xf32> to vector<16xf32>
      %swap3A_959 = vector.shape_cast %add3A_954 : vector<16xf32> to vector<1x16xf32>
      tpu.vector_store %arg8[%swap3A_955, %swap3A_956], %swap3A_959 {strides = array<i32>} : memref<800x32xf32, #tpu.memory_space<vmem>>, vector<1x16xf32>,
      %scan3A_960 = arith.constant 0 : i32
      scf.yield %scan3A_960 : i32
    }
    %scan3A_264 = arith.constant 200 : i32
    %add3A_265 = arith.constant 7200 : i32
    %add3A_266 = arith.addi %mul3A_2, %add3A_265 : i32
    %dma_start3A_267 = arith.constant 0 : i32
    %dma_start3A_268 = tpu.memref_slice %arg5[%add3A_266, %dma_start3A_267] : memref<819200x32xf32, #tpu.memory_space<hbm>> -> memref<800x32xf32, #tpu.memory_space<hbm>>
    %dma_start3A_269 = arith.constant 0 : i32
    %dma_start3A_270 = tpu.memref_slice %arg5[%add3A_266, %dma_start3A_269] : memref<819200x32xf32, #tpu.memory_space<hbm>> -> memref<800x32xf32, #tpu.memory_space<hbm>>
    tpu.enqueue_dma source(%arg8 : memref<800x32xf32, #tpu.memory_space<vmem>>) target(%dma_start3A_270 : memref<800x32xf32, #tpu.memory_space<hbm>>) target_semaphore(%arg13 : memref<!tpu.dma_semaphore, #tpu.memory_space<semaphore_mem>>)
    %dma_wait3A_271 = arith.constant 0 : i32
    %dma_wait3A_272 = tpu.memref_slice %arg5[%add3A_266, %dma_wait3A_271] : memref<819200x32xf32, #tpu.memory_space<hbm>> -> memref<800x32xf32, #tpu.memory_space<hbm>>
    %dma_wait3A_273 = arith.constant 0 : i32
    %dma_wait3A_274 = tpu.memref_slice %arg5[%add3A_266, %dma_wait3A_273] : memref<819200x32xf32, #tpu.memory_space<hbm>> -> memref<800x32xf32, #tpu.memory_space<hbm>>
    tpu.wait_dma2 semaphore(%arg13 : memref<!tpu.dma_semaphore, #tpu.memory_space<semaphore_mem>>) src(%arg8 : memref<800x32xf32, #tpu.memory_space<vmem>>) dst(%dma_wait3A_274 : memref<800x32xf32, #tpu.memory_space<hbm>>)
    %dma_start3A_275 = arith.constant 8800 : i32
    %dma_start3A_276 = tpu.memref_slice %arg6[%dma_start3A_275] : memref<25600xi32, #tpu.memory_space<vmem>> -> memref<800xi32, #tpu.memory_space<vmem>>
    %dma_start3A_277 = arith.constant 0 : i32
    %dma_start3A_278 = arith.constant 0 : i32
    %dma_start3A_279 = tpu.memref_slice %arg3[%dma_start3A_277, %dma_start3A_278] : memref<1000000x32xf32, #tpu.memory_space<hbm>> -> memref<1000000x32xf32, #tpu.memory_space<hbm>>
    tpu.enqueue_indirect_dma source(%dma_start3A_279 : memref<1000000x32xf32, #tpu.memory_space<hbm>>) target(%arg8 : memref<800x32xf32, #tpu.memory_space<vmem>>) offsets(%dma_start3A_276 : memref<800xi32, #tpu.memory_space<vmem>>) semaphore(%arg11 : memref<!tpu.dma_semaphore, #tpu.memory_space<semaphore_mem>>)
    %dma_wait3A_280 = arith.constant 8000 : i32
    %dma_wait3A_281 = tpu.memref_slice %arg6[%dma_wait3A_280] : memref<25600xi32, #tpu.memory_space<vmem>> -> memref<800xi32, #tpu.memory_space<vmem>>
    %dma_wait3A_282 = arith.constant 0 : i32
    %dma_wait3A_283 = arith.constant 0 : i32
    %dma_wait3A_284 = tpu.memref_slice %arg3[%dma_wait3A_282, %dma_wait3A_283] : memref<1000000x32xf32, #tpu.memory_space<hbm>> -> memref<1000000x32xf32, #tpu.memory_space<hbm>>
    tpu.wait_indirect_dma semaphore(%arg10 : memref<!tpu.dma_semaphore, #tpu.memory_space<semaphore_mem>>) src(%dma_wait3A_284 : memref<1000000x32xf32, #tpu.memory_space<hbm>>) dst(%arg7 : memref<800x32xf32, #tpu.memory_space<vmem>>)
    %scan3A_285 = arith.constant 0 : i32
    %scan3A_286 = arith.constant 0 : i32
    %scan3A_287 = arith.constant 200 : i32
    %scan3A_288 = arith.addi %scan3A_286, %scan3A_287 : i32
    %scan3A_289 = arith.constant 1 : i32
    %scan3A_290 = scf.for %scan3A_864 = %scan3A_286 to %scan3A_288 step %scan3A_289 iter_args(%scan3A_865 = %scan3A_285) -> (i32)  : i32 {
      %get3A = arith.index_cast %scan3A_864 : i32 to index
      %get3A_866 = arith.constant 0 : index
      %get3A_867 = tpu.vector_load %arg9[%get3A, %get3A_866] {strides = array<i32>} : memref<200x32xf32, #tpu.memory_space<vmem>>, vector<1x16xf32>,
      %get3A_868 = vector.shape_cast %get3A_867 : vector<1x16xf32> to vector<16xf32>
      %get3A_869 = arith.index_cast %scan3A_864 : i32 to index
      %get3A_870 = arith.constant 16 : index
      %get3A_871 = tpu.vector_load %arg9[%get3A_869, %get3A_870] {strides = array<i32>} : memref<200x32xf32, #tpu.memory_space<vmem>>, vector<1x16xf32>,
      %get3A_872 = vector.shape_cast %get3A_871 : vector<1x16xf32> to vector<16xf32>
      %add3A_873 = arith.constant 0 : i32
      %add3A_874 = arith.addi %add3A_873, %scan3A_864 : i32
      %get3A_875 = arith.index_cast %add3A_874 : i32 to index
      %get3A_876 = arith.constant 0 : index
      %get3A_877 = tpu.vector_load %arg7[%get3A_875, %get3A_876] {strides = array<i32>} : memref<800x32xf32, #tpu.memory_space<vmem>>, vector<1x16xf32>,
      %get3A_878 = vector.shape_cast %get3A_877 : vector<1x16xf32> to vector<16xf32>
      %add3A_879 = arith.addf %get3A_878, %get3A_868 : vector<16xf32>
      %swap3A = arith.index_cast %add3A_874 : i32 to index
      %swap3A_880 = arith.constant 0 : index
      %swap3A_881 = tpu.vector_load %arg7[%swap3A, %swap3A_880] {strides = array<i32>} : memref<800x32xf32, #tpu.memory_space<vmem>>, vector<1x16xf32>,
      %swap3A_882 = vector.shape_cast %swap3A_881 : vector<1x16xf32> to vector<16xf32>
      %swap3A_883 = vector.shape_cast %add3A_879 : vector<16xf32> to vector<1x16xf32>
      tpu.vector_store %arg7[%swap3A, %swap3A_880], %swap3A_883 {strides = array<i32>} : memref<800x32xf32, #tpu.memory_space<vmem>>, vector<1x16xf32>,
      %get3A_884 = arith.index_cast %add3A_874 : i32 to index
      %get3A_885 = arith.constant 16 : index
      %get3A_886 = tpu.vector_load %arg7[%get3A_884, %get3A_885] {strides = array<i32>} : memref<800x32xf32, #tpu.memory_space<vmem>>, vector<1x16xf32>,
      %get3A_887 = vector.shape_cast %get3A_886 : vector<1x16xf32> to vector<16xf32>
      %add3A_888 = arith.addf %get3A_887, %get3A_872 : vector<16xf32>
      %swap3A_889 = arith.index_cast %add3A_874 : i32 to index
      %swap3A_890 = arith.constant 16 : index
      %swap3A_891 = tpu.vector_load %arg7[%swap3A_889, %swap3A_890] {strides = array<i32>} : memref<800x32xf32, #tpu.memory_space<vmem>>, vector<1x16xf32>,
      %swap3A_892 = vector.shape_cast %swap3A_891 : vector<1x16xf32> to vector<16xf32>
      %swap3A_893 = vector.shape_cast %add3A_888 : vector<16xf32> to vector<1x16xf32>
      tpu.vector_store %arg7[%swap3A_889, %swap3A_890], %swap3A_893 {strides = array<i32>} : memref<800x32xf32, #tpu.memory_space<vmem>>, vector<1x16xf32>,
      %add3A_894 = arith.constant 200 : i32
      %add3A_895 = arith.addi %add3A_894, %scan3A_864 : i32
      %get3A_896 = arith.index_cast %add3A_895 : i32 to index
      %get3A_897 = arith.constant 0 : index
      %get3A_898 = tpu.vector_load %arg7[%get3A_896, %get3A_897] {strides = array<i32>} : memref<800x32xf32, #tpu.memory_space<vmem>>, vector<1x16xf32>,
      %get3A_899 = vector.shape_cast %get3A_898 : vector<1x16xf32> to vector<16xf32>
      %add3A_900 = arith.addf %get3A_899, %get3A_868 : vector<16xf32>
      %swap3A_901 = arith.index_cast %add3A_895 : i32 to index
      %swap3A_902 = arith.constant 0 : index
      %swap3A_903 = tpu.vector_load %arg7[%swap3A_901, %swap3A_902] {strides = array<i32>} : memref<800x32xf32, #tpu.memory_space<vmem>>, vector<1x16xf32>,
      %swap3A_904 = vector.shape_cast %swap3A_903 : vector<1x16xf32> to vector<16xf32>
      %swap3A_905 = vector.shape_cast %add3A_900 : vector<16xf32> to vector<1x16xf32>
      tpu.vector_store %arg7[%swap3A_901, %swap3A_902], %swap3A_905 {strides = array<i32>} : memref<800x32xf32, #tpu.memory_space<vmem>>, vector<1x16xf32>,
      %get3A_906 = arith.index_cast %add3A_895 : i32 to index
      %get3A_907 = arith.constant 16 : index
      %get3A_908 = tpu.vector_load %arg7[%get3A_906, %get3A_907] {strides = array<i32>} : memref<800x32xf32, #tpu.memory_space<vmem>>, vector<1x16xf32>,
      %get3A_909 = vector.shape_cast %get3A_908 : vector<1x16xf32> to vector<16xf32>
      %add3A_910 = arith.addf %get3A_909, %get3A_872 : vector<16xf32>
      %swap3A_911 = arith.index_cast %add3A_895 : i32 to index
      %swap3A_912 = arith.constant 16 : index
      %swap3A_913 = tpu.vector_load %arg7[%swap3A_911, %swap3A_912] {strides = array<i32>} : memref<800x32xf32, #tpu.memory_space<vmem>>, vector<1x16xf32>,
      %swap3A_914 = vector.shape_cast %swap3A_913 : vector<1x16xf32> to vector<16xf32>
      %swap3A_915 = vector.shape_cast %add3A_910 : vector<16xf32> to vector<1x16xf32>
      tpu.vector_store %arg7[%swap3A_911, %swap3A_912], %swap3A_915 {strides = array<i32>} : memref<800x32xf32, #tpu.memory_space<vmem>>, vector<1x16xf32>,
      %add3A_916 = arith.constant 400 : i32
      %add3A_917 = arith.addi %add3A_916, %scan3A_864 : i32
      %get3A_918 = arith.index_cast %add3A_917 : i32 to index
      %get3A_919 = arith.constant 0 : index
      %get3A_920 = tpu.vector_load %arg7[%get3A_918, %get3A_919] {strides = array<i32>} : memref<800x32xf32, #tpu.memory_space<vmem>>, vector<1x16xf32>,
      %get3A_921 = vector.shape_cast %get3A_920 : vector<1x16xf32> to vector<16xf32>
      %add3A_922 = arith.addf %get3A_921, %get3A_868 : vector<16xf32>
      %swap3A_923 = arith.index_cast %add3A_917 : i32 to index
      %swap3A_924 = arith.constant 0 : index
      %swap3A_925 = tpu.vector_load %arg7[%swap3A_923, %swap3A_924] {strides = array<i32>} : memref<800x32xf32, #tpu.memory_space<vmem>>, vector<1x16xf32>,
      %swap3A_926 = vector.shape_cast %swap3A_925 : vector<1x16xf32> to vector<16xf32>
      %swap3A_927 = vector.shape_cast %add3A_922 : vector<16xf32> to vector<1x16xf32>
      tpu.vector_store %arg7[%swap3A_923, %swap3A_924], %swap3A_927 {strides = array<i32>} : memref<800x32xf32, #tpu.memory_space<vmem>>, vector<1x16xf32>,
      %get3A_928 = arith.index_cast %add3A_917 : i32 to index
      %get3A_929 = arith.constant 16 : index
      %get3A_930 = tpu.vector_load %arg7[%get3A_928, %get3A_929] {strides = array<i32>} : memref<800x32xf32, #tpu.memory_space<vmem>>, vector<1x16xf32>,
      %get3A_931 = vector.shape_cast %get3A_930 : vector<1x16xf32> to vector<16xf32>
      %add3A_932 = arith.addf %get3A_931, %get3A_872 : vector<16xf32>
      %swap3A_933 = arith.index_cast %add3A_917 : i32 to index
      %swap3A_934 = arith.constant 16 : index
      %swap3A_935 = tpu.vector_load %arg7[%swap3A_933, %swap3A_934] {strides = array<i32>} : memref<800x32xf32, #tpu.memory_space<vmem>>, vector<1x16xf32>,
      %swap3A_936 = vector.shape_cast %swap3A_935 : vector<1x16xf32> to vector<16xf32>
      %swap3A_937 = vector.shape_cast %add3A_932 : vector<16xf32> to vector<1x16xf32>
      tpu.vector_store %arg7[%swap3A_933, %swap3A_934], %swap3A_937 {strides = array<i32>} : memref<800x32xf32, #tpu.memory_space<vmem>>, vector<1x16xf32>,
      %add3A_938 = arith.constant 600 : i32
      %add3A_939 = arith.addi %add3A_938, %scan3A_864 : i32
      %get3A_940 = arith.index_cast %add3A_939 : i32 to index
      %get3A_941 = arith.constant 0 : index
      %get3A_942 = tpu.vector_load %arg7[%get3A_940, %get3A_941] {strides = array<i32>} : memref<800x32xf32, #tpu.memory_space<vmem>>, vector<1x16xf32>,
      %get3A_943 = vector.shape_cast %get3A_942 : vector<1x16xf32> to vector<16xf32>
      %add3A_944 = arith.addf %get3A_943, %get3A_868 : vector<16xf32>
      %swap3A_945 = arith.index_cast %add3A_939 : i32 to index
      %swap3A_946 = arith.constant 0 : index
      %swap3A_947 = tpu.vector_load %arg7[%swap3A_945, %swap3A_946] {strides = array<i32>} : memref<800x32xf32, #tpu.memory_space<vmem>>, vector<1x16xf32>,
      %swap3A_948 = vector.shape_cast %swap3A_947 : vector<1x16xf32> to vector<16xf32>
      %swap3A_949 = vector.shape_cast %add3A_944 : vector<16xf32> to vector<1x16xf32>
      tpu.vector_store %arg7[%swap3A_945, %swap3A_946], %swap3A_949 {strides = array<i32>} : memref<800x32xf32, #tpu.memory_space<vmem>>, vector<1x16xf32>,
      %get3A_950 = arith.index_cast %add3A_939 : i32 to index
      %get3A_951 = arith.constant 16 : index
      %get3A_952 = tpu.vector_load %arg7[%get3A_950, %get3A_951] {strides = array<i32>} : memref<800x32xf32, #tpu.memory_space<vmem>>, vector<1x16xf32>,
      %get3A_953 = vector.shape_cast %get3A_952 : vector<1x16xf32> to vector<16xf32>
      %add3A_954 = arith.addf %get3A_953, %get3A_872 : vector<16xf32>
      %swap3A_955 = arith.index_cast %add3A_939 : i32 to index
      %swap3A_956 = arith.constant 16 : index
      %swap3A_957 = tpu.vector_load %arg7[%swap3A_955, %swap3A_956] {strides = array<i32>} : memref<800x32xf32, #tpu.memory_space<vmem>>, vector<1x16xf32>,
      %swap3A_958 = vector.shape_cast %swap3A_957 : vector<1x16xf32> to vector<16xf32>
      %swap3A_959 = vector.shape_cast %add3A_954 : vector<16xf32> to vector<1x16xf32>
      tpu.vector_store %arg7[%swap3A_955, %swap3A_956], %swap3A_959 {strides = array<i32>} : memref<800x32xf32, #tpu.memory_space<vmem>>, vector<1x16xf32>,
      %scan3A_960 = arith.constant 0 : i32
      scf.yield %scan3A_960 : i32
    }
    %scan3A_291 = arith.constant 200 : i32
    %add3A_292 = arith.constant 8000 : i32
    %add3A_293 = arith.addi %mul3A_2, %add3A_292 : i32
    %dma_start3A_294 = arith.constant 0 : i32
    %dma_start3A_295 = tpu.memref_slice %arg5[%add3A_293, %dma_start3A_294] : memref<819200x32xf32, #tpu.memory_space<hbm>> -> memref<800x32xf32, #tpu.memory_space<hbm>>
    %dma_start3A_296 = arith.constant 0 : i32
    %dma_start3A_297 = tpu.memref_slice %arg5[%add3A_293, %dma_start3A_296] : memref<819200x32xf32, #tpu.memory_space<hbm>> -> memref<800x32xf32, #tpu.memory_space<hbm>>
    tpu.enqueue_dma source(%arg7 : memref<800x32xf32, #tpu.memory_space<vmem>>) target(%dma_start3A_297 : memref<800x32xf32, #tpu.memory_space<hbm>>) target_semaphore(%arg12 : memref<!tpu.dma_semaphore, #tpu.memory_space<semaphore_mem>>)
    %dma_wait3A_298 = arith.constant 0 : i32
    %dma_wait3A_299 = tpu.memref_slice %arg5[%add3A_293, %dma_wait3A_298] : memref<819200x32xf32, #tpu.memory_space<hbm>> -> memref<800x32xf32, #tpu.memory_space<hbm>>
    %dma_wait3A_300 = arith.constant 0 : i32
    %dma_wait3A_301 = tpu.memref_slice %arg5[%add3A_293, %dma_wait3A_300] : memref<819200x32xf32, #tpu.memory_space<hbm>> -> memref<800x32xf32, #tpu.memory_space<hbm>>
    tpu.wait_dma2 semaphore(%arg12 : memref<!tpu.dma_semaphore, #tpu.memory_space<semaphore_mem>>) src(%arg7 : memref<800x32xf32, #tpu.memory_space<vmem>>) dst(%dma_wait3A_301 : memref<800x32xf32, #tpu.memory_space<hbm>>)
    %dma_start3A_302 = arith.constant 9600 : i32
    %dma_start3A_303 = tpu.memref_slice %arg6[%dma_start3A_302] : memref<25600xi32, #tpu.memory_space<vmem>> -> memref<800xi32, #tpu.memory_space<vmem>>
    %dma_start3A_304 = arith.constant 0 : i32
    %dma_start3A_305 = arith.constant 0 : i32
    %dma_start3A_306 = tpu.memref_slice %arg3[%dma_start3A_304, %dma_start3A_305] : memref<1000000x32xf32, #tpu.memory_space<hbm>> -> memref<1000000x32xf32, #tpu.memory_space<hbm>>
    tpu.enqueue_indirect_dma source(%dma_start3A_306 : memref<1000000x32xf32, #tpu.memory_space<hbm>>) target(%arg7 : memref<800x32xf32, #tpu.memory_space<vmem>>) offsets(%dma_start3A_303 : memref<800xi32, #tpu.memory_space<vmem>>) semaphore(%arg10 : memref<!tpu.dma_semaphore, #tpu.memory_space<semaphore_mem>>)
    %dma_wait3A_307 = arith.constant 8800 : i32
    %dma_wait3A_308 = tpu.memref_slice %arg6[%dma_wait3A_307] : memref<25600xi32, #tpu.memory_space<vmem>> -> memref<800xi32, #tpu.memory_space<vmem>>
    %dma_wait3A_309 = arith.constant 0 : i32
    %dma_wait3A_310 = arith.constant 0 : i32
    %dma_wait3A_311 = tpu.memref_slice %arg3[%dma_wait3A_309, %dma_wait3A_310] : memref<1000000x32xf32, #tpu.memory_space<hbm>> -> memref<1000000x32xf32, #tpu.memory_space<hbm>>
    tpu.wait_indirect_dma semaphore(%arg11 : memref<!tpu.dma_semaphore, #tpu.memory_space<semaphore_mem>>) src(%dma_wait3A_311 : memref<1000000x32xf32, #tpu.memory_space<hbm>>) dst(%arg8 : memref<800x32xf32, #tpu.memory_space<vmem>>)
    %scan3A_312 = arith.constant 0 : i32
    %scan3A_313 = arith.constant 0 : i32
    %scan3A_314 = arith.constant 200 : i32
    %scan3A_315 = arith.addi %scan3A_313, %scan3A_314 : i32
    %scan3A_316 = arith.constant 1 : i32
    %scan3A_317 = scf.for %scan3A_864 = %scan3A_313 to %scan3A_315 step %scan3A_316 iter_args(%scan3A_865 = %scan3A_312) -> (i32)  : i32 {
      %get3A = arith.index_cast %scan3A_864 : i32 to index
      %get3A_866 = arith.constant 0 : index
      %get3A_867 = tpu.vector_load %arg9[%get3A, %get3A_866] {strides = array<i32>} : memref<200x32xf32, #tpu.memory_space<vmem>>, vector<1x16xf32>,
      %get3A_868 = vector.shape_cast %get3A_867 : vector<1x16xf32> to vector<16xf32>
      %get3A_869 = arith.index_cast %scan3A_864 : i32 to index
      %get3A_870 = arith.constant 16 : index
      %get3A_871 = tpu.vector_load %arg9[%get3A_869, %get3A_870] {strides = array<i32>} : memref<200x32xf32, #tpu.memory_space<vmem>>, vector<1x16xf32>,
      %get3A_872 = vector.shape_cast %get3A_871 : vector<1x16xf32> to vector<16xf32>
      %add3A_873 = arith.constant 0 : i32
      %add3A_874 = arith.addi %add3A_873, %scan3A_864 : i32
      %get3A_875 = arith.index_cast %add3A_874 : i32 to index
      %get3A_876 = arith.constant 0 : index
      %get3A_877 = tpu.vector_load %arg8[%get3A_875, %get3A_876] {strides = array<i32>} : memref<800x32xf32, #tpu.memory_space<vmem>>, vector<1x16xf32>,
      %get3A_878 = vector.shape_cast %get3A_877 : vector<1x16xf32> to vector<16xf32>
      %add3A_879 = arith.addf %get3A_878, %get3A_868 : vector<16xf32>
      %swap3A = arith.index_cast %add3A_874 : i32 to index
      %swap3A_880 = arith.constant 0 : index
      %swap3A_881 = tpu.vector_load %arg8[%swap3A, %swap3A_880] {strides = array<i32>} : memref<800x32xf32, #tpu.memory_space<vmem>>, vector<1x16xf32>,
      %swap3A_882 = vector.shape_cast %swap3A_881 : vector<1x16xf32> to vector<16xf32>
      %swap3A_883 = vector.shape_cast %add3A_879 : vector<16xf32> to vector<1x16xf32>
      tpu.vector_store %arg8[%swap3A, %swap3A_880], %swap3A_883 {strides = array<i32>} : memref<800x32xf32, #tpu.memory_space<vmem>>, vector<1x16xf32>,
      %get3A_884 = arith.index_cast %add3A_874 : i32 to index
      %get3A_885 = arith.constant 16 : index
      %get3A_886 = tpu.vector_load %arg8[%get3A_884, %get3A_885] {strides = array<i32>} : memref<800x32xf32, #tpu.memory_space<vmem>>, vector<1x16xf32>,
      %get3A_887 = vector.shape_cast %get3A_886 : vector<1x16xf32> to vector<16xf32>
      %add3A_888 = arith.addf %get3A_887, %get3A_872 : vector<16xf32>
      %swap3A_889 = arith.index_cast %add3A_874 : i32 to index
      %swap3A_890 = arith.constant 16 : index
      %swap3A_891 = tpu.vector_load %arg8[%swap3A_889, %swap3A_890] {strides = array<i32>} : memref<800x32xf32, #tpu.memory_space<vmem>>, vector<1x16xf32>,
      %swap3A_892 = vector.shape_cast %swap3A_891 : vector<1x16xf32> to vector<16xf32>
      %swap3A_893 = vector.shape_cast %add3A_888 : vector<16xf32> to vector<1x16xf32>
      tpu.vector_store %arg8[%swap3A_889, %swap3A_890], %swap3A_893 {strides = array<i32>} : memref<800x32xf32, #tpu.memory_space<vmem>>, vector<1x16xf32>,
      %add3A_894 = arith.constant 200 : i32
      %add3A_895 = arith.addi %add3A_894, %scan3A_864 : i32
      %get3A_896 = arith.index_cast %add3A_895 : i32 to index
      %get3A_897 = arith.constant 0 : index
      %get3A_898 = tpu.vector_load %arg8[%get3A_896, %get3A_897] {strides = array<i32>} : memref<800x32xf32, #tpu.memory_space<vmem>>, vector<1x16xf32>,
      %get3A_899 = vector.shape_cast %get3A_898 : vector<1x16xf32> to vector<16xf32>
      %add3A_900 = arith.addf %get3A_899, %get3A_868 : vector<16xf32>
      %swap3A_901 = arith.index_cast %add3A_895 : i32 to index
      %swap3A_902 = arith.constant 0 : index
      %swap3A_903 = tpu.vector_load %arg8[%swap3A_901, %swap3A_902] {strides = array<i32>} : memref<800x32xf32, #tpu.memory_space<vmem>>, vector<1x16xf32>,
      %swap3A_904 = vector.shape_cast %swap3A_903 : vector<1x16xf32> to vector<16xf32>
      %swap3A_905 = vector.shape_cast %add3A_900 : vector<16xf32> to vector<1x16xf32>
      tpu.vector_store %arg8[%swap3A_901, %swap3A_902], %swap3A_905 {strides = array<i32>} : memref<800x32xf32, #tpu.memory_space<vmem>>, vector<1x16xf32>,
      %get3A_906 = arith.index_cast %add3A_895 : i32 to index
      %get3A_907 = arith.constant 16 : index
      %get3A_908 = tpu.vector_load %arg8[%get3A_906, %get3A_907] {strides = array<i32>} : memref<800x32xf32, #tpu.memory_space<vmem>>, vector<1x16xf32>,
      %get3A_909 = vector.shape_cast %get3A_908 : vector<1x16xf32> to vector<16xf32>
      %add3A_910 = arith.addf %get3A_909, %get3A_872 : vector<16xf32>
      %swap3A_911 = arith.index_cast %add3A_895 : i32 to index
      %swap3A_912 = arith.constant 16 : index
      %swap3A_913 = tpu.vector_load %arg8[%swap3A_911, %swap3A_912] {strides = array<i32>} : memref<800x32xf32, #tpu.memory_space<vmem>>, vector<1x16xf32>,
      %swap3A_914 = vector.shape_cast %swap3A_913 : vector<1x16xf32> to vector<16xf32>
      %swap3A_915 = vector.shape_cast %add3A_910 : vector<16xf32> to vector<1x16xf32>
      tpu.vector_store %arg8[%swap3A_911, %swap3A_912], %swap3A_915 {strides = array<i32>} : memref<800x32xf32, #tpu.memory_space<vmem>>, vector<1x16xf32>,
      %add3A_916 = arith.constant 400 : i32
      %add3A_917 = arith.addi %add3A_916, %scan3A_864 : i32
      %get3A_918 = arith.index_cast %add3A_917 : i32 to index
      %get3A_919 = arith.constant 0 : index
      %get3A_920 = tpu.vector_load %arg8[%get3A_918, %get3A_919] {strides = array<i32>} : memref<800x32xf32, #tpu.memory_space<vmem>>, vector<1x16xf32>,
      %get3A_921 = vector.shape_cast %get3A_920 : vector<1x16xf32> to vector<16xf32>
      %add3A_922 = arith.addf %get3A_921, %get3A_868 : vector<16xf32>
      %swap3A_923 = arith.index_cast %add3A_917 : i32 to index
      %swap3A_924 = arith.constant 0 : index
      %swap3A_925 = tpu.vector_load %arg8[%swap3A_923, %swap3A_924] {strides = array<i32>} : memref<800x32xf32, #tpu.memory_space<vmem>>, vector<1x16xf32>,
      %swap3A_926 = vector.shape_cast %swap3A_925 : vector<1x16xf32> to vector<16xf32>
      %swap3A_927 = vector.shape_cast %add3A_922 : vector<16xf32> to vector<1x16xf32>
      tpu.vector_store %arg8[%swap3A_923, %swap3A_924], %swap3A_927 {strides = array<i32>} : memref<800x32xf32, #tpu.memory_space<vmem>>, vector<1x16xf32>,
      %get3A_928 = arith.index_cast %add3A_917 : i32 to index
      %get3A_929 = arith.constant 16 : index
      %get3A_930 = tpu.vector_load %arg8[%get3A_928, %get3A_929] {strides = array<i32>} : memref<800x32xf32, #tpu.memory_space<vmem>>, vector<1x16xf32>,
      %get3A_931 = vector.shape_cast %get3A_930 : vector<1x16xf32> to vector<16xf32>
      %add3A_932 = arith.addf %get3A_931, %get3A_872 : vector<16xf32>
      %swap3A_933 = arith.index_cast %add3A_917 : i32 to index
      %swap3A_934 = arith.constant 16 : index
      %swap3A_935 = tpu.vector_load %arg8[%swap3A_933, %swap3A_934] {strides = array<i32>} : memref<800x32xf32, #tpu.memory_space<vmem>>, vector<1x16xf32>,
      %swap3A_936 = vector.shape_cast %swap3A_935 : vector<1x16xf32> to vector<16xf32>
      %swap3A_937 = vector.shape_cast %add3A_932 : vector<16xf32> to vector<1x16xf32>
      tpu.vector_store %arg8[%swap3A_933, %swap3A_934], %swap3A_937 {strides = array<i32>} : memref<800x32xf32, #tpu.memory_space<vmem>>, vector<1x16xf32>,
      %add3A_938 = arith.constant 600 : i32
      %add3A_939 = arith.addi %add3A_938, %scan3A_864 : i32
      %get3A_940 = arith.index_cast %add3A_939 : i32 to index
      %get3A_941 = arith.constant 0 : index
      %get3A_942 = tpu.vector_load %arg8[%get3A_940, %get3A_941] {strides = array<i32>} : memref<800x32xf32, #tpu.memory_space<vmem>>, vector<1x16xf32>,
      %get3A_943 = vector.shape_cast %get3A_942 : vector<1x16xf32> to vector<16xf32>
      %add3A_944 = arith.addf %get3A_943, %get3A_868 : vector<16xf32>
      %swap3A_945 = arith.index_cast %add3A_939 : i32 to index
      %swap3A_946 = arith.constant 0 : index
      %swap3A_947 = tpu.vector_load %arg8[%swap3A_945, %swap3A_946] {strides = array<i32>} : memref<800x32xf32, #tpu.memory_space<vmem>>, vector<1x16xf32>,
      %swap3A_948 = vector.shape_cast %swap3A_947 : vector<1x16xf32> to vector<16xf32>
      %swap3A_949 = vector.shape_cast %add3A_944 : vector<16xf32> to vector<1x16xf32>
      tpu.vector_store %arg8[%swap3A_945, %swap3A_946], %swap3A_949 {strides = array<i32>} : memref<800x32xf32, #tpu.memory_space<vmem>>, vector<1x16xf32>,
      %get3A_950 = arith.index_cast %add3A_939 : i32 to index
      %get3A_951 = arith.constant 16 : index
      %get3A_952 = tpu.vector_load %arg8[%get3A_950, %get3A_951] {strides = array<i32>} : memref<800x32xf32, #tpu.memory_space<vmem>>, vector<1x16xf32>,
      %get3A_953 = vector.shape_cast %get3A_952 : vector<1x16xf32> to vector<16xf32>
      %add3A_954 = arith.addf %get3A_953, %get3A_872 : vector<16xf32>
      %swap3A_955 = arith.index_cast %add3A_939 : i32 to index
      %swap3A_956 = arith.constant 16 : index
      %swap3A_957 = tpu.vector_load %arg8[%swap3A_955, %swap3A_956] {strides = array<i32>} : memref<800x32xf32, #tpu.memory_space<vmem>>, vector<1x16xf32>,
      %swap3A_958 = vector.shape_cast %swap3A_957 : vector<1x16xf32> to vector<16xf32>
      %swap3A_959 = vector.shape_cast %add3A_954 : vector<16xf32> to vector<1x16xf32>
      tpu.vector_store %arg8[%swap3A_955, %swap3A_956], %swap3A_959 {strides = array<i32>} : memref<800x32xf32, #tpu.memory_space<vmem>>, vector<1x16xf32>,
      %scan3A_960 = arith.constant 0 : i32
      scf.yield %scan3A_960 : i32
    }
    %scan3A_318 = arith.constant 200 : i32
    %add3A_319 = arith.constant 8800 : i32
    %add3A_320 = arith.addi %mul3A_2, %add3A_319 : i32
    %dma_start3A_321 = arith.constant 0 : i32
    %dma_start3A_322 = tpu.memref_slice %arg5[%add3A_320, %dma_start3A_321] : memref<819200x32xf32, #tpu.memory_space<hbm>> -> memref<800x32xf32, #tpu.memory_space<hbm>>
    %dma_start3A_323 = arith.constant 0 : i32
    %dma_start3A_324 = tpu.memref_slice %arg5[%add3A_320, %dma_start3A_323] : memref<819200x32xf32, #tpu.memory_space<hbm>> -> memref<800x32xf32, #tpu.memory_space<hbm>>
    tpu.enqueue_dma source(%arg8 : memref<800x32xf32, #tpu.memory_space<vmem>>) target(%dma_start3A_324 : memref<800x32xf32, #tpu.memory_space<hbm>>) target_semaphore(%arg13 : memref<!tpu.dma_semaphore, #tpu.memory_space<semaphore_mem>>)
    %dma_wait3A_325 = arith.constant 0 : i32
    %dma_wait3A_326 = tpu.memref_slice %arg5[%add3A_320, %dma_wait3A_325] : memref<819200x32xf32, #tpu.memory_space<hbm>> -> memref<800x32xf32, #tpu.memory_space<hbm>>
    %dma_wait3A_327 = arith.constant 0 : i32
    %dma_wait3A_328 = tpu.memref_slice %arg5[%add3A_320, %dma_wait3A_327] : memref<819200x32xf32, #tpu.memory_space<hbm>> -> memref<800x32xf32, #tpu.memory_space<hbm>>
    tpu.wait_dma2 semaphore(%arg13 : memref<!tpu.dma_semaphore, #tpu.memory_space<semaphore_mem>>) src(%arg8 : memref<800x32xf32, #tpu.memory_space<vmem>>) dst(%dma_wait3A_328 : memref<800x32xf32, #tpu.memory_space<hbm>>)
    %dma_start3A_329 = arith.constant 10400 : i32
    %dma_start3A_330 = tpu.memref_slice %arg6[%dma_start3A_329] : memref<25600xi32, #tpu.memory_space<vmem>> -> memref<800xi32, #tpu.memory_space<vmem>>
    %dma_start3A_331 = arith.constant 0 : i32
    %dma_start3A_332 = arith.constant 0 : i32
    %dma_start3A_333 = tpu.memref_slice %arg3[%dma_start3A_331, %dma_start3A_332] : memref<1000000x32xf32, #tpu.memory_space<hbm>> -> memref<1000000x32xf32, #tpu.memory_space<hbm>>
    tpu.enqueue_indirect_dma source(%dma_start3A_333 : memref<1000000x32xf32, #tpu.memory_space<hbm>>) target(%arg8 : memref<800x32xf32, #tpu.memory_space<vmem>>) offsets(%dma_start3A_330 : memref<800xi32, #tpu.memory_space<vmem>>) semaphore(%arg11 : memref<!tpu.dma_semaphore, #tpu.memory_space<semaphore_mem>>)
    %dma_wait3A_334 = arith.constant 9600 : i32
    %dma_wait3A_335 = tpu.memref_slice %arg6[%dma_wait3A_334] : memref<25600xi32, #tpu.memory_space<vmem>> -> memref<800xi32, #tpu.memory_space<vmem>>
    %dma_wait3A_336 = arith.constant 0 : i32
    %dma_wait3A_337 = arith.constant 0 : i32
    %dma_wait3A_338 = tpu.memref_slice %arg3[%dma_wait3A_336, %dma_wait3A_337] : memref<1000000x32xf32, #tpu.memory_space<hbm>> -> memref<1000000x32xf32, #tpu.memory_space<hbm>>
    tpu.wait_indirect_dma semaphore(%arg10 : memref<!tpu.dma_semaphore, #tpu.memory_space<semaphore_mem>>) src(%dma_wait3A_338 : memref<1000000x32xf32, #tpu.memory_space<hbm>>) dst(%arg7 : memref<800x32xf32, #tpu.memory_space<vmem>>)
    %scan3A_339 = arith.constant 0 : i32
    %scan3A_340 = arith.constant 0 : i32
    %scan3A_341 = arith.constant 200 : i32
    %scan3A_342 = arith.addi %scan3A_340, %scan3A_341 : i32
    %scan3A_343 = arith.constant 1 : i32
    %scan3A_344 = scf.for %scan3A_864 = %scan3A_340 to %scan3A_342 step %scan3A_343 iter_args(%scan3A_865 = %scan3A_339) -> (i32)  : i32 {
      %get3A = arith.index_cast %scan3A_864 : i32 to index
      %get3A_866 = arith.constant 0 : index
      %get3A_867 = tpu.vector_load %arg9[%get3A, %get3A_866] {strides = array<i32>} : memref<200x32xf32, #tpu.memory_space<vmem>>, vector<1x16xf32>,
      %get3A_868 = vector.shape_cast %get3A_867 : vector<1x16xf32> to vector<16xf32>
      %get3A_869 = arith.index_cast %scan3A_864 : i32 to index
      %get3A_870 = arith.constant 16 : index
      %get3A_871 = tpu.vector_load %arg9[%get3A_869, %get3A_870] {strides = array<i32>} : memref<200x32xf32, #tpu.memory_space<vmem>>, vector<1x16xf32>,
      %get3A_872 = vector.shape_cast %get3A_871 : vector<1x16xf32> to vector<16xf32>
      %add3A_873 = arith.constant 0 : i32
      %add3A_874 = arith.addi %add3A_873, %scan3A_864 : i32
      %get3A_875 = arith.index_cast %add3A_874 : i32 to index
      %get3A_876 = arith.constant 0 : index
      %get3A_877 = tpu.vector_load %arg7[%get3A_875, %get3A_876] {strides = array<i32>} : memref<800x32xf32, #tpu.memory_space<vmem>>, vector<1x16xf32>,
      %get3A_878 = vector.shape_cast %get3A_877 : vector<1x16xf32> to vector<16xf32>
      %add3A_879 = arith.addf %get3A_878, %get3A_868 : vector<16xf32>
      %swap3A = arith.index_cast %add3A_874 : i32 to index
      %swap3A_880 = arith.constant 0 : index
      %swap3A_881 = tpu.vector_load %arg7[%swap3A, %swap3A_880] {strides = array<i32>} : memref<800x32xf32, #tpu.memory_space<vmem>>, vector<1x16xf32>,
      %swap3A_882 = vector.shape_cast %swap3A_881 : vector<1x16xf32> to vector<16xf32>
      %swap3A_883 = vector.shape_cast %add3A_879 : vector<16xf32> to vector<1x16xf32>
      tpu.vector_store %arg7[%swap3A, %swap3A_880], %swap3A_883 {strides = array<i32>} : memref<800x32xf32, #tpu.memory_space<vmem>>, vector<1x16xf32>,
      %get3A_884 = arith.index_cast %add3A_874 : i32 to index
      %get3A_885 = arith.constant 16 : index
      %get3A_886 = tpu.vector_load %arg7[%get3A_884, %get3A_885] {strides = array<i32>} : memref<800x32xf32, #tpu.memory_space<vmem>>, vector<1x16xf32>,
      %get3A_887 = vector.shape_cast %get3A_886 : vector<1x16xf32> to vector<16xf32>
      %add3A_888 = arith.addf %get3A_887, %get3A_872 : vector<16xf32>
      %swap3A_889 = arith.index_cast %add3A_874 : i32 to index
      %swap3A_890 = arith.constant 16 : index
      %swap3A_891 = tpu.vector_load %arg7[%swap3A_889, %swap3A_890] {strides = array<i32>} : memref<800x32xf32, #tpu.memory_space<vmem>>, vector<1x16xf32>,
      %swap3A_892 = vector.shape_cast %swap3A_891 : vector<1x16xf32> to vector<16xf32>
      %swap3A_893 = vector.shape_cast %add3A_888 : vector<16xf32> to vector<1x16xf32>
      tpu.vector_store %arg7[%swap3A_889, %swap3A_890], %swap3A_893 {strides = array<i32>} : memref<800x32xf32, #tpu.memory_space<vmem>>, vector<1x16xf32>,
      %add3A_894 = arith.constant 200 : i32
      %add3A_895 = arith.addi %add3A_894, %scan3A_864 : i32
      %get3A_896 = arith.index_cast %add3A_895 : i32 to index
      %get3A_897 = arith.constant 0 : index
      %get3A_898 = tpu.vector_load %arg7[%get3A_896, %get3A_897] {strides = array<i32>} : memref<800x32xf32, #tpu.memory_space<vmem>>, vector<1x16xf32>,
      %get3A_899 = vector.shape_cast %get3A_898 : vector<1x16xf32> to vector<16xf32>
      %add3A_900 = arith.addf %get3A_899, %get3A_868 : vector<16xf32>
      %swap3A_901 = arith.index_cast %add3A_895 : i32 to index
      %swap3A_902 = arith.constant 0 : index
      %swap3A_903 = tpu.vector_load %arg7[%swap3A_901, %swap3A_902] {strides = array<i32>} : memref<800x32xf32, #tpu.memory_space<vmem>>, vector<1x16xf32>,
      %swap3A_904 = vector.shape_cast %swap3A_903 : vector<1x16xf32> to vector<16xf32>
      %swap3A_905 = vector.shape_cast %add3A_900 : vector<16xf32> to vector<1x16xf32>
      tpu.vector_store %arg7[%swap3A_901, %swap3A_902], %swap3A_905 {strides = array<i32>} : memref<800x32xf32, #tpu.memory_space<vmem>>, vector<1x16xf32>,
      %get3A_906 = arith.index_cast %add3A_895 : i32 to index
      %get3A_907 = arith.constant 16 : index
      %get3A_908 = tpu.vector_load %arg7[%get3A_906, %get3A_907] {strides = array<i32>} : memref<800x32xf32, #tpu.memory_space<vmem>>, vector<1x16xf32>,
      %get3A_909 = vector.shape_cast %get3A_908 : vector<1x16xf32> to vector<16xf32>
      %add3A_910 = arith.addf %get3A_909, %get3A_872 : vector<16xf32>
      %swap3A_911 = arith.index_cast %add3A_895 : i32 to index
      %swap3A_912 = arith.constant 16 : index
      %swap3A_913 = tpu.vector_load %arg7[%swap3A_911, %swap3A_912] {strides = array<i32>} : memref<800x32xf32, #tpu.memory_space<vmem>>, vector<1x16xf32>,
      %swap3A_914 = vector.shape_cast %swap3A_913 : vector<1x16xf32> to vector<16xf32>
      %swap3A_915 = vector.shape_cast %add3A_910 : vector<16xf32> to vector<1x16xf32>
      tpu.vector_store %arg7[%swap3A_911, %swap3A_912], %swap3A_915 {strides = array<i32>} : memref<800x32xf32, #tpu.memory_space<vmem>>, vector<1x16xf32>,
      %add3A_916 = arith.constant 400 : i32
      %add3A_917 = arith.addi %add3A_916, %scan3A_864 : i32
      %get3A_918 = arith.index_cast %add3A_917 : i32 to index
      %get3A_919 = arith.constant 0 : index
      %get3A_920 = tpu.vector_load %arg7[%get3A_918, %get3A_919] {strides = array<i32>} : memref<800x32xf32, #tpu.memory_space<vmem>>, vector<1x16xf32>,
      %get3A_921 = vector.shape_cast %get3A_920 : vector<1x16xf32> to vector<16xf32>
      %add3A_922 = arith.addf %get3A_921, %get3A_868 : vector<16xf32>
      %swap3A_923 = arith.index_cast %add3A_917 : i32 to index
      %swap3A_924 = arith.constant 0 : index
      %swap3A_925 = tpu.vector_load %arg7[%swap3A_923, %swap3A_924] {strides = array<i32>} : memref<800x32xf32, #tpu.memory_space<vmem>>, vector<1x16xf32>,
      %swap3A_926 = vector.shape_cast %swap3A_925 : vector<1x16xf32> to vector<16xf32>
      %swap3A_927 = vector.shape_cast %add3A_922 : vector<16xf32> to vector<1x16xf32>
      tpu.vector_store %arg7[%swap3A_923, %swap3A_924], %swap3A_927 {strides = array<i32>} : memref<800x32xf32, #tpu.memory_space<vmem>>, vector<1x16xf32>,
      %get3A_928 = arith.index_cast %add3A_917 : i32 to index
      %get3A_929 = arith.constant 16 : index
      %get3A_930 = tpu.vector_load %arg7[%get3A_928, %get3A_929] {strides = array<i32>} : memref<800x32xf32, #tpu.memory_space<vmem>>, vector<1x16xf32>,
      %get3A_931 = vector.shape_cast %get3A_930 : vector<1x16xf32> to vector<16xf32>
      %add3A_932 = arith.addf %get3A_931, %get3A_872 : vector<16xf32>
      %swap3A_933 = arith.index_cast %add3A_917 : i32 to index
      %swap3A_934 = arith.constant 16 : index
      %swap3A_935 = tpu.vector_load %arg7[%swap3A_933, %swap3A_934] {strides = array<i32>} : memref<800x32xf32, #tpu.memory_space<vmem>>, vector<1x16xf32>,
      %swap3A_936 = vector.shape_cast %swap3A_935 : vector<1x16xf32> to vector<16xf32>
      %swap3A_937 = vector.shape_cast %add3A_932 : vector<16xf32> to vector<1x16xf32>
      tpu.vector_store %arg7[%swap3A_933, %swap3A_934], %swap3A_937 {strides = array<i32>} : memref<800x32xf32, #tpu.memory_space<vmem>>, vector<1x16xf32>,
      %add3A_938 = arith.constant 600 : i32
      %add3A_939 = arith.addi %add3A_938, %scan3A_864 : i32
      %get3A_940 = arith.index_cast %add3A_939 : i32 to index
      %get3A_941 = arith.constant 0 : index
      %get3A_942 = tpu.vector_load %arg7[%get3A_940, %get3A_941] {strides = array<i32>} : memref<800x32xf32, #tpu.memory_space<vmem>>, vector<1x16xf32>,
      %get3A_943 = vector.shape_cast %get3A_942 : vector<1x16xf32> to vector<16xf32>
      %add3A_944 = arith.addf %get3A_943, %get3A_868 : vector<16xf32>
      %swap3A_945 = arith.index_cast %add3A_939 : i32 to index
      %swap3A_946 = arith.constant 0 : index
      %swap3A_947 = tpu.vector_load %arg7[%swap3A_945, %swap3A_946] {strides = array<i32>} : memref<800x32xf32, #tpu.memory_space<vmem>>, vector<1x16xf32>,
      %swap3A_948 = vector.shape_cast %swap3A_947 : vector<1x16xf32> to vector<16xf32>
      %swap3A_949 = vector.shape_cast %add3A_944 : vector<16xf32> to vector<1x16xf32>
      tpu.vector_store %arg7[%swap3A_945, %swap3A_946], %swap3A_949 {strides = array<i32>} : memref<800x32xf32, #tpu.memory_space<vmem>>, vector<1x16xf32>,
      %get3A_950 = arith.index_cast %add3A_939 : i32 to index
      %get3A_951 = arith.constant 16 : index
      %get3A_952 = tpu.vector_load %arg7[%get3A_950, %get3A_951] {strides = array<i32>} : memref<800x32xf32, #tpu.memory_space<vmem>>, vector<1x16xf32>,
      %get3A_953 = vector.shape_cast %get3A_952 : vector<1x16xf32> to vector<16xf32>
      %add3A_954 = arith.addf %get3A_953, %get3A_872 : vector<16xf32>
      %swap3A_955 = arith.index_cast %add3A_939 : i32 to index
      %swap3A_956 = arith.constant 16 : index
      %swap3A_957 = tpu.vector_load %arg7[%swap3A_955, %swap3A_956] {strides = array<i32>} : memref<800x32xf32, #tpu.memory_space<vmem>>, vector<1x16xf32>,
      %swap3A_958 = vector.shape_cast %swap3A_957 : vector<1x16xf32> to vector<16xf32>
      %swap3A_959 = vector.shape_cast %add3A_954 : vector<16xf32> to vector<1x16xf32>
      tpu.vector_store %arg7[%swap3A_955, %swap3A_956], %swap3A_959 {strides = array<i32>} : memref<800x32xf32, #tpu.memory_space<vmem>>, vector<1x16xf32>,
      %scan3A_960 = arith.constant 0 : i32
      scf.yield %scan3A_960 : i32
    }
    %scan3A_345 = arith.constant 200 : i32
    %add3A_346 = arith.constant 9600 : i32
    %add3A_347 = arith.addi %mul3A_2, %add3A_346 : i32
    %dma_start3A_348 = arith.constant 0 : i32
    %dma_start3A_349 = tpu.memref_slice %arg5[%add3A_347, %dma_start3A_348] : memref<819200x32xf32, #tpu.memory_space<hbm>> -> memref<800x32xf32, #tpu.memory_space<hbm>>
    %dma_start3A_350 = arith.constant 0 : i32
    %dma_start3A_351 = tpu.memref_slice %arg5[%add3A_347, %dma_start3A_350] : memref<819200x32xf32, #tpu.memory_space<hbm>> -> memref<800x32xf32, #tpu.memory_space<hbm>>
    tpu.enqueue_dma source(%arg7 : memref<800x32xf32, #tpu.memory_space<vmem>>) target(%dma_start3A_351 : memref<800x32xf32, #tpu.memory_space<hbm>>) target_semaphore(%arg12 : memref<!tpu.dma_semaphore, #tpu.memory_space<semaphore_mem>>)
    %dma_wait3A_352 = arith.constant 0 : i32
    %dma_wait3A_353 = tpu.memref_slice %arg5[%add3A_347, %dma_wait3A_352] : memref<819200x32xf32, #tpu.memory_space<hbm>> -> memref<800x32xf32, #tpu.memory_space<hbm>>
    %dma_wait3A_354 = arith.constant 0 : i32
    %dma_wait3A_355 = tpu.memref_slice %arg5[%add3A_347, %dma_wait3A_354] : memref<819200x32xf32, #tpu.memory_space<hbm>> -> memref<800x32xf32, #tpu.memory_space<hbm>>
    tpu.wait_dma2 semaphore(%arg12 : memref<!tpu.dma_semaphore, #tpu.memory_space<semaphore_mem>>) src(%arg7 : memref<800x32xf32, #tpu.memory_space<vmem>>) dst(%dma_wait3A_355 : memref<800x32xf32, #tpu.memory_space<hbm>>)
    %dma_start3A_356 = arith.constant 11200 : i32
    %dma_start3A_357 = tpu.memref_slice %arg6[%dma_start3A_356] : memref<25600xi32, #tpu.memory_space<vmem>> -> memref<800xi32, #tpu.memory_space<vmem>>
    %dma_start3A_358 = arith.constant 0 : i32
    %dma_start3A_359 = arith.constant 0 : i32
    %dma_start3A_360 = tpu.memref_slice %arg3[%dma_start3A_358, %dma_start3A_359] : memref<1000000x32xf32, #tpu.memory_space<hbm>> -> memref<1000000x32xf32, #tpu.memory_space<hbm>>
    tpu.enqueue_indirect_dma source(%dma_start3A_360 : memref<1000000x32xf32, #tpu.memory_space<hbm>>) target(%arg7 : memref<800x32xf32, #tpu.memory_space<vmem>>) offsets(%dma_start3A_357 : memref<800xi32, #tpu.memory_space<vmem>>) semaphore(%arg10 : memref<!tpu.dma_semaphore, #tpu.memory_space<semaphore_mem>>)
    %dma_wait3A_361 = arith.constant 10400 : i32
    %dma_wait3A_362 = tpu.memref_slice %arg6[%dma_wait3A_361] : memref<25600xi32, #tpu.memory_space<vmem>> -> memref<800xi32, #tpu.memory_space<vmem>>
    %dma_wait3A_363 = arith.constant 0 : i32
    %dma_wait3A_364 = arith.constant 0 : i32
    %dma_wait3A_365 = tpu.memref_slice %arg3[%dma_wait3A_363, %dma_wait3A_364] : memref<1000000x32xf32, #tpu.memory_space<hbm>> -> memref<1000000x32xf32, #tpu.memory_space<hbm>>
    tpu.wait_indirect_dma semaphore(%arg11 : memref<!tpu.dma_semaphore, #tpu.memory_space<semaphore_mem>>) src(%dma_wait3A_365 : memref<1000000x32xf32, #tpu.memory_space<hbm>>) dst(%arg8 : memref<800x32xf32, #tpu.memory_space<vmem>>)
    %scan3A_366 = arith.constant 0 : i32
    %scan3A_367 = arith.constant 0 : i32
    %scan3A_368 = arith.constant 200 : i32
    %scan3A_369 = arith.addi %scan3A_367, %scan3A_368 : i32
    %scan3A_370 = arith.constant 1 : i32
    %scan3A_371 = scf.for %scan3A_864 = %scan3A_367 to %scan3A_369 step %scan3A_370 iter_args(%scan3A_865 = %scan3A_366) -> (i32)  : i32 {
      %get3A = arith.index_cast %scan3A_864 : i32 to index
      %get3A_866 = arith.constant 0 : index
      %get3A_867 = tpu.vector_load %arg9[%get3A, %get3A_866] {strides = array<i32>} : memref<200x32xf32, #tpu.memory_space<vmem>>, vector<1x16xf32>,
      %get3A_868 = vector.shape_cast %get3A_867 : vector<1x16xf32> to vector<16xf32>
      %get3A_869 = arith.index_cast %scan3A_864 : i32 to index
      %get3A_870 = arith.constant 16 : index
      %get3A_871 = tpu.vector_load %arg9[%get3A_869, %get3A_870] {strides = array<i32>} : memref<200x32xf32, #tpu.memory_space<vmem>>, vector<1x16xf32>,
      %get3A_872 = vector.shape_cast %get3A_871 : vector<1x16xf32> to vector<16xf32>
      %add3A_873 = arith.constant 0 : i32
      %add3A_874 = arith.addi %add3A_873, %scan3A_864 : i32
      %get3A_875 = arith.index_cast %add3A_874 : i32 to index
      %get3A_876 = arith.constant 0 : index
      %get3A_877 = tpu.vector_load %arg8[%get3A_875, %get3A_876] {strides = array<i32>} : memref<800x32xf32, #tpu.memory_space<vmem>>, vector<1x16xf32>,
      %get3A_878 = vector.shape_cast %get3A_877 : vector<1x16xf32> to vector<16xf32>
      %add3A_879 = arith.addf %get3A_878, %get3A_868 : vector<16xf32>
      %swap3A = arith.index_cast %add3A_874 : i32 to index
      %swap3A_880 = arith.constant 0 : index
      %swap3A_881 = tpu.vector_load %arg8[%swap3A, %swap3A_880] {strides = array<i32>} : memref<800x32xf32, #tpu.memory_space<vmem>>, vector<1x16xf32>,
      %swap3A_882 = vector.shape_cast %swap3A_881 : vector<1x16xf32> to vector<16xf32>
      %swap3A_883 = vector.shape_cast %add3A_879 : vector<16xf32> to vector<1x16xf32>
      tpu.vector_store %arg8[%swap3A, %swap3A_880], %swap3A_883 {strides = array<i32>} : memref<800x32xf32, #tpu.memory_space<vmem>>, vector<1x16xf32>,
      %get3A_884 = arith.index_cast %add3A_874 : i32 to index
      %get3A_885 = arith.constant 16 : index
      %get3A_886 = tpu.vector_load %arg8[%get3A_884, %get3A_885] {strides = array<i32>} : memref<800x32xf32, #tpu.memory_space<vmem>>, vector<1x16xf32>,
      %get3A_887 = vector.shape_cast %get3A_886 : vector<1x16xf32> to vector<16xf32>
      %add3A_888 = arith.addf %get3A_887, %get3A_872 : vector<16xf32>
      %swap3A_889 = arith.index_cast %add3A_874 : i32 to index
      %swap3A_890 = arith.constant 16 : index
      %swap3A_891 = tpu.vector_load %arg8[%swap3A_889, %swap3A_890] {strides = array<i32>} : memref<800x32xf32, #tpu.memory_space<vmem>>, vector<1x16xf32>,
      %swap3A_892 = vector.shape_cast %swap3A_891 : vector<1x16xf32> to vector<16xf32>
      %swap3A_893 = vector.shape_cast %add3A_888 : vector<16xf32> to vector<1x16xf32>
      tpu.vector_store %arg8[%swap3A_889, %swap3A_890], %swap3A_893 {strides = array<i32>} : memref<800x32xf32, #tpu.memory_space<vmem>>, vector<1x16xf32>,
      %add3A_894 = arith.constant 200 : i32
      %add3A_895 = arith.addi %add3A_894, %scan3A_864 : i32
      %get3A_896 = arith.index_cast %add3A_895 : i32 to index
      %get3A_897 = arith.constant 0 : index
      %get3A_898 = tpu.vector_load %arg8[%get3A_896, %get3A_897] {strides = array<i32>} : memref<800x32xf32, #tpu.memory_space<vmem>>, vector<1x16xf32>,
      %get3A_899 = vector.shape_cast %get3A_898 : vector<1x16xf32> to vector<16xf32>
      %add3A_900 = arith.addf %get3A_899, %get3A_868 : vector<16xf32>
      %swap3A_901 = arith.index_cast %add3A_895 : i32 to index
      %swap3A_902 = arith.constant 0 : index
      %swap3A_903 = tpu.vector_load %arg8[%swap3A_901, %swap3A_902] {strides = array<i32>} : memref<800x32xf32, #tpu.memory_space<vmem>>, vector<1x16xf32>,
      %swap3A_904 = vector.shape_cast %swap3A_903 : vector<1x16xf32> to vector<16xf32>
      %swap3A_905 = vector.shape_cast %add3A_900 : vector<16xf32> to vector<1x16xf32>
      tpu.vector_store %arg8[%swap3A_901, %swap3A_902], %swap3A_905 {strides = array<i32>} : memref<800x32xf32, #tpu.memory_space<vmem>>, vector<1x16xf32>,
      %get3A_906 = arith.index_cast %add3A_895 : i32 to index
      %get3A_907 = arith.constant 16 : index
      %get3A_908 = tpu.vector_load %arg8[%get3A_906, %get3A_907] {strides = array<i32>} : memref<800x32xf32, #tpu.memory_space<vmem>>, vector<1x16xf32>,
      %get3A_909 = vector.shape_cast %get3A_908 : vector<1x16xf32> to vector<16xf32>
      %add3A_910 = arith.addf %get3A_909, %get3A_872 : vector<16xf32>
      %swap3A_911 = arith.index_cast %add3A_895 : i32 to index
      %swap3A_912 = arith.constant 16 : index
      %swap3A_913 = tpu.vector_load %arg8[%swap3A_911, %swap3A_912] {strides = array<i32>} : memref<800x32xf32, #tpu.memory_space<vmem>>, vector<1x16xf32>,
      %swap3A_914 = vector.shape_cast %swap3A_913 : vector<1x16xf32> to vector<16xf32>
      %swap3A_915 = vector.shape_cast %add3A_910 : vector<16xf32> to vector<1x16xf32>
      tpu.vector_store %arg8[%swap3A_911, %swap3A_912], %swap3A_915 {strides = array<i32>} : memref<800x32xf32, #tpu.memory_space<vmem>>, vector<1x16xf32>,
      %add3A_916 = arith.constant 400 : i32
      %add3A_917 = arith.addi %add3A_916, %scan3A_864 : i32
      %get3A_918 = arith.index_cast %add3A_917 : i32 to index
      %get3A_919 = arith.constant 0 : index
      %get3A_920 = tpu.vector_load %arg8[%get3A_918, %get3A_919] {strides = array<i32>} : memref<800x32xf32, #tpu.memory_space<vmem>>, vector<1x16xf32>,
      %get3A_921 = vector.shape_cast %get3A_920 : vector<1x16xf32> to vector<16xf32>
      %add3A_922 = arith.addf %get3A_921, %get3A_868 : vector<16xf32>
      %swap3A_923 = arith.index_cast %add3A_917 : i32 to index
      %swap3A_924 = arith.constant 0 : index
      %swap3A_925 = tpu.vector_load %arg8[%swap3A_923, %swap3A_924] {strides = array<i32>} : memref<800x32xf32, #tpu.memory_space<vmem>>, vector<1x16xf32>,
      %swap3A_926 = vector.shape_cast %swap3A_925 : vector<1x16xf32> to vector<16xf32>
      %swap3A_927 = vector.shape_cast %add3A_922 : vector<16xf32> to vector<1x16xf32>
      tpu.vector_store %arg8[%swap3A_923, %swap3A_924], %swap3A_927 {strides = array<i32>} : memref<800x32xf32, #tpu.memory_space<vmem>>, vector<1x16xf32>,
      %get3A_928 = arith.index_cast %add3A_917 : i32 to index
      %get3A_929 = arith.constant 16 : index
      %get3A_930 = tpu.vector_load %arg8[%get3A_928, %get3A_929] {strides = array<i32>} : memref<800x32xf32, #tpu.memory_space<vmem>>, vector<1x16xf32>,
      %get3A_931 = vector.shape_cast %get3A_930 : vector<1x16xf32> to vector<16xf32>
      %add3A_932 = arith.addf %get3A_931, %get3A_872 : vector<16xf32>
      %swap3A_933 = arith.index_cast %add3A_917 : i32 to index
      %swap3A_934 = arith.constant 16 : index
      %swap3A_935 = tpu.vector_load %arg8[%swap3A_933, %swap3A_934] {strides = array<i32>} : memref<800x32xf32, #tpu.memory_space<vmem>>, vector<1x16xf32>,
      %swap3A_936 = vector.shape_cast %swap3A_935 : vector<1x16xf32> to vector<16xf32>
      %swap3A_937 = vector.shape_cast %add3A_932 : vector<16xf32> to vector<1x16xf32>
      tpu.vector_store %arg8[%swap3A_933, %swap3A_934], %swap3A_937 {strides = array<i32>} : memref<800x32xf32, #tpu.memory_space<vmem>>, vector<1x16xf32>,
      %add3A_938 = arith.constant 600 : i32
      %add3A_939 = arith.addi %add3A_938, %scan3A_864 : i32
      %get3A_940 = arith.index_cast %add3A_939 : i32 to index
      %get3A_941 = arith.constant 0 : index
      %get3A_942 = tpu.vector_load %arg8[%get3A_940, %get3A_941] {strides = array<i32>} : memref<800x32xf32, #tpu.memory_space<vmem>>, vector<1x16xf32>,
      %get3A_943 = vector.shape_cast %get3A_942 : vector<1x16xf32> to vector<16xf32>
      %add3A_944 = arith.addf %get3A_943, %get3A_868 : vector<16xf32>
      %swap3A_945 = arith.index_cast %add3A_939 : i32 to index
      %swap3A_946 = arith.constant 0 : index
      %swap3A_947 = tpu.vector_load %arg8[%swap3A_945, %swap3A_946] {strides = array<i32>} : memref<800x32xf32, #tpu.memory_space<vmem>>, vector<1x16xf32>,
      %swap3A_948 = vector.shape_cast %swap3A_947 : vector<1x16xf32> to vector<16xf32>
      %swap3A_949 = vector.shape_cast %add3A_944 : vector<16xf32> to vector<1x16xf32>
      tpu.vector_store %arg8[%swap3A_945, %swap3A_946], %swap3A_949 {strides = array<i32>} : memref<800x32xf32, #tpu.memory_space<vmem>>, vector<1x16xf32>,
      %get3A_950 = arith.index_cast %add3A_939 : i32 to index
      %get3A_951 = arith.constant 16 : index
      %get3A_952 = tpu.vector_load %arg8[%get3A_950, %get3A_951] {strides = array<i32>} : memref<800x32xf32, #tpu.memory_space<vmem>>, vector<1x16xf32>,
      %get3A_953 = vector.shape_cast %get3A_952 : vector<1x16xf32> to vector<16xf32>
      %add3A_954 = arith.addf %get3A_953, %get3A_872 : vector<16xf32>
      %swap3A_955 = arith.index_cast %add3A_939 : i32 to index
      %swap3A_956 = arith.constant 16 : index
      %swap3A_957 = tpu.vector_load %arg8[%swap3A_955, %swap3A_956] {strides = array<i32>} : memref<800x32xf32, #tpu.memory_space<vmem>>, vector<1x16xf32>,
      %swap3A_958 = vector.shape_cast %swap3A_957 : vector<1x16xf32> to vector<16xf32>
      %swap3A_959 = vector.shape_cast %add3A_954 : vector<16xf32> to vector<1x16xf32>
      tpu.vector_store %arg8[%swap3A_955, %swap3A_956], %swap3A_959 {strides = array<i32>} : memref<800x32xf32, #tpu.memory_space<vmem>>, vector<1x16xf32>,
      %scan3A_960 = arith.constant 0 : i32
      scf.yield %scan3A_960 : i32
    }
    %scan3A_372 = arith.constant 200 : i32
    %add3A_373 = arith.constant 10400 : i32
    %add3A_374 = arith.addi %mul3A_2, %add3A_373 : i32
    %dma_start3A_375 = arith.constant 0 : i32
    %dma_start3A_376 = tpu.memref_slice %arg5[%add3A_374, %dma_start3A_375] : memref<819200x32xf32, #tpu.memory_space<hbm>> -> memref<800x32xf32, #tpu.memory_space<hbm>>
    %dma_start3A_377 = arith.constant 0 : i32
    %dma_start3A_378 = tpu.memref_slice %arg5[%add3A_374, %dma_start3A_377] : memref<819200x32xf32, #tpu.memory_space<hbm>> -> memref<800x32xf32, #tpu.memory_space<hbm>>
    tpu.enqueue_dma source(%arg8 : memref<800x32xf32, #tpu.memory_space<vmem>>) target(%dma_start3A_378 : memref<800x32xf32, #tpu.memory_space<hbm>>) target_semaphore(%arg13 : memref<!tpu.dma_semaphore, #tpu.memory_space<semaphore_mem>>)
    %dma_wait3A_379 = arith.constant 0 : i32
    %dma_wait3A_380 = tpu.memref_slice %arg5[%add3A_374, %dma_wait3A_379] : memref<819200x32xf32, #tpu.memory_space<hbm>> -> memref<800x32xf32, #tpu.memory_space<hbm>>
    %dma_wait3A_381 = arith.constant 0 : i32
    %dma_wait3A_382 = tpu.memref_slice %arg5[%add3A_374, %dma_wait3A_381] : memref<819200x32xf32, #tpu.memory_space<hbm>> -> memref<800x32xf32, #tpu.memory_space<hbm>>
    tpu.wait_dma2 semaphore(%arg13 : memref<!tpu.dma_semaphore, #tpu.memory_space<semaphore_mem>>) src(%arg8 : memref<800x32xf32, #tpu.memory_space<vmem>>) dst(%dma_wait3A_382 : memref<800x32xf32, #tpu.memory_space<hbm>>)
    %dma_start3A_383 = arith.constant 12000 : i32
    %dma_start3A_384 = tpu.memref_slice %arg6[%dma_start3A_383] : memref<25600xi32, #tpu.memory_space<vmem>> -> memref<800xi32, #tpu.memory_space<vmem>>
    %dma_start3A_385 = arith.constant 0 : i32
    %dma_start3A_386 = arith.constant 0 : i32
    %dma_start3A_387 = tpu.memref_slice %arg3[%dma_start3A_385, %dma_start3A_386] : memref<1000000x32xf32, #tpu.memory_space<hbm>> -> memref<1000000x32xf32, #tpu.memory_space<hbm>>
    tpu.enqueue_indirect_dma source(%dma_start3A_387 : memref<1000000x32xf32, #tpu.memory_space<hbm>>) target(%arg8 : memref<800x32xf32, #tpu.memory_space<vmem>>) offsets(%dma_start3A_384 : memref<800xi32, #tpu.memory_space<vmem>>) semaphore(%arg11 : memref<!tpu.dma_semaphore, #tpu.memory_space<semaphore_mem>>)
    %dma_wait3A_388 = arith.constant 11200 : i32
    %dma_wait3A_389 = tpu.memref_slice %arg6[%dma_wait3A_388] : memref<25600xi32, #tpu.memory_space<vmem>> -> memref<800xi32, #tpu.memory_space<vmem>>
    %dma_wait3A_390 = arith.constant 0 : i32
    %dma_wait3A_391 = arith.constant 0 : i32
    %dma_wait3A_392 = tpu.memref_slice %arg3[%dma_wait3A_390, %dma_wait3A_391] : memref<1000000x32xf32, #tpu.memory_space<hbm>> -> memref<1000000x32xf32, #tpu.memory_space<hbm>>
    tpu.wait_indirect_dma semaphore(%arg10 : memref<!tpu.dma_semaphore, #tpu.memory_space<semaphore_mem>>) src(%dma_wait3A_392 : memref<1000000x32xf32, #tpu.memory_space<hbm>>) dst(%arg7 : memref<800x32xf32, #tpu.memory_space<vmem>>)
    %scan3A_393 = arith.constant 0 : i32
    %scan3A_394 = arith.constant 0 : i32
    %scan3A_395 = arith.constant 200 : i32
    %scan3A_396 = arith.addi %scan3A_394, %scan3A_395 : i32
    %scan3A_397 = arith.constant 1 : i32
    %scan3A_398 = scf.for %scan3A_864 = %scan3A_394 to %scan3A_396 step %scan3A_397 iter_args(%scan3A_865 = %scan3A_393) -> (i32)  : i32 {
      %get3A = arith.index_cast %scan3A_864 : i32 to index
      %get3A_866 = arith.constant 0 : index
      %get3A_867 = tpu.vector_load %arg9[%get3A, %get3A_866] {strides = array<i32>} : memref<200x32xf32, #tpu.memory_space<vmem>>, vector<1x16xf32>,
      %get3A_868 = vector.shape_cast %get3A_867 : vector<1x16xf32> to vector<16xf32>
      %get3A_869 = arith.index_cast %scan3A_864 : i32 to index
      %get3A_870 = arith.constant 16 : index
      %get3A_871 = tpu.vector_load %arg9[%get3A_869, %get3A_870] {strides = array<i32>} : memref<200x32xf32, #tpu.memory_space<vmem>>, vector<1x16xf32>,
      %get3A_872 = vector.shape_cast %get3A_871 : vector<1x16xf32> to vector<16xf32>
      %add3A_873 = arith.constant 0 : i32
      %add3A_874 = arith.addi %add3A_873, %scan3A_864 : i32
      %get3A_875 = arith.index_cast %add3A_874 : i32 to index
      %get3A_876 = arith.constant 0 : index
      %get3A_877 = tpu.vector_load %arg7[%get3A_875, %get3A_876] {strides = array<i32>} : memref<800x32xf32, #tpu.memory_space<vmem>>, vector<1x16xf32>,
      %get3A_878 = vector.shape_cast %get3A_877 : vector<1x16xf32> to vector<16xf32>
      %add3A_879 = arith.addf %get3A_878, %get3A_868 : vector<16xf32>
      %swap3A = arith.index_cast %add3A_874 : i32 to index
      %swap3A_880 = arith.constant 0 : index
      %swap3A_881 = tpu.vector_load %arg7[%swap3A, %swap3A_880] {strides = array<i32>} : memref<800x32xf32, #tpu.memory_space<vmem>>, vector<1x16xf32>,
      %swap3A_882 = vector.shape_cast %swap3A_881 : vector<1x16xf32> to vector<16xf32>
      %swap3A_883 = vector.shape_cast %add3A_879 : vector<16xf32> to vector<1x16xf32>
      tpu.vector_store %arg7[%swap3A, %swap3A_880], %swap3A_883 {strides = array<i32>} : memref<800x32xf32, #tpu.memory_space<vmem>>, vector<1x16xf32>,
      %get3A_884 = arith.index_cast %add3A_874 : i32 to index
      %get3A_885 = arith.constant 16 : index
      %get3A_886 = tpu.vector_load %arg7[%get3A_884, %get3A_885] {strides = array<i32>} : memref<800x32xf32, #tpu.memory_space<vmem>>, vector<1x16xf32>,
      %get3A_887 = vector.shape_cast %get3A_886 : vector<1x16xf32> to vector<16xf32>
      %add3A_888 = arith.addf %get3A_887, %get3A_872 : vector<16xf32>
      %swap3A_889 = arith.index_cast %add3A_874 : i32 to index
      %swap3A_890 = arith.constant 16 : index
      %swap3A_891 = tpu.vector_load %arg7[%swap3A_889, %swap3A_890] {strides = array<i32>} : memref<800x32xf32, #tpu.memory_space<vmem>>, vector<1x16xf32>,
      %swap3A_892 = vector.shape_cast %swap3A_891 : vector<1x16xf32> to vector<16xf32>
      %swap3A_893 = vector.shape_cast %add3A_888 : vector<16xf32> to vector<1x16xf32>
      tpu.vector_store %arg7[%swap3A_889, %swap3A_890], %swap3A_893 {strides = array<i32>} : memref<800x32xf32, #tpu.memory_space<vmem>>, vector<1x16xf32>,
      %add3A_894 = arith.constant 200 : i32
      %add3A_895 = arith.addi %add3A_894, %scan3A_864 : i32
      %get3A_896 = arith.index_cast %add3A_895 : i32 to index
      %get3A_897 = arith.constant 0 : index
      %get3A_898 = tpu.vector_load %arg7[%get3A_896, %get3A_897] {strides = array<i32>} : memref<800x32xf32, #tpu.memory_space<vmem>>, vector<1x16xf32>,
      %get3A_899 = vector.shape_cast %get3A_898 : vector<1x16xf32> to vector<16xf32>
      %add3A_900 = arith.addf %get3A_899, %get3A_868 : vector<16xf32>
      %swap3A_901 = arith.index_cast %add3A_895 : i32 to index
      %swap3A_902 = arith.constant 0 : index
      %swap3A_903 = tpu.vector_load %arg7[%swap3A_901, %swap3A_902] {strides = array<i32>} : memref<800x32xf32, #tpu.memory_space<vmem>>, vector<1x16xf32>,
      %swap3A_904 = vector.shape_cast %swap3A_903 : vector<1x16xf32> to vector<16xf32>
      %swap3A_905 = vector.shape_cast %add3A_900 : vector<16xf32> to vector<1x16xf32>
      tpu.vector_store %arg7[%swap3A_901, %swap3A_902], %swap3A_905 {strides = array<i32>} : memref<800x32xf32, #tpu.memory_space<vmem>>, vector<1x16xf32>,
      %get3A_906 = arith.index_cast %add3A_895 : i32 to index
      %get3A_907 = arith.constant 16 : index
      %get3A_908 = tpu.vector_load %arg7[%get3A_906, %get3A_907] {strides = array<i32>} : memref<800x32xf32, #tpu.memory_space<vmem>>, vector<1x16xf32>,
      %get3A_909 = vector.shape_cast %get3A_908 : vector<1x16xf32> to vector<16xf32>
      %add3A_910 = arith.addf %get3A_909, %get3A_872 : vector<16xf32>
      %swap3A_911 = arith.index_cast %add3A_895 : i32 to index
      %swap3A_912 = arith.constant 16 : index
      %swap3A_913 = tpu.vector_load %arg7[%swap3A_911, %swap3A_912] {strides = array<i32>} : memref<800x32xf32, #tpu.memory_space<vmem>>, vector<1x16xf32>,
      %swap3A_914 = vector.shape_cast %swap3A_913 : vector<1x16xf32> to vector<16xf32>
      %swap3A_915 = vector.shape_cast %add3A_910 : vector<16xf32> to vector<1x16xf32>
      tpu.vector_store %arg7[%swap3A_911, %swap3A_912], %swap3A_915 {strides = array<i32>} : memref<800x32xf32, #tpu.memory_space<vmem>>, vector<1x16xf32>,
      %add3A_916 = arith.constant 400 : i32
      %add3A_917 = arith.addi %add3A_916, %scan3A_864 : i32
      %get3A_918 = arith.index_cast %add3A_917 : i32 to index
      %get3A_919 = arith.constant 0 : index
      %get3A_920 = tpu.vector_load %arg7[%get3A_918, %get3A_919] {strides = array<i32>} : memref<800x32xf32, #tpu.memory_space<vmem>>, vector<1x16xf32>,
      %get3A_921 = vector.shape_cast %get3A_920 : vector<1x16xf32> to vector<16xf32>
      %add3A_922 = arith.addf %get3A_921, %get3A_868 : vector<16xf32>
      %swap3A_923 = arith.index_cast %add3A_917 : i32 to index
      %swap3A_924 = arith.constant 0 : index
      %swap3A_925 = tpu.vector_load %arg7[%swap3A_923, %swap3A_924] {strides = array<i32>} : memref<800x32xf32, #tpu.memory_space<vmem>>, vector<1x16xf32>,
      %swap3A_926 = vector.shape_cast %swap3A_925 : vector<1x16xf32> to vector<16xf32>
      %swap3A_927 = vector.shape_cast %add3A_922 : vector<16xf32> to vector<1x16xf32>
      tpu.vector_store %arg7[%swap3A_923, %swap3A_924], %swap3A_927 {strides = array<i32>} : memref<800x32xf32, #tpu.memory_space<vmem>>, vector<1x16xf32>,
      %get3A_928 = arith.index_cast %add3A_917 : i32 to index
      %get3A_929 = arith.constant 16 : index
      %get3A_930 = tpu.vector_load %arg7[%get3A_928, %get3A_929] {strides = array<i32>} : memref<800x32xf32, #tpu.memory_space<vmem>>, vector<1x16xf32>,
      %get3A_931 = vector.shape_cast %get3A_930 : vector<1x16xf32> to vector<16xf32>
      %add3A_932 = arith.addf %get3A_931, %get3A_872 : vector<16xf32>
      %swap3A_933 = arith.index_cast %add3A_917 : i32 to index
      %swap3A_934 = arith.constant 16 : index
      %swap3A_935 = tpu.vector_load %arg7[%swap3A_933, %swap3A_934] {strides = array<i32>} : memref<800x32xf32, #tpu.memory_space<vmem>>, vector<1x16xf32>,
      %swap3A_936 = vector.shape_cast %swap3A_935 : vector<1x16xf32> to vector<16xf32>
      %swap3A_937 = vector.shape_cast %add3A_932 : vector<16xf32> to vector<1x16xf32>
      tpu.vector_store %arg7[%swap3A_933, %swap3A_934], %swap3A_937 {strides = array<i32>} : memref<800x32xf32, #tpu.memory_space<vmem>>, vector<1x16xf32>,
      %add3A_938 = arith.constant 600 : i32
      %add3A_939 = arith.addi %add3A_938, %scan3A_864 : i32
      %get3A_940 = arith.index_cast %add3A_939 : i32 to index
      %get3A_941 = arith.constant 0 : index
      %get3A_942 = tpu.vector_load %arg7[%get3A_940, %get3A_941] {strides = array<i32>} : memref<800x32xf32, #tpu.memory_space<vmem>>, vector<1x16xf32>,
      %get3A_943 = vector.shape_cast %get3A_942 : vector<1x16xf32> to vector<16xf32>
      %add3A_944 = arith.addf %get3A_943, %get3A_868 : vector<16xf32>
      %swap3A_945 = arith.index_cast %add3A_939 : i32 to index
      %swap3A_946 = arith.constant 0 : index
      %swap3A_947 = tpu.vector_load %arg7[%swap3A_945, %swap3A_946] {strides = array<i32>} : memref<800x32xf32, #tpu.memory_space<vmem>>, vector<1x16xf32>,
      %swap3A_948 = vector.shape_cast %swap3A_947 : vector<1x16xf32> to vector<16xf32>
      %swap3A_949 = vector.shape_cast %add3A_944 : vector<16xf32> to vector<1x16xf32>
      tpu.vector_store %arg7[%swap3A_945, %swap3A_946], %swap3A_949 {strides = array<i32>} : memref<800x32xf32, #tpu.memory_space<vmem>>, vector<1x16xf32>,
      %get3A_950 = arith.index_cast %add3A_939 : i32 to index
      %get3A_951 = arith.constant 16 : index
      %get3A_952 = tpu.vector_load %arg7[%get3A_950, %get3A_951] {strides = array<i32>} : memref<800x32xf32, #tpu.memory_space<vmem>>, vector<1x16xf32>,
      %get3A_953 = vector.shape_cast %get3A_952 : vector<1x16xf32> to vector<16xf32>
      %add3A_954 = arith.addf %get3A_953, %get3A_872 : vector<16xf32>
      %swap3A_955 = arith.index_cast %add3A_939 : i32 to index
      %swap3A_956 = arith.constant 16 : index
      %swap3A_957 = tpu.vector_load %arg7[%swap3A_955, %swap3A_956] {strides = array<i32>} : memref<800x32xf32, #tpu.memory_space<vmem>>, vector<1x16xf32>,
      %swap3A_958 = vector.shape_cast %swap3A_957 : vector<1x16xf32> to vector<16xf32>
      %swap3A_959 = vector.shape_cast %add3A_954 : vector<16xf32> to vector<1x16xf32>
      tpu.vector_store %arg7[%swap3A_955, %swap3A_956], %swap3A_959 {strides = array<i32>} : memref<800x32xf32, #tpu.memory_space<vmem>>, vector<1x16xf32>,
      %scan3A_960 = arith.constant 0 : i32
      scf.yield %scan3A_960 : i32
    }
    %scan3A_399 = arith.constant 200 : i32
    %add3A_400 = arith.constant 11200 : i32
    %add3A_401 = arith.addi %mul3A_2, %add3A_400 : i32
    %dma_start3A_402 = arith.constant 0 : i32
    %dma_start3A_403 = tpu.memref_slice %arg5[%add3A_401, %dma_start3A_402] : memref<819200x32xf32, #tpu.memory_space<hbm>> -> memref<800x32xf32, #tpu.memory_space<hbm>>
    %dma_start3A_404 = arith.constant 0 : i32
    %dma_start3A_405 = tpu.memref_slice %arg5[%add3A_401, %dma_start3A_404] : memref<819200x32xf32, #tpu.memory_space<hbm>> -> memref<800x32xf32, #tpu.memory_space<hbm>>
    tpu.enqueue_dma source(%arg7 : memref<800x32xf32, #tpu.memory_space<vmem>>) target(%dma_start3A_405 : memref<800x32xf32, #tpu.memory_space<hbm>>) target_semaphore(%arg12 : memref<!tpu.dma_semaphore, #tpu.memory_space<semaphore_mem>>)
    %dma_wait3A_406 = arith.constant 0 : i32
    %dma_wait3A_407 = tpu.memref_slice %arg5[%add3A_401, %dma_wait3A_406] : memref<819200x32xf32, #tpu.memory_space<hbm>> -> memref<800x32xf32, #tpu.memory_space<hbm>>
    %dma_wait3A_408 = arith.constant 0 : i32
    %dma_wait3A_409 = tpu.memref_slice %arg5[%add3A_401, %dma_wait3A_408] : memref<819200x32xf32, #tpu.memory_space<hbm>> -> memref<800x32xf32, #tpu.memory_space<hbm>>
    tpu.wait_dma2 semaphore(%arg12 : memref<!tpu.dma_semaphore, #tpu.memory_space<semaphore_mem>>) src(%arg7 : memref<800x32xf32, #tpu.memory_space<vmem>>) dst(%dma_wait3A_409 : memref<800x32xf32, #tpu.memory_space<hbm>>)
    %dma_start3A_410 = arith.constant 12800 : i32
    %dma_start3A_411 = tpu.memref_slice %arg6[%dma_start3A_410] : memref<25600xi32, #tpu.memory_space<vmem>> -> memref<800xi32, #tpu.memory_space<vmem>>
    %dma_start3A_412 = arith.constant 0 : i32
    %dma_start3A_413 = arith.constant 0 : i32
    %dma_start3A_414 = tpu.memref_slice %arg3[%dma_start3A_412, %dma_start3A_413] : memref<1000000x32xf32, #tpu.memory_space<hbm>> -> memref<1000000x32xf32, #tpu.memory_space<hbm>>
    tpu.enqueue_indirect_dma source(%dma_start3A_414 : memref<1000000x32xf32, #tpu.memory_space<hbm>>) target(%arg7 : memref<800x32xf32, #tpu.memory_space<vmem>>) offsets(%dma_start3A_411 : memref<800xi32, #tpu.memory_space<vmem>>) semaphore(%arg10 : memref<!tpu.dma_semaphore, #tpu.memory_space<semaphore_mem>>)
    %dma_wait3A_415 = arith.constant 12000 : i32
    %dma_wait3A_416 = tpu.memref_slice %arg6[%dma_wait3A_415] : memref<25600xi32, #tpu.memory_space<vmem>> -> memref<800xi32, #tpu.memory_space<vmem>>
    %dma_wait3A_417 = arith.constant 0 : i32
    %dma_wait3A_418 = arith.constant 0 : i32
    %dma_wait3A_419 = tpu.memref_slice %arg3[%dma_wait3A_417, %dma_wait3A_418] : memref<1000000x32xf32, #tpu.memory_space<hbm>> -> memref<1000000x32xf32, #tpu.memory_space<hbm>>
    tpu.wait_indirect_dma semaphore(%arg11 : memref<!tpu.dma_semaphore, #tpu.memory_space<semaphore_mem>>) src(%dma_wait3A_419 : memref<1000000x32xf32, #tpu.memory_space<hbm>>) dst(%arg8 : memref<800x32xf32, #tpu.memory_space<vmem>>)
    %scan3A_420 = arith.constant 0 : i32
    %scan3A_421 = arith.constant 0 : i32
    %scan3A_422 = arith.constant 200 : i32
    %scan3A_423 = arith.addi %scan3A_421, %scan3A_422 : i32
    %scan3A_424 = arith.constant 1 : i32
    %scan3A_425 = scf.for %scan3A_864 = %scan3A_421 to %scan3A_423 step %scan3A_424 iter_args(%scan3A_865 = %scan3A_420) -> (i32)  : i32 {
      %get3A = arith.index_cast %scan3A_864 : i32 to index
      %get3A_866 = arith.constant 0 : index
      %get3A_867 = tpu.vector_load %arg9[%get3A, %get3A_866] {strides = array<i32>} : memref<200x32xf32, #tpu.memory_space<vmem>>, vector<1x16xf32>,
      %get3A_868 = vector.shape_cast %get3A_867 : vector<1x16xf32> to vector<16xf32>
      %get3A_869 = arith.index_cast %scan3A_864 : i32 to index
      %get3A_870 = arith.constant 16 : index
      %get3A_871 = tpu.vector_load %arg9[%get3A_869, %get3A_870] {strides = array<i32>} : memref<200x32xf32, #tpu.memory_space<vmem>>, vector<1x16xf32>,
      %get3A_872 = vector.shape_cast %get3A_871 : vector<1x16xf32> to vector<16xf32>
      %add3A_873 = arith.constant 0 : i32
      %add3A_874 = arith.addi %add3A_873, %scan3A_864 : i32
      %get3A_875 = arith.index_cast %add3A_874 : i32 to index
      %get3A_876 = arith.constant 0 : index
      %get3A_877 = tpu.vector_load %arg8[%get3A_875, %get3A_876] {strides = array<i32>} : memref<800x32xf32, #tpu.memory_space<vmem>>, vector<1x16xf32>,
      %get3A_878 = vector.shape_cast %get3A_877 : vector<1x16xf32> to vector<16xf32>
      %add3A_879 = arith.addf %get3A_878, %get3A_868 : vector<16xf32>
      %swap3A = arith.index_cast %add3A_874 : i32 to index
      %swap3A_880 = arith.constant 0 : index
      %swap3A_881 = tpu.vector_load %arg8[%swap3A, %swap3A_880] {strides = array<i32>} : memref<800x32xf32, #tpu.memory_space<vmem>>, vector<1x16xf32>,
      %swap3A_882 = vector.shape_cast %swap3A_881 : vector<1x16xf32> to vector<16xf32>
      %swap3A_883 = vector.shape_cast %add3A_879 : vector<16xf32> to vector<1x16xf32>
      tpu.vector_store %arg8[%swap3A, %swap3A_880], %swap3A_883 {strides = array<i32>} : memref<800x32xf32, #tpu.memory_space<vmem>>, vector<1x16xf32>,
      %get3A_884 = arith.index_cast %add3A_874 : i32 to index
      %get3A_885 = arith.constant 16 : index
      %get3A_886 = tpu.vector_load %arg8[%get3A_884, %get3A_885] {strides = array<i32>} : memref<800x32xf32, #tpu.memory_space<vmem>>, vector<1x16xf32>,
      %get3A_887 = vector.shape_cast %get3A_886 : vector<1x16xf32> to vector<16xf32>
      %add3A_888 = arith.addf %get3A_887, %get3A_872 : vector<16xf32>
      %swap3A_889 = arith.index_cast %add3A_874 : i32 to index
      %swap3A_890 = arith.constant 16 : index
      %swap3A_891 = tpu.vector_load %arg8[%swap3A_889, %swap3A_890] {strides = array<i32>} : memref<800x32xf32, #tpu.memory_space<vmem>>, vector<1x16xf32>,
      %swap3A_892 = vector.shape_cast %swap3A_891 : vector<1x16xf32> to vector<16xf32>
      %swap3A_893 = vector.shape_cast %add3A_888 : vector<16xf32> to vector<1x16xf32>
      tpu.vector_store %arg8[%swap3A_889, %swap3A_890], %swap3A_893 {strides = array<i32>} : memref<800x32xf32, #tpu.memory_space<vmem>>, vector<1x16xf32>,
      %add3A_894 = arith.constant 200 : i32
      %add3A_895 = arith.addi %add3A_894, %scan3A_864 : i32
      %get3A_896 = arith.index_cast %add3A_895 : i32 to index
      %get3A_897 = arith.constant 0 : index
      %get3A_898 = tpu.vector_load %arg8[%get3A_896, %get3A_897] {strides = array<i32>} : memref<800x32xf32, #tpu.memory_space<vmem>>, vector<1x16xf32>,
      %get3A_899 = vector.shape_cast %get3A_898 : vector<1x16xf32> to vector<16xf32>
      %add3A_900 = arith.addf %get3A_899, %get3A_868 : vector<16xf32>
      %swap3A_901 = arith.index_cast %add3A_895 : i32 to index
      %swap3A_902 = arith.constant 0 : index
      %swap3A_903 = tpu.vector_load %arg8[%swap3A_901, %swap3A_902] {strides = array<i32>} : memref<800x32xf32, #tpu.memory_space<vmem>>, vector<1x16xf32>,
      %swap3A_904 = vector.shape_cast %swap3A_903 : vector<1x16xf32> to vector<16xf32>
      %swap3A_905 = vector.shape_cast %add3A_900 : vector<16xf32> to vector<1x16xf32>
      tpu.vector_store %arg8[%swap3A_901, %swap3A_902], %swap3A_905 {strides = array<i32>} : memref<800x32xf32, #tpu.memory_space<vmem>>, vector<1x16xf32>,
      %get3A_906 = arith.index_cast %add3A_895 : i32 to index
      %get3A_907 = arith.constant 16 : index
      %get3A_908 = tpu.vector_load %arg8[%get3A_906, %get3A_907] {strides = array<i32>} : memref<800x32xf32, #tpu.memory_space<vmem>>, vector<1x16xf32>,
      %get3A_909 = vector.shape_cast %get3A_908 : vector<1x16xf32> to vector<16xf32>
      %add3A_910 = arith.addf %get3A_909, %get3A_872 : vector<16xf32>
      %swap3A_911 = arith.index_cast %add3A_895 : i32 to index
      %swap3A_912 = arith.constant 16 : index
      %swap3A_913 = tpu.vector_load %arg8[%swap3A_911, %swap3A_912] {strides = array<i32>} : memref<800x32xf32, #tpu.memory_space<vmem>>, vector<1x16xf32>,
      %swap3A_914 = vector.shape_cast %swap3A_913 : vector<1x16xf32> to vector<16xf32>
      %swap3A_915 = vector.shape_cast %add3A_910 : vector<16xf32> to vector<1x16xf32>
      tpu.vector_store %arg8[%swap3A_911, %swap3A_912], %swap3A_915 {strides = array<i32>} : memref<800x32xf32, #tpu.memory_space<vmem>>, vector<1x16xf32>,
      %add3A_916 = arith.constant 400 : i32
      %add3A_917 = arith.addi %add3A_916, %scan3A_864 : i32
      %get3A_918 = arith.index_cast %add3A_917 : i32 to index
      %get3A_919 = arith.constant 0 : index
      %get3A_920 = tpu.vector_load %arg8[%get3A_918, %get3A_919] {strides = array<i32>} : memref<800x32xf32, #tpu.memory_space<vmem>>, vector<1x16xf32>,
      %get3A_921 = vector.shape_cast %get3A_920 : vector<1x16xf32> to vector<16xf32>
      %add3A_922 = arith.addf %get3A_921, %get3A_868 : vector<16xf32>
      %swap3A_923 = arith.index_cast %add3A_917 : i32 to index
      %swap3A_924 = arith.constant 0 : index
      %swap3A_925 = tpu.vector_load %arg8[%swap3A_923, %swap3A_924] {strides = array<i32>} : memref<800x32xf32, #tpu.memory_space<vmem>>, vector<1x16xf32>,
      %swap3A_926 = vector.shape_cast %swap3A_925 : vector<1x16xf32> to vector<16xf32>
      %swap3A_927 = vector.shape_cast %add3A_922 : vector<16xf32> to vector<1x16xf32>
      tpu.vector_store %arg8[%swap3A_923, %swap3A_924], %swap3A_927 {strides = array<i32>} : memref<800x32xf32, #tpu.memory_space<vmem>>, vector<1x16xf32>,
      %get3A_928 = arith.index_cast %add3A_917 : i32 to index
      %get3A_929 = arith.constant 16 : index
      %get3A_930 = tpu.vector_load %arg8[%get3A_928, %get3A_929] {strides = array<i32>} : memref<800x32xf32, #tpu.memory_space<vmem>>, vector<1x16xf32>,
      %get3A_931 = vector.shape_cast %get3A_930 : vector<1x16xf32> to vector<16xf32>
      %add3A_932 = arith.addf %get3A_931, %get3A_872 : vector<16xf32>
      %swap3A_933 = arith.index_cast %add3A_917 : i32 to index
      %swap3A_934 = arith.constant 16 : index
      %swap3A_935 = tpu.vector_load %arg8[%swap3A_933, %swap3A_934] {strides = array<i32>} : memref<800x32xf32, #tpu.memory_space<vmem>>, vector<1x16xf32>,
      %swap3A_936 = vector.shape_cast %swap3A_935 : vector<1x16xf32> to vector<16xf32>
      %swap3A_937 = vector.shape_cast %add3A_932 : vector<16xf32> to vector<1x16xf32>
      tpu.vector_store %arg8[%swap3A_933, %swap3A_934], %swap3A_937 {strides = array<i32>} : memref<800x32xf32, #tpu.memory_space<vmem>>, vector<1x16xf32>,
      %add3A_938 = arith.constant 600 : i32
      %add3A_939 = arith.addi %add3A_938, %scan3A_864 : i32
      %get3A_940 = arith.index_cast %add3A_939 : i32 to index
      %get3A_941 = arith.constant 0 : index
      %get3A_942 = tpu.vector_load %arg8[%get3A_940, %get3A_941] {strides = array<i32>} : memref<800x32xf32, #tpu.memory_space<vmem>>, vector<1x16xf32>,
      %get3A_943 = vector.shape_cast %get3A_942 : vector<1x16xf32> to vector<16xf32>
      %add3A_944 = arith.addf %get3A_943, %get3A_868 : vector<16xf32>
      %swap3A_945 = arith.index_cast %add3A_939 : i32 to index
      %swap3A_946 = arith.constant 0 : index
      %swap3A_947 = tpu.vector_load %arg8[%swap3A_945, %swap3A_946] {strides = array<i32>} : memref<800x32xf32, #tpu.memory_space<vmem>>, vector<1x16xf32>,
      %swap3A_948 = vector.shape_cast %swap3A_947 : vector<1x16xf32> to vector<16xf32>
      %swap3A_949 = vector.shape_cast %add3A_944 : vector<16xf32> to vector<1x16xf32>
      tpu.vector_store %arg8[%swap3A_945, %swap3A_946], %swap3A_949 {strides = array<i32>} : memref<800x32xf32, #tpu.memory_space<vmem>>, vector<1x16xf32>,
      %get3A_950 = arith.index_cast %add3A_939 : i32 to index
      %get3A_951 = arith.constant 16 : index
      %get3A_952 = tpu.vector_load %arg8[%get3A_950, %get3A_951] {strides = array<i32>} : memref<800x32xf32, #tpu.memory_space<vmem>>, vector<1x16xf32>,
      %get3A_953 = vector.shape_cast %get3A_952 : vector<1x16xf32> to vector<16xf32>
      %add3A_954 = arith.addf %get3A_953, %get3A_872 : vector<16xf32>
      %swap3A_955 = arith.index_cast %add3A_939 : i32 to index
      %swap3A_956 = arith.constant 16 : index
      %swap3A_957 = tpu.vector_load %arg8[%swap3A_955, %swap3A_956] {strides = array<i32>} : memref<800x32xf32, #tpu.memory_space<vmem>>, vector<1x16xf32>,
      %swap3A_958 = vector.shape_cast %swap3A_957 : vector<1x16xf32> to vector<16xf32>
      %swap3A_959 = vector.shape_cast %add3A_954 : vector<16xf32> to vector<1x16xf32>
      tpu.vector_store %arg8[%swap3A_955, %swap3A_956], %swap3A_959 {strides = array<i32>} : memref<800x32xf32, #tpu.memory_space<vmem>>, vector<1x16xf32>,
      %scan3A_960 = arith.constant 0 : i32
      scf.yield %scan3A_960 : i32
    }
    %scan3A_426 = arith.constant 200 : i32
    %add3A_427 = arith.constant 12000 : i32
    %add3A_428 = arith.addi %mul3A_2, %add3A_427 : i32
    %dma_start3A_429 = arith.constant 0 : i32
    %dma_start3A_430 = tpu.memref_slice %arg5[%add3A_428, %dma_start3A_429] : memref<819200x32xf32, #tpu.memory_space<hbm>> -> memref<800x32xf32, #tpu.memory_space<hbm>>
    %dma_start3A_431 = arith.constant 0 : i32
    %dma_start3A_432 = tpu.memref_slice %arg5[%add3A_428, %dma_start3A_431] : memref<819200x32xf32, #tpu.memory_space<hbm>> -> memref<800x32xf32, #tpu.memory_space<hbm>>
    tpu.enqueue_dma source(%arg8 : memref<800x32xf32, #tpu.memory_space<vmem>>) target(%dma_start3A_432 : memref<800x32xf32, #tpu.memory_space<hbm>>) target_semaphore(%arg13 : memref<!tpu.dma_semaphore, #tpu.memory_space<semaphore_mem>>)
    %dma_wait3A_433 = arith.constant 0 : i32
    %dma_wait3A_434 = tpu.memref_slice %arg5[%add3A_428, %dma_wait3A_433] : memref<819200x32xf32, #tpu.memory_space<hbm>> -> memref<800x32xf32, #tpu.memory_space<hbm>>
    %dma_wait3A_435 = arith.constant 0 : i32
    %dma_wait3A_436 = tpu.memref_slice %arg5[%add3A_428, %dma_wait3A_435] : memref<819200x32xf32, #tpu.memory_space<hbm>> -> memref<800x32xf32, #tpu.memory_space<hbm>>
    tpu.wait_dma2 semaphore(%arg13 : memref<!tpu.dma_semaphore, #tpu.memory_space<semaphore_mem>>) src(%arg8 : memref<800x32xf32, #tpu.memory_space<vmem>>) dst(%dma_wait3A_436 : memref<800x32xf32, #tpu.memory_space<hbm>>)
    %dma_start3A_437 = arith.constant 13600 : i32
    %dma_start3A_438 = tpu.memref_slice %arg6[%dma_start3A_437] : memref<25600xi32, #tpu.memory_space<vmem>> -> memref<800xi32, #tpu.memory_space<vmem>>
    %dma_start3A_439 = arith.constant 0 : i32
    %dma_start3A_440 = arith.constant 0 : i32
    %dma_start3A_441 = tpu.memref_slice %arg3[%dma_start3A_439, %dma_start3A_440] : memref<1000000x32xf32, #tpu.memory_space<hbm>> -> memref<1000000x32xf32, #tpu.memory_space<hbm>>
    tpu.enqueue_indirect_dma source(%dma_start3A_441 : memref<1000000x32xf32, #tpu.memory_space<hbm>>) target(%arg8 : memref<800x32xf32, #tpu.memory_space<vmem>>) offsets(%dma_start3A_438 : memref<800xi32, #tpu.memory_space<vmem>>) semaphore(%arg11 : memref<!tpu.dma_semaphore, #tpu.memory_space<semaphore_mem>>)
    %dma_wait3A_442 = arith.constant 12800 : i32
    %dma_wait3A_443 = tpu.memref_slice %arg6[%dma_wait3A_442] : memref<25600xi32, #tpu.memory_space<vmem>> -> memref<800xi32, #tpu.memory_space<vmem>>
    %dma_wait3A_444 = arith.constant 0 : i32
    %dma_wait3A_445 = arith.constant 0 : i32
    %dma_wait3A_446 = tpu.memref_slice %arg3[%dma_wait3A_444, %dma_wait3A_445] : memref<1000000x32xf32, #tpu.memory_space<hbm>> -> memref<1000000x32xf32, #tpu.memory_space<hbm>>
    tpu.wait_indirect_dma semaphore(%arg10 : memref<!tpu.dma_semaphore, #tpu.memory_space<semaphore_mem>>) src(%dma_wait3A_446 : memref<1000000x32xf32, #tpu.memory_space<hbm>>) dst(%arg7 : memref<800x32xf32, #tpu.memory_space<vmem>>)
    %scan3A_447 = arith.constant 0 : i32
    %scan3A_448 = arith.constant 0 : i32
    %scan3A_449 = arith.constant 200 : i32
    %scan3A_450 = arith.addi %scan3A_448, %scan3A_449 : i32
    %scan3A_451 = arith.constant 1 : i32
    %scan3A_452 = scf.for %scan3A_864 = %scan3A_448 to %scan3A_450 step %scan3A_451 iter_args(%scan3A_865 = %scan3A_447) -> (i32)  : i32 {
      %get3A = arith.index_cast %scan3A_864 : i32 to index
      %get3A_866 = arith.constant 0 : index
      %get3A_867 = tpu.vector_load %arg9[%get3A, %get3A_866] {strides = array<i32>} : memref<200x32xf32, #tpu.memory_space<vmem>>, vector<1x16xf32>,
      %get3A_868 = vector.shape_cast %get3A_867 : vector<1x16xf32> to vector<16xf32>
      %get3A_869 = arith.index_cast %scan3A_864 : i32 to index
      %get3A_870 = arith.constant 16 : index
      %get3A_871 = tpu.vector_load %arg9[%get3A_869, %get3A_870] {strides = array<i32>} : memref<200x32xf32, #tpu.memory_space<vmem>>, vector<1x16xf32>,
      %get3A_872 = vector.shape_cast %get3A_871 : vector<1x16xf32> to vector<16xf32>
      %add3A_873 = arith.constant 0 : i32
      %add3A_874 = arith.addi %add3A_873, %scan3A_864 : i32
      %get3A_875 = arith.index_cast %add3A_874 : i32 to index
      %get3A_876 = arith.constant 0 : index
      %get3A_877 = tpu.vector_load %arg7[%get3A_875, %get3A_876] {strides = array<i32>} : memref<800x32xf32, #tpu.memory_space<vmem>>, vector<1x16xf32>,
      %get3A_878 = vector.shape_cast %get3A_877 : vector<1x16xf32> to vector<16xf32>
      %add3A_879 = arith.addf %get3A_878, %get3A_868 : vector<16xf32>
      %swap3A = arith.index_cast %add3A_874 : i32 to index
      %swap3A_880 = arith.constant 0 : index
      %swap3A_881 = tpu.vector_load %arg7[%swap3A, %swap3A_880] {strides = array<i32>} : memref<800x32xf32, #tpu.memory_space<vmem>>, vector<1x16xf32>,
      %swap3A_882 = vector.shape_cast %swap3A_881 : vector<1x16xf32> to vector<16xf32>
      %swap3A_883 = vector.shape_cast %add3A_879 : vector<16xf32> to vector<1x16xf32>
      tpu.vector_store %arg7[%swap3A, %swap3A_880], %swap3A_883 {strides = array<i32>} : memref<800x32xf32, #tpu.memory_space<vmem>>, vector<1x16xf32>,
      %get3A_884 = arith.index_cast %add3A_874 : i32 to index
      %get3A_885 = arith.constant 16 : index
      %get3A_886 = tpu.vector_load %arg7[%get3A_884, %get3A_885] {strides = array<i32>} : memref<800x32xf32, #tpu.memory_space<vmem>>, vector<1x16xf32>,
      %get3A_887 = vector.shape_cast %get3A_886 : vector<1x16xf32> to vector<16xf32>
      %add3A_888 = arith.addf %get3A_887, %get3A_872 : vector<16xf32>
      %swap3A_889 = arith.index_cast %add3A_874 : i32 to index
      %swap3A_890 = arith.constant 16 : index
      %swap3A_891 = tpu.vector_load %arg7[%swap3A_889, %swap3A_890] {strides = array<i32>} : memref<800x32xf32, #tpu.memory_space<vmem>>, vector<1x16xf32>,
      %swap3A_892 = vector.shape_cast %swap3A_891 : vector<1x16xf32> to vector<16xf32>
      %swap3A_893 = vector.shape_cast %add3A_888 : vector<16xf32> to vector<1x16xf32>
      tpu.vector_store %arg7[%swap3A_889, %swap3A_890], %swap3A_893 {strides = array<i32>} : memref<800x32xf32, #tpu.memory_space<vmem>>, vector<1x16xf32>,
      %add3A_894 = arith.constant 200 : i32
      %add3A_895 = arith.addi %add3A_894, %scan3A_864 : i32
      %get3A_896 = arith.index_cast %add3A_895 : i32 to index
      %get3A_897 = arith.constant 0 : index
      %get3A_898 = tpu.vector_load %arg7[%get3A_896, %get3A_897] {strides = array<i32>} : memref<800x32xf32, #tpu.memory_space<vmem>>, vector<1x16xf32>,
      %get3A_899 = vector.shape_cast %get3A_898 : vector<1x16xf32> to vector<16xf32>
      %add3A_900 = arith.addf %get3A_899, %get3A_868 : vector<16xf32>
      %swap3A_901 = arith.index_cast %add3A_895 : i32 to index
      %swap3A_902 = arith.constant 0 : index
      %swap3A_903 = tpu.vector_load %arg7[%swap3A_901, %swap3A_902] {strides = array<i32>} : memref<800x32xf32, #tpu.memory_space<vmem>>, vector<1x16xf32>,
      %swap3A_904 = vector.shape_cast %swap3A_903 : vector<1x16xf32> to vector<16xf32>
      %swap3A_905 = vector.shape_cast %add3A_900 : vector<16xf32> to vector<1x16xf32>
      tpu.vector_store %arg7[%swap3A_901, %swap3A_902], %swap3A_905 {strides = array<i32>} : memref<800x32xf32, #tpu.memory_space<vmem>>, vector<1x16xf32>,
      %get3A_906 = arith.index_cast %add3A_895 : i32 to index
      %get3A_907 = arith.constant 16 : index
      %get3A_908 = tpu.vector_load %arg7[%get3A_906, %get3A_907] {strides = array<i32>} : memref<800x32xf32, #tpu.memory_space<vmem>>, vector<1x16xf32>,
      %get3A_909 = vector.shape_cast %get3A_908 : vector<1x16xf32> to vector<16xf32>
      %add3A_910 = arith.addf %get3A_909, %get3A_872 : vector<16xf32>
      %swap3A_911 = arith.index_cast %add3A_895 : i32 to index
      %swap3A_912 = arith.constant 16 : index
      %swap3A_913 = tpu.vector_load %arg7[%swap3A_911, %swap3A_912] {strides = array<i32>} : memref<800x32xf32, #tpu.memory_space<vmem>>, vector<1x16xf32>,
      %swap3A_914 = vector.shape_cast %swap3A_913 : vector<1x16xf32> to vector<16xf32>
      %swap3A_915 = vector.shape_cast %add3A_910 : vector<16xf32> to vector<1x16xf32>
      tpu.vector_store %arg7[%swap3A_911, %swap3A_912], %swap3A_915 {strides = array<i32>} : memref<800x32xf32, #tpu.memory_space<vmem>>, vector<1x16xf32>,
      %add3A_916 = arith.constant 400 : i32
      %add3A_917 = arith.addi %add3A_916, %scan3A_864 : i32
      %get3A_918 = arith.index_cast %add3A_917 : i32 to index
      %get3A_919 = arith.constant 0 : index
      %get3A_920 = tpu.vector_load %arg7[%get3A_918, %get3A_919] {strides = array<i32>} : memref<800x32xf32, #tpu.memory_space<vmem>>, vector<1x16xf32>,
      %get3A_921 = vector.shape_cast %get3A_920 : vector<1x16xf32> to vector<16xf32>
      %add3A_922 = arith.addf %get3A_921, %get3A_868 : vector<16xf32>
      %swap3A_923 = arith.index_cast %add3A_917 : i32 to index
      %swap3A_924 = arith.constant 0 : index
      %swap3A_925 = tpu.vector_load %arg7[%swap3A_923, %swap3A_924] {strides = array<i32>} : memref<800x32xf32, #tpu.memory_space<vmem>>, vector<1x16xf32>,
      %swap3A_926 = vector.shape_cast %swap3A_925 : vector<1x16xf32> to vector<16xf32>
      %swap3A_927 = vector.shape_cast %add3A_922 : vector<16xf32> to vector<1x16xf32>
      tpu.vector_store %arg7[%swap3A_923, %swap3A_924], %swap3A_927 {strides = array<i32>} : memref<800x32xf32, #tpu.memory_space<vmem>>, vector<1x16xf32>,
      %get3A_928 = arith.index_cast %add3A_917 : i32 to index
      %get3A_929 = arith.constant 16 : index
      %get3A_930 = tpu.vector_load %arg7[%get3A_928, %get3A_929] {strides = array<i32>} : memref<800x32xf32, #tpu.memory_space<vmem>>, vector<1x16xf32>,
      %get3A_931 = vector.shape_cast %get3A_930 : vector<1x16xf32> to vector<16xf32>
      %add3A_932 = arith.addf %get3A_931, %get3A_872 : vector<16xf32>
      %swap3A_933 = arith.index_cast %add3A_917 : i32 to index
      %swap3A_934 = arith.constant 16 : index
      %swap3A_935 = tpu.vector_load %arg7[%swap3A_933, %swap3A_934] {strides = array<i32>} : memref<800x32xf32, #tpu.memory_space<vmem>>, vector<1x16xf32>,
      %swap3A_936 = vector.shape_cast %swap3A_935 : vector<1x16xf32> to vector<16xf32>
      %swap3A_937 = vector.shape_cast %add3A_932 : vector<16xf32> to vector<1x16xf32>
      tpu.vector_store %arg7[%swap3A_933, %swap3A_934], %swap3A_937 {strides = array<i32>} : memref<800x32xf32, #tpu.memory_space<vmem>>, vector<1x16xf32>,
      %add3A_938 = arith.constant 600 : i32
      %add3A_939 = arith.addi %add3A_938, %scan3A_864 : i32
      %get3A_940 = arith.index_cast %add3A_939 : i32 to index
      %get3A_941 = arith.constant 0 : index
      %get3A_942 = tpu.vector_load %arg7[%get3A_940, %get3A_941] {strides = array<i32>} : memref<800x32xf32, #tpu.memory_space<vmem>>, vector<1x16xf32>,
      %get3A_943 = vector.shape_cast %get3A_942 : vector<1x16xf32> to vector<16xf32>
      %add3A_944 = arith.addf %get3A_943, %get3A_868 : vector<16xf32>
      %swap3A_945 = arith.index_cast %add3A_939 : i32 to index
      %swap3A_946 = arith.constant 0 : index
      %swap3A_947 = tpu.vector_load %arg7[%swap3A_945, %swap3A_946] {strides = array<i32>} : memref<800x32xf32, #tpu.memory_space<vmem>>, vector<1x16xf32>,
      %swap3A_948 = vector.shape_cast %swap3A_947 : vector<1x16xf32> to vector<16xf32>
      %swap3A_949 = vector.shape_cast %add3A_944 : vector<16xf32> to vector<1x16xf32>
      tpu.vector_store %arg7[%swap3A_945, %swap3A_946], %swap3A_949 {strides = array<i32>} : memref<800x32xf32, #tpu.memory_space<vmem>>, vector<1x16xf32>,
      %get3A_950 = arith.index_cast %add3A_939 : i32 to index
      %get3A_951 = arith.constant 16 : index
      %get3A_952 = tpu.vector_load %arg7[%get3A_950, %get3A_951] {strides = array<i32>} : memref<800x32xf32, #tpu.memory_space<vmem>>, vector<1x16xf32>,
      %get3A_953 = vector.shape_cast %get3A_952 : vector<1x16xf32> to vector<16xf32>
      %add3A_954 = arith.addf %get3A_953, %get3A_872 : vector<16xf32>
      %swap3A_955 = arith.index_cast %add3A_939 : i32 to index
      %swap3A_956 = arith.constant 16 : index
      %swap3A_957 = tpu.vector_load %arg7[%swap3A_955, %swap3A_956] {strides = array<i32>} : memref<800x32xf32, #tpu.memory_space<vmem>>, vector<1x16xf32>,
      %swap3A_958 = vector.shape_cast %swap3A_957 : vector<1x16xf32> to vector<16xf32>
      %swap3A_959 = vector.shape_cast %add3A_954 : vector<16xf32> to vector<1x16xf32>
      tpu.vector_store %arg7[%swap3A_955, %swap3A_956], %swap3A_959 {strides = array<i32>} : memref<800x32xf32, #tpu.memory_space<vmem>>, vector<1x16xf32>,
      %scan3A_960 = arith.constant 0 : i32
      scf.yield %scan3A_960 : i32
    }
    %scan3A_453 = arith.constant 200 : i32
    %add3A_454 = arith.constant 12800 : i32
    %add3A_455 = arith.addi %mul3A_2, %add3A_454 : i32
    %dma_start3A_456 = arith.constant 0 : i32
    %dma_start3A_457 = tpu.memref_slice %arg5[%add3A_455, %dma_start3A_456] : memref<819200x32xf32, #tpu.memory_space<hbm>> -> memref<800x32xf32, #tpu.memory_space<hbm>>
    %dma_start3A_458 = arith.constant 0 : i32
    %dma_start3A_459 = tpu.memref_slice %arg5[%add3A_455, %dma_start3A_458] : memref<819200x32xf32, #tpu.memory_space<hbm>> -> memref<800x32xf32, #tpu.memory_space<hbm>>
    tpu.enqueue_dma source(%arg7 : memref<800x32xf32, #tpu.memory_space<vmem>>) target(%dma_start3A_459 : memref<800x32xf32, #tpu.memory_space<hbm>>) target_semaphore(%arg12 : memref<!tpu.dma_semaphore, #tpu.memory_space<semaphore_mem>>)
    %dma_wait3A_460 = arith.constant 0 : i32
    %dma_wait3A_461 = tpu.memref_slice %arg5[%add3A_455, %dma_wait3A_460] : memref<819200x32xf32, #tpu.memory_space<hbm>> -> memref<800x32xf32, #tpu.memory_space<hbm>>
    %dma_wait3A_462 = arith.constant 0 : i32
    %dma_wait3A_463 = tpu.memref_slice %arg5[%add3A_455, %dma_wait3A_462] : memref<819200x32xf32, #tpu.memory_space<hbm>> -> memref<800x32xf32, #tpu.memory_space<hbm>>
    tpu.wait_dma2 semaphore(%arg12 : memref<!tpu.dma_semaphore, #tpu.memory_space<semaphore_mem>>) src(%arg7 : memref<800x32xf32, #tpu.memory_space<vmem>>) dst(%dma_wait3A_463 : memref<800x32xf32, #tpu.memory_space<hbm>>)
    %dma_start3A_464 = arith.constant 14400 : i32
    %dma_start3A_465 = tpu.memref_slice %arg6[%dma_start3A_464] : memref<25600xi32, #tpu.memory_space<vmem>> -> memref<800xi32, #tpu.memory_space<vmem>>
    %dma_start3A_466 = arith.constant 0 : i32
    %dma_start3A_467 = arith.constant 0 : i32
    %dma_start3A_468 = tpu.memref_slice %arg3[%dma_start3A_466, %dma_start3A_467] : memref<1000000x32xf32, #tpu.memory_space<hbm>> -> memref<1000000x32xf32, #tpu.memory_space<hbm>>
    tpu.enqueue_indirect_dma source(%dma_start3A_468 : memref<1000000x32xf32, #tpu.memory_space<hbm>>) target(%arg7 : memref<800x32xf32, #tpu.memory_space<vmem>>) offsets(%dma_start3A_465 : memref<800xi32, #tpu.memory_space<vmem>>) semaphore(%arg10 : memref<!tpu.dma_semaphore, #tpu.memory_space<semaphore_mem>>)
    %dma_wait3A_469 = arith.constant 13600 : i32
    %dma_wait3A_470 = tpu.memref_slice %arg6[%dma_wait3A_469] : memref<25600xi32, #tpu.memory_space<vmem>> -> memref<800xi32, #tpu.memory_space<vmem>>
    %dma_wait3A_471 = arith.constant 0 : i32
    %dma_wait3A_472 = arith.constant 0 : i32
    %dma_wait3A_473 = tpu.memref_slice %arg3[%dma_wait3A_471, %dma_wait3A_472] : memref<1000000x32xf32, #tpu.memory_space<hbm>> -> memref<1000000x32xf32, #tpu.memory_space<hbm>>
    tpu.wait_indirect_dma semaphore(%arg11 : memref<!tpu.dma_semaphore, #tpu.memory_space<semaphore_mem>>) src(%dma_wait3A_473 : memref<1000000x32xf32, #tpu.memory_space<hbm>>) dst(%arg8 : memref<800x32xf32, #tpu.memory_space<vmem>>)
    %scan3A_474 = arith.constant 0 : i32
    %scan3A_475 = arith.constant 0 : i32
    %scan3A_476 = arith.constant 200 : i32
    %scan3A_477 = arith.addi %scan3A_475, %scan3A_476 : i32
    %scan3A_478 = arith.constant 1 : i32
    %scan3A_479 = scf.for %scan3A_864 = %scan3A_475 to %scan3A_477 step %scan3A_478 iter_args(%scan3A_865 = %scan3A_474) -> (i32)  : i32 {
      %get3A = arith.index_cast %scan3A_864 : i32 to index
      %get3A_866 = arith.constant 0 : index
      %get3A_867 = tpu.vector_load %arg9[%get3A, %get3A_866] {strides = array<i32>} : memref<200x32xf32, #tpu.memory_space<vmem>>, vector<1x16xf32>,
      %get3A_868 = vector.shape_cast %get3A_867 : vector<1x16xf32> to vector<16xf32>
      %get3A_869 = arith.index_cast %scan3A_864 : i32 to index
      %get3A_870 = arith.constant 16 : index
      %get3A_871 = tpu.vector_load %arg9[%get3A_869, %get3A_870] {strides = array<i32>} : memref<200x32xf32, #tpu.memory_space<vmem>>, vector<1x16xf32>,
      %get3A_872 = vector.shape_cast %get3A_871 : vector<1x16xf32> to vector<16xf32>
      %add3A_873 = arith.constant 0 : i32
      %add3A_874 = arith.addi %add3A_873, %scan3A_864 : i32
      %get3A_875 = arith.index_cast %add3A_874 : i32 to index
      %get3A_876 = arith.constant 0 : index
      %get3A_877 = tpu.vector_load %arg8[%get3A_875, %get3A_876] {strides = array<i32>} : memref<800x32xf32, #tpu.memory_space<vmem>>, vector<1x16xf32>,
      %get3A_878 = vector.shape_cast %get3A_877 : vector<1x16xf32> to vector<16xf32>
      %add3A_879 = arith.addf %get3A_878, %get3A_868 : vector<16xf32>
      %swap3A = arith.index_cast %add3A_874 : i32 to index
      %swap3A_880 = arith.constant 0 : index
      %swap3A_881 = tpu.vector_load %arg8[%swap3A, %swap3A_880] {strides = array<i32>} : memref<800x32xf32, #tpu.memory_space<vmem>>, vector<1x16xf32>,
      %swap3A_882 = vector.shape_cast %swap3A_881 : vector<1x16xf32> to vector<16xf32>
      %swap3A_883 = vector.shape_cast %add3A_879 : vector<16xf32> to vector<1x16xf32>
      tpu.vector_store %arg8[%swap3A, %swap3A_880], %swap3A_883 {strides = array<i32>} : memref<800x32xf32, #tpu.memory_space<vmem>>, vector<1x16xf32>,
      %get3A_884 = arith.index_cast %add3A_874 : i32 to index
      %get3A_885 = arith.constant 16 : index
      %get3A_886 = tpu.vector_load %arg8[%get3A_884, %get3A_885] {strides = array<i32>} : memref<800x32xf32, #tpu.memory_space<vmem>>, vector<1x16xf32>,
      %get3A_887 = vector.shape_cast %get3A_886 : vector<1x16xf32> to vector<16xf32>
      %add3A_888 = arith.addf %get3A_887, %get3A_872 : vector<16xf32>
      %swap3A_889 = arith.index_cast %add3A_874 : i32 to index
      %swap3A_890 = arith.constant 16 : index
      %swap3A_891 = tpu.vector_load %arg8[%swap3A_889, %swap3A_890] {strides = array<i32>} : memref<800x32xf32, #tpu.memory_space<vmem>>, vector<1x16xf32>,
      %swap3A_892 = vector.shape_cast %swap3A_891 : vector<1x16xf32> to vector<16xf32>
      %swap3A_893 = vector.shape_cast %add3A_888 : vector<16xf32> to vector<1x16xf32>
      tpu.vector_store %arg8[%swap3A_889, %swap3A_890], %swap3A_893 {strides = array<i32>} : memref<800x32xf32, #tpu.memory_space<vmem>>, vector<1x16xf32>,
      %add3A_894 = arith.constant 200 : i32
      %add3A_895 = arith.addi %add3A_894, %scan3A_864 : i32
      %get3A_896 = arith.index_cast %add3A_895 : i32 to index
      %get3A_897 = arith.constant 0 : index
      %get3A_898 = tpu.vector_load %arg8[%get3A_896, %get3A_897] {strides = array<i32>} : memref<800x32xf32, #tpu.memory_space<vmem>>, vector<1x16xf32>,
      %get3A_899 = vector.shape_cast %get3A_898 : vector<1x16xf32> to vector<16xf32>
      %add3A_900 = arith.addf %get3A_899, %get3A_868 : vector<16xf32>
      %swap3A_901 = arith.index_cast %add3A_895 : i32 to index
      %swap3A_902 = arith.constant 0 : index
      %swap3A_903 = tpu.vector_load %arg8[%swap3A_901, %swap3A_902] {strides = array<i32>} : memref<800x32xf32, #tpu.memory_space<vmem>>, vector<1x16xf32>,
      %swap3A_904 = vector.shape_cast %swap3A_903 : vector<1x16xf32> to vector<16xf32>
      %swap3A_905 = vector.shape_cast %add3A_900 : vector<16xf32> to vector<1x16xf32>
      tpu.vector_store %arg8[%swap3A_901, %swap3A_902], %swap3A_905 {strides = array<i32>} : memref<800x32xf32, #tpu.memory_space<vmem>>, vector<1x16xf32>,
      %get3A_906 = arith.index_cast %add3A_895 : i32 to index
      %get3A_907 = arith.constant 16 : index
      %get3A_908 = tpu.vector_load %arg8[%get3A_906, %get3A_907] {strides = array<i32>} : memref<800x32xf32, #tpu.memory_space<vmem>>, vector<1x16xf32>,
      %get3A_909 = vector.shape_cast %get3A_908 : vector<1x16xf32> to vector<16xf32>
      %add3A_910 = arith.addf %get3A_909, %get3A_872 : vector<16xf32>
      %swap3A_911 = arith.index_cast %add3A_895 : i32 to index
      %swap3A_912 = arith.constant 16 : index
      %swap3A_913 = tpu.vector_load %arg8[%swap3A_911, %swap3A_912] {strides = array<i32>} : memref<800x32xf32, #tpu.memory_space<vmem>>, vector<1x16xf32>,
      %swap3A_914 = vector.shape_cast %swap3A_913 : vector<1x16xf32> to vector<16xf32>
      %swap3A_915 = vector.shape_cast %add3A_910 : vector<16xf32> to vector<1x16xf32>
      tpu.vector_store %arg8[%swap3A_911, %swap3A_912], %swap3A_915 {strides = array<i32>} : memref<800x32xf32, #tpu.memory_space<vmem>>, vector<1x16xf32>,
      %add3A_916 = arith.constant 400 : i32
      %add3A_917 = arith.addi %add3A_916, %scan3A_864 : i32
      %get3A_918 = arith.index_cast %add3A_917 : i32 to index
      %get3A_919 = arith.constant 0 : index
      %get3A_920 = tpu.vector_load %arg8[%get3A_918, %get3A_919] {strides = array<i32>} : memref<800x32xf32, #tpu.memory_space<vmem>>, vector<1x16xf32>,
      %get3A_921 = vector.shape_cast %get3A_920 : vector<1x16xf32> to vector<16xf32>
      %add3A_922 = arith.addf %get3A_921, %get3A_868 : vector<16xf32>
      %swap3A_923 = arith.index_cast %add3A_917 : i32 to index
      %swap3A_924 = arith.constant 0 : index
      %swap3A_925 = tpu.vector_load %arg8[%swap3A_923, %swap3A_924] {strides = array<i32>} : memref<800x32xf32, #tpu.memory_space<vmem>>, vector<1x16xf32>,
      %swap3A_926 = vector.shape_cast %swap3A_925 : vector<1x16xf32> to vector<16xf32>
      %swap3A_927 = vector.shape_cast %add3A_922 : vector<16xf32> to vector<1x16xf32>
      tpu.vector_store %arg8[%swap3A_923, %swap3A_924], %swap3A_927 {strides = array<i32>} : memref<800x32xf32, #tpu.memory_space<vmem>>, vector<1x16xf32>,
      %get3A_928 = arith.index_cast %add3A_917 : i32 to index
      %get3A_929 = arith.constant 16 : index
      %get3A_930 = tpu.vector_load %arg8[%get3A_928, %get3A_929] {strides = array<i32>} : memref<800x32xf32, #tpu.memory_space<vmem>>, vector<1x16xf32>,
      %get3A_931 = vector.shape_cast %get3A_930 : vector<1x16xf32> to vector<16xf32>
      %add3A_932 = arith.addf %get3A_931, %get3A_872 : vector<16xf32>
      %swap3A_933 = arith.index_cast %add3A_917 : i32 to index
      %swap3A_934 = arith.constant 16 : index
      %swap3A_935 = tpu.vector_load %arg8[%swap3A_933, %swap3A_934] {strides = array<i32>} : memref<800x32xf32, #tpu.memory_space<vmem>>, vector<1x16xf32>,
      %swap3A_936 = vector.shape_cast %swap3A_935 : vector<1x16xf32> to vector<16xf32>
      %swap3A_937 = vector.shape_cast %add3A_932 : vector<16xf32> to vector<1x16xf32>
      tpu.vector_store %arg8[%swap3A_933, %swap3A_934], %swap3A_937 {strides = array<i32>} : memref<800x32xf32, #tpu.memory_space<vmem>>, vector<1x16xf32>,
      %add3A_938 = arith.constant 600 : i32
      %add3A_939 = arith.addi %add3A_938, %scan3A_864 : i32
      %get3A_940 = arith.index_cast %add3A_939 : i32 to index
      %get3A_941 = arith.constant 0 : index
      %get3A_942 = tpu.vector_load %arg8[%get3A_940, %get3A_941] {strides = array<i32>} : memref<800x32xf32, #tpu.memory_space<vmem>>, vector<1x16xf32>,
      %get3A_943 = vector.shape_cast %get3A_942 : vector<1x16xf32> to vector<16xf32>
      %add3A_944 = arith.addf %get3A_943, %get3A_868 : vector<16xf32>
      %swap3A_945 = arith.index_cast %add3A_939 : i32 to index
      %swap3A_946 = arith.constant 0 : index
      %swap3A_947 = tpu.vector_load %arg8[%swap3A_945, %swap3A_946] {strides = array<i32>} : memref<800x32xf32, #tpu.memory_space<vmem>>, vector<1x16xf32>,
      %swap3A_948 = vector.shape_cast %swap3A_947 : vector<1x16xf32> to vector<16xf32>
      %swap3A_949 = vector.shape_cast %add3A_944 : vector<16xf32> to vector<1x16xf32>
      tpu.vector_store %arg8[%swap3A_945, %swap3A_946], %swap3A_949 {strides = array<i32>} : memref<800x32xf32, #tpu.memory_space<vmem>>, vector<1x16xf32>,
      %get3A_950 = arith.index_cast %add3A_939 : i32 to index
      %get3A_951 = arith.constant 16 : index
      %get3A_952 = tpu.vector_load %arg8[%get3A_950, %get3A_951] {strides = array<i32>} : memref<800x32xf32, #tpu.memory_space<vmem>>, vector<1x16xf32>,
      %get3A_953 = vector.shape_cast %get3A_952 : vector<1x16xf32> to vector<16xf32>
      %add3A_954 = arith.addf %get3A_953, %get3A_872 : vector<16xf32>
      %swap3A_955 = arith.index_cast %add3A_939 : i32 to index
      %swap3A_956 = arith.constant 16 : index
      %swap3A_957 = tpu.vector_load %arg8[%swap3A_955, %swap3A_956] {strides = array<i32>} : memref<800x32xf32, #tpu.memory_space<vmem>>, vector<1x16xf32>,
      %swap3A_958 = vector.shape_cast %swap3A_957 : vector<1x16xf32> to vector<16xf32>
      %swap3A_959 = vector.shape_cast %add3A_954 : vector<16xf32> to vector<1x16xf32>
      tpu.vector_store %arg8[%swap3A_955, %swap3A_956], %swap3A_959 {strides = array<i32>} : memref<800x32xf32, #tpu.memory_space<vmem>>, vector<1x16xf32>,
      %scan3A_960 = arith.constant 0 : i32
      scf.yield %scan3A_960 : i32
    }
    %scan3A_480 = arith.constant 200 : i32
    %add3A_481 = arith.constant 13600 : i32
    %add3A_482 = arith.addi %mul3A_2, %add3A_481 : i32
    %dma_start3A_483 = arith.constant 0 : i32
    %dma_start3A_484 = tpu.memref_slice %arg5[%add3A_482, %dma_start3A_483] : memref<819200x32xf32, #tpu.memory_space<hbm>> -> memref<800x32xf32, #tpu.memory_space<hbm>>
    %dma_start3A_485 = arith.constant 0 : i32
    %dma_start3A_486 = tpu.memref_slice %arg5[%add3A_482, %dma_start3A_485] : memref<819200x32xf32, #tpu.memory_space<hbm>> -> memref<800x32xf32, #tpu.memory_space<hbm>>
    tpu.enqueue_dma source(%arg8 : memref<800x32xf32, #tpu.memory_space<vmem>>) target(%dma_start3A_486 : memref<800x32xf32, #tpu.memory_space<hbm>>) target_semaphore(%arg13 : memref<!tpu.dma_semaphore, #tpu.memory_space<semaphore_mem>>)
    %dma_wait3A_487 = arith.constant 0 : i32
    %dma_wait3A_488 = tpu.memref_slice %arg5[%add3A_482, %dma_wait3A_487] : memref<819200x32xf32, #tpu.memory_space<hbm>> -> memref<800x32xf32, #tpu.memory_space<hbm>>
    %dma_wait3A_489 = arith.constant 0 : i32
    %dma_wait3A_490 = tpu.memref_slice %arg5[%add3A_482, %dma_wait3A_489] : memref<819200x32xf32, #tpu.memory_space<hbm>> -> memref<800x32xf32, #tpu.memory_space<hbm>>
    tpu.wait_dma2 semaphore(%arg13 : memref<!tpu.dma_semaphore, #tpu.memory_space<semaphore_mem>>) src(%arg8 : memref<800x32xf32, #tpu.memory_space<vmem>>) dst(%dma_wait3A_490 : memref<800x32xf32, #tpu.memory_space<hbm>>)
    %dma_start3A_491 = arith.constant 15200 : i32
    %dma_start3A_492 = tpu.memref_slice %arg6[%dma_start3A_491] : memref<25600xi32, #tpu.memory_space<vmem>> -> memref<800xi32, #tpu.memory_space<vmem>>
    %dma_start3A_493 = arith.constant 0 : i32
    %dma_start3A_494 = arith.constant 0 : i32
    %dma_start3A_495 = tpu.memref_slice %arg3[%dma_start3A_493, %dma_start3A_494] : memref<1000000x32xf32, #tpu.memory_space<hbm>> -> memref<1000000x32xf32, #tpu.memory_space<hbm>>
    tpu.enqueue_indirect_dma source(%dma_start3A_495 : memref<1000000x32xf32, #tpu.memory_space<hbm>>) target(%arg8 : memref<800x32xf32, #tpu.memory_space<vmem>>) offsets(%dma_start3A_492 : memref<800xi32, #tpu.memory_space<vmem>>) semaphore(%arg11 : memref<!tpu.dma_semaphore, #tpu.memory_space<semaphore_mem>>)
    %dma_wait3A_496 = arith.constant 14400 : i32
    %dma_wait3A_497 = tpu.memref_slice %arg6[%dma_wait3A_496] : memref<25600xi32, #tpu.memory_space<vmem>> -> memref<800xi32, #tpu.memory_space<vmem>>
    %dma_wait3A_498 = arith.constant 0 : i32
    %dma_wait3A_499 = arith.constant 0 : i32
    %dma_wait3A_500 = tpu.memref_slice %arg3[%dma_wait3A_498, %dma_wait3A_499] : memref<1000000x32xf32, #tpu.memory_space<hbm>> -> memref<1000000x32xf32, #tpu.memory_space<hbm>>
    tpu.wait_indirect_dma semaphore(%arg10 : memref<!tpu.dma_semaphore, #tpu.memory_space<semaphore_mem>>) src(%dma_wait3A_500 : memref<1000000x32xf32, #tpu.memory_space<hbm>>) dst(%arg7 : memref<800x32xf32, #tpu.memory_space<vmem>>)
    %scan3A_501 = arith.constant 0 : i32
    %scan3A_502 = arith.constant 0 : i32
    %scan3A_503 = arith.constant 200 : i32
    %scan3A_504 = arith.addi %scan3A_502, %scan3A_503 : i32
    %scan3A_505 = arith.constant 1 : i32
    %scan3A_506 = scf.for %scan3A_864 = %scan3A_502 to %scan3A_504 step %scan3A_505 iter_args(%scan3A_865 = %scan3A_501) -> (i32)  : i32 {
      %get3A = arith.index_cast %scan3A_864 : i32 to index
      %get3A_866 = arith.constant 0 : index
      %get3A_867 = tpu.vector_load %arg9[%get3A, %get3A_866] {strides = array<i32>} : memref<200x32xf32, #tpu.memory_space<vmem>>, vector<1x16xf32>,
      %get3A_868 = vector.shape_cast %get3A_867 : vector<1x16xf32> to vector<16xf32>
      %get3A_869 = arith.index_cast %scan3A_864 : i32 to index
      %get3A_870 = arith.constant 16 : index
      %get3A_871 = tpu.vector_load %arg9[%get3A_869, %get3A_870] {strides = array<i32>} : memref<200x32xf32, #tpu.memory_space<vmem>>, vector<1x16xf32>,
      %get3A_872 = vector.shape_cast %get3A_871 : vector<1x16xf32> to vector<16xf32>
      %add3A_873 = arith.constant 0 : i32
      %add3A_874 = arith.addi %add3A_873, %scan3A_864 : i32
      %get3A_875 = arith.index_cast %add3A_874 : i32 to index
      %get3A_876 = arith.constant 0 : index
      %get3A_877 = tpu.vector_load %arg7[%get3A_875, %get3A_876] {strides = array<i32>} : memref<800x32xf32, #tpu.memory_space<vmem>>, vector<1x16xf32>,
      %get3A_878 = vector.shape_cast %get3A_877 : vector<1x16xf32> to vector<16xf32>
      %add3A_879 = arith.addf %get3A_878, %get3A_868 : vector<16xf32>
      %swap3A = arith.index_cast %add3A_874 : i32 to index
      %swap3A_880 = arith.constant 0 : index
      %swap3A_881 = tpu.vector_load %arg7[%swap3A, %swap3A_880] {strides = array<i32>} : memref<800x32xf32, #tpu.memory_space<vmem>>, vector<1x16xf32>,
      %swap3A_882 = vector.shape_cast %swap3A_881 : vector<1x16xf32> to vector<16xf32>
      %swap3A_883 = vector.shape_cast %add3A_879 : vector<16xf32> to vector<1x16xf32>
      tpu.vector_store %arg7[%swap3A, %swap3A_880], %swap3A_883 {strides = array<i32>} : memref<800x32xf32, #tpu.memory_space<vmem>>, vector<1x16xf32>,
      %get3A_884 = arith.index_cast %add3A_874 : i32 to index
      %get3A_885 = arith.constant 16 : index
      %get3A_886 = tpu.vector_load %arg7[%get3A_884, %get3A_885] {strides = array<i32>} : memref<800x32xf32, #tpu.memory_space<vmem>>, vector<1x16xf32>,
      %get3A_887 = vector.shape_cast %get3A_886 : vector<1x16xf32> to vector<16xf32>
      %add3A_888 = arith.addf %get3A_887, %get3A_872 : vector<16xf32>
      %swap3A_889 = arith.index_cast %add3A_874 : i32 to index
      %swap3A_890 = arith.constant 16 : index
      %swap3A_891 = tpu.vector_load %arg7[%swap3A_889, %swap3A_890] {strides = array<i32>} : memref<800x32xf32, #tpu.memory_space<vmem>>, vector<1x16xf32>,
      %swap3A_892 = vector.shape_cast %swap3A_891 : vector<1x16xf32> to vector<16xf32>
      %swap3A_893 = vector.shape_cast %add3A_888 : vector<16xf32> to vector<1x16xf32>
      tpu.vector_store %arg7[%swap3A_889, %swap3A_890], %swap3A_893 {strides = array<i32>} : memref<800x32xf32, #tpu.memory_space<vmem>>, vector<1x16xf32>,
      %add3A_894 = arith.constant 200 : i32
      %add3A_895 = arith.addi %add3A_894, %scan3A_864 : i32
      %get3A_896 = arith.index_cast %add3A_895 : i32 to index
      %get3A_897 = arith.constant 0 : index
      %get3A_898 = tpu.vector_load %arg7[%get3A_896, %get3A_897] {strides = array<i32>} : memref<800x32xf32, #tpu.memory_space<vmem>>, vector<1x16xf32>,
      %get3A_899 = vector.shape_cast %get3A_898 : vector<1x16xf32> to vector<16xf32>
      %add3A_900 = arith.addf %get3A_899, %get3A_868 : vector<16xf32>
      %swap3A_901 = arith.index_cast %add3A_895 : i32 to index
      %swap3A_902 = arith.constant 0 : index
      %swap3A_903 = tpu.vector_load %arg7[%swap3A_901, %swap3A_902] {strides = array<i32>} : memref<800x32xf32, #tpu.memory_space<vmem>>, vector<1x16xf32>,
      %swap3A_904 = vector.shape_cast %swap3A_903 : vector<1x16xf32> to vector<16xf32>
      %swap3A_905 = vector.shape_cast %add3A_900 : vector<16xf32> to vector<1x16xf32>
      tpu.vector_store %arg7[%swap3A_901, %swap3A_902], %swap3A_905 {strides = array<i32>} : memref<800x32xf32, #tpu.memory_space<vmem>>, vector<1x16xf32>,
      %get3A_906 = arith.index_cast %add3A_895 : i32 to index
      %get3A_907 = arith.constant 16 : index
      %get3A_908 = tpu.vector_load %arg7[%get3A_906, %get3A_907] {strides = array<i32>} : memref<800x32xf32, #tpu.memory_space<vmem>>, vector<1x16xf32>,
      %get3A_909 = vector.shape_cast %get3A_908 : vector<1x16xf32> to vector<16xf32>
      %add3A_910 = arith.addf %get3A_909, %get3A_872 : vector<16xf32>
      %swap3A_911 = arith.index_cast %add3A_895 : i32 to index
      %swap3A_912 = arith.constant 16 : index
      %swap3A_913 = tpu.vector_load %arg7[%swap3A_911, %swap3A_912] {strides = array<i32>} : memref<800x32xf32, #tpu.memory_space<vmem>>, vector<1x16xf32>,
      %swap3A_914 = vector.shape_cast %swap3A_913 : vector<1x16xf32> to vector<16xf32>
      %swap3A_915 = vector.shape_cast %add3A_910 : vector<16xf32> to vector<1x16xf32>
      tpu.vector_store %arg7[%swap3A_911, %swap3A_912], %swap3A_915 {strides = array<i32>} : memref<800x32xf32, #tpu.memory_space<vmem>>, vector<1x16xf32>,
      %add3A_916 = arith.constant 400 : i32
      %add3A_917 = arith.addi %add3A_916, %scan3A_864 : i32
      %get3A_918 = arith.index_cast %add3A_917 : i32 to index
      %get3A_919 = arith.constant 0 : index
      %get3A_920 = tpu.vector_load %arg7[%get3A_918, %get3A_919] {strides = array<i32>} : memref<800x32xf32, #tpu.memory_space<vmem>>, vector<1x16xf32>,
      %get3A_921 = vector.shape_cast %get3A_920 : vector<1x16xf32> to vector<16xf32>
      %add3A_922 = arith.addf %get3A_921, %get3A_868 : vector<16xf32>
      %swap3A_923 = arith.index_cast %add3A_917 : i32 to index
      %swap3A_924 = arith.constant 0 : index
      %swap3A_925 = tpu.vector_load %arg7[%swap3A_923, %swap3A_924] {strides = array<i32>} : memref<800x32xf32, #tpu.memory_space<vmem>>, vector<1x16xf32>,
      %swap3A_926 = vector.shape_cast %swap3A_925 : vector<1x16xf32> to vector<16xf32>
      %swap3A_927 = vector.shape_cast %add3A_922 : vector<16xf32> to vector<1x16xf32>
      tpu.vector_store %arg7[%swap3A_923, %swap3A_924], %swap3A_927 {strides = array<i32>} : memref<800x32xf32, #tpu.memory_space<vmem>>, vector<1x16xf32>,
      %get3A_928 = arith.index_cast %add3A_917 : i32 to index
      %get3A_929 = arith.constant 16 : index
      %get3A_930 = tpu.vector_load %arg7[%get3A_928, %get3A_929] {strides = array<i32>} : memref<800x32xf32, #tpu.memory_space<vmem>>, vector<1x16xf32>,
      %get3A_931 = vector.shape_cast %get3A_930 : vector<1x16xf32> to vector<16xf32>
      %add3A_932 = arith.addf %get3A_931, %get3A_872 : vector<16xf32>
      %swap3A_933 = arith.index_cast %add3A_917 : i32 to index
      %swap3A_934 = arith.constant 16 : index
      %swap3A_935 = tpu.vector_load %arg7[%swap3A_933, %swap3A_934] {strides = array<i32>} : memref<800x32xf32, #tpu.memory_space<vmem>>, vector<1x16xf32>,
      %swap3A_936 = vector.shape_cast %swap3A_935 : vector<1x16xf32> to vector<16xf32>
      %swap3A_937 = vector.shape_cast %add3A_932 : vector<16xf32> to vector<1x16xf32>
      tpu.vector_store %arg7[%swap3A_933, %swap3A_934], %swap3A_937 {strides = array<i32>} : memref<800x32xf32, #tpu.memory_space<vmem>>, vector<1x16xf32>,
      %add3A_938 = arith.constant 600 : i32
      %add3A_939 = arith.addi %add3A_938, %scan3A_864 : i32
      %get3A_940 = arith.index_cast %add3A_939 : i32 to index
      %get3A_941 = arith.constant 0 : index
      %get3A_942 = tpu.vector_load %arg7[%get3A_940, %get3A_941] {strides = array<i32>} : memref<800x32xf32, #tpu.memory_space<vmem>>, vector<1x16xf32>,
      %get3A_943 = vector.shape_cast %get3A_942 : vector<1x16xf32> to vector<16xf32>
      %add3A_944 = arith.addf %get3A_943, %get3A_868 : vector<16xf32>
      %swap3A_945 = arith.index_cast %add3A_939 : i32 to index
      %swap3A_946 = arith.constant 0 : index
      %swap3A_947 = tpu.vector_load %arg7[%swap3A_945, %swap3A_946] {strides = array<i32>} : memref<800x32xf32, #tpu.memory_space<vmem>>, vector<1x16xf32>,
      %swap3A_948 = vector.shape_cast %swap3A_947 : vector<1x16xf32> to vector<16xf32>
      %swap3A_949 = vector.shape_cast %add3A_944 : vector<16xf32> to vector<1x16xf32>
      tpu.vector_store %arg7[%swap3A_945, %swap3A_946], %swap3A_949 {strides = array<i32>} : memref<800x32xf32, #tpu.memory_space<vmem>>, vector<1x16xf32>,
      %get3A_950 = arith.index_cast %add3A_939 : i32 to index
      %get3A_951 = arith.constant 16 : index
      %get3A_952 = tpu.vector_load %arg7[%get3A_950, %get3A_951] {strides = array<i32>} : memref<800x32xf32, #tpu.memory_space<vmem>>, vector<1x16xf32>,
      %get3A_953 = vector.shape_cast %get3A_952 : vector<1x16xf32> to vector<16xf32>
      %add3A_954 = arith.addf %get3A_953, %get3A_872 : vector<16xf32>
      %swap3A_955 = arith.index_cast %add3A_939 : i32 to index
      %swap3A_956 = arith.constant 16 : index
      %swap3A_957 = tpu.vector_load %arg7[%swap3A_955, %swap3A_956] {strides = array<i32>} : memref<800x32xf32, #tpu.memory_space<vmem>>, vector<1x16xf32>,
      %swap3A_958 = vector.shape_cast %swap3A_957 : vector<1x16xf32> to vector<16xf32>
      %swap3A_959 = vector.shape_cast %add3A_954 : vector<16xf32> to vector<1x16xf32>
      tpu.vector_store %arg7[%swap3A_955, %swap3A_956], %swap3A_959 {strides = array<i32>} : memref<800x32xf32, #tpu.memory_space<vmem>>, vector<1x16xf32>,
      %scan3A_960 = arith.constant 0 : i32
      scf.yield %scan3A_960 : i32
    }
    %scan3A_507 = arith.constant 200 : i32
    %add3A_508 = arith.constant 14400 : i32
    %add3A_509 = arith.addi %mul3A_2, %add3A_508 : i32
    %dma_start3A_510 = arith.constant 0 : i32
    %dma_start3A_511 = tpu.memref_slice %arg5[%add3A_509, %dma_start3A_510] : memref<819200x32xf32, #tpu.memory_space<hbm>> -> memref<800x32xf32, #tpu.memory_space<hbm>>
    %dma_start3A_512 = arith.constant 0 : i32
    %dma_start3A_513 = tpu.memref_slice %arg5[%add3A_509, %dma_start3A_512] : memref<819200x32xf32, #tpu.memory_space<hbm>> -> memref<800x32xf32, #tpu.memory_space<hbm>>
    tpu.enqueue_dma source(%arg7 : memref<800x32xf32, #tpu.memory_space<vmem>>) target(%dma_start3A_513 : memref<800x32xf32, #tpu.memory_space<hbm>>) target_semaphore(%arg12 : memref<!tpu.dma_semaphore, #tpu.memory_space<semaphore_mem>>)
    %dma_wait3A_514 = arith.constant 0 : i32
    %dma_wait3A_515 = tpu.memref_slice %arg5[%add3A_509, %dma_wait3A_514] : memref<819200x32xf32, #tpu.memory_space<hbm>> -> memref<800x32xf32, #tpu.memory_space<hbm>>
    %dma_wait3A_516 = arith.constant 0 : i32
    %dma_wait3A_517 = tpu.memref_slice %arg5[%add3A_509, %dma_wait3A_516] : memref<819200x32xf32, #tpu.memory_space<hbm>> -> memref<800x32xf32, #tpu.memory_space<hbm>>
    tpu.wait_dma2 semaphore(%arg12 : memref<!tpu.dma_semaphore, #tpu.memory_space<semaphore_mem>>) src(%arg7 : memref<800x32xf32, #tpu.memory_space<vmem>>) dst(%dma_wait3A_517 : memref<800x32xf32, #tpu.memory_space<hbm>>)
    %dma_start3A_518 = arith.constant 16000 : i32
    %dma_start3A_519 = tpu.memref_slice %arg6[%dma_start3A_518] : memref<25600xi32, #tpu.memory_space<vmem>> -> memref<800xi32, #tpu.memory_space<vmem>>
    %dma_start3A_520 = arith.constant 0 : i32
    %dma_start3A_521 = arith.constant 0 : i32
    %dma_start3A_522 = tpu.memref_slice %arg3[%dma_start3A_520, %dma_start3A_521] : memref<1000000x32xf32, #tpu.memory_space<hbm>> -> memref<1000000x32xf32, #tpu.memory_space<hbm>>
    tpu.enqueue_indirect_dma source(%dma_start3A_522 : memref<1000000x32xf32, #tpu.memory_space<hbm>>) target(%arg7 : memref<800x32xf32, #tpu.memory_space<vmem>>) offsets(%dma_start3A_519 : memref<800xi32, #tpu.memory_space<vmem>>) semaphore(%arg10 : memref<!tpu.dma_semaphore, #tpu.memory_space<semaphore_mem>>)
    %dma_wait3A_523 = arith.constant 15200 : i32
    %dma_wait3A_524 = tpu.memref_slice %arg6[%dma_wait3A_523] : memref<25600xi32, #tpu.memory_space<vmem>> -> memref<800xi32, #tpu.memory_space<vmem>>
    %dma_wait3A_525 = arith.constant 0 : i32
    %dma_wait3A_526 = arith.constant 0 : i32
    %dma_wait3A_527 = tpu.memref_slice %arg3[%dma_wait3A_525, %dma_wait3A_526] : memref<1000000x32xf32, #tpu.memory_space<hbm>> -> memref<1000000x32xf32, #tpu.memory_space<hbm>>
    tpu.wait_indirect_dma semaphore(%arg11 : memref<!tpu.dma_semaphore, #tpu.memory_space<semaphore_mem>>) src(%dma_wait3A_527 : memref<1000000x32xf32, #tpu.memory_space<hbm>>) dst(%arg8 : memref<800x32xf32, #tpu.memory_space<vmem>>)
    %scan3A_528 = arith.constant 0 : i32
    %scan3A_529 = arith.constant 0 : i32
    %scan3A_530 = arith.constant 200 : i32
    %scan3A_531 = arith.addi %scan3A_529, %scan3A_530 : i32
    %scan3A_532 = arith.constant 1 : i32
    %scan3A_533 = scf.for %scan3A_864 = %scan3A_529 to %scan3A_531 step %scan3A_532 iter_args(%scan3A_865 = %scan3A_528) -> (i32)  : i32 {
      %get3A = arith.index_cast %scan3A_864 : i32 to index
      %get3A_866 = arith.constant 0 : index
      %get3A_867 = tpu.vector_load %arg9[%get3A, %get3A_866] {strides = array<i32>} : memref<200x32xf32, #tpu.memory_space<vmem>>, vector<1x16xf32>,
      %get3A_868 = vector.shape_cast %get3A_867 : vector<1x16xf32> to vector<16xf32>
      %get3A_869 = arith.index_cast %scan3A_864 : i32 to index
      %get3A_870 = arith.constant 16 : index
      %get3A_871 = tpu.vector_load %arg9[%get3A_869, %get3A_870] {strides = array<i32>} : memref<200x32xf32, #tpu.memory_space<vmem>>, vector<1x16xf32>,
      %get3A_872 = vector.shape_cast %get3A_871 : vector<1x16xf32> to vector<16xf32>
      %add3A_873 = arith.constant 0 : i32
      %add3A_874 = arith.addi %add3A_873, %scan3A_864 : i32
      %get3A_875 = arith.index_cast %add3A_874 : i32 to index
      %get3A_876 = arith.constant 0 : index
      %get3A_877 = tpu.vector_load %arg8[%get3A_875, %get3A_876] {strides = array<i32>} : memref<800x32xf32, #tpu.memory_space<vmem>>, vector<1x16xf32>,
      %get3A_878 = vector.shape_cast %get3A_877 : vector<1x16xf32> to vector<16xf32>
      %add3A_879 = arith.addf %get3A_878, %get3A_868 : vector<16xf32>
      %swap3A = arith.index_cast %add3A_874 : i32 to index
      %swap3A_880 = arith.constant 0 : index
      %swap3A_881 = tpu.vector_load %arg8[%swap3A, %swap3A_880] {strides = array<i32>} : memref<800x32xf32, #tpu.memory_space<vmem>>, vector<1x16xf32>,
      %swap3A_882 = vector.shape_cast %swap3A_881 : vector<1x16xf32> to vector<16xf32>
      %swap3A_883 = vector.shape_cast %add3A_879 : vector<16xf32> to vector<1x16xf32>
      tpu.vector_store %arg8[%swap3A, %swap3A_880], %swap3A_883 {strides = array<i32>} : memref<800x32xf32, #tpu.memory_space<vmem>>, vector<1x16xf32>,
      %get3A_884 = arith.index_cast %add3A_874 : i32 to index
      %get3A_885 = arith.constant 16 : index
      %get3A_886 = tpu.vector_load %arg8[%get3A_884, %get3A_885] {strides = array<i32>} : memref<800x32xf32, #tpu.memory_space<vmem>>, vector<1x16xf32>,
      %get3A_887 = vector.shape_cast %get3A_886 : vector<1x16xf32> to vector<16xf32>
      %add3A_888 = arith.addf %get3A_887, %get3A_872 : vector<16xf32>
      %swap3A_889 = arith.index_cast %add3A_874 : i32 to index
      %swap3A_890 = arith.constant 16 : index
      %swap3A_891 = tpu.vector_load %arg8[%swap3A_889, %swap3A_890] {strides = array<i32>} : memref<800x32xf32, #tpu.memory_space<vmem>>, vector<1x16xf32>,
      %swap3A_892 = vector.shape_cast %swap3A_891 : vector<1x16xf32> to vector<16xf32>
      %swap3A_893 = vector.shape_cast %add3A_888 : vector<16xf32> to vector<1x16xf32>
      tpu.vector_store %arg8[%swap3A_889, %swap3A_890], %swap3A_893 {strides = array<i32>} : memref<800x32xf32, #tpu.memory_space<vmem>>, vector<1x16xf32>,
      %add3A_894 = arith.constant 200 : i32
      %add3A_895 = arith.addi %add3A_894, %scan3A_864 : i32
      %get3A_896 = arith.index_cast %add3A_895 : i32 to index
      %get3A_897 = arith.constant 0 : index
      %get3A_898 = tpu.vector_load %arg8[%get3A_896, %get3A_897] {strides = array<i32>} : memref<800x32xf32, #tpu.memory_space<vmem>>, vector<1x16xf32>,
      %get3A_899 = vector.shape_cast %get3A_898 : vector<1x16xf32> to vector<16xf32>
      %add3A_900 = arith.addf %get3A_899, %get3A_868 : vector<16xf32>
      %swap3A_901 = arith.index_cast %add3A_895 : i32 to index
      %swap3A_902 = arith.constant 0 : index
      %swap3A_903 = tpu.vector_load %arg8[%swap3A_901, %swap3A_902] {strides = array<i32>} : memref<800x32xf32, #tpu.memory_space<vmem>>, vector<1x16xf32>,
      %swap3A_904 = vector.shape_cast %swap3A_903 : vector<1x16xf32> to vector<16xf32>
      %swap3A_905 = vector.shape_cast %add3A_900 : vector<16xf32> to vector<1x16xf32>
      tpu.vector_store %arg8[%swap3A_901, %swap3A_902], %swap3A_905 {strides = array<i32>} : memref<800x32xf32, #tpu.memory_space<vmem>>, vector<1x16xf32>,
      %get3A_906 = arith.index_cast %add3A_895 : i32 to index
      %get3A_907 = arith.constant 16 : index
      %get3A_908 = tpu.vector_load %arg8[%get3A_906, %get3A_907] {strides = array<i32>} : memref<800x32xf32, #tpu.memory_space<vmem>>, vector<1x16xf32>,
      %get3A_909 = vector.shape_cast %get3A_908 : vector<1x16xf32> to vector<16xf32>
      %add3A_910 = arith.addf %get3A_909, %get3A_872 : vector<16xf32>
      %swap3A_911 = arith.index_cast %add3A_895 : i32 to index
      %swap3A_912 = arith.constant 16 : index
      %swap3A_913 = tpu.vector_load %arg8[%swap3A_911, %swap3A_912] {strides = array<i32>} : memref<800x32xf32, #tpu.memory_space<vmem>>, vector<1x16xf32>,
      %swap3A_914 = vector.shape_cast %swap3A_913 : vector<1x16xf32> to vector<16xf32>
      %swap3A_915 = vector.shape_cast %add3A_910 : vector<16xf32> to vector<1x16xf32>
      tpu.vector_store %arg8[%swap3A_911, %swap3A_912], %swap3A_915 {strides = array<i32>} : memref<800x32xf32, #tpu.memory_space<vmem>>, vector<1x16xf32>,
      %add3A_916 = arith.constant 400 : i32
      %add3A_917 = arith.addi %add3A_916, %scan3A_864 : i32
      %get3A_918 = arith.index_cast %add3A_917 : i32 to index
      %get3A_919 = arith.constant 0 : index
      %get3A_920 = tpu.vector_load %arg8[%get3A_918, %get3A_919] {strides = array<i32>} : memref<800x32xf32, #tpu.memory_space<vmem>>, vector<1x16xf32>,
      %get3A_921 = vector.shape_cast %get3A_920 : vector<1x16xf32> to vector<16xf32>
      %add3A_922 = arith.addf %get3A_921, %get3A_868 : vector<16xf32>
      %swap3A_923 = arith.index_cast %add3A_917 : i32 to index
      %swap3A_924 = arith.constant 0 : index
      %swap3A_925 = tpu.vector_load %arg8[%swap3A_923, %swap3A_924] {strides = array<i32>} : memref<800x32xf32, #tpu.memory_space<vmem>>, vector<1x16xf32>,
      %swap3A_926 = vector.shape_cast %swap3A_925 : vector<1x16xf32> to vector<16xf32>
      %swap3A_927 = vector.shape_cast %add3A_922 : vector<16xf32> to vector<1x16xf32>
      tpu.vector_store %arg8[%swap3A_923, %swap3A_924], %swap3A_927 {strides = array<i32>} : memref<800x32xf32, #tpu.memory_space<vmem>>, vector<1x16xf32>,
      %get3A_928 = arith.index_cast %add3A_917 : i32 to index
      %get3A_929 = arith.constant 16 : index
      %get3A_930 = tpu.vector_load %arg8[%get3A_928, %get3A_929] {strides = array<i32>} : memref<800x32xf32, #tpu.memory_space<vmem>>, vector<1x16xf32>,
      %get3A_931 = vector.shape_cast %get3A_930 : vector<1x16xf32> to vector<16xf32>
      %add3A_932 = arith.addf %get3A_931, %get3A_872 : vector<16xf32>
      %swap3A_933 = arith.index_cast %add3A_917 : i32 to index
      %swap3A_934 = arith.constant 16 : index
      %swap3A_935 = tpu.vector_load %arg8[%swap3A_933, %swap3A_934] {strides = array<i32>} : memref<800x32xf32, #tpu.memory_space<vmem>>, vector<1x16xf32>,
      %swap3A_936 = vector.shape_cast %swap3A_935 : vector<1x16xf32> to vector<16xf32>
      %swap3A_937 = vector.shape_cast %add3A_932 : vector<16xf32> to vector<1x16xf32>
      tpu.vector_store %arg8[%swap3A_933, %swap3A_934], %swap3A_937 {strides = array<i32>} : memref<800x32xf32, #tpu.memory_space<vmem>>, vector<1x16xf32>,
      %add3A_938 = arith.constant 600 : i32
      %add3A_939 = arith.addi %add3A_938, %scan3A_864 : i32
      %get3A_940 = arith.index_cast %add3A_939 : i32 to index
      %get3A_941 = arith.constant 0 : index
      %get3A_942 = tpu.vector_load %arg8[%get3A_940, %get3A_941] {strides = array<i32>} : memref<800x32xf32, #tpu.memory_space<vmem>>, vector<1x16xf32>,
      %get3A_943 = vector.shape_cast %get3A_942 : vector<1x16xf32> to vector<16xf32>
      %add3A_944 = arith.addf %get3A_943, %get3A_868 : vector<16xf32>
      %swap3A_945 = arith.index_cast %add3A_939 : i32 to index
      %swap3A_946 = arith.constant 0 : index
      %swap3A_947 = tpu.vector_load %arg8[%swap3A_945, %swap3A_946] {strides = array<i32>} : memref<800x32xf32, #tpu.memory_space<vmem>>, vector<1x16xf32>,
      %swap3A_948 = vector.shape_cast %swap3A_947 : vector<1x16xf32> to vector<16xf32>
      %swap3A_949 = vector.shape_cast %add3A_944 : vector<16xf32> to vector<1x16xf32>
      tpu.vector_store %arg8[%swap3A_945, %swap3A_946], %swap3A_949 {strides = array<i32>} : memref<800x32xf32, #tpu.memory_space<vmem>>, vector<1x16xf32>,
      %get3A_950 = arith.index_cast %add3A_939 : i32 to index
      %get3A_951 = arith.constant 16 : index
      %get3A_952 = tpu.vector_load %arg8[%get3A_950, %get3A_951] {strides = array<i32>} : memref<800x32xf32, #tpu.memory_space<vmem>>, vector<1x16xf32>,
      %get3A_953 = vector.shape_cast %get3A_952 : vector<1x16xf32> to vector<16xf32>
      %add3A_954 = arith.addf %get3A_953, %get3A_872 : vector<16xf32>
      %swap3A_955 = arith.index_cast %add3A_939 : i32 to index
      %swap3A_956 = arith.constant 16 : index
      %swap3A_957 = tpu.vector_load %arg8[%swap3A_955, %swap3A_956] {strides = array<i32>} : memref<800x32xf32, #tpu.memory_space<vmem>>, vector<1x16xf32>,
      %swap3A_958 = vector.shape_cast %swap3A_957 : vector<1x16xf32> to vector<16xf32>
      %swap3A_959 = vector.shape_cast %add3A_954 : vector<16xf32> to vector<1x16xf32>
      tpu.vector_store %arg8[%swap3A_955, %swap3A_956], %swap3A_959 {strides = array<i32>} : memref<800x32xf32, #tpu.memory_space<vmem>>, vector<1x16xf32>,
      %scan3A_960 = arith.constant 0 : i32
      scf.yield %scan3A_960 : i32
    }
    %scan3A_534 = arith.constant 200 : i32
    %add3A_535 = arith.constant 15200 : i32
    %add3A_536 = arith.addi %mul3A_2, %add3A_535 : i32
    %dma_start3A_537 = arith.constant 0 : i32
    %dma_start3A_538 = tpu.memref_slice %arg5[%add3A_536, %dma_start3A_537] : memref<819200x32xf32, #tpu.memory_space<hbm>> -> memref<800x32xf32, #tpu.memory_space<hbm>>
    %dma_start3A_539 = arith.constant 0 : i32
    %dma_start3A_540 = tpu.memref_slice %arg5[%add3A_536, %dma_start3A_539] : memref<819200x32xf32, #tpu.memory_space<hbm>> -> memref<800x32xf32, #tpu.memory_space<hbm>>
    tpu.enqueue_dma source(%arg8 : memref<800x32xf32, #tpu.memory_space<vmem>>) target(%dma_start3A_540 : memref<800x32xf32, #tpu.memory_space<hbm>>) target_semaphore(%arg13 : memref<!tpu.dma_semaphore, #tpu.memory_space<semaphore_mem>>)
    %dma_wait3A_541 = arith.constant 0 : i32
    %dma_wait3A_542 = tpu.memref_slice %arg5[%add3A_536, %dma_wait3A_541] : memref<819200x32xf32, #tpu.memory_space<hbm>> -> memref<800x32xf32, #tpu.memory_space<hbm>>
    %dma_wait3A_543 = arith.constant 0 : i32
    %dma_wait3A_544 = tpu.memref_slice %arg5[%add3A_536, %dma_wait3A_543] : memref<819200x32xf32, #tpu.memory_space<hbm>> -> memref<800x32xf32, #tpu.memory_space<hbm>>
    tpu.wait_dma2 semaphore(%arg13 : memref<!tpu.dma_semaphore, #tpu.memory_space<semaphore_mem>>) src(%arg8 : memref<800x32xf32, #tpu.memory_space<vmem>>) dst(%dma_wait3A_544 : memref<800x32xf32, #tpu.memory_space<hbm>>)
    %dma_start3A_545 = arith.constant 16800 : i32
    %dma_start3A_546 = tpu.memref_slice %arg6[%dma_start3A_545] : memref<25600xi32, #tpu.memory_space<vmem>> -> memref<800xi32, #tpu.memory_space<vmem>>
    %dma_start3A_547 = arith.constant 0 : i32
    %dma_start3A_548 = arith.constant 0 : i32
    %dma_start3A_549 = tpu.memref_slice %arg3[%dma_start3A_547, %dma_start3A_548] : memref<1000000x32xf32, #tpu.memory_space<hbm>> -> memref<1000000x32xf32, #tpu.memory_space<hbm>>
    tpu.enqueue_indirect_dma source(%dma_start3A_549 : memref<1000000x32xf32, #tpu.memory_space<hbm>>) target(%arg8 : memref<800x32xf32, #tpu.memory_space<vmem>>) offsets(%dma_start3A_546 : memref<800xi32, #tpu.memory_space<vmem>>) semaphore(%arg11 : memref<!tpu.dma_semaphore, #tpu.memory_space<semaphore_mem>>)
    %dma_wait3A_550 = arith.constant 16000 : i32
    %dma_wait3A_551 = tpu.memref_slice %arg6[%dma_wait3A_550] : memref<25600xi32, #tpu.memory_space<vmem>> -> memref<800xi32, #tpu.memory_space<vmem>>
    %dma_wait3A_552 = arith.constant 0 : i32
    %dma_wait3A_553 = arith.constant 0 : i32
    %dma_wait3A_554 = tpu.memref_slice %arg3[%dma_wait3A_552, %dma_wait3A_553] : memref<1000000x32xf32, #tpu.memory_space<hbm>> -> memref<1000000x32xf32, #tpu.memory_space<hbm>>
    tpu.wait_indirect_dma semaphore(%arg10 : memref<!tpu.dma_semaphore, #tpu.memory_space<semaphore_mem>>) src(%dma_wait3A_554 : memref<1000000x32xf32, #tpu.memory_space<hbm>>) dst(%arg7 : memref<800x32xf32, #tpu.memory_space<vmem>>)
    %scan3A_555 = arith.constant 0 : i32
    %scan3A_556 = arith.constant 0 : i32
    %scan3A_557 = arith.constant 200 : i32
    %scan3A_558 = arith.addi %scan3A_556, %scan3A_557 : i32
    %scan3A_559 = arith.constant 1 : i32
    %scan3A_560 = scf.for %scan3A_864 = %scan3A_556 to %scan3A_558 step %scan3A_559 iter_args(%scan3A_865 = %scan3A_555) -> (i32)  : i32 {
      %get3A = arith.index_cast %scan3A_864 : i32 to index
      %get3A_866 = arith.constant 0 : index
      %get3A_867 = tpu.vector_load %arg9[%get3A, %get3A_866] {strides = array<i32>} : memref<200x32xf32, #tpu.memory_space<vmem>>, vector<1x16xf32>,
      %get3A_868 = vector.shape_cast %get3A_867 : vector<1x16xf32> to vector<16xf32>
      %get3A_869 = arith.index_cast %scan3A_864 : i32 to index
      %get3A_870 = arith.constant 16 : index
      %get3A_871 = tpu.vector_load %arg9[%get3A_869, %get3A_870] {strides = array<i32>} : memref<200x32xf32, #tpu.memory_space<vmem>>, vector<1x16xf32>,
      %get3A_872 = vector.shape_cast %get3A_871 : vector<1x16xf32> to vector<16xf32>
      %add3A_873 = arith.constant 0 : i32
      %add3A_874 = arith.addi %add3A_873, %scan3A_864 : i32
      %get3A_875 = arith.index_cast %add3A_874 : i32 to index
      %get3A_876 = arith.constant 0 : index
      %get3A_877 = tpu.vector_load %arg7[%get3A_875, %get3A_876] {strides = array<i32>} : memref<800x32xf32, #tpu.memory_space<vmem>>, vector<1x16xf32>,
      %get3A_878 = vector.shape_cast %get3A_877 : vector<1x16xf32> to vector<16xf32>
      %add3A_879 = arith.addf %get3A_878, %get3A_868 : vector<16xf32>
      %swap3A = arith.index_cast %add3A_874 : i32 to index
      %swap3A_880 = arith.constant 0 : index
      %swap3A_881 = tpu.vector_load %arg7[%swap3A, %swap3A_880] {strides = array<i32>} : memref<800x32xf32, #tpu.memory_space<vmem>>, vector<1x16xf32>,
      %swap3A_882 = vector.shape_cast %swap3A_881 : vector<1x16xf32> to vector<16xf32>
      %swap3A_883 = vector.shape_cast %add3A_879 : vector<16xf32> to vector<1x16xf32>
      tpu.vector_store %arg7[%swap3A, %swap3A_880], %swap3A_883 {strides = array<i32>} : memref<800x32xf32, #tpu.memory_space<vmem>>, vector<1x16xf32>,
      %get3A_884 = arith.index_cast %add3A_874 : i32 to index
      %get3A_885 = arith.constant 16 : index
      %get3A_886 = tpu.vector_load %arg7[%get3A_884, %get3A_885] {strides = array<i32>} : memref<800x32xf32, #tpu.memory_space<vmem>>, vector<1x16xf32>,
      %get3A_887 = vector.shape_cast %get3A_886 : vector<1x16xf32> to vector<16xf32>
      %add3A_888 = arith.addf %get3A_887, %get3A_872 : vector<16xf32>
      %swap3A_889 = arith.index_cast %add3A_874 : i32 to index
      %swap3A_890 = arith.constant 16 : index
      %swap3A_891 = tpu.vector_load %arg7[%swap3A_889, %swap3A_890] {strides = array<i32>} : memref<800x32xf32, #tpu.memory_space<vmem>>, vector<1x16xf32>,
      %swap3A_892 = vector.shape_cast %swap3A_891 : vector<1x16xf32> to vector<16xf32>
      %swap3A_893 = vector.shape_cast %add3A_888 : vector<16xf32> to vector<1x16xf32>
      tpu.vector_store %arg7[%swap3A_889, %swap3A_890], %swap3A_893 {strides = array<i32>} : memref<800x32xf32, #tpu.memory_space<vmem>>, vector<1x16xf32>,
      %add3A_894 = arith.constant 200 : i32
      %add3A_895 = arith.addi %add3A_894, %scan3A_864 : i32
      %get3A_896 = arith.index_cast %add3A_895 : i32 to index
      %get3A_897 = arith.constant 0 : index
      %get3A_898 = tpu.vector_load %arg7[%get3A_896, %get3A_897] {strides = array<i32>} : memref<800x32xf32, #tpu.memory_space<vmem>>, vector<1x16xf32>,
      %get3A_899 = vector.shape_cast %get3A_898 : vector<1x16xf32> to vector<16xf32>
      %add3A_900 = arith.addf %get3A_899, %get3A_868 : vector<16xf32>
      %swap3A_901 = arith.index_cast %add3A_895 : i32 to index
      %swap3A_902 = arith.constant 0 : index
      %swap3A_903 = tpu.vector_load %arg7[%swap3A_901, %swap3A_902] {strides = array<i32>} : memref<800x32xf32, #tpu.memory_space<vmem>>, vector<1x16xf32>,
      %swap3A_904 = vector.shape_cast %swap3A_903 : vector<1x16xf32> to vector<16xf32>
      %swap3A_905 = vector.shape_cast %add3A_900 : vector<16xf32> to vector<1x16xf32>
      tpu.vector_store %arg7[%swap3A_901, %swap3A_902], %swap3A_905 {strides = array<i32>} : memref<800x32xf32, #tpu.memory_space<vmem>>, vector<1x16xf32>,
      %get3A_906 = arith.index_cast %add3A_895 : i32 to index
      %get3A_907 = arith.constant 16 : index
      %get3A_908 = tpu.vector_load %arg7[%get3A_906, %get3A_907] {strides = array<i32>} : memref<800x32xf32, #tpu.memory_space<vmem>>, vector<1x16xf32>,
      %get3A_909 = vector.shape_cast %get3A_908 : vector<1x16xf32> to vector<16xf32>
      %add3A_910 = arith.addf %get3A_909, %get3A_872 : vector<16xf32>
      %swap3A_911 = arith.index_cast %add3A_895 : i32 to index
      %swap3A_912 = arith.constant 16 : index
      %swap3A_913 = tpu.vector_load %arg7[%swap3A_911, %swap3A_912] {strides = array<i32>} : memref<800x32xf32, #tpu.memory_space<vmem>>, vector<1x16xf32>,
      %swap3A_914 = vector.shape_cast %swap3A_913 : vector<1x16xf32> to vector<16xf32>
      %swap3A_915 = vector.shape_cast %add3A_910 : vector<16xf32> to vector<1x16xf32>
      tpu.vector_store %arg7[%swap3A_911, %swap3A_912], %swap3A_915 {strides = array<i32>} : memref<800x32xf32, #tpu.memory_space<vmem>>, vector<1x16xf32>,
      %add3A_916 = arith.constant 400 : i32
      %add3A_917 = arith.addi %add3A_916, %scan3A_864 : i32
      %get3A_918 = arith.index_cast %add3A_917 : i32 to index
      %get3A_919 = arith.constant 0 : index
      %get3A_920 = tpu.vector_load %arg7[%get3A_918, %get3A_919] {strides = array<i32>} : memref<800x32xf32, #tpu.memory_space<vmem>>, vector<1x16xf32>,
      %get3A_921 = vector.shape_cast %get3A_920 : vector<1x16xf32> to vector<16xf32>
      %add3A_922 = arith.addf %get3A_921, %get3A_868 : vector<16xf32>
      %swap3A_923 = arith.index_cast %add3A_917 : i32 to index
      %swap3A_924 = arith.constant 0 : index
      %swap3A_925 = tpu.vector_load %arg7[%swap3A_923, %swap3A_924] {strides = array<i32>} : memref<800x32xf32, #tpu.memory_space<vmem>>, vector<1x16xf32>,
      %swap3A_926 = vector.shape_cast %swap3A_925 : vector<1x16xf32> to vector<16xf32>
      %swap3A_927 = vector.shape_cast %add3A_922 : vector<16xf32> to vector<1x16xf32>
      tpu.vector_store %arg7[%swap3A_923, %swap3A_924], %swap3A_927 {strides = array<i32>} : memref<800x32xf32, #tpu.memory_space<vmem>>, vector<1x16xf32>,
      %get3A_928 = arith.index_cast %add3A_917 : i32 to index
      %get3A_929 = arith.constant 16 : index
      %get3A_930 = tpu.vector_load %arg7[%get3A_928, %get3A_929] {strides = array<i32>} : memref<800x32xf32, #tpu.memory_space<vmem>>, vector<1x16xf32>,
      %get3A_931 = vector.shape_cast %get3A_930 : vector<1x16xf32> to vector<16xf32>
      %add3A_932 = arith.addf %get3A_931, %get3A_872 : vector<16xf32>
      %swap3A_933 = arith.index_cast %add3A_917 : i32 to index
      %swap3A_934 = arith.constant 16 : index
      %swap3A_935 = tpu.vector_load %arg7[%swap3A_933, %swap3A_934] {strides = array<i32>} : memref<800x32xf32, #tpu.memory_space<vmem>>, vector<1x16xf32>,
      %swap3A_936 = vector.shape_cast %swap3A_935 : vector<1x16xf32> to vector<16xf32>
      %swap3A_937 = vector.shape_cast %add3A_932 : vector<16xf32> to vector<1x16xf32>
      tpu.vector_store %arg7[%swap3A_933, %swap3A_934], %swap3A_937 {strides = array<i32>} : memref<800x32xf32, #tpu.memory_space<vmem>>, vector<1x16xf32>,
      %add3A_938 = arith.constant 600 : i32
      %add3A_939 = arith.addi %add3A_938, %scan3A_864 : i32
      %get3A_940 = arith.index_cast %add3A_939 : i32 to index
      %get3A_941 = arith.constant 0 : index
      %get3A_942 = tpu.vector_load %arg7[%get3A_940, %get3A_941] {strides = array<i32>} : memref<800x32xf32, #tpu.memory_space<vmem>>, vector<1x16xf32>,
      %get3A_943 = vector.shape_cast %get3A_942 : vector<1x16xf32> to vector<16xf32>
      %add3A_944 = arith.addf %get3A_943, %get3A_868 : vector<16xf32>
      %swap3A_945 = arith.index_cast %add3A_939 : i32 to index
      %swap3A_946 = arith.constant 0 : index
      %swap3A_947 = tpu.vector_load %arg7[%swap3A_945, %swap3A_946] {strides = array<i32>} : memref<800x32xf32, #tpu.memory_space<vmem>>, vector<1x16xf32>,
      %swap3A_948 = vector.shape_cast %swap3A_947 : vector<1x16xf32> to vector<16xf32>
      %swap3A_949 = vector.shape_cast %add3A_944 : vector<16xf32> to vector<1x16xf32>
      tpu.vector_store %arg7[%swap3A_945, %swap3A_946], %swap3A_949 {strides = array<i32>} : memref<800x32xf32, #tpu.memory_space<vmem>>, vector<1x16xf32>,
      %get3A_950 = arith.index_cast %add3A_939 : i32 to index
      %get3A_951 = arith.constant 16 : index
      %get3A_952 = tpu.vector_load %arg7[%get3A_950, %get3A_951] {strides = array<i32>} : memref<800x32xf32, #tpu.memory_space<vmem>>, vector<1x16xf32>,
      %get3A_953 = vector.shape_cast %get3A_952 : vector<1x16xf32> to vector<16xf32>
      %add3A_954 = arith.addf %get3A_953, %get3A_872 : vector<16xf32>
      %swap3A_955 = arith.index_cast %add3A_939 : i32 to index
      %swap3A_956 = arith.constant 16 : index
      %swap3A_957 = tpu.vector_load %arg7[%swap3A_955, %swap3A_956] {strides = array<i32>} : memref<800x32xf32, #tpu.memory_space<vmem>>, vector<1x16xf32>,
      %swap3A_958 = vector.shape_cast %swap3A_957 : vector<1x16xf32> to vector<16xf32>
      %swap3A_959 = vector.shape_cast %add3A_954 : vector<16xf32> to vector<1x16xf32>
      tpu.vector_store %arg7[%swap3A_955, %swap3A_956], %swap3A_959 {strides = array<i32>} : memref<800x32xf32, #tpu.memory_space<vmem>>, vector<1x16xf32>,
      %scan3A_960 = arith.constant 0 : i32
      scf.yield %scan3A_960 : i32
    }
    %scan3A_561 = arith.constant 200 : i32
    %add3A_562 = arith.constant 16000 : i32
    %add3A_563 = arith.addi %mul3A_2, %add3A_562 : i32
    %dma_start3A_564 = arith.constant 0 : i32
    %dma_start3A_565 = tpu.memref_slice %arg5[%add3A_563, %dma_start3A_564] : memref<819200x32xf32, #tpu.memory_space<hbm>> -> memref<800x32xf32, #tpu.memory_space<hbm>>
    %dma_start3A_566 = arith.constant 0 : i32
    %dma_start3A_567 = tpu.memref_slice %arg5[%add3A_563, %dma_start3A_566] : memref<819200x32xf32, #tpu.memory_space<hbm>> -> memref<800x32xf32, #tpu.memory_space<hbm>>
    tpu.enqueue_dma source(%arg7 : memref<800x32xf32, #tpu.memory_space<vmem>>) target(%dma_start3A_567 : memref<800x32xf32, #tpu.memory_space<hbm>>) target_semaphore(%arg12 : memref<!tpu.dma_semaphore, #tpu.memory_space<semaphore_mem>>)
    %dma_wait3A_568 = arith.constant 0 : i32
    %dma_wait3A_569 = tpu.memref_slice %arg5[%add3A_563, %dma_wait3A_568] : memref<819200x32xf32, #tpu.memory_space<hbm>> -> memref<800x32xf32, #tpu.memory_space<hbm>>
    %dma_wait3A_570 = arith.constant 0 : i32
    %dma_wait3A_571 = tpu.memref_slice %arg5[%add3A_563, %dma_wait3A_570] : memref<819200x32xf32, #tpu.memory_space<hbm>> -> memref<800x32xf32, #tpu.memory_space<hbm>>
    tpu.wait_dma2 semaphore(%arg12 : memref<!tpu.dma_semaphore, #tpu.memory_space<semaphore_mem>>) src(%arg7 : memref<800x32xf32, #tpu.memory_space<vmem>>) dst(%dma_wait3A_571 : memref<800x32xf32, #tpu.memory_space<hbm>>)
    %dma_start3A_572 = arith.constant 17600 : i32
    %dma_start3A_573 = tpu.memref_slice %arg6[%dma_start3A_572] : memref<25600xi32, #tpu.memory_space<vmem>> -> memref<800xi32, #tpu.memory_space<vmem>>
    %dma_start3A_574 = arith.constant 0 : i32
    %dma_start3A_575 = arith.constant 0 : i32
    %dma_start3A_576 = tpu.memref_slice %arg3[%dma_start3A_574, %dma_start3A_575] : memref<1000000x32xf32, #tpu.memory_space<hbm>> -> memref<1000000x32xf32, #tpu.memory_space<hbm>>
    tpu.enqueue_indirect_dma source(%dma_start3A_576 : memref<1000000x32xf32, #tpu.memory_space<hbm>>) target(%arg7 : memref<800x32xf32, #tpu.memory_space<vmem>>) offsets(%dma_start3A_573 : memref<800xi32, #tpu.memory_space<vmem>>) semaphore(%arg10 : memref<!tpu.dma_semaphore, #tpu.memory_space<semaphore_mem>>)
    %dma_wait3A_577 = arith.constant 16800 : i32
    %dma_wait3A_578 = tpu.memref_slice %arg6[%dma_wait3A_577] : memref<25600xi32, #tpu.memory_space<vmem>> -> memref<800xi32, #tpu.memory_space<vmem>>
    %dma_wait3A_579 = arith.constant 0 : i32
    %dma_wait3A_580 = arith.constant 0 : i32
    %dma_wait3A_581 = tpu.memref_slice %arg3[%dma_wait3A_579, %dma_wait3A_580] : memref<1000000x32xf32, #tpu.memory_space<hbm>> -> memref<1000000x32xf32, #tpu.memory_space<hbm>>
    tpu.wait_indirect_dma semaphore(%arg11 : memref<!tpu.dma_semaphore, #tpu.memory_space<semaphore_mem>>) src(%dma_wait3A_581 : memref<1000000x32xf32, #tpu.memory_space<hbm>>) dst(%arg8 : memref<800x32xf32, #tpu.memory_space<vmem>>)
    %scan3A_582 = arith.constant 0 : i32
    %scan3A_583 = arith.constant 0 : i32
    %scan3A_584 = arith.constant 200 : i32
    %scan3A_585 = arith.addi %scan3A_583, %scan3A_584 : i32
    %scan3A_586 = arith.constant 1 : i32
    %scan3A_587 = scf.for %scan3A_864 = %scan3A_583 to %scan3A_585 step %scan3A_586 iter_args(%scan3A_865 = %scan3A_582) -> (i32)  : i32 {
      %get3A = arith.index_cast %scan3A_864 : i32 to index
      %get3A_866 = arith.constant 0 : index
      %get3A_867 = tpu.vector_load %arg9[%get3A, %get3A_866] {strides = array<i32>} : memref<200x32xf32, #tpu.memory_space<vmem>>, vector<1x16xf32>,
      %get3A_868 = vector.shape_cast %get3A_867 : vector<1x16xf32> to vector<16xf32>
      %get3A_869 = arith.index_cast %scan3A_864 : i32 to index
      %get3A_870 = arith.constant 16 : index
      %get3A_871 = tpu.vector_load %arg9[%get3A_869, %get3A_870] {strides = array<i32>} : memref<200x32xf32, #tpu.memory_space<vmem>>, vector<1x16xf32>,
      %get3A_872 = vector.shape_cast %get3A_871 : vector<1x16xf32> to vector<16xf32>
      %add3A_873 = arith.constant 0 : i32
      %add3A_874 = arith.addi %add3A_873, %scan3A_864 : i32
      %get3A_875 = arith.index_cast %add3A_874 : i32 to index
      %get3A_876 = arith.constant 0 : index
      %get3A_877 = tpu.vector_load %arg8[%get3A_875, %get3A_876] {strides = array<i32>} : memref<800x32xf32, #tpu.memory_space<vmem>>, vector<1x16xf32>,
      %get3A_878 = vector.shape_cast %get3A_877 : vector<1x16xf32> to vector<16xf32>
      %add3A_879 = arith.addf %get3A_878, %get3A_868 : vector<16xf32>
      %swap3A = arith.index_cast %add3A_874 : i32 to index
      %swap3A_880 = arith.constant 0 : index
      %swap3A_881 = tpu.vector_load %arg8[%swap3A, %swap3A_880] {strides = array<i32>} : memref<800x32xf32, #tpu.memory_space<vmem>>, vector<1x16xf32>,
      %swap3A_882 = vector.shape_cast %swap3A_881 : vector<1x16xf32> to vector<16xf32>
      %swap3A_883 = vector.shape_cast %add3A_879 : vector<16xf32> to vector<1x16xf32>
      tpu.vector_store %arg8[%swap3A, %swap3A_880], %swap3A_883 {strides = array<i32>} : memref<800x32xf32, #tpu.memory_space<vmem>>, vector<1x16xf32>,
      %get3A_884 = arith.index_cast %add3A_874 : i32 to index
      %get3A_885 = arith.constant 16 : index
      %get3A_886 = tpu.vector_load %arg8[%get3A_884, %get3A_885] {strides = array<i32>} : memref<800x32xf32, #tpu.memory_space<vmem>>, vector<1x16xf32>,
      %get3A_887 = vector.shape_cast %get3A_886 : vector<1x16xf32> to vector<16xf32>
      %add3A_888 = arith.addf %get3A_887, %get3A_872 : vector<16xf32>
      %swap3A_889 = arith.index_cast %add3A_874 : i32 to index
      %swap3A_890 = arith.constant 16 : index
      %swap3A_891 = tpu.vector_load %arg8[%swap3A_889, %swap3A_890] {strides = array<i32>} : memref<800x32xf32, #tpu.memory_space<vmem>>, vector<1x16xf32>,
      %swap3A_892 = vector.shape_cast %swap3A_891 : vector<1x16xf32> to vector<16xf32>
      %swap3A_893 = vector.shape_cast %add3A_888 : vector<16xf32> to vector<1x16xf32>
      tpu.vector_store %arg8[%swap3A_889, %swap3A_890], %swap3A_893 {strides = array<i32>} : memref<800x32xf32, #tpu.memory_space<vmem>>, vector<1x16xf32>,
      %add3A_894 = arith.constant 200 : i32
      %add3A_895 = arith.addi %add3A_894, %scan3A_864 : i32
      %get3A_896 = arith.index_cast %add3A_895 : i32 to index
      %get3A_897 = arith.constant 0 : index
      %get3A_898 = tpu.vector_load %arg8[%get3A_896, %get3A_897] {strides = array<i32>} : memref<800x32xf32, #tpu.memory_space<vmem>>, vector<1x16xf32>,
      %get3A_899 = vector.shape_cast %get3A_898 : vector<1x16xf32> to vector<16xf32>
      %add3A_900 = arith.addf %get3A_899, %get3A_868 : vector<16xf32>
      %swap3A_901 = arith.index_cast %add3A_895 : i32 to index
      %swap3A_902 = arith.constant 0 : index
      %swap3A_903 = tpu.vector_load %arg8[%swap3A_901, %swap3A_902] {strides = array<i32>} : memref<800x32xf32, #tpu.memory_space<vmem>>, vector<1x16xf32>,
      %swap3A_904 = vector.shape_cast %swap3A_903 : vector<1x16xf32> to vector<16xf32>
      %swap3A_905 = vector.shape_cast %add3A_900 : vector<16xf32> to vector<1x16xf32>
      tpu.vector_store %arg8[%swap3A_901, %swap3A_902], %swap3A_905 {strides = array<i32>} : memref<800x32xf32, #tpu.memory_space<vmem>>, vector<1x16xf32>,
      %get3A_906 = arith.index_cast %add3A_895 : i32 to index
      %get3A_907 = arith.constant 16 : index
      %get3A_908 = tpu.vector_load %arg8[%get3A_906, %get3A_907] {strides = array<i32>} : memref<800x32xf32, #tpu.memory_space<vmem>>, vector<1x16xf32>,
      %get3A_909 = vector.shape_cast %get3A_908 : vector<1x16xf32> to vector<16xf32>
      %add3A_910 = arith.addf %get3A_909, %get3A_872 : vector<16xf32>
      %swap3A_911 = arith.index_cast %add3A_895 : i32 to index
      %swap3A_912 = arith.constant 16 : index
      %swap3A_913 = tpu.vector_load %arg8[%swap3A_911, %swap3A_912] {strides = array<i32>} : memref<800x32xf32, #tpu.memory_space<vmem>>, vector<1x16xf32>,
      %swap3A_914 = vector.shape_cast %swap3A_913 : vector<1x16xf32> to vector<16xf32>
      %swap3A_915 = vector.shape_cast %add3A_910 : vector<16xf32> to vector<1x16xf32>
      tpu.vector_store %arg8[%swap3A_911, %swap3A_912], %swap3A_915 {strides = array<i32>} : memref<800x32xf32, #tpu.memory_space<vmem>>, vector<1x16xf32>,
      %add3A_916 = arith.constant 400 : i32
      %add3A_917 = arith.addi %add3A_916, %scan3A_864 : i32
      %get3A_918 = arith.index_cast %add3A_917 : i32 to index
      %get3A_919 = arith.constant 0 : index
      %get3A_920 = tpu.vector_load %arg8[%get3A_918, %get3A_919] {strides = array<i32>} : memref<800x32xf32, #tpu.memory_space<vmem>>, vector<1x16xf32>,
      %get3A_921 = vector.shape_cast %get3A_920 : vector<1x16xf32> to vector<16xf32>
      %add3A_922 = arith.addf %get3A_921, %get3A_868 : vector<16xf32>
      %swap3A_923 = arith.index_cast %add3A_917 : i32 to index
      %swap3A_924 = arith.constant 0 : index
      %swap3A_925 = tpu.vector_load %arg8[%swap3A_923, %swap3A_924] {strides = array<i32>} : memref<800x32xf32, #tpu.memory_space<vmem>>, vector<1x16xf32>,
      %swap3A_926 = vector.shape_cast %swap3A_925 : vector<1x16xf32> to vector<16xf32>
      %swap3A_927 = vector.shape_cast %add3A_922 : vector<16xf32> to vector<1x16xf32>
      tpu.vector_store %arg8[%swap3A_923, %swap3A_924], %swap3A_927 {strides = array<i32>} : memref<800x32xf32, #tpu.memory_space<vmem>>, vector<1x16xf32>,
      %get3A_928 = arith.index_cast %add3A_917 : i32 to index
      %get3A_929 = arith.constant 16 : index
      %get3A_930 = tpu.vector_load %arg8[%get3A_928, %get3A_929] {strides = array<i32>} : memref<800x32xf32, #tpu.memory_space<vmem>>, vector<1x16xf32>,
      %get3A_931 = vector.shape_cast %get3A_930 : vector<1x16xf32> to vector<16xf32>
      %add3A_932 = arith.addf %get3A_931, %get3A_872 : vector<16xf32>
      %swap3A_933 = arith.index_cast %add3A_917 : i32 to index
      %swap3A_934 = arith.constant 16 : index
      %swap3A_935 = tpu.vector_load %arg8[%swap3A_933, %swap3A_934] {strides = array<i32>} : memref<800x32xf32, #tpu.memory_space<vmem>>, vector<1x16xf32>,
      %swap3A_936 = vector.shape_cast %swap3A_935 : vector<1x16xf32> to vector<16xf32>
      %swap3A_937 = vector.shape_cast %add3A_932 : vector<16xf32> to vector<1x16xf32>
      tpu.vector_store %arg8[%swap3A_933, %swap3A_934], %swap3A_937 {strides = array<i32>} : memref<800x32xf32, #tpu.memory_space<vmem>>, vector<1x16xf32>,
      %add3A_938 = arith.constant 600 : i32
      %add3A_939 = arith.addi %add3A_938, %scan3A_864 : i32
      %get3A_940 = arith.index_cast %add3A_939 : i32 to index
      %get3A_941 = arith.constant 0 : index
      %get3A_942 = tpu.vector_load %arg8[%get3A_940, %get3A_941] {strides = array<i32>} : memref<800x32xf32, #tpu.memory_space<vmem>>, vector<1x16xf32>,
      %get3A_943 = vector.shape_cast %get3A_942 : vector<1x16xf32> to vector<16xf32>
      %add3A_944 = arith.addf %get3A_943, %get3A_868 : vector<16xf32>
      %swap3A_945 = arith.index_cast %add3A_939 : i32 to index
      %swap3A_946 = arith.constant 0 : index
      %swap3A_947 = tpu.vector_load %arg8[%swap3A_945, %swap3A_946] {strides = array<i32>} : memref<800x32xf32, #tpu.memory_space<vmem>>, vector<1x16xf32>,
      %swap3A_948 = vector.shape_cast %swap3A_947 : vector<1x16xf32> to vector<16xf32>
      %swap3A_949 = vector.shape_cast %add3A_944 : vector<16xf32> to vector<1x16xf32>
      tpu.vector_store %arg8[%swap3A_945, %swap3A_946], %swap3A_949 {strides = array<i32>} : memref<800x32xf32, #tpu.memory_space<vmem>>, vector<1x16xf32>,
      %get3A_950 = arith.index_cast %add3A_939 : i32 to index
      %get3A_951 = arith.constant 16 : index
      %get3A_952 = tpu.vector_load %arg8[%get3A_950, %get3A_951] {strides = array<i32>} : memref<800x32xf32, #tpu.memory_space<vmem>>, vector<1x16xf32>,
      %get3A_953 = vector.shape_cast %get3A_952 : vector<1x16xf32> to vector<16xf32>
      %add3A_954 = arith.addf %get3A_953, %get3A_872 : vector<16xf32>
      %swap3A_955 = arith.index_cast %add3A_939 : i32 to index
      %swap3A_956 = arith.constant 16 : index
      %swap3A_957 = tpu.vector_load %arg8[%swap3A_955, %swap3A_956] {strides = array<i32>} : memref<800x32xf32, #tpu.memory_space<vmem>>, vector<1x16xf32>,
      %swap3A_958 = vector.shape_cast %swap3A_957 : vector<1x16xf32> to vector<16xf32>
      %swap3A_959 = vector.shape_cast %add3A_954 : vector<16xf32> to vector<1x16xf32>
      tpu.vector_store %arg8[%swap3A_955, %swap3A_956], %swap3A_959 {strides = array<i32>} : memref<800x32xf32, #tpu.memory_space<vmem>>, vector<1x16xf32>,
      %scan3A_960 = arith.constant 0 : i32
      scf.yield %scan3A_960 : i32
    }
    %scan3A_588 = arith.constant 200 : i32
    %add3A_589 = arith.constant 16800 : i32
    %add3A_590 = arith.addi %mul3A_2, %add3A_589 : i32
    %dma_start3A_591 = arith.constant 0 : i32
    %dma_start3A_592 = tpu.memref_slice %arg5[%add3A_590, %dma_start3A_591] : memref<819200x32xf32, #tpu.memory_space<hbm>> -> memref<800x32xf32, #tpu.memory_space<hbm>>
    %dma_start3A_593 = arith.constant 0 : i32
    %dma_start3A_594 = tpu.memref_slice %arg5[%add3A_590, %dma_start3A_593] : memref<819200x32xf32, #tpu.memory_space<hbm>> -> memref<800x32xf32, #tpu.memory_space<hbm>>
    tpu.enqueue_dma source(%arg8 : memref<800x32xf32, #tpu.memory_space<vmem>>) target(%dma_start3A_594 : memref<800x32xf32, #tpu.memory_space<hbm>>) target_semaphore(%arg13 : memref<!tpu.dma_semaphore, #tpu.memory_space<semaphore_mem>>)
    %dma_wait3A_595 = arith.constant 0 : i32
    %dma_wait3A_596 = tpu.memref_slice %arg5[%add3A_590, %dma_wait3A_595] : memref<819200x32xf32, #tpu.memory_space<hbm>> -> memref<800x32xf32, #tpu.memory_space<hbm>>
    %dma_wait3A_597 = arith.constant 0 : i32
    %dma_wait3A_598 = tpu.memref_slice %arg5[%add3A_590, %dma_wait3A_597] : memref<819200x32xf32, #tpu.memory_space<hbm>> -> memref<800x32xf32, #tpu.memory_space<hbm>>
    tpu.wait_dma2 semaphore(%arg13 : memref<!tpu.dma_semaphore, #tpu.memory_space<semaphore_mem>>) src(%arg8 : memref<800x32xf32, #tpu.memory_space<vmem>>) dst(%dma_wait3A_598 : memref<800x32xf32, #tpu.memory_space<hbm>>)
    %dma_start3A_599 = arith.constant 18400 : i32
    %dma_start3A_600 = tpu.memref_slice %arg6[%dma_start3A_599] : memref<25600xi32, #tpu.memory_space<vmem>> -> memref<800xi32, #tpu.memory_space<vmem>>
    %dma_start3A_601 = arith.constant 0 : i32
    %dma_start3A_602 = arith.constant 0 : i32
    %dma_start3A_603 = tpu.memref_slice %arg3[%dma_start3A_601, %dma_start3A_602] : memref<1000000x32xf32, #tpu.memory_space<hbm>> -> memref<1000000x32xf32, #tpu.memory_space<hbm>>
    tpu.enqueue_indirect_dma source(%dma_start3A_603 : memref<1000000x32xf32, #tpu.memory_space<hbm>>) target(%arg8 : memref<800x32xf32, #tpu.memory_space<vmem>>) offsets(%dma_start3A_600 : memref<800xi32, #tpu.memory_space<vmem>>) semaphore(%arg11 : memref<!tpu.dma_semaphore, #tpu.memory_space<semaphore_mem>>)
    %dma_wait3A_604 = arith.constant 17600 : i32
    %dma_wait3A_605 = tpu.memref_slice %arg6[%dma_wait3A_604] : memref<25600xi32, #tpu.memory_space<vmem>> -> memref<800xi32, #tpu.memory_space<vmem>>
    %dma_wait3A_606 = arith.constant 0 : i32
    %dma_wait3A_607 = arith.constant 0 : i32
    %dma_wait3A_608 = tpu.memref_slice %arg3[%dma_wait3A_606, %dma_wait3A_607] : memref<1000000x32xf32, #tpu.memory_space<hbm>> -> memref<1000000x32xf32, #tpu.memory_space<hbm>>
    tpu.wait_indirect_dma semaphore(%arg10 : memref<!tpu.dma_semaphore, #tpu.memory_space<semaphore_mem>>) src(%dma_wait3A_608 : memref<1000000x32xf32, #tpu.memory_space<hbm>>) dst(%arg7 : memref<800x32xf32, #tpu.memory_space<vmem>>)
    %scan3A_609 = arith.constant 0 : i32
    %scan3A_610 = arith.constant 0 : i32
    %scan3A_611 = arith.constant 200 : i32
    %scan3A_612 = arith.addi %scan3A_610, %scan3A_611 : i32
    %scan3A_613 = arith.constant 1 : i32
    %scan3A_614 = scf.for %scan3A_864 = %scan3A_610 to %scan3A_612 step %scan3A_613 iter_args(%scan3A_865 = %scan3A_609) -> (i32)  : i32 {
      %get3A = arith.index_cast %scan3A_864 : i32 to index
      %get3A_866 = arith.constant 0 : index
      %get3A_867 = tpu.vector_load %arg9[%get3A, %get3A_866] {strides = array<i32>} : memref<200x32xf32, #tpu.memory_space<vmem>>, vector<1x16xf32>,
      %get3A_868 = vector.shape_cast %get3A_867 : vector<1x16xf32> to vector<16xf32>
      %get3A_869 = arith.index_cast %scan3A_864 : i32 to index
      %get3A_870 = arith.constant 16 : index
      %get3A_871 = tpu.vector_load %arg9[%get3A_869, %get3A_870] {strides = array<i32>} : memref<200x32xf32, #tpu.memory_space<vmem>>, vector<1x16xf32>,
      %get3A_872 = vector.shape_cast %get3A_871 : vector<1x16xf32> to vector<16xf32>
      %add3A_873 = arith.constant 0 : i32
      %add3A_874 = arith.addi %add3A_873, %scan3A_864 : i32
      %get3A_875 = arith.index_cast %add3A_874 : i32 to index
      %get3A_876 = arith.constant 0 : index
      %get3A_877 = tpu.vector_load %arg7[%get3A_875, %get3A_876] {strides = array<i32>} : memref<800x32xf32, #tpu.memory_space<vmem>>, vector<1x16xf32>,
      %get3A_878 = vector.shape_cast %get3A_877 : vector<1x16xf32> to vector<16xf32>
      %add3A_879 = arith.addf %get3A_878, %get3A_868 : vector<16xf32>
      %swap3A = arith.index_cast %add3A_874 : i32 to index
      %swap3A_880 = arith.constant 0 : index
      %swap3A_881 = tpu.vector_load %arg7[%swap3A, %swap3A_880] {strides = array<i32>} : memref<800x32xf32, #tpu.memory_space<vmem>>, vector<1x16xf32>,
      %swap3A_882 = vector.shape_cast %swap3A_881 : vector<1x16xf32> to vector<16xf32>
      %swap3A_883 = vector.shape_cast %add3A_879 : vector<16xf32> to vector<1x16xf32>
      tpu.vector_store %arg7[%swap3A, %swap3A_880], %swap3A_883 {strides = array<i32>} : memref<800x32xf32, #tpu.memory_space<vmem>>, vector<1x16xf32>,
      %get3A_884 = arith.index_cast %add3A_874 : i32 to index
      %get3A_885 = arith.constant 16 : index
      %get3A_886 = tpu.vector_load %arg7[%get3A_884, %get3A_885] {strides = array<i32>} : memref<800x32xf32, #tpu.memory_space<vmem>>, vector<1x16xf32>,
      %get3A_887 = vector.shape_cast %get3A_886 : vector<1x16xf32> to vector<16xf32>
      %add3A_888 = arith.addf %get3A_887, %get3A_872 : vector<16xf32>
      %swap3A_889 = arith.index_cast %add3A_874 : i32 to index
      %swap3A_890 = arith.constant 16 : index
      %swap3A_891 = tpu.vector_load %arg7[%swap3A_889, %swap3A_890] {strides = array<i32>} : memref<800x32xf32, #tpu.memory_space<vmem>>, vector<1x16xf32>,
      %swap3A_892 = vector.shape_cast %swap3A_891 : vector<1x16xf32> to vector<16xf32>
      %swap3A_893 = vector.shape_cast %add3A_888 : vector<16xf32> to vector<1x16xf32>
      tpu.vector_store %arg7[%swap3A_889, %swap3A_890], %swap3A_893 {strides = array<i32>} : memref<800x32xf32, #tpu.memory_space<vmem>>, vector<1x16xf32>,
      %add3A_894 = arith.constant 200 : i32
      %add3A_895 = arith.addi %add3A_894, %scan3A_864 : i32
      %get3A_896 = arith.index_cast %add3A_895 : i32 to index
      %get3A_897 = arith.constant 0 : index
      %get3A_898 = tpu.vector_load %arg7[%get3A_896, %get3A_897] {strides = array<i32>} : memref<800x32xf32, #tpu.memory_space<vmem>>, vector<1x16xf32>,
      %get3A_899 = vector.shape_cast %get3A_898 : vector<1x16xf32> to vector<16xf32>
      %add3A_900 = arith.addf %get3A_899, %get3A_868 : vector<16xf32>
      %swap3A_901 = arith.index_cast %add3A_895 : i32 to index
      %swap3A_902 = arith.constant 0 : index
      %swap3A_903 = tpu.vector_load %arg7[%swap3A_901, %swap3A_902] {strides = array<i32>} : memref<800x32xf32, #tpu.memory_space<vmem>>, vector<1x16xf32>,
      %swap3A_904 = vector.shape_cast %swap3A_903 : vector<1x16xf32> to vector<16xf32>
      %swap3A_905 = vector.shape_cast %add3A_900 : vector<16xf32> to vector<1x16xf32>
      tpu.vector_store %arg7[%swap3A_901, %swap3A_902], %swap3A_905 {strides = array<i32>} : memref<800x32xf32, #tpu.memory_space<vmem>>, vector<1x16xf32>,
      %get3A_906 = arith.index_cast %add3A_895 : i32 to index
      %get3A_907 = arith.constant 16 : index
      %get3A_908 = tpu.vector_load %arg7[%get3A_906, %get3A_907] {strides = array<i32>} : memref<800x32xf32, #tpu.memory_space<vmem>>, vector<1x16xf32>,
      %get3A_909 = vector.shape_cast %get3A_908 : vector<1x16xf32> to vector<16xf32>
      %add3A_910 = arith.addf %get3A_909, %get3A_872 : vector<16xf32>
      %swap3A_911 = arith.index_cast %add3A_895 : i32 to index
      %swap3A_912 = arith.constant 16 : index
      %swap3A_913 = tpu.vector_load %arg7[%swap3A_911, %swap3A_912] {strides = array<i32>} : memref<800x32xf32, #tpu.memory_space<vmem>>, vector<1x16xf32>,
      %swap3A_914 = vector.shape_cast %swap3A_913 : vector<1x16xf32> to vector<16xf32>
      %swap3A_915 = vector.shape_cast %add3A_910 : vector<16xf32> to vector<1x16xf32>
      tpu.vector_store %arg7[%swap3A_911, %swap3A_912], %swap3A_915 {strides = array<i32>} : memref<800x32xf32, #tpu.memory_space<vmem>>, vector<1x16xf32>,
      %add3A_916 = arith.constant 400 : i32
      %add3A_917 = arith.addi %add3A_916, %scan3A_864 : i32
      %get3A_918 = arith.index_cast %add3A_917 : i32 to index
      %get3A_919 = arith.constant 0 : index
      %get3A_920 = tpu.vector_load %arg7[%get3A_918, %get3A_919] {strides = array<i32>} : memref<800x32xf32, #tpu.memory_space<vmem>>, vector<1x16xf32>,
      %get3A_921 = vector.shape_cast %get3A_920 : vector<1x16xf32> to vector<16xf32>
      %add3A_922 = arith.addf %get3A_921, %get3A_868 : vector<16xf32>
      %swap3A_923 = arith.index_cast %add3A_917 : i32 to index
      %swap3A_924 = arith.constant 0 : index
      %swap3A_925 = tpu.vector_load %arg7[%swap3A_923, %swap3A_924] {strides = array<i32>} : memref<800x32xf32, #tpu.memory_space<vmem>>, vector<1x16xf32>,
      %swap3A_926 = vector.shape_cast %swap3A_925 : vector<1x16xf32> to vector<16xf32>
      %swap3A_927 = vector.shape_cast %add3A_922 : vector<16xf32> to vector<1x16xf32>
      tpu.vector_store %arg7[%swap3A_923, %swap3A_924], %swap3A_927 {strides = array<i32>} : memref<800x32xf32, #tpu.memory_space<vmem>>, vector<1x16xf32>,
      %get3A_928 = arith.index_cast %add3A_917 : i32 to index
      %get3A_929 = arith.constant 16 : index
      %get3A_930 = tpu.vector_load %arg7[%get3A_928, %get3A_929] {strides = array<i32>} : memref<800x32xf32, #tpu.memory_space<vmem>>, vector<1x16xf32>,
      %get3A_931 = vector.shape_cast %get3A_930 : vector<1x16xf32> to vector<16xf32>
      %add3A_932 = arith.addf %get3A_931, %get3A_872 : vector<16xf32>
      %swap3A_933 = arith.index_cast %add3A_917 : i32 to index
      %swap3A_934 = arith.constant 16 : index
      %swap3A_935 = tpu.vector_load %arg7[%swap3A_933, %swap3A_934] {strides = array<i32>} : memref<800x32xf32, #tpu.memory_space<vmem>>, vector<1x16xf32>,
      %swap3A_936 = vector.shape_cast %swap3A_935 : vector<1x16xf32> to vector<16xf32>
      %swap3A_937 = vector.shape_cast %add3A_932 : vector<16xf32> to vector<1x16xf32>
      tpu.vector_store %arg7[%swap3A_933, %swap3A_934], %swap3A_937 {strides = array<i32>} : memref<800x32xf32, #tpu.memory_space<vmem>>, vector<1x16xf32>,
      %add3A_938 = arith.constant 600 : i32
      %add3A_939 = arith.addi %add3A_938, %scan3A_864 : i32
      %get3A_940 = arith.index_cast %add3A_939 : i32 to index
      %get3A_941 = arith.constant 0 : index
      %get3A_942 = tpu.vector_load %arg7[%get3A_940, %get3A_941] {strides = array<i32>} : memref<800x32xf32, #tpu.memory_space<vmem>>, vector<1x16xf32>,
      %get3A_943 = vector.shape_cast %get3A_942 : vector<1x16xf32> to vector<16xf32>
      %add3A_944 = arith.addf %get3A_943, %get3A_868 : vector<16xf32>
      %swap3A_945 = arith.index_cast %add3A_939 : i32 to index
      %swap3A_946 = arith.constant 0 : index
      %swap3A_947 = tpu.vector_load %arg7[%swap3A_945, %swap3A_946] {strides = array<i32>} : memref<800x32xf32, #tpu.memory_space<vmem>>, vector<1x16xf32>,
      %swap3A_948 = vector.shape_cast %swap3A_947 : vector<1x16xf32> to vector<16xf32>
      %swap3A_949 = vector.shape_cast %add3A_944 : vector<16xf32> to vector<1x16xf32>
      tpu.vector_store %arg7[%swap3A_945, %swap3A_946], %swap3A_949 {strides = array<i32>} : memref<800x32xf32, #tpu.memory_space<vmem>>, vector<1x16xf32>,
      %get3A_950 = arith.index_cast %add3A_939 : i32 to index
      %get3A_951 = arith.constant 16 : index
      %get3A_952 = tpu.vector_load %arg7[%get3A_950, %get3A_951] {strides = array<i32>} : memref<800x32xf32, #tpu.memory_space<vmem>>, vector<1x16xf32>,
      %get3A_953 = vector.shape_cast %get3A_952 : vector<1x16xf32> to vector<16xf32>
      %add3A_954 = arith.addf %get3A_953, %get3A_872 : vector<16xf32>
      %swap3A_955 = arith.index_cast %add3A_939 : i32 to index
      %swap3A_956 = arith.constant 16 : index
      %swap3A_957 = tpu.vector_load %arg7[%swap3A_955, %swap3A_956] {strides = array<i32>} : memref<800x32xf32, #tpu.memory_space<vmem>>, vector<1x16xf32>,
      %swap3A_958 = vector.shape_cast %swap3A_957 : vector<1x16xf32> to vector<16xf32>
      %swap3A_959 = vector.shape_cast %add3A_954 : vector<16xf32> to vector<1x16xf32>
      tpu.vector_store %arg7[%swap3A_955, %swap3A_956], %swap3A_959 {strides = array<i32>} : memref<800x32xf32, #tpu.memory_space<vmem>>, vector<1x16xf32>,
      %scan3A_960 = arith.constant 0 : i32
      scf.yield %scan3A_960 : i32
    }
    %scan3A_615 = arith.constant 200 : i32
    %add3A_616 = arith.constant 17600 : i32
    %add3A_617 = arith.addi %mul3A_2, %add3A_616 : i32
    %dma_start3A_618 = arith.constant 0 : i32
    %dma_start3A_619 = tpu.memref_slice %arg5[%add3A_617, %dma_start3A_618] : memref<819200x32xf32, #tpu.memory_space<hbm>> -> memref<800x32xf32, #tpu.memory_space<hbm>>
    %dma_start3A_620 = arith.constant 0 : i32
    %dma_start3A_621 = tpu.memref_slice %arg5[%add3A_617, %dma_start3A_620] : memref<819200x32xf32, #tpu.memory_space<hbm>> -> memref<800x32xf32, #tpu.memory_space<hbm>>
    tpu.enqueue_dma source(%arg7 : memref<800x32xf32, #tpu.memory_space<vmem>>) target(%dma_start3A_621 : memref<800x32xf32, #tpu.memory_space<hbm>>) target_semaphore(%arg12 : memref<!tpu.dma_semaphore, #tpu.memory_space<semaphore_mem>>)
    %dma_wait3A_622 = arith.constant 0 : i32
    %dma_wait3A_623 = tpu.memref_slice %arg5[%add3A_617, %dma_wait3A_622] : memref<819200x32xf32, #tpu.memory_space<hbm>> -> memref<800x32xf32, #tpu.memory_space<hbm>>
    %dma_wait3A_624 = arith.constant 0 : i32
    %dma_wait3A_625 = tpu.memref_slice %arg5[%add3A_617, %dma_wait3A_624] : memref<819200x32xf32, #tpu.memory_space<hbm>> -> memref<800x32xf32, #tpu.memory_space<hbm>>
    tpu.wait_dma2 semaphore(%arg12 : memref<!tpu.dma_semaphore, #tpu.memory_space<semaphore_mem>>) src(%arg7 : memref<800x32xf32, #tpu.memory_space<vmem>>) dst(%dma_wait3A_625 : memref<800x32xf32, #tpu.memory_space<hbm>>)
    %dma_start3A_626 = arith.constant 19200 : i32
    %dma_start3A_627 = tpu.memref_slice %arg6[%dma_start3A_626] : memref<25600xi32, #tpu.memory_space<vmem>> -> memref<800xi32, #tpu.memory_space<vmem>>
    %dma_start3A_628 = arith.constant 0 : i32
    %dma_start3A_629 = arith.constant 0 : i32
    %dma_start3A_630 = tpu.memref_slice %arg3[%dma_start3A_628, %dma_start3A_629] : memref<1000000x32xf32, #tpu.memory_space<hbm>> -> memref<1000000x32xf32, #tpu.memory_space<hbm>>
    tpu.enqueue_indirect_dma source(%dma_start3A_630 : memref<1000000x32xf32, #tpu.memory_space<hbm>>) target(%arg7 : memref<800x32xf32, #tpu.memory_space<vmem>>) offsets(%dma_start3A_627 : memref<800xi32, #tpu.memory_space<vmem>>) semaphore(%arg10 : memref<!tpu.dma_semaphore, #tpu.memory_space<semaphore_mem>>)
    %dma_wait3A_631 = arith.constant 18400 : i32
    %dma_wait3A_632 = tpu.memref_slice %arg6[%dma_wait3A_631] : memref<25600xi32, #tpu.memory_space<vmem>> -> memref<800xi32, #tpu.memory_space<vmem>>
    %dma_wait3A_633 = arith.constant 0 : i32
    %dma_wait3A_634 = arith.constant 0 : i32
    %dma_wait3A_635 = tpu.memref_slice %arg3[%dma_wait3A_633, %dma_wait3A_634] : memref<1000000x32xf32, #tpu.memory_space<hbm>> -> memref<1000000x32xf32, #tpu.memory_space<hbm>>
    tpu.wait_indirect_dma semaphore(%arg11 : memref<!tpu.dma_semaphore, #tpu.memory_space<semaphore_mem>>) src(%dma_wait3A_635 : memref<1000000x32xf32, #tpu.memory_space<hbm>>) dst(%arg8 : memref<800x32xf32, #tpu.memory_space<vmem>>)
    %scan3A_636 = arith.constant 0 : i32
    %scan3A_637 = arith.constant 0 : i32
    %scan3A_638 = arith.constant 200 : i32
    %scan3A_639 = arith.addi %scan3A_637, %scan3A_638 : i32
    %scan3A_640 = arith.constant 1 : i32
    %scan3A_641 = scf.for %scan3A_864 = %scan3A_637 to %scan3A_639 step %scan3A_640 iter_args(%scan3A_865 = %scan3A_636) -> (i32)  : i32 {
      %get3A = arith.index_cast %scan3A_864 : i32 to index
      %get3A_866 = arith.constant 0 : index
      %get3A_867 = tpu.vector_load %arg9[%get3A, %get3A_866] {strides = array<i32>} : memref<200x32xf32, #tpu.memory_space<vmem>>, vector<1x16xf32>,
      %get3A_868 = vector.shape_cast %get3A_867 : vector<1x16xf32> to vector<16xf32>
      %get3A_869 = arith.index_cast %scan3A_864 : i32 to index
      %get3A_870 = arith.constant 16 : index
      %get3A_871 = tpu.vector_load %arg9[%get3A_869, %get3A_870] {strides = array<i32>} : memref<200x32xf32, #tpu.memory_space<vmem>>, vector<1x16xf32>,
      %get3A_872 = vector.shape_cast %get3A_871 : vector<1x16xf32> to vector<16xf32>
      %add3A_873 = arith.constant 0 : i32
      %add3A_874 = arith.addi %add3A_873, %scan3A_864 : i32
      %get3A_875 = arith.index_cast %add3A_874 : i32 to index
      %get3A_876 = arith.constant 0 : index
      %get3A_877 = tpu.vector_load %arg8[%get3A_875, %get3A_876] {strides = array<i32>} : memref<800x32xf32, #tpu.memory_space<vmem>>, vector<1x16xf32>,
      %get3A_878 = vector.shape_cast %get3A_877 : vector<1x16xf32> to vector<16xf32>
      %add3A_879 = arith.addf %get3A_878, %get3A_868 : vector<16xf32>
      %swap3A = arith.index_cast %add3A_874 : i32 to index
      %swap3A_880 = arith.constant 0 : index
      %swap3A_881 = tpu.vector_load %arg8[%swap3A, %swap3A_880] {strides = array<i32>} : memref<800x32xf32, #tpu.memory_space<vmem>>, vector<1x16xf32>,
      %swap3A_882 = vector.shape_cast %swap3A_881 : vector<1x16xf32> to vector<16xf32>
      %swap3A_883 = vector.shape_cast %add3A_879 : vector<16xf32> to vector<1x16xf32>
      tpu.vector_store %arg8[%swap3A, %swap3A_880], %swap3A_883 {strides = array<i32>} : memref<800x32xf32, #tpu.memory_space<vmem>>, vector<1x16xf32>,
      %get3A_884 = arith.index_cast %add3A_874 : i32 to index
      %get3A_885 = arith.constant 16 : index
      %get3A_886 = tpu.vector_load %arg8[%get3A_884, %get3A_885] {strides = array<i32>} : memref<800x32xf32, #tpu.memory_space<vmem>>, vector<1x16xf32>,
      %get3A_887 = vector.shape_cast %get3A_886 : vector<1x16xf32> to vector<16xf32>
      %add3A_888 = arith.addf %get3A_887, %get3A_872 : vector<16xf32>
      %swap3A_889 = arith.index_cast %add3A_874 : i32 to index
      %swap3A_890 = arith.constant 16 : index
      %swap3A_891 = tpu.vector_load %arg8[%swap3A_889, %swap3A_890] {strides = array<i32>} : memref<800x32xf32, #tpu.memory_space<vmem>>, vector<1x16xf32>,
      %swap3A_892 = vector.shape_cast %swap3A_891 : vector<1x16xf32> to vector<16xf32>
      %swap3A_893 = vector.shape_cast %add3A_888 : vector<16xf32> to vector<1x16xf32>
      tpu.vector_store %arg8[%swap3A_889, %swap3A_890], %swap3A_893 {strides = array<i32>} : memref<800x32xf32, #tpu.memory_space<vmem>>, vector<1x16xf32>,
      %add3A_894 = arith.constant 200 : i32
      %add3A_895 = arith.addi %add3A_894, %scan3A_864 : i32
      %get3A_896 = arith.index_cast %add3A_895 : i32 to index
      %get3A_897 = arith.constant 0 : index
      %get3A_898 = tpu.vector_load %arg8[%get3A_896, %get3A_897] {strides = array<i32>} : memref<800x32xf32, #tpu.memory_space<vmem>>, vector<1x16xf32>,
      %get3A_899 = vector.shape_cast %get3A_898 : vector<1x16xf32> to vector<16xf32>
      %add3A_900 = arith.addf %get3A_899, %get3A_868 : vector<16xf32>
      %swap3A_901 = arith.index_cast %add3A_895 : i32 to index
      %swap3A_902 = arith.constant 0 : index
      %swap3A_903 = tpu.vector_load %arg8[%swap3A_901, %swap3A_902] {strides = array<i32>} : memref<800x32xf32, #tpu.memory_space<vmem>>, vector<1x16xf32>,
      %swap3A_904 = vector.shape_cast %swap3A_903 : vector<1x16xf32> to vector<16xf32>
      %swap3A_905 = vector.shape_cast %add3A_900 : vector<16xf32> to vector<1x16xf32>
      tpu.vector_store %arg8[%swap3A_901, %swap3A_902], %swap3A_905 {strides = array<i32>} : memref<800x32xf32, #tpu.memory_space<vmem>>, vector<1x16xf32>,
      %get3A_906 = arith.index_cast %add3A_895 : i32 to index
      %get3A_907 = arith.constant 16 : index
      %get3A_908 = tpu.vector_load %arg8[%get3A_906, %get3A_907] {strides = array<i32>} : memref<800x32xf32, #tpu.memory_space<vmem>>, vector<1x16xf32>,
      %get3A_909 = vector.shape_cast %get3A_908 : vector<1x16xf32> to vector<16xf32>
      %add3A_910 = arith.addf %get3A_909, %get3A_872 : vector<16xf32>
      %swap3A_911 = arith.index_cast %add3A_895 : i32 to index
      %swap3A_912 = arith.constant 16 : index
      %swap3A_913 = tpu.vector_load %arg8[%swap3A_911, %swap3A_912] {strides = array<i32>} : memref<800x32xf32, #tpu.memory_space<vmem>>, vector<1x16xf32>,
      %swap3A_914 = vector.shape_cast %swap3A_913 : vector<1x16xf32> to vector<16xf32>
      %swap3A_915 = vector.shape_cast %add3A_910 : vector<16xf32> to vector<1x16xf32>
      tpu.vector_store %arg8[%swap3A_911, %swap3A_912], %swap3A_915 {strides = array<i32>} : memref<800x32xf32, #tpu.memory_space<vmem>>, vector<1x16xf32>,
      %add3A_916 = arith.constant 400 : i32
      %add3A_917 = arith.addi %add3A_916, %scan3A_864 : i32
      %get3A_918 = arith.index_cast %add3A_917 : i32 to index
      %get3A_919 = arith.constant 0 : index
      %get3A_920 = tpu.vector_load %arg8[%get3A_918, %get3A_919] {strides = array<i32>} : memref<800x32xf32, #tpu.memory_space<vmem>>, vector<1x16xf32>,
      %get3A_921 = vector.shape_cast %get3A_920 : vector<1x16xf32> to vector<16xf32>
      %add3A_922 = arith.addf %get3A_921, %get3A_868 : vector<16xf32>
      %swap3A_923 = arith.index_cast %add3A_917 : i32 to index
      %swap3A_924 = arith.constant 0 : index
      %swap3A_925 = tpu.vector_load %arg8[%swap3A_923, %swap3A_924] {strides = array<i32>} : memref<800x32xf32, #tpu.memory_space<vmem>>, vector<1x16xf32>,
      %swap3A_926 = vector.shape_cast %swap3A_925 : vector<1x16xf32> to vector<16xf32>
      %swap3A_927 = vector.shape_cast %add3A_922 : vector<16xf32> to vector<1x16xf32>
      tpu.vector_store %arg8[%swap3A_923, %swap3A_924], %swap3A_927 {strides = array<i32>} : memref<800x32xf32, #tpu.memory_space<vmem>>, vector<1x16xf32>,
      %get3A_928 = arith.index_cast %add3A_917 : i32 to index
      %get3A_929 = arith.constant 16 : index
      %get3A_930 = tpu.vector_load %arg8[%get3A_928, %get3A_929] {strides = array<i32>} : memref<800x32xf32, #tpu.memory_space<vmem>>, vector<1x16xf32>,
      %get3A_931 = vector.shape_cast %get3A_930 : vector<1x16xf32> to vector<16xf32>
      %add3A_932 = arith.addf %get3A_931, %get3A_872 : vector<16xf32>
      %swap3A_933 = arith.index_cast %add3A_917 : i32 to index
      %swap3A_934 = arith.constant 16 : index
      %swap3A_935 = tpu.vector_load %arg8[%swap3A_933, %swap3A_934] {strides = array<i32>} : memref<800x32xf32, #tpu.memory_space<vmem>>, vector<1x16xf32>,
      %swap3A_936 = vector.shape_cast %swap3A_935 : vector<1x16xf32> to vector<16xf32>
      %swap3A_937 = vector.shape_cast %add3A_932 : vector<16xf32> to vector<1x16xf32>
      tpu.vector_store %arg8[%swap3A_933, %swap3A_934], %swap3A_937 {strides = array<i32>} : memref<800x32xf32, #tpu.memory_space<vmem>>, vector<1x16xf32>,
      %add3A_938 = arith.constant 600 : i32
      %add3A_939 = arith.addi %add3A_938, %scan3A_864 : i32
      %get3A_940 = arith.index_cast %add3A_939 : i32 to index
      %get3A_941 = arith.constant 0 : index
      %get3A_942 = tpu.vector_load %arg8[%get3A_940, %get3A_941] {strides = array<i32>} : memref<800x32xf32, #tpu.memory_space<vmem>>, vector<1x16xf32>,
      %get3A_943 = vector.shape_cast %get3A_942 : vector<1x16xf32> to vector<16xf32>
      %add3A_944 = arith.addf %get3A_943, %get3A_868 : vector<16xf32>
      %swap3A_945 = arith.index_cast %add3A_939 : i32 to index
      %swap3A_946 = arith.constant 0 : index
      %swap3A_947 = tpu.vector_load %arg8[%swap3A_945, %swap3A_946] {strides = array<i32>} : memref<800x32xf32, #tpu.memory_space<vmem>>, vector<1x16xf32>,
      %swap3A_948 = vector.shape_cast %swap3A_947 : vector<1x16xf32> to vector<16xf32>
      %swap3A_949 = vector.shape_cast %add3A_944 : vector<16xf32> to vector<1x16xf32>
      tpu.vector_store %arg8[%swap3A_945, %swap3A_946], %swap3A_949 {strides = array<i32>} : memref<800x32xf32, #tpu.memory_space<vmem>>, vector<1x16xf32>,
      %get3A_950 = arith.index_cast %add3A_939 : i32 to index
      %get3A_951 = arith.constant 16 : index
      %get3A_952 = tpu.vector_load %arg8[%get3A_950, %get3A_951] {strides = array<i32>} : memref<800x32xf32, #tpu.memory_space<vmem>>, vector<1x16xf32>,
      %get3A_953 = vector.shape_cast %get3A_952 : vector<1x16xf32> to vector<16xf32>
      %add3A_954 = arith.addf %get3A_953, %get3A_872 : vector<16xf32>
      %swap3A_955 = arith.index_cast %add3A_939 : i32 to index
      %swap3A_956 = arith.constant 16 : index
      %swap3A_957 = tpu.vector_load %arg8[%swap3A_955, %swap3A_956] {strides = array<i32>} : memref<800x32xf32, #tpu.memory_space<vmem>>, vector<1x16xf32>,
      %swap3A_958 = vector.shape_cast %swap3A_957 : vector<1x16xf32> to vector<16xf32>
      %swap3A_959 = vector.shape_cast %add3A_954 : vector<16xf32> to vector<1x16xf32>
      tpu.vector_store %arg8[%swap3A_955, %swap3A_956], %swap3A_959 {strides = array<i32>} : memref<800x32xf32, #tpu.memory_space<vmem>>, vector<1x16xf32>,
      %scan3A_960 = arith.constant 0 : i32
      scf.yield %scan3A_960 : i32
    }
    %scan3A_642 = arith.constant 200 : i32
    %add3A_643 = arith.constant 18400 : i32
    %add3A_644 = arith.addi %mul3A_2, %add3A_643 : i32
    %dma_start3A_645 = arith.constant 0 : i32
    %dma_start3A_646 = tpu.memref_slice %arg5[%add3A_644, %dma_start3A_645] : memref<819200x32xf32, #tpu.memory_space<hbm>> -> memref<800x32xf32, #tpu.memory_space<hbm>>
    %dma_start3A_647 = arith.constant 0 : i32
    %dma_start3A_648 = tpu.memref_slice %arg5[%add3A_644, %dma_start3A_647] : memref<819200x32xf32, #tpu.memory_space<hbm>> -> memref<800x32xf32, #tpu.memory_space<hbm>>
    tpu.enqueue_dma source(%arg8 : memref<800x32xf32, #tpu.memory_space<vmem>>) target(%dma_start3A_648 : memref<800x32xf32, #tpu.memory_space<hbm>>) target_semaphore(%arg13 : memref<!tpu.dma_semaphore, #tpu.memory_space<semaphore_mem>>)
    %dma_wait3A_649 = arith.constant 0 : i32
    %dma_wait3A_650 = tpu.memref_slice %arg5[%add3A_644, %dma_wait3A_649] : memref<819200x32xf32, #tpu.memory_space<hbm>> -> memref<800x32xf32, #tpu.memory_space<hbm>>
    %dma_wait3A_651 = arith.constant 0 : i32
    %dma_wait3A_652 = tpu.memref_slice %arg5[%add3A_644, %dma_wait3A_651] : memref<819200x32xf32, #tpu.memory_space<hbm>> -> memref<800x32xf32, #tpu.memory_space<hbm>>
    tpu.wait_dma2 semaphore(%arg13 : memref<!tpu.dma_semaphore, #tpu.memory_space<semaphore_mem>>) src(%arg8 : memref<800x32xf32, #tpu.memory_space<vmem>>) dst(%dma_wait3A_652 : memref<800x32xf32, #tpu.memory_space<hbm>>)
    %dma_start3A_653 = arith.constant 20000 : i32
    %dma_start3A_654 = tpu.memref_slice %arg6[%dma_start3A_653] : memref<25600xi32, #tpu.memory_space<vmem>> -> memref<800xi32, #tpu.memory_space<vmem>>
    %dma_start3A_655 = arith.constant 0 : i32
    %dma_start3A_656 = arith.constant 0 : i32
    %dma_start3A_657 = tpu.memref_slice %arg3[%dma_start3A_655, %dma_start3A_656] : memref<1000000x32xf32, #tpu.memory_space<hbm>> -> memref<1000000x32xf32, #tpu.memory_space<hbm>>
    tpu.enqueue_indirect_dma source(%dma_start3A_657 : memref<1000000x32xf32, #tpu.memory_space<hbm>>) target(%arg8 : memref<800x32xf32, #tpu.memory_space<vmem>>) offsets(%dma_start3A_654 : memref<800xi32, #tpu.memory_space<vmem>>) semaphore(%arg11 : memref<!tpu.dma_semaphore, #tpu.memory_space<semaphore_mem>>)
    %dma_wait3A_658 = arith.constant 19200 : i32
    %dma_wait3A_659 = tpu.memref_slice %arg6[%dma_wait3A_658] : memref<25600xi32, #tpu.memory_space<vmem>> -> memref<800xi32, #tpu.memory_space<vmem>>
    %dma_wait3A_660 = arith.constant 0 : i32
    %dma_wait3A_661 = arith.constant 0 : i32
    %dma_wait3A_662 = tpu.memref_slice %arg3[%dma_wait3A_660, %dma_wait3A_661] : memref<1000000x32xf32, #tpu.memory_space<hbm>> -> memref<1000000x32xf32, #tpu.memory_space<hbm>>
    tpu.wait_indirect_dma semaphore(%arg10 : memref<!tpu.dma_semaphore, #tpu.memory_space<semaphore_mem>>) src(%dma_wait3A_662 : memref<1000000x32xf32, #tpu.memory_space<hbm>>) dst(%arg7 : memref<800x32xf32, #tpu.memory_space<vmem>>)
    %scan3A_663 = arith.constant 0 : i32
    %scan3A_664 = arith.constant 0 : i32
    %scan3A_665 = arith.constant 200 : i32
    %scan3A_666 = arith.addi %scan3A_664, %scan3A_665 : i32
    %scan3A_667 = arith.constant 1 : i32
    %scan3A_668 = scf.for %scan3A_864 = %scan3A_664 to %scan3A_666 step %scan3A_667 iter_args(%scan3A_865 = %scan3A_663) -> (i32)  : i32 {
      %get3A = arith.index_cast %scan3A_864 : i32 to index
      %get3A_866 = arith.constant 0 : index
      %get3A_867 = tpu.vector_load %arg9[%get3A, %get3A_866] {strides = array<i32>} : memref<200x32xf32, #tpu.memory_space<vmem>>, vector<1x16xf32>,
      %get3A_868 = vector.shape_cast %get3A_867 : vector<1x16xf32> to vector<16xf32>
      %get3A_869 = arith.index_cast %scan3A_864 : i32 to index
      %get3A_870 = arith.constant 16 : index
      %get3A_871 = tpu.vector_load %arg9[%get3A_869, %get3A_870] {strides = array<i32>} : memref<200x32xf32, #tpu.memory_space<vmem>>, vector<1x16xf32>,
      %get3A_872 = vector.shape_cast %get3A_871 : vector<1x16xf32> to vector<16xf32>
      %add3A_873 = arith.constant 0 : i32
      %add3A_874 = arith.addi %add3A_873, %scan3A_864 : i32
      %get3A_875 = arith.index_cast %add3A_874 : i32 to index
      %get3A_876 = arith.constant 0 : index
      %get3A_877 = tpu.vector_load %arg7[%get3A_875, %get3A_876] {strides = array<i32>} : memref<800x32xf32, #tpu.memory_space<vmem>>, vector<1x16xf32>,
      %get3A_878 = vector.shape_cast %get3A_877 : vector<1x16xf32> to vector<16xf32>
      %add3A_879 = arith.addf %get3A_878, %get3A_868 : vector<16xf32>
      %swap3A = arith.index_cast %add3A_874 : i32 to index
      %swap3A_880 = arith.constant 0 : index
      %swap3A_881 = tpu.vector_load %arg7[%swap3A, %swap3A_880] {strides = array<i32>} : memref<800x32xf32, #tpu.memory_space<vmem>>, vector<1x16xf32>,
      %swap3A_882 = vector.shape_cast %swap3A_881 : vector<1x16xf32> to vector<16xf32>
      %swap3A_883 = vector.shape_cast %add3A_879 : vector<16xf32> to vector<1x16xf32>
      tpu.vector_store %arg7[%swap3A, %swap3A_880], %swap3A_883 {strides = array<i32>} : memref<800x32xf32, #tpu.memory_space<vmem>>, vector<1x16xf32>,
      %get3A_884 = arith.index_cast %add3A_874 : i32 to index
      %get3A_885 = arith.constant 16 : index
      %get3A_886 = tpu.vector_load %arg7[%get3A_884, %get3A_885] {strides = array<i32>} : memref<800x32xf32, #tpu.memory_space<vmem>>, vector<1x16xf32>,
      %get3A_887 = vector.shape_cast %get3A_886 : vector<1x16xf32> to vector<16xf32>
      %add3A_888 = arith.addf %get3A_887, %get3A_872 : vector<16xf32>
      %swap3A_889 = arith.index_cast %add3A_874 : i32 to index
      %swap3A_890 = arith.constant 16 : index
      %swap3A_891 = tpu.vector_load %arg7[%swap3A_889, %swap3A_890] {strides = array<i32>} : memref<800x32xf32, #tpu.memory_space<vmem>>, vector<1x16xf32>,
      %swap3A_892 = vector.shape_cast %swap3A_891 : vector<1x16xf32> to vector<16xf32>
      %swap3A_893 = vector.shape_cast %add3A_888 : vector<16xf32> to vector<1x16xf32>
      tpu.vector_store %arg7[%swap3A_889, %swap3A_890], %swap3A_893 {strides = array<i32>} : memref<800x32xf32, #tpu.memory_space<vmem>>, vector<1x16xf32>,
      %add3A_894 = arith.constant 200 : i32
      %add3A_895 = arith.addi %add3A_894, %scan3A_864 : i32
      %get3A_896 = arith.index_cast %add3A_895 : i32 to index
      %get3A_897 = arith.constant 0 : index
      %get3A_898 = tpu.vector_load %arg7[%get3A_896, %get3A_897] {strides = array<i32>} : memref<800x32xf32, #tpu.memory_space<vmem>>, vector<1x16xf32>,
      %get3A_899 = vector.shape_cast %get3A_898 : vector<1x16xf32> to vector<16xf32>
      %add3A_900 = arith.addf %get3A_899, %get3A_868 : vector<16xf32>
      %swap3A_901 = arith.index_cast %add3A_895 : i32 to index
      %swap3A_902 = arith.constant 0 : index
      %swap3A_903 = tpu.vector_load %arg7[%swap3A_901, %swap3A_902] {strides = array<i32>} : memref<800x32xf32, #tpu.memory_space<vmem>>, vector<1x16xf32>,
      %swap3A_904 = vector.shape_cast %swap3A_903 : vector<1x16xf32> to vector<16xf32>
      %swap3A_905 = vector.shape_cast %add3A_900 : vector<16xf32> to vector<1x16xf32>
      tpu.vector_store %arg7[%swap3A_901, %swap3A_902], %swap3A_905 {strides = array<i32>} : memref<800x32xf32, #tpu.memory_space<vmem>>, vector<1x16xf32>,
      %get3A_906 = arith.index_cast %add3A_895 : i32 to index
      %get3A_907 = arith.constant 16 : index
      %get3A_908 = tpu.vector_load %arg7[%get3A_906, %get3A_907] {strides = array<i32>} : memref<800x32xf32, #tpu.memory_space<vmem>>, vector<1x16xf32>,
      %get3A_909 = vector.shape_cast %get3A_908 : vector<1x16xf32> to vector<16xf32>
      %add3A_910 = arith.addf %get3A_909, %get3A_872 : vector<16xf32>
      %swap3A_911 = arith.index_cast %add3A_895 : i32 to index
      %swap3A_912 = arith.constant 16 : index
      %swap3A_913 = tpu.vector_load %arg7[%swap3A_911, %swap3A_912] {strides = array<i32>} : memref<800x32xf32, #tpu.memory_space<vmem>>, vector<1x16xf32>,
      %swap3A_914 = vector.shape_cast %swap3A_913 : vector<1x16xf32> to vector<16xf32>
      %swap3A_915 = vector.shape_cast %add3A_910 : vector<16xf32> to vector<1x16xf32>
      tpu.vector_store %arg7[%swap3A_911, %swap3A_912], %swap3A_915 {strides = array<i32>} : memref<800x32xf32, #tpu.memory_space<vmem>>, vector<1x16xf32>,
      %add3A_916 = arith.constant 400 : i32
      %add3A_917 = arith.addi %add3A_916, %scan3A_864 : i32
      %get3A_918 = arith.index_cast %add3A_917 : i32 to index
      %get3A_919 = arith.constant 0 : index
      %get3A_920 = tpu.vector_load %arg7[%get3A_918, %get3A_919] {strides = array<i32>} : memref<800x32xf32, #tpu.memory_space<vmem>>, vector<1x16xf32>,
      %get3A_921 = vector.shape_cast %get3A_920 : vector<1x16xf32> to vector<16xf32>
      %add3A_922 = arith.addf %get3A_921, %get3A_868 : vector<16xf32>
      %swap3A_923 = arith.index_cast %add3A_917 : i32 to index
      %swap3A_924 = arith.constant 0 : index
      %swap3A_925 = tpu.vector_load %arg7[%swap3A_923, %swap3A_924] {strides = array<i32>} : memref<800x32xf32, #tpu.memory_space<vmem>>, vector<1x16xf32>,
      %swap3A_926 = vector.shape_cast %swap3A_925 : vector<1x16xf32> to vector<16xf32>
      %swap3A_927 = vector.shape_cast %add3A_922 : vector<16xf32> to vector<1x16xf32>
      tpu.vector_store %arg7[%swap3A_923, %swap3A_924], %swap3A_927 {strides = array<i32>} : memref<800x32xf32, #tpu.memory_space<vmem>>, vector<1x16xf32>,
      %get3A_928 = arith.index_cast %add3A_917 : i32 to index
      %get3A_929 = arith.constant 16 : index
      %get3A_930 = tpu.vector_load %arg7[%get3A_928, %get3A_929] {strides = array<i32>} : memref<800x32xf32, #tpu.memory_space<vmem>>, vector<1x16xf32>,
      %get3A_931 = vector.shape_cast %get3A_930 : vector<1x16xf32> to vector<16xf32>
      %add3A_932 = arith.addf %get3A_931, %get3A_872 : vector<16xf32>
      %swap3A_933 = arith.index_cast %add3A_917 : i32 to index
      %swap3A_934 = arith.constant 16 : index
      %swap3A_935 = tpu.vector_load %arg7[%swap3A_933, %swap3A_934] {strides = array<i32>} : memref<800x32xf32, #tpu.memory_space<vmem>>, vector<1x16xf32>,
      %swap3A_936 = vector.shape_cast %swap3A_935 : vector<1x16xf32> to vector<16xf32>
      %swap3A_937 = vector.shape_cast %add3A_932 : vector<16xf32> to vector<1x16xf32>
      tpu.vector_store %arg7[%swap3A_933, %swap3A_934], %swap3A_937 {strides = array<i32>} : memref<800x32xf32, #tpu.memory_space<vmem>>, vector<1x16xf32>,
      %add3A_938 = arith.constant 600 : i32
      %add3A_939 = arith.addi %add3A_938, %scan3A_864 : i32
      %get3A_940 = arith.index_cast %add3A_939 : i32 to index
      %get3A_941 = arith.constant 0 : index
      %get3A_942 = tpu.vector_load %arg7[%get3A_940, %get3A_941] {strides = array<i32>} : memref<800x32xf32, #tpu.memory_space<vmem>>, vector<1x16xf32>,
      %get3A_943 = vector.shape_cast %get3A_942 : vector<1x16xf32> to vector<16xf32>
      %add3A_944 = arith.addf %get3A_943, %get3A_868 : vector<16xf32>
      %swap3A_945 = arith.index_cast %add3A_939 : i32 to index
      %swap3A_946 = arith.constant 0 : index
      %swap3A_947 = tpu.vector_load %arg7[%swap3A_945, %swap3A_946] {strides = array<i32>} : memref<800x32xf32, #tpu.memory_space<vmem>>, vector<1x16xf32>,
      %swap3A_948 = vector.shape_cast %swap3A_947 : vector<1x16xf32> to vector<16xf32>
      %swap3A_949 = vector.shape_cast %add3A_944 : vector<16xf32> to vector<1x16xf32>
      tpu.vector_store %arg7[%swap3A_945, %swap3A_946], %swap3A_949 {strides = array<i32>} : memref<800x32xf32, #tpu.memory_space<vmem>>, vector<1x16xf32>,
      %get3A_950 = arith.index_cast %add3A_939 : i32 to index
      %get3A_951 = arith.constant 16 : index
      %get3A_952 = tpu.vector_load %arg7[%get3A_950, %get3A_951] {strides = array<i32>} : memref<800x32xf32, #tpu.memory_space<vmem>>, vector<1x16xf32>,
      %get3A_953 = vector.shape_cast %get3A_952 : vector<1x16xf32> to vector<16xf32>
      %add3A_954 = arith.addf %get3A_953, %get3A_872 : vector<16xf32>
      %swap3A_955 = arith.index_cast %add3A_939 : i32 to index
      %swap3A_956 = arith.constant 16 : index
      %swap3A_957 = tpu.vector_load %arg7[%swap3A_955, %swap3A_956] {strides = array<i32>} : memref<800x32xf32, #tpu.memory_space<vmem>>, vector<1x16xf32>,
      %swap3A_958 = vector.shape_cast %swap3A_957 : vector<1x16xf32> to vector<16xf32>
      %swap3A_959 = vector.shape_cast %add3A_954 : vector<16xf32> to vector<1x16xf32>
      tpu.vector_store %arg7[%swap3A_955, %swap3A_956], %swap3A_959 {strides = array<i32>} : memref<800x32xf32, #tpu.memory_space<vmem>>, vector<1x16xf32>,
      %scan3A_960 = arith.constant 0 : i32
      scf.yield %scan3A_960 : i32
    }
    %scan3A_669 = arith.constant 200 : i32
    %add3A_670 = arith.constant 19200 : i32
    %add3A_671 = arith.addi %mul3A_2, %add3A_670 : i32
    %dma_start3A_672 = arith.constant 0 : i32
    %dma_start3A_673 = tpu.memref_slice %arg5[%add3A_671, %dma_start3A_672] : memref<819200x32xf32, #tpu.memory_space<hbm>> -> memref<800x32xf32, #tpu.memory_space<hbm>>
    %dma_start3A_674 = arith.constant 0 : i32
    %dma_start3A_675 = tpu.memref_slice %arg5[%add3A_671, %dma_start3A_674] : memref<819200x32xf32, #tpu.memory_space<hbm>> -> memref<800x32xf32, #tpu.memory_space<hbm>>
    tpu.enqueue_dma source(%arg7 : memref<800x32xf32, #tpu.memory_space<vmem>>) target(%dma_start3A_675 : memref<800x32xf32, #tpu.memory_space<hbm>>) target_semaphore(%arg12 : memref<!tpu.dma_semaphore, #tpu.memory_space<semaphore_mem>>)
    %dma_wait3A_676 = arith.constant 0 : i32
    %dma_wait3A_677 = tpu.memref_slice %arg5[%add3A_671, %dma_wait3A_676] : memref<819200x32xf32, #tpu.memory_space<hbm>> -> memref<800x32xf32, #tpu.memory_space<hbm>>
    %dma_wait3A_678 = arith.constant 0 : i32
    %dma_wait3A_679 = tpu.memref_slice %arg5[%add3A_671, %dma_wait3A_678] : memref<819200x32xf32, #tpu.memory_space<hbm>> -> memref<800x32xf32, #tpu.memory_space<hbm>>
    tpu.wait_dma2 semaphore(%arg12 : memref<!tpu.dma_semaphore, #tpu.memory_space<semaphore_mem>>) src(%arg7 : memref<800x32xf32, #tpu.memory_space<vmem>>) dst(%dma_wait3A_679 : memref<800x32xf32, #tpu.memory_space<hbm>>)
    %dma_start3A_680 = arith.constant 20800 : i32
    %dma_start3A_681 = tpu.memref_slice %arg6[%dma_start3A_680] : memref<25600xi32, #tpu.memory_space<vmem>> -> memref<800xi32, #tpu.memory_space<vmem>>
    %dma_start3A_682 = arith.constant 0 : i32
    %dma_start3A_683 = arith.constant 0 : i32
    %dma_start3A_684 = tpu.memref_slice %arg3[%dma_start3A_682, %dma_start3A_683] : memref<1000000x32xf32, #tpu.memory_space<hbm>> -> memref<1000000x32xf32, #tpu.memory_space<hbm>>
    tpu.enqueue_indirect_dma source(%dma_start3A_684 : memref<1000000x32xf32, #tpu.memory_space<hbm>>) target(%arg7 : memref<800x32xf32, #tpu.memory_space<vmem>>) offsets(%dma_start3A_681 : memref<800xi32, #tpu.memory_space<vmem>>) semaphore(%arg10 : memref<!tpu.dma_semaphore, #tpu.memory_space<semaphore_mem>>)
    %dma_wait3A_685 = arith.constant 20000 : i32
    %dma_wait3A_686 = tpu.memref_slice %arg6[%dma_wait3A_685] : memref<25600xi32, #tpu.memory_space<vmem>> -> memref<800xi32, #tpu.memory_space<vmem>>
    %dma_wait3A_687 = arith.constant 0 : i32
    %dma_wait3A_688 = arith.constant 0 : i32
    %dma_wait3A_689 = tpu.memref_slice %arg3[%dma_wait3A_687, %dma_wait3A_688] : memref<1000000x32xf32, #tpu.memory_space<hbm>> -> memref<1000000x32xf32, #tpu.memory_space<hbm>>
    tpu.wait_indirect_dma semaphore(%arg11 : memref<!tpu.dma_semaphore, #tpu.memory_space<semaphore_mem>>) src(%dma_wait3A_689 : memref<1000000x32xf32, #tpu.memory_space<hbm>>) dst(%arg8 : memref<800x32xf32, #tpu.memory_space<vmem>>)
    %scan3A_690 = arith.constant 0 : i32
    %scan3A_691 = arith.constant 0 : i32
    %scan3A_692 = arith.constant 200 : i32
    %scan3A_693 = arith.addi %scan3A_691, %scan3A_692 : i32
    %scan3A_694 = arith.constant 1 : i32
    %scan3A_695 = scf.for %scan3A_864 = %scan3A_691 to %scan3A_693 step %scan3A_694 iter_args(%scan3A_865 = %scan3A_690) -> (i32)  : i32 {
      %get3A = arith.index_cast %scan3A_864 : i32 to index
      %get3A_866 = arith.constant 0 : index
      %get3A_867 = tpu.vector_load %arg9[%get3A, %get3A_866] {strides = array<i32>} : memref<200x32xf32, #tpu.memory_space<vmem>>, vector<1x16xf32>,
      %get3A_868 = vector.shape_cast %get3A_867 : vector<1x16xf32> to vector<16xf32>
      %get3A_869 = arith.index_cast %scan3A_864 : i32 to index
      %get3A_870 = arith.constant 16 : index
      %get3A_871 = tpu.vector_load %arg9[%get3A_869, %get3A_870] {strides = array<i32>} : memref<200x32xf32, #tpu.memory_space<vmem>>, vector<1x16xf32>,
      %get3A_872 = vector.shape_cast %get3A_871 : vector<1x16xf32> to vector<16xf32>
      %add3A_873 = arith.constant 0 : i32
      %add3A_874 = arith.addi %add3A_873, %scan3A_864 : i32
      %get3A_875 = arith.index_cast %add3A_874 : i32 to index
      %get3A_876 = arith.constant 0 : index
      %get3A_877 = tpu.vector_load %arg8[%get3A_875, %get3A_876] {strides = array<i32>} : memref<800x32xf32, #tpu.memory_space<vmem>>, vector<1x16xf32>,
      %get3A_878 = vector.shape_cast %get3A_877 : vector<1x16xf32> to vector<16xf32>
      %add3A_879 = arith.addf %get3A_878, %get3A_868 : vector<16xf32>
      %swap3A = arith.index_cast %add3A_874 : i32 to index
      %swap3A_880 = arith.constant 0 : index
      %swap3A_881 = tpu.vector_load %arg8[%swap3A, %swap3A_880] {strides = array<i32>} : memref<800x32xf32, #tpu.memory_space<vmem>>, vector<1x16xf32>,
      %swap3A_882 = vector.shape_cast %swap3A_881 : vector<1x16xf32> to vector<16xf32>
      %swap3A_883 = vector.shape_cast %add3A_879 : vector<16xf32> to vector<1x16xf32>
      tpu.vector_store %arg8[%swap3A, %swap3A_880], %swap3A_883 {strides = array<i32>} : memref<800x32xf32, #tpu.memory_space<vmem>>, vector<1x16xf32>,
      %get3A_884 = arith.index_cast %add3A_874 : i32 to index
      %get3A_885 = arith.constant 16 : index
      %get3A_886 = tpu.vector_load %arg8[%get3A_884, %get3A_885] {strides = array<i32>} : memref<800x32xf32, #tpu.memory_space<vmem>>, vector<1x16xf32>,
      %get3A_887 = vector.shape_cast %get3A_886 : vector<1x16xf32> to vector<16xf32>
      %add3A_888 = arith.addf %get3A_887, %get3A_872 : vector<16xf32>
      %swap3A_889 = arith.index_cast %add3A_874 : i32 to index
      %swap3A_890 = arith.constant 16 : index
      %swap3A_891 = tpu.vector_load %arg8[%swap3A_889, %swap3A_890] {strides = array<i32>} : memref<800x32xf32, #tpu.memory_space<vmem>>, vector<1x16xf32>,
      %swap3A_892 = vector.shape_cast %swap3A_891 : vector<1x16xf32> to vector<16xf32>
      %swap3A_893 = vector.shape_cast %add3A_888 : vector<16xf32> to vector<1x16xf32>
      tpu.vector_store %arg8[%swap3A_889, %swap3A_890], %swap3A_893 {strides = array<i32>} : memref<800x32xf32, #tpu.memory_space<vmem>>, vector<1x16xf32>,
      %add3A_894 = arith.constant 200 : i32
      %add3A_895 = arith.addi %add3A_894, %scan3A_864 : i32
      %get3A_896 = arith.index_cast %add3A_895 : i32 to index
      %get3A_897 = arith.constant 0 : index
      %get3A_898 = tpu.vector_load %arg8[%get3A_896, %get3A_897] {strides = array<i32>} : memref<800x32xf32, #tpu.memory_space<vmem>>, vector<1x16xf32>,
      %get3A_899 = vector.shape_cast %get3A_898 : vector<1x16xf32> to vector<16xf32>
      %add3A_900 = arith.addf %get3A_899, %get3A_868 : vector<16xf32>
      %swap3A_901 = arith.index_cast %add3A_895 : i32 to index
      %swap3A_902 = arith.constant 0 : index
      %swap3A_903 = tpu.vector_load %arg8[%swap3A_901, %swap3A_902] {strides = array<i32>} : memref<800x32xf32, #tpu.memory_space<vmem>>, vector<1x16xf32>,
      %swap3A_904 = vector.shape_cast %swap3A_903 : vector<1x16xf32> to vector<16xf32>
      %swap3A_905 = vector.shape_cast %add3A_900 : vector<16xf32> to vector<1x16xf32>
      tpu.vector_store %arg8[%swap3A_901, %swap3A_902], %swap3A_905 {strides = array<i32>} : memref<800x32xf32, #tpu.memory_space<vmem>>, vector<1x16xf32>,
      %get3A_906 = arith.index_cast %add3A_895 : i32 to index
      %get3A_907 = arith.constant 16 : index
      %get3A_908 = tpu.vector_load %arg8[%get3A_906, %get3A_907] {strides = array<i32>} : memref<800x32xf32, #tpu.memory_space<vmem>>, vector<1x16xf32>,
      %get3A_909 = vector.shape_cast %get3A_908 : vector<1x16xf32> to vector<16xf32>
      %add3A_910 = arith.addf %get3A_909, %get3A_872 : vector<16xf32>
      %swap3A_911 = arith.index_cast %add3A_895 : i32 to index
      %swap3A_912 = arith.constant 16 : index
      %swap3A_913 = tpu.vector_load %arg8[%swap3A_911, %swap3A_912] {strides = array<i32>} : memref<800x32xf32, #tpu.memory_space<vmem>>, vector<1x16xf32>,
      %swap3A_914 = vector.shape_cast %swap3A_913 : vector<1x16xf32> to vector<16xf32>
      %swap3A_915 = vector.shape_cast %add3A_910 : vector<16xf32> to vector<1x16xf32>
      tpu.vector_store %arg8[%swap3A_911, %swap3A_912], %swap3A_915 {strides = array<i32>} : memref<800x32xf32, #tpu.memory_space<vmem>>, vector<1x16xf32>,
      %add3A_916 = arith.constant 400 : i32
      %add3A_917 = arith.addi %add3A_916, %scan3A_864 : i32
      %get3A_918 = arith.index_cast %add3A_917 : i32 to index
      %get3A_919 = arith.constant 0 : index
      %get3A_920 = tpu.vector_load %arg8[%get3A_918, %get3A_919] {strides = array<i32>} : memref<800x32xf32, #tpu.memory_space<vmem>>, vector<1x16xf32>,
      %get3A_921 = vector.shape_cast %get3A_920 : vector<1x16xf32> to vector<16xf32>
      %add3A_922 = arith.addf %get3A_921, %get3A_868 : vector<16xf32>
      %swap3A_923 = arith.index_cast %add3A_917 : i32 to index
      %swap3A_924 = arith.constant 0 : index
      %swap3A_925 = tpu.vector_load %arg8[%swap3A_923, %swap3A_924] {strides = array<i32>} : memref<800x32xf32, #tpu.memory_space<vmem>>, vector<1x16xf32>,
      %swap3A_926 = vector.shape_cast %swap3A_925 : vector<1x16xf32> to vector<16xf32>
      %swap3A_927 = vector.shape_cast %add3A_922 : vector<16xf32> to vector<1x16xf32>
      tpu.vector_store %arg8[%swap3A_923, %swap3A_924], %swap3A_927 {strides = array<i32>} : memref<800x32xf32, #tpu.memory_space<vmem>>, vector<1x16xf32>,
      %get3A_928 = arith.index_cast %add3A_917 : i32 to index
      %get3A_929 = arith.constant 16 : index
      %get3A_930 = tpu.vector_load %arg8[%get3A_928, %get3A_929] {strides = array<i32>} : memref<800x32xf32, #tpu.memory_space<vmem>>, vector<1x16xf32>,
      %get3A_931 = vector.shape_cast %get3A_930 : vector<1x16xf32> to vector<16xf32>
      %add3A_932 = arith.addf %get3A_931, %get3A_872 : vector<16xf32>
      %swap3A_933 = arith.index_cast %add3A_917 : i32 to index
      %swap3A_934 = arith.constant 16 : index
      %swap3A_935 = tpu.vector_load %arg8[%swap3A_933, %swap3A_934] {strides = array<i32>} : memref<800x32xf32, #tpu.memory_space<vmem>>, vector<1x16xf32>,
      %swap3A_936 = vector.shape_cast %swap3A_935 : vector<1x16xf32> to vector<16xf32>
      %swap3A_937 = vector.shape_cast %add3A_932 : vector<16xf32> to vector<1x16xf32>
      tpu.vector_store %arg8[%swap3A_933, %swap3A_934], %swap3A_937 {strides = array<i32>} : memref<800x32xf32, #tpu.memory_space<vmem>>, vector<1x16xf32>,
      %add3A_938 = arith.constant 600 : i32
      %add3A_939 = arith.addi %add3A_938, %scan3A_864 : i32
      %get3A_940 = arith.index_cast %add3A_939 : i32 to index
      %get3A_941 = arith.constant 0 : index
      %get3A_942 = tpu.vector_load %arg8[%get3A_940, %get3A_941] {strides = array<i32>} : memref<800x32xf32, #tpu.memory_space<vmem>>, vector<1x16xf32>,
      %get3A_943 = vector.shape_cast %get3A_942 : vector<1x16xf32> to vector<16xf32>
      %add3A_944 = arith.addf %get3A_943, %get3A_868 : vector<16xf32>
      %swap3A_945 = arith.index_cast %add3A_939 : i32 to index
      %swap3A_946 = arith.constant 0 : index
      %swap3A_947 = tpu.vector_load %arg8[%swap3A_945, %swap3A_946] {strides = array<i32>} : memref<800x32xf32, #tpu.memory_space<vmem>>, vector<1x16xf32>,
      %swap3A_948 = vector.shape_cast %swap3A_947 : vector<1x16xf32> to vector<16xf32>
      %swap3A_949 = vector.shape_cast %add3A_944 : vector<16xf32> to vector<1x16xf32>
      tpu.vector_store %arg8[%swap3A_945, %swap3A_946], %swap3A_949 {strides = array<i32>} : memref<800x32xf32, #tpu.memory_space<vmem>>, vector<1x16xf32>,
      %get3A_950 = arith.index_cast %add3A_939 : i32 to index
      %get3A_951 = arith.constant 16 : index
      %get3A_952 = tpu.vector_load %arg8[%get3A_950, %get3A_951] {strides = array<i32>} : memref<800x32xf32, #tpu.memory_space<vmem>>, vector<1x16xf32>,
      %get3A_953 = vector.shape_cast %get3A_952 : vector<1x16xf32> to vector<16xf32>
      %add3A_954 = arith.addf %get3A_953, %get3A_872 : vector<16xf32>
      %swap3A_955 = arith.index_cast %add3A_939 : i32 to index
      %swap3A_956 = arith.constant 16 : index
      %swap3A_957 = tpu.vector_load %arg8[%swap3A_955, %swap3A_956] {strides = array<i32>} : memref<800x32xf32, #tpu.memory_space<vmem>>, vector<1x16xf32>,
      %swap3A_958 = vector.shape_cast %swap3A_957 : vector<1x16xf32> to vector<16xf32>
      %swap3A_959 = vector.shape_cast %add3A_954 : vector<16xf32> to vector<1x16xf32>
      tpu.vector_store %arg8[%swap3A_955, %swap3A_956], %swap3A_959 {strides = array<i32>} : memref<800x32xf32, #tpu.memory_space<vmem>>, vector<1x16xf32>,
      %scan3A_960 = arith.constant 0 : i32
      scf.yield %scan3A_960 : i32
    }
    %scan3A_696 = arith.constant 200 : i32
    %add3A_697 = arith.constant 20000 : i32
    %add3A_698 = arith.addi %mul3A_2, %add3A_697 : i32
    %dma_start3A_699 = arith.constant 0 : i32
    %dma_start3A_700 = tpu.memref_slice %arg5[%add3A_698, %dma_start3A_699] : memref<819200x32xf32, #tpu.memory_space<hbm>> -> memref<800x32xf32, #tpu.memory_space<hbm>>
    %dma_start3A_701 = arith.constant 0 : i32
    %dma_start3A_702 = tpu.memref_slice %arg5[%add3A_698, %dma_start3A_701] : memref<819200x32xf32, #tpu.memory_space<hbm>> -> memref<800x32xf32, #tpu.memory_space<hbm>>
    tpu.enqueue_dma source(%arg8 : memref<800x32xf32, #tpu.memory_space<vmem>>) target(%dma_start3A_702 : memref<800x32xf32, #tpu.memory_space<hbm>>) target_semaphore(%arg13 : memref<!tpu.dma_semaphore, #tpu.memory_space<semaphore_mem>>)
    %dma_wait3A_703 = arith.constant 0 : i32
    %dma_wait3A_704 = tpu.memref_slice %arg5[%add3A_698, %dma_wait3A_703] : memref<819200x32xf32, #tpu.memory_space<hbm>> -> memref<800x32xf32, #tpu.memory_space<hbm>>
    %dma_wait3A_705 = arith.constant 0 : i32
    %dma_wait3A_706 = tpu.memref_slice %arg5[%add3A_698, %dma_wait3A_705] : memref<819200x32xf32, #tpu.memory_space<hbm>> -> memref<800x32xf32, #tpu.memory_space<hbm>>
    tpu.wait_dma2 semaphore(%arg13 : memref<!tpu.dma_semaphore, #tpu.memory_space<semaphore_mem>>) src(%arg8 : memref<800x32xf32, #tpu.memory_space<vmem>>) dst(%dma_wait3A_706 : memref<800x32xf32, #tpu.memory_space<hbm>>)
    %dma_start3A_707 = arith.constant 21600 : i32
    %dma_start3A_708 = tpu.memref_slice %arg6[%dma_start3A_707] : memref<25600xi32, #tpu.memory_space<vmem>> -> memref<800xi32, #tpu.memory_space<vmem>>
    %dma_start3A_709 = arith.constant 0 : i32
    %dma_start3A_710 = arith.constant 0 : i32
    %dma_start3A_711 = tpu.memref_slice %arg3[%dma_start3A_709, %dma_start3A_710] : memref<1000000x32xf32, #tpu.memory_space<hbm>> -> memref<1000000x32xf32, #tpu.memory_space<hbm>>
    tpu.enqueue_indirect_dma source(%dma_start3A_711 : memref<1000000x32xf32, #tpu.memory_space<hbm>>) target(%arg8 : memref<800x32xf32, #tpu.memory_space<vmem>>) offsets(%dma_start3A_708 : memref<800xi32, #tpu.memory_space<vmem>>) semaphore(%arg11 : memref<!tpu.dma_semaphore, #tpu.memory_space<semaphore_mem>>)
    %dma_wait3A_712 = arith.constant 20800 : i32
    %dma_wait3A_713 = tpu.memref_slice %arg6[%dma_wait3A_712] : memref<25600xi32, #tpu.memory_space<vmem>> -> memref<800xi32, #tpu.memory_space<vmem>>
    %dma_wait3A_714 = arith.constant 0 : i32
    %dma_wait3A_715 = arith.constant 0 : i32
    %dma_wait3A_716 = tpu.memref_slice %arg3[%dma_wait3A_714, %dma_wait3A_715] : memref<1000000x32xf32, #tpu.memory_space<hbm>> -> memref<1000000x32xf32, #tpu.memory_space<hbm>>
    tpu.wait_indirect_dma semaphore(%arg10 : memref<!tpu.dma_semaphore, #tpu.memory_space<semaphore_mem>>) src(%dma_wait3A_716 : memref<1000000x32xf32, #tpu.memory_space<hbm>>) dst(%arg7 : memref<800x32xf32, #tpu.memory_space<vmem>>)
    %scan3A_717 = arith.constant 0 : i32
    %scan3A_718 = arith.constant 0 : i32
    %scan3A_719 = arith.constant 200 : i32
    %scan3A_720 = arith.addi %scan3A_718, %scan3A_719 : i32
    %scan3A_721 = arith.constant 1 : i32
    %scan3A_722 = scf.for %scan3A_864 = %scan3A_718 to %scan3A_720 step %scan3A_721 iter_args(%scan3A_865 = %scan3A_717) -> (i32)  : i32 {
      %get3A = arith.index_cast %scan3A_864 : i32 to index
      %get3A_866 = arith.constant 0 : index
      %get3A_867 = tpu.vector_load %arg9[%get3A, %get3A_866] {strides = array<i32>} : memref<200x32xf32, #tpu.memory_space<vmem>>, vector<1x16xf32>,
      %get3A_868 = vector.shape_cast %get3A_867 : vector<1x16xf32> to vector<16xf32>
      %get3A_869 = arith.index_cast %scan3A_864 : i32 to index
      %get3A_870 = arith.constant 16 : index
      %get3A_871 = tpu.vector_load %arg9[%get3A_869, %get3A_870] {strides = array<i32>} : memref<200x32xf32, #tpu.memory_space<vmem>>, vector<1x16xf32>,
      %get3A_872 = vector.shape_cast %get3A_871 : vector<1x16xf32> to vector<16xf32>
      %add3A_873 = arith.constant 0 : i32
      %add3A_874 = arith.addi %add3A_873, %scan3A_864 : i32
      %get3A_875 = arith.index_cast %add3A_874 : i32 to index
      %get3A_876 = arith.constant 0 : index
      %get3A_877 = tpu.vector_load %arg7[%get3A_875, %get3A_876] {strides = array<i32>} : memref<800x32xf32, #tpu.memory_space<vmem>>, vector<1x16xf32>,
      %get3A_878 = vector.shape_cast %get3A_877 : vector<1x16xf32> to vector<16xf32>
      %add3A_879 = arith.addf %get3A_878, %get3A_868 : vector<16xf32>
      %swap3A = arith.index_cast %add3A_874 : i32 to index
      %swap3A_880 = arith.constant 0 : index
      %swap3A_881 = tpu.vector_load %arg7[%swap3A, %swap3A_880] {strides = array<i32>} : memref<800x32xf32, #tpu.memory_space<vmem>>, vector<1x16xf32>,
      %swap3A_882 = vector.shape_cast %swap3A_881 : vector<1x16xf32> to vector<16xf32>
      %swap3A_883 = vector.shape_cast %add3A_879 : vector<16xf32> to vector<1x16xf32>
      tpu.vector_store %arg7[%swap3A, %swap3A_880], %swap3A_883 {strides = array<i32>} : memref<800x32xf32, #tpu.memory_space<vmem>>, vector<1x16xf32>,
      %get3A_884 = arith.index_cast %add3A_874 : i32 to index
      %get3A_885 = arith.constant 16 : index
      %get3A_886 = tpu.vector_load %arg7[%get3A_884, %get3A_885] {strides = array<i32>} : memref<800x32xf32, #tpu.memory_space<vmem>>, vector<1x16xf32>,
      %get3A_887 = vector.shape_cast %get3A_886 : vector<1x16xf32> to vector<16xf32>
      %add3A_888 = arith.addf %get3A_887, %get3A_872 : vector<16xf32>
      %swap3A_889 = arith.index_cast %add3A_874 : i32 to index
      %swap3A_890 = arith.constant 16 : index
      %swap3A_891 = tpu.vector_load %arg7[%swap3A_889, %swap3A_890] {strides = array<i32>} : memref<800x32xf32, #tpu.memory_space<vmem>>, vector<1x16xf32>,
      %swap3A_892 = vector.shape_cast %swap3A_891 : vector<1x16xf32> to vector<16xf32>
      %swap3A_893 = vector.shape_cast %add3A_888 : vector<16xf32> to vector<1x16xf32>
      tpu.vector_store %arg7[%swap3A_889, %swap3A_890], %swap3A_893 {strides = array<i32>} : memref<800x32xf32, #tpu.memory_space<vmem>>, vector<1x16xf32>,
      %add3A_894 = arith.constant 200 : i32
      %add3A_895 = arith.addi %add3A_894, %scan3A_864 : i32
      %get3A_896 = arith.index_cast %add3A_895 : i32 to index
      %get3A_897 = arith.constant 0 : index
      %get3A_898 = tpu.vector_load %arg7[%get3A_896, %get3A_897] {strides = array<i32>} : memref<800x32xf32, #tpu.memory_space<vmem>>, vector<1x16xf32>,
      %get3A_899 = vector.shape_cast %get3A_898 : vector<1x16xf32> to vector<16xf32>
      %add3A_900 = arith.addf %get3A_899, %get3A_868 : vector<16xf32>
      %swap3A_901 = arith.index_cast %add3A_895 : i32 to index
      %swap3A_902 = arith.constant 0 : index
      %swap3A_903 = tpu.vector_load %arg7[%swap3A_901, %swap3A_902] {strides = array<i32>} : memref<800x32xf32, #tpu.memory_space<vmem>>, vector<1x16xf32>,
      %swap3A_904 = vector.shape_cast %swap3A_903 : vector<1x16xf32> to vector<16xf32>
      %swap3A_905 = vector.shape_cast %add3A_900 : vector<16xf32> to vector<1x16xf32>
      tpu.vector_store %arg7[%swap3A_901, %swap3A_902], %swap3A_905 {strides = array<i32>} : memref<800x32xf32, #tpu.memory_space<vmem>>, vector<1x16xf32>,
      %get3A_906 = arith.index_cast %add3A_895 : i32 to index
      %get3A_907 = arith.constant 16 : index
      %get3A_908 = tpu.vector_load %arg7[%get3A_906, %get3A_907] {strides = array<i32>} : memref<800x32xf32, #tpu.memory_space<vmem>>, vector<1x16xf32>,
      %get3A_909 = vector.shape_cast %get3A_908 : vector<1x16xf32> to vector<16xf32>
      %add3A_910 = arith.addf %get3A_909, %get3A_872 : vector<16xf32>
      %swap3A_911 = arith.index_cast %add3A_895 : i32 to index
      %swap3A_912 = arith.constant 16 : index
      %swap3A_913 = tpu.vector_load %arg7[%swap3A_911, %swap3A_912] {strides = array<i32>} : memref<800x32xf32, #tpu.memory_space<vmem>>, vector<1x16xf32>,
      %swap3A_914 = vector.shape_cast %swap3A_913 : vector<1x16xf32> to vector<16xf32>
      %swap3A_915 = vector.shape_cast %add3A_910 : vector<16xf32> to vector<1x16xf32>
      tpu.vector_store %arg7[%swap3A_911, %swap3A_912], %swap3A_915 {strides = array<i32>} : memref<800x32xf32, #tpu.memory_space<vmem>>, vector<1x16xf32>,
      %add3A_916 = arith.constant 400 : i32
      %add3A_917 = arith.addi %add3A_916, %scan3A_864 : i32
      %get3A_918 = arith.index_cast %add3A_917 : i32 to index
      %get3A_919 = arith.constant 0 : index
      %get3A_920 = tpu.vector_load %arg7[%get3A_918, %get3A_919] {strides = array<i32>} : memref<800x32xf32, #tpu.memory_space<vmem>>, vector<1x16xf32>,
      %get3A_921 = vector.shape_cast %get3A_920 : vector<1x16xf32> to vector<16xf32>
      %add3A_922 = arith.addf %get3A_921, %get3A_868 : vector<16xf32>
      %swap3A_923 = arith.index_cast %add3A_917 : i32 to index
      %swap3A_924 = arith.constant 0 : index
      %swap3A_925 = tpu.vector_load %arg7[%swap3A_923, %swap3A_924] {strides = array<i32>} : memref<800x32xf32, #tpu.memory_space<vmem>>, vector<1x16xf32>,
      %swap3A_926 = vector.shape_cast %swap3A_925 : vector<1x16xf32> to vector<16xf32>
      %swap3A_927 = vector.shape_cast %add3A_922 : vector<16xf32> to vector<1x16xf32>
      tpu.vector_store %arg7[%swap3A_923, %swap3A_924], %swap3A_927 {strides = array<i32>} : memref<800x32xf32, #tpu.memory_space<vmem>>, vector<1x16xf32>,
      %get3A_928 = arith.index_cast %add3A_917 : i32 to index
      %get3A_929 = arith.constant 16 : index
      %get3A_930 = tpu.vector_load %arg7[%get3A_928, %get3A_929] {strides = array<i32>} : memref<800x32xf32, #tpu.memory_space<vmem>>, vector<1x16xf32>,
      %get3A_931 = vector.shape_cast %get3A_930 : vector<1x16xf32> to vector<16xf32>
      %add3A_932 = arith.addf %get3A_931, %get3A_872 : vector<16xf32>
      %swap3A_933 = arith.index_cast %add3A_917 : i32 to index
      %swap3A_934 = arith.constant 16 : index
      %swap3A_935 = tpu.vector_load %arg7[%swap3A_933, %swap3A_934] {strides = array<i32>} : memref<800x32xf32, #tpu.memory_space<vmem>>, vector<1x16xf32>,
      %swap3A_936 = vector.shape_cast %swap3A_935 : vector<1x16xf32> to vector<16xf32>
      %swap3A_937 = vector.shape_cast %add3A_932 : vector<16xf32> to vector<1x16xf32>
      tpu.vector_store %arg7[%swap3A_933, %swap3A_934], %swap3A_937 {strides = array<i32>} : memref<800x32xf32, #tpu.memory_space<vmem>>, vector<1x16xf32>,
      %add3A_938 = arith.constant 600 : i32
      %add3A_939 = arith.addi %add3A_938, %scan3A_864 : i32
      %get3A_940 = arith.index_cast %add3A_939 : i32 to index
      %get3A_941 = arith.constant 0 : index
      %get3A_942 = tpu.vector_load %arg7[%get3A_940, %get3A_941] {strides = array<i32>} : memref<800x32xf32, #tpu.memory_space<vmem>>, vector<1x16xf32>,
      %get3A_943 = vector.shape_cast %get3A_942 : vector<1x16xf32> to vector<16xf32>
      %add3A_944 = arith.addf %get3A_943, %get3A_868 : vector<16xf32>
      %swap3A_945 = arith.index_cast %add3A_939 : i32 to index
      %swap3A_946 = arith.constant 0 : index
      %swap3A_947 = tpu.vector_load %arg7[%swap3A_945, %swap3A_946] {strides = array<i32>} : memref<800x32xf32, #tpu.memory_space<vmem>>, vector<1x16xf32>,
      %swap3A_948 = vector.shape_cast %swap3A_947 : vector<1x16xf32> to vector<16xf32>
      %swap3A_949 = vector.shape_cast %add3A_944 : vector<16xf32> to vector<1x16xf32>
      tpu.vector_store %arg7[%swap3A_945, %swap3A_946], %swap3A_949 {strides = array<i32>} : memref<800x32xf32, #tpu.memory_space<vmem>>, vector<1x16xf32>,
      %get3A_950 = arith.index_cast %add3A_939 : i32 to index
      %get3A_951 = arith.constant 16 : index
      %get3A_952 = tpu.vector_load %arg7[%get3A_950, %get3A_951] {strides = array<i32>} : memref<800x32xf32, #tpu.memory_space<vmem>>, vector<1x16xf32>,
      %get3A_953 = vector.shape_cast %get3A_952 : vector<1x16xf32> to vector<16xf32>
      %add3A_954 = arith.addf %get3A_953, %get3A_872 : vector<16xf32>
      %swap3A_955 = arith.index_cast %add3A_939 : i32 to index
      %swap3A_956 = arith.constant 16 : index
      %swap3A_957 = tpu.vector_load %arg7[%swap3A_955, %swap3A_956] {strides = array<i32>} : memref<800x32xf32, #tpu.memory_space<vmem>>, vector<1x16xf32>,
      %swap3A_958 = vector.shape_cast %swap3A_957 : vector<1x16xf32> to vector<16xf32>
      %swap3A_959 = vector.shape_cast %add3A_954 : vector<16xf32> to vector<1x16xf32>
      tpu.vector_store %arg7[%swap3A_955, %swap3A_956], %swap3A_959 {strides = array<i32>} : memref<800x32xf32, #tpu.memory_space<vmem>>, vector<1x16xf32>,
      %scan3A_960 = arith.constant 0 : i32
      scf.yield %scan3A_960 : i32
    }
    %scan3A_723 = arith.constant 200 : i32
    %add3A_724 = arith.constant 20800 : i32
    %add3A_725 = arith.addi %mul3A_2, %add3A_724 : i32
    %dma_start3A_726 = arith.constant 0 : i32
    %dma_start3A_727 = tpu.memref_slice %arg5[%add3A_725, %dma_start3A_726] : memref<819200x32xf32, #tpu.memory_space<hbm>> -> memref<800x32xf32, #tpu.memory_space<hbm>>
    %dma_start3A_728 = arith.constant 0 : i32
    %dma_start3A_729 = tpu.memref_slice %arg5[%add3A_725, %dma_start3A_728] : memref<819200x32xf32, #tpu.memory_space<hbm>> -> memref<800x32xf32, #tpu.memory_space<hbm>>
    tpu.enqueue_dma source(%arg7 : memref<800x32xf32, #tpu.memory_space<vmem>>) target(%dma_start3A_729 : memref<800x32xf32, #tpu.memory_space<hbm>>) target_semaphore(%arg12 : memref<!tpu.dma_semaphore, #tpu.memory_space<semaphore_mem>>)
    %dma_wait3A_730 = arith.constant 0 : i32
    %dma_wait3A_731 = tpu.memref_slice %arg5[%add3A_725, %dma_wait3A_730] : memref<819200x32xf32, #tpu.memory_space<hbm>> -> memref<800x32xf32, #tpu.memory_space<hbm>>
    %dma_wait3A_732 = arith.constant 0 : i32
    %dma_wait3A_733 = tpu.memref_slice %arg5[%add3A_725, %dma_wait3A_732] : memref<819200x32xf32, #tpu.memory_space<hbm>> -> memref<800x32xf32, #tpu.memory_space<hbm>>
    tpu.wait_dma2 semaphore(%arg12 : memref<!tpu.dma_semaphore, #tpu.memory_space<semaphore_mem>>) src(%arg7 : memref<800x32xf32, #tpu.memory_space<vmem>>) dst(%dma_wait3A_733 : memref<800x32xf32, #tpu.memory_space<hbm>>)
    %dma_start3A_734 = arith.constant 22400 : i32
    %dma_start3A_735 = tpu.memref_slice %arg6[%dma_start3A_734] : memref<25600xi32, #tpu.memory_space<vmem>> -> memref<800xi32, #tpu.memory_space<vmem>>
    %dma_start3A_736 = arith.constant 0 : i32
    %dma_start3A_737 = arith.constant 0 : i32
    %dma_start3A_738 = tpu.memref_slice %arg3[%dma_start3A_736, %dma_start3A_737] : memref<1000000x32xf32, #tpu.memory_space<hbm>> -> memref<1000000x32xf32, #tpu.memory_space<hbm>>
    tpu.enqueue_indirect_dma source(%dma_start3A_738 : memref<1000000x32xf32, #tpu.memory_space<hbm>>) target(%arg7 : memref<800x32xf32, #tpu.memory_space<vmem>>) offsets(%dma_start3A_735 : memref<800xi32, #tpu.memory_space<vmem>>) semaphore(%arg10 : memref<!tpu.dma_semaphore, #tpu.memory_space<semaphore_mem>>)
    %dma_wait3A_739 = arith.constant 21600 : i32
    %dma_wait3A_740 = tpu.memref_slice %arg6[%dma_wait3A_739] : memref<25600xi32, #tpu.memory_space<vmem>> -> memref<800xi32, #tpu.memory_space<vmem>>
    %dma_wait3A_741 = arith.constant 0 : i32
    %dma_wait3A_742 = arith.constant 0 : i32
    %dma_wait3A_743 = tpu.memref_slice %arg3[%dma_wait3A_741, %dma_wait3A_742] : memref<1000000x32xf32, #tpu.memory_space<hbm>> -> memref<1000000x32xf32, #tpu.memory_space<hbm>>
    tpu.wait_indirect_dma semaphore(%arg11 : memref<!tpu.dma_semaphore, #tpu.memory_space<semaphore_mem>>) src(%dma_wait3A_743 : memref<1000000x32xf32, #tpu.memory_space<hbm>>) dst(%arg8 : memref<800x32xf32, #tpu.memory_space<vmem>>)
    %scan3A_744 = arith.constant 0 : i32
    %scan3A_745 = arith.constant 0 : i32
    %scan3A_746 = arith.constant 200 : i32
    %scan3A_747 = arith.addi %scan3A_745, %scan3A_746 : i32
    %scan3A_748 = arith.constant 1 : i32
    %scan3A_749 = scf.for %scan3A_864 = %scan3A_745 to %scan3A_747 step %scan3A_748 iter_args(%scan3A_865 = %scan3A_744) -> (i32)  : i32 {
      %get3A = arith.index_cast %scan3A_864 : i32 to index
      %get3A_866 = arith.constant 0 : index
      %get3A_867 = tpu.vector_load %arg9[%get3A, %get3A_866] {strides = array<i32>} : memref<200x32xf32, #tpu.memory_space<vmem>>, vector<1x16xf32>,
      %get3A_868 = vector.shape_cast %get3A_867 : vector<1x16xf32> to vector<16xf32>
      %get3A_869 = arith.index_cast %scan3A_864 : i32 to index
      %get3A_870 = arith.constant 16 : index
      %get3A_871 = tpu.vector_load %arg9[%get3A_869, %get3A_870] {strides = array<i32>} : memref<200x32xf32, #tpu.memory_space<vmem>>, vector<1x16xf32>,
      %get3A_872 = vector.shape_cast %get3A_871 : vector<1x16xf32> to vector<16xf32>
      %add3A_873 = arith.constant 0 : i32
      %add3A_874 = arith.addi %add3A_873, %scan3A_864 : i32
      %get3A_875 = arith.index_cast %add3A_874 : i32 to index
      %get3A_876 = arith.constant 0 : index
      %get3A_877 = tpu.vector_load %arg8[%get3A_875, %get3A_876] {strides = array<i32>} : memref<800x32xf32, #tpu.memory_space<vmem>>, vector<1x16xf32>,
      %get3A_878 = vector.shape_cast %get3A_877 : vector<1x16xf32> to vector<16xf32>
      %add3A_879 = arith.addf %get3A_878, %get3A_868 : vector<16xf32>
      %swap3A = arith.index_cast %add3A_874 : i32 to index
      %swap3A_880 = arith.constant 0 : index
      %swap3A_881 = tpu.vector_load %arg8[%swap3A, %swap3A_880] {strides = array<i32>} : memref<800x32xf32, #tpu.memory_space<vmem>>, vector<1x16xf32>,
      %swap3A_882 = vector.shape_cast %swap3A_881 : vector<1x16xf32> to vector<16xf32>
      %swap3A_883 = vector.shape_cast %add3A_879 : vector<16xf32> to vector<1x16xf32>
      tpu.vector_store %arg8[%swap3A, %swap3A_880], %swap3A_883 {strides = array<i32>} : memref<800x32xf32, #tpu.memory_space<vmem>>, vector<1x16xf32>,
      %get3A_884 = arith.index_cast %add3A_874 : i32 to index
      %get3A_885 = arith.constant 16 : index
      %get3A_886 = tpu.vector_load %arg8[%get3A_884, %get3A_885] {strides = array<i32>} : memref<800x32xf32, #tpu.memory_space<vmem>>, vector<1x16xf32>,
      %get3A_887 = vector.shape_cast %get3A_886 : vector<1x16xf32> to vector<16xf32>
      %add3A_888 = arith.addf %get3A_887, %get3A_872 : vector<16xf32>
      %swap3A_889 = arith.index_cast %add3A_874 : i32 to index
      %swap3A_890 = arith.constant 16 : index
      %swap3A_891 = tpu.vector_load %arg8[%swap3A_889, %swap3A_890] {strides = array<i32>} : memref<800x32xf32, #tpu.memory_space<vmem>>, vector<1x16xf32>,
      %swap3A_892 = vector.shape_cast %swap3A_891 : vector<1x16xf32> to vector<16xf32>
      %swap3A_893 = vector.shape_cast %add3A_888 : vector<16xf32> to vector<1x16xf32>
      tpu.vector_store %arg8[%swap3A_889, %swap3A_890], %swap3A_893 {strides = array<i32>} : memref<800x32xf32, #tpu.memory_space<vmem>>, vector<1x16xf32>,
      %add3A_894 = arith.constant 200 : i32
      %add3A_895 = arith.addi %add3A_894, %scan3A_864 : i32
      %get3A_896 = arith.index_cast %add3A_895 : i32 to index
      %get3A_897 = arith.constant 0 : index
      %get3A_898 = tpu.vector_load %arg8[%get3A_896, %get3A_897] {strides = array<i32>} : memref<800x32xf32, #tpu.memory_space<vmem>>, vector<1x16xf32>,
      %get3A_899 = vector.shape_cast %get3A_898 : vector<1x16xf32> to vector<16xf32>
      %add3A_900 = arith.addf %get3A_899, %get3A_868 : vector<16xf32>
      %swap3A_901 = arith.index_cast %add3A_895 : i32 to index
      %swap3A_902 = arith.constant 0 : index
      %swap3A_903 = tpu.vector_load %arg8[%swap3A_901, %swap3A_902] {strides = array<i32>} : memref<800x32xf32, #tpu.memory_space<vmem>>, vector<1x16xf32>,
      %swap3A_904 = vector.shape_cast %swap3A_903 : vector<1x16xf32> to vector<16xf32>
      %swap3A_905 = vector.shape_cast %add3A_900 : vector<16xf32> to vector<1x16xf32>
      tpu.vector_store %arg8[%swap3A_901, %swap3A_902], %swap3A_905 {strides = array<i32>} : memref<800x32xf32, #tpu.memory_space<vmem>>, vector<1x16xf32>,
      %get3A_906 = arith.index_cast %add3A_895 : i32 to index
      %get3A_907 = arith.constant 16 : index
      %get3A_908 = tpu.vector_load %arg8[%get3A_906, %get3A_907] {strides = array<i32>} : memref<800x32xf32, #tpu.memory_space<vmem>>, vector<1x16xf32>,
      %get3A_909 = vector.shape_cast %get3A_908 : vector<1x16xf32> to vector<16xf32>
      %add3A_910 = arith.addf %get3A_909, %get3A_872 : vector<16xf32>
      %swap3A_911 = arith.index_cast %add3A_895 : i32 to index
      %swap3A_912 = arith.constant 16 : index
      %swap3A_913 = tpu.vector_load %arg8[%swap3A_911, %swap3A_912] {strides = array<i32>} : memref<800x32xf32, #tpu.memory_space<vmem>>, vector<1x16xf32>,
      %swap3A_914 = vector.shape_cast %swap3A_913 : vector<1x16xf32> to vector<16xf32>
      %swap3A_915 = vector.shape_cast %add3A_910 : vector<16xf32> to vector<1x16xf32>
      tpu.vector_store %arg8[%swap3A_911, %swap3A_912], %swap3A_915 {strides = array<i32>} : memref<800x32xf32, #tpu.memory_space<vmem>>, vector<1x16xf32>,
      %add3A_916 = arith.constant 400 : i32
      %add3A_917 = arith.addi %add3A_916, %scan3A_864 : i32
      %get3A_918 = arith.index_cast %add3A_917 : i32 to index
      %get3A_919 = arith.constant 0 : index
      %get3A_920 = tpu.vector_load %arg8[%get3A_918, %get3A_919] {strides = array<i32>} : memref<800x32xf32, #tpu.memory_space<vmem>>, vector<1x16xf32>,
      %get3A_921 = vector.shape_cast %get3A_920 : vector<1x16xf32> to vector<16xf32>
      %add3A_922 = arith.addf %get3A_921, %get3A_868 : vector<16xf32>
      %swap3A_923 = arith.index_cast %add3A_917 : i32 to index
      %swap3A_924 = arith.constant 0 : index
      %swap3A_925 = tpu.vector_load %arg8[%swap3A_923, %swap3A_924] {strides = array<i32>} : memref<800x32xf32, #tpu.memory_space<vmem>>, vector<1x16xf32>,
      %swap3A_926 = vector.shape_cast %swap3A_925 : vector<1x16xf32> to vector<16xf32>
      %swap3A_927 = vector.shape_cast %add3A_922 : vector<16xf32> to vector<1x16xf32>
      tpu.vector_store %arg8[%swap3A_923, %swap3A_924], %swap3A_927 {strides = array<i32>} : memref<800x32xf32, #tpu.memory_space<vmem>>, vector<1x16xf32>,
      %get3A_928 = arith.index_cast %add3A_917 : i32 to index
      %get3A_929 = arith.constant 16 : index
      %get3A_930 = tpu.vector_load %arg8[%get3A_928, %get3A_929] {strides = array<i32>} : memref<800x32xf32, #tpu.memory_space<vmem>>, vector<1x16xf32>,
      %get3A_931 = vector.shape_cast %get3A_930 : vector<1x16xf32> to vector<16xf32>
      %add3A_932 = arith.addf %get3A_931, %get3A_872 : vector<16xf32>
      %swap3A_933 = arith.index_cast %add3A_917 : i32 to index
      %swap3A_934 = arith.constant 16 : index
      %swap3A_935 = tpu.vector_load %arg8[%swap3A_933, %swap3A_934] {strides = array<i32>} : memref<800x32xf32, #tpu.memory_space<vmem>>, vector<1x16xf32>,
      %swap3A_936 = vector.shape_cast %swap3A_935 : vector<1x16xf32> to vector<16xf32>
      %swap3A_937 = vector.shape_cast %add3A_932 : vector<16xf32> to vector<1x16xf32>
      tpu.vector_store %arg8[%swap3A_933, %swap3A_934], %swap3A_937 {strides = array<i32>} : memref<800x32xf32, #tpu.memory_space<vmem>>, vector<1x16xf32>,
      %add3A_938 = arith.constant 600 : i32
      %add3A_939 = arith.addi %add3A_938, %scan3A_864 : i32
      %get3A_940 = arith.index_cast %add3A_939 : i32 to index
      %get3A_941 = arith.constant 0 : index
      %get3A_942 = tpu.vector_load %arg8[%get3A_940, %get3A_941] {strides = array<i32>} : memref<800x32xf32, #tpu.memory_space<vmem>>, vector<1x16xf32>,
      %get3A_943 = vector.shape_cast %get3A_942 : vector<1x16xf32> to vector<16xf32>
      %add3A_944 = arith.addf %get3A_943, %get3A_868 : vector<16xf32>
      %swap3A_945 = arith.index_cast %add3A_939 : i32 to index
      %swap3A_946 = arith.constant 0 : index
      %swap3A_947 = tpu.vector_load %arg8[%swap3A_945, %swap3A_946] {strides = array<i32>} : memref<800x32xf32, #tpu.memory_space<vmem>>, vector<1x16xf32>,
      %swap3A_948 = vector.shape_cast %swap3A_947 : vector<1x16xf32> to vector<16xf32>
      %swap3A_949 = vector.shape_cast %add3A_944 : vector<16xf32> to vector<1x16xf32>
      tpu.vector_store %arg8[%swap3A_945, %swap3A_946], %swap3A_949 {strides = array<i32>} : memref<800x32xf32, #tpu.memory_space<vmem>>, vector<1x16xf32>,
      %get3A_950 = arith.index_cast %add3A_939 : i32 to index
      %get3A_951 = arith.constant 16 : index
      %get3A_952 = tpu.vector_load %arg8[%get3A_950, %get3A_951] {strides = array<i32>} : memref<800x32xf32, #tpu.memory_space<vmem>>, vector<1x16xf32>,
      %get3A_953 = vector.shape_cast %get3A_952 : vector<1x16xf32> to vector<16xf32>
      %add3A_954 = arith.addf %get3A_953, %get3A_872 : vector<16xf32>
      %swap3A_955 = arith.index_cast %add3A_939 : i32 to index
      %swap3A_956 = arith.constant 16 : index
      %swap3A_957 = tpu.vector_load %arg8[%swap3A_955, %swap3A_956] {strides = array<i32>} : memref<800x32xf32, #tpu.memory_space<vmem>>, vector<1x16xf32>,
      %swap3A_958 = vector.shape_cast %swap3A_957 : vector<1x16xf32> to vector<16xf32>
      %swap3A_959 = vector.shape_cast %add3A_954 : vector<16xf32> to vector<1x16xf32>
      tpu.vector_store %arg8[%swap3A_955, %swap3A_956], %swap3A_959 {strides = array<i32>} : memref<800x32xf32, #tpu.memory_space<vmem>>, vector<1x16xf32>,
      %scan3A_960 = arith.constant 0 : i32
      scf.yield %scan3A_960 : i32
    }
    %scan3A_750 = arith.constant 200 : i32
    %add3A_751 = arith.constant 21600 : i32
    %add3A_752 = arith.addi %mul3A_2, %add3A_751 : i32
    %dma_start3A_753 = arith.constant 0 : i32
    %dma_start3A_754 = tpu.memref_slice %arg5[%add3A_752, %dma_start3A_753] : memref<819200x32xf32, #tpu.memory_space<hbm>> -> memref<800x32xf32, #tpu.memory_space<hbm>>
    %dma_start3A_755 = arith.constant 0 : i32
    %dma_start3A_756 = tpu.memref_slice %arg5[%add3A_752, %dma_start3A_755] : memref<819200x32xf32, #tpu.memory_space<hbm>> -> memref<800x32xf32, #tpu.memory_space<hbm>>
    tpu.enqueue_dma source(%arg8 : memref<800x32xf32, #tpu.memory_space<vmem>>) target(%dma_start3A_756 : memref<800x32xf32, #tpu.memory_space<hbm>>) target_semaphore(%arg13 : memref<!tpu.dma_semaphore, #tpu.memory_space<semaphore_mem>>)
    %dma_wait3A_757 = arith.constant 0 : i32
    %dma_wait3A_758 = tpu.memref_slice %arg5[%add3A_752, %dma_wait3A_757] : memref<819200x32xf32, #tpu.memory_space<hbm>> -> memref<800x32xf32, #tpu.memory_space<hbm>>
    %dma_wait3A_759 = arith.constant 0 : i32
    %dma_wait3A_760 = tpu.memref_slice %arg5[%add3A_752, %dma_wait3A_759] : memref<819200x32xf32, #tpu.memory_space<hbm>> -> memref<800x32xf32, #tpu.memory_space<hbm>>
    tpu.wait_dma2 semaphore(%arg13 : memref<!tpu.dma_semaphore, #tpu.memory_space<semaphore_mem>>) src(%arg8 : memref<800x32xf32, #tpu.memory_space<vmem>>) dst(%dma_wait3A_760 : memref<800x32xf32, #tpu.memory_space<hbm>>)
    %dma_start3A_761 = arith.constant 23200 : i32
    %dma_start3A_762 = tpu.memref_slice %arg6[%dma_start3A_761] : memref<25600xi32, #tpu.memory_space<vmem>> -> memref<800xi32, #tpu.memory_space<vmem>>
    %dma_start3A_763 = arith.constant 0 : i32
    %dma_start3A_764 = arith.constant 0 : i32
    %dma_start3A_765 = tpu.memref_slice %arg3[%dma_start3A_763, %dma_start3A_764] : memref<1000000x32xf32, #tpu.memory_space<hbm>> -> memref<1000000x32xf32, #tpu.memory_space<hbm>>
    tpu.enqueue_indirect_dma source(%dma_start3A_765 : memref<1000000x32xf32, #tpu.memory_space<hbm>>) target(%arg8 : memref<800x32xf32, #tpu.memory_space<vmem>>) offsets(%dma_start3A_762 : memref<800xi32, #tpu.memory_space<vmem>>) semaphore(%arg11 : memref<!tpu.dma_semaphore, #tpu.memory_space<semaphore_mem>>)
    %dma_wait3A_766 = arith.constant 22400 : i32
    %dma_wait3A_767 = tpu.memref_slice %arg6[%dma_wait3A_766] : memref<25600xi32, #tpu.memory_space<vmem>> -> memref<800xi32, #tpu.memory_space<vmem>>
    %dma_wait3A_768 = arith.constant 0 : i32
    %dma_wait3A_769 = arith.constant 0 : i32
    %dma_wait3A_770 = tpu.memref_slice %arg3[%dma_wait3A_768, %dma_wait3A_769] : memref<1000000x32xf32, #tpu.memory_space<hbm>> -> memref<1000000x32xf32, #tpu.memory_space<hbm>>
    tpu.wait_indirect_dma semaphore(%arg10 : memref<!tpu.dma_semaphore, #tpu.memory_space<semaphore_mem>>) src(%dma_wait3A_770 : memref<1000000x32xf32, #tpu.memory_space<hbm>>) dst(%arg7 : memref<800x32xf32, #tpu.memory_space<vmem>>)
    %scan3A_771 = arith.constant 0 : i32
    %scan3A_772 = arith.constant 0 : i32
    %scan3A_773 = arith.constant 200 : i32
    %scan3A_774 = arith.addi %scan3A_772, %scan3A_773 : i32
    %scan3A_775 = arith.constant 1 : i32
    %scan3A_776 = scf.for %scan3A_864 = %scan3A_772 to %scan3A_774 step %scan3A_775 iter_args(%scan3A_865 = %scan3A_771) -> (i32)  : i32 {
      %get3A = arith.index_cast %scan3A_864 : i32 to index
      %get3A_866 = arith.constant 0 : index
      %get3A_867 = tpu.vector_load %arg9[%get3A, %get3A_866] {strides = array<i32>} : memref<200x32xf32, #tpu.memory_space<vmem>>, vector<1x16xf32>,
      %get3A_868 = vector.shape_cast %get3A_867 : vector<1x16xf32> to vector<16xf32>
      %get3A_869 = arith.index_cast %scan3A_864 : i32 to index
      %get3A_870 = arith.constant 16 : index
      %get3A_871 = tpu.vector_load %arg9[%get3A_869, %get3A_870] {strides = array<i32>} : memref<200x32xf32, #tpu.memory_space<vmem>>, vector<1x16xf32>,
      %get3A_872 = vector.shape_cast %get3A_871 : vector<1x16xf32> to vector<16xf32>
      %add3A_873 = arith.constant 0 : i32
      %add3A_874 = arith.addi %add3A_873, %scan3A_864 : i32
      %get3A_875 = arith.index_cast %add3A_874 : i32 to index
      %get3A_876 = arith.constant 0 : index
      %get3A_877 = tpu.vector_load %arg7[%get3A_875, %get3A_876] {strides = array<i32>} : memref<800x32xf32, #tpu.memory_space<vmem>>, vector<1x16xf32>,
      %get3A_878 = vector.shape_cast %get3A_877 : vector<1x16xf32> to vector<16xf32>
      %add3A_879 = arith.addf %get3A_878, %get3A_868 : vector<16xf32>
      %swap3A = arith.index_cast %add3A_874 : i32 to index
      %swap3A_880 = arith.constant 0 : index
      %swap3A_881 = tpu.vector_load %arg7[%swap3A, %swap3A_880] {strides = array<i32>} : memref<800x32xf32, #tpu.memory_space<vmem>>, vector<1x16xf32>,
      %swap3A_882 = vector.shape_cast %swap3A_881 : vector<1x16xf32> to vector<16xf32>
      %swap3A_883 = vector.shape_cast %add3A_879 : vector<16xf32> to vector<1x16xf32>
      tpu.vector_store %arg7[%swap3A, %swap3A_880], %swap3A_883 {strides = array<i32>} : memref<800x32xf32, #tpu.memory_space<vmem>>, vector<1x16xf32>,
      %get3A_884 = arith.index_cast %add3A_874 : i32 to index
      %get3A_885 = arith.constant 16 : index
      %get3A_886 = tpu.vector_load %arg7[%get3A_884, %get3A_885] {strides = array<i32>} : memref<800x32xf32, #tpu.memory_space<vmem>>, vector<1x16xf32>,
      %get3A_887 = vector.shape_cast %get3A_886 : vector<1x16xf32> to vector<16xf32>
      %add3A_888 = arith.addf %get3A_887, %get3A_872 : vector<16xf32>
      %swap3A_889 = arith.index_cast %add3A_874 : i32 to index
      %swap3A_890 = arith.constant 16 : index
      %swap3A_891 = tpu.vector_load %arg7[%swap3A_889, %swap3A_890] {strides = array<i32>} : memref<800x32xf32, #tpu.memory_space<vmem>>, vector<1x16xf32>,
      %swap3A_892 = vector.shape_cast %swap3A_891 : vector<1x16xf32> to vector<16xf32>
      %swap3A_893 = vector.shape_cast %add3A_888 : vector<16xf32> to vector<1x16xf32>
      tpu.vector_store %arg7[%swap3A_889, %swap3A_890], %swap3A_893 {strides = array<i32>} : memref<800x32xf32, #tpu.memory_space<vmem>>, vector<1x16xf32>,
      %add3A_894 = arith.constant 200 : i32
      %add3A_895 = arith.addi %add3A_894, %scan3A_864 : i32
      %get3A_896 = arith.index_cast %add3A_895 : i32 to index
      %get3A_897 = arith.constant 0 : index
      %get3A_898 = tpu.vector_load %arg7[%get3A_896, %get3A_897] {strides = array<i32>} : memref<800x32xf32, #tpu.memory_space<vmem>>, vector<1x16xf32>,
      %get3A_899 = vector.shape_cast %get3A_898 : vector<1x16xf32> to vector<16xf32>
      %add3A_900 = arith.addf %get3A_899, %get3A_868 : vector<16xf32>
      %swap3A_901 = arith.index_cast %add3A_895 : i32 to index
      %swap3A_902 = arith.constant 0 : index
      %swap3A_903 = tpu.vector_load %arg7[%swap3A_901, %swap3A_902] {strides = array<i32>} : memref<800x32xf32, #tpu.memory_space<vmem>>, vector<1x16xf32>,
      %swap3A_904 = vector.shape_cast %swap3A_903 : vector<1x16xf32> to vector<16xf32>
      %swap3A_905 = vector.shape_cast %add3A_900 : vector<16xf32> to vector<1x16xf32>
      tpu.vector_store %arg7[%swap3A_901, %swap3A_902], %swap3A_905 {strides = array<i32>} : memref<800x32xf32, #tpu.memory_space<vmem>>, vector<1x16xf32>,
      %get3A_906 = arith.index_cast %add3A_895 : i32 to index
      %get3A_907 = arith.constant 16 : index
      %get3A_908 = tpu.vector_load %arg7[%get3A_906, %get3A_907] {strides = array<i32>} : memref<800x32xf32, #tpu.memory_space<vmem>>, vector<1x16xf32>,
      %get3A_909 = vector.shape_cast %get3A_908 : vector<1x16xf32> to vector<16xf32>
      %add3A_910 = arith.addf %get3A_909, %get3A_872 : vector<16xf32>
      %swap3A_911 = arith.index_cast %add3A_895 : i32 to index
      %swap3A_912 = arith.constant 16 : index
      %swap3A_913 = tpu.vector_load %arg7[%swap3A_911, %swap3A_912] {strides = array<i32>} : memref<800x32xf32, #tpu.memory_space<vmem>>, vector<1x16xf32>,
      %swap3A_914 = vector.shape_cast %swap3A_913 : vector<1x16xf32> to vector<16xf32>
      %swap3A_915 = vector.shape_cast %add3A_910 : vector<16xf32> to vector<1x16xf32>
      tpu.vector_store %arg7[%swap3A_911, %swap3A_912], %swap3A_915 {strides = array<i32>} : memref<800x32xf32, #tpu.memory_space<vmem>>, vector<1x16xf32>,
      %add3A_916 = arith.constant 400 : i32
      %add3A_917 = arith.addi %add3A_916, %scan3A_864 : i32
      %get3A_918 = arith.index_cast %add3A_917 : i32 to index
      %get3A_919 = arith.constant 0 : index
      %get3A_920 = tpu.vector_load %arg7[%get3A_918, %get3A_919] {strides = array<i32>} : memref<800x32xf32, #tpu.memory_space<vmem>>, vector<1x16xf32>,
      %get3A_921 = vector.shape_cast %get3A_920 : vector<1x16xf32> to vector<16xf32>
      %add3A_922 = arith.addf %get3A_921, %get3A_868 : vector<16xf32>
      %swap3A_923 = arith.index_cast %add3A_917 : i32 to index
      %swap3A_924 = arith.constant 0 : index
      %swap3A_925 = tpu.vector_load %arg7[%swap3A_923, %swap3A_924] {strides = array<i32>} : memref<800x32xf32, #tpu.memory_space<vmem>>, vector<1x16xf32>,
      %swap3A_926 = vector.shape_cast %swap3A_925 : vector<1x16xf32> to vector<16xf32>
      %swap3A_927 = vector.shape_cast %add3A_922 : vector<16xf32> to vector<1x16xf32>
      tpu.vector_store %arg7[%swap3A_923, %swap3A_924], %swap3A_927 {strides = array<i32>} : memref<800x32xf32, #tpu.memory_space<vmem>>, vector<1x16xf32>,
      %get3A_928 = arith.index_cast %add3A_917 : i32 to index
      %get3A_929 = arith.constant 16 : index
      %get3A_930 = tpu.vector_load %arg7[%get3A_928, %get3A_929] {strides = array<i32>} : memref<800x32xf32, #tpu.memory_space<vmem>>, vector<1x16xf32>,
      %get3A_931 = vector.shape_cast %get3A_930 : vector<1x16xf32> to vector<16xf32>
      %add3A_932 = arith.addf %get3A_931, %get3A_872 : vector<16xf32>
      %swap3A_933 = arith.index_cast %add3A_917 : i32 to index
      %swap3A_934 = arith.constant 16 : index
      %swap3A_935 = tpu.vector_load %arg7[%swap3A_933, %swap3A_934] {strides = array<i32>} : memref<800x32xf32, #tpu.memory_space<vmem>>, vector<1x16xf32>,
      %swap3A_936 = vector.shape_cast %swap3A_935 : vector<1x16xf32> to vector<16xf32>
      %swap3A_937 = vector.shape_cast %add3A_932 : vector<16xf32> to vector<1x16xf32>
      tpu.vector_store %arg7[%swap3A_933, %swap3A_934], %swap3A_937 {strides = array<i32>} : memref<800x32xf32, #tpu.memory_space<vmem>>, vector<1x16xf32>,
      %add3A_938 = arith.constant 600 : i32
      %add3A_939 = arith.addi %add3A_938, %scan3A_864 : i32
      %get3A_940 = arith.index_cast %add3A_939 : i32 to index
      %get3A_941 = arith.constant 0 : index
      %get3A_942 = tpu.vector_load %arg7[%get3A_940, %get3A_941] {strides = array<i32>} : memref<800x32xf32, #tpu.memory_space<vmem>>, vector<1x16xf32>,
      %get3A_943 = vector.shape_cast %get3A_942 : vector<1x16xf32> to vector<16xf32>
      %add3A_944 = arith.addf %get3A_943, %get3A_868 : vector<16xf32>
      %swap3A_945 = arith.index_cast %add3A_939 : i32 to index
      %swap3A_946 = arith.constant 0 : index
      %swap3A_947 = tpu.vector_load %arg7[%swap3A_945, %swap3A_946] {strides = array<i32>} : memref<800x32xf32, #tpu.memory_space<vmem>>, vector<1x16xf32>,
      %swap3A_948 = vector.shape_cast %swap3A_947 : vector<1x16xf32> to vector<16xf32>
      %swap3A_949 = vector.shape_cast %add3A_944 : vector<16xf32> to vector<1x16xf32>
      tpu.vector_store %arg7[%swap3A_945, %swap3A_946], %swap3A_949 {strides = array<i32>} : memref<800x32xf32, #tpu.memory_space<vmem>>, vector<1x16xf32>,
      %get3A_950 = arith.index_cast %add3A_939 : i32 to index
      %get3A_951 = arith.constant 16 : index
      %get3A_952 = tpu.vector_load %arg7[%get3A_950, %get3A_951] {strides = array<i32>} : memref<800x32xf32, #tpu.memory_space<vmem>>, vector<1x16xf32>,
      %get3A_953 = vector.shape_cast %get3A_952 : vector<1x16xf32> to vector<16xf32>
      %add3A_954 = arith.addf %get3A_953, %get3A_872 : vector<16xf32>
      %swap3A_955 = arith.index_cast %add3A_939 : i32 to index
      %swap3A_956 = arith.constant 16 : index
      %swap3A_957 = tpu.vector_load %arg7[%swap3A_955, %swap3A_956] {strides = array<i32>} : memref<800x32xf32, #tpu.memory_space<vmem>>, vector<1x16xf32>,
      %swap3A_958 = vector.shape_cast %swap3A_957 : vector<1x16xf32> to vector<16xf32>
      %swap3A_959 = vector.shape_cast %add3A_954 : vector<16xf32> to vector<1x16xf32>
      tpu.vector_store %arg7[%swap3A_955, %swap3A_956], %swap3A_959 {strides = array<i32>} : memref<800x32xf32, #tpu.memory_space<vmem>>, vector<1x16xf32>,
      %scan3A_960 = arith.constant 0 : i32
      scf.yield %scan3A_960 : i32
    }
    %scan3A_777 = arith.constant 200 : i32
    %add3A_778 = arith.constant 22400 : i32
    %add3A_779 = arith.addi %mul3A_2, %add3A_778 : i32
    %dma_start3A_780 = arith.constant 0 : i32
    %dma_start3A_781 = tpu.memref_slice %arg5[%add3A_779, %dma_start3A_780] : memref<819200x32xf32, #tpu.memory_space<hbm>> -> memref<800x32xf32, #tpu.memory_space<hbm>>
    %dma_start3A_782 = arith.constant 0 : i32
    %dma_start3A_783 = tpu.memref_slice %arg5[%add3A_779, %dma_start3A_782] : memref<819200x32xf32, #tpu.memory_space<hbm>> -> memref<800x32xf32, #tpu.memory_space<hbm>>
    tpu.enqueue_dma source(%arg7 : memref<800x32xf32, #tpu.memory_space<vmem>>) target(%dma_start3A_783 : memref<800x32xf32, #tpu.memory_space<hbm>>) target_semaphore(%arg12 : memref<!tpu.dma_semaphore, #tpu.memory_space<semaphore_mem>>)
    %dma_wait3A_784 = arith.constant 0 : i32
    %dma_wait3A_785 = tpu.memref_slice %arg5[%add3A_779, %dma_wait3A_784] : memref<819200x32xf32, #tpu.memory_space<hbm>> -> memref<800x32xf32, #tpu.memory_space<hbm>>
    %dma_wait3A_786 = arith.constant 0 : i32
    %dma_wait3A_787 = tpu.memref_slice %arg5[%add3A_779, %dma_wait3A_786] : memref<819200x32xf32, #tpu.memory_space<hbm>> -> memref<800x32xf32, #tpu.memory_space<hbm>>
    tpu.wait_dma2 semaphore(%arg12 : memref<!tpu.dma_semaphore, #tpu.memory_space<semaphore_mem>>) src(%arg7 : memref<800x32xf32, #tpu.memory_space<vmem>>) dst(%dma_wait3A_787 : memref<800x32xf32, #tpu.memory_space<hbm>>)
    %dma_start3A_788 = arith.constant 24000 : i32
    %dma_start3A_789 = tpu.memref_slice %arg6[%dma_start3A_788] : memref<25600xi32, #tpu.memory_space<vmem>> -> memref<800xi32, #tpu.memory_space<vmem>>
    %dma_start3A_790 = arith.constant 0 : i32
    %dma_start3A_791 = arith.constant 0 : i32
    %dma_start3A_792 = tpu.memref_slice %arg3[%dma_start3A_790, %dma_start3A_791] : memref<1000000x32xf32, #tpu.memory_space<hbm>> -> memref<1000000x32xf32, #tpu.memory_space<hbm>>
    tpu.enqueue_indirect_dma source(%dma_start3A_792 : memref<1000000x32xf32, #tpu.memory_space<hbm>>) target(%arg7 : memref<800x32xf32, #tpu.memory_space<vmem>>) offsets(%dma_start3A_789 : memref<800xi32, #tpu.memory_space<vmem>>) semaphore(%arg10 : memref<!tpu.dma_semaphore, #tpu.memory_space<semaphore_mem>>)
    %dma_wait3A_793 = arith.constant 23200 : i32
    %dma_wait3A_794 = tpu.memref_slice %arg6[%dma_wait3A_793] : memref<25600xi32, #tpu.memory_space<vmem>> -> memref<800xi32, #tpu.memory_space<vmem>>
    %dma_wait3A_795 = arith.constant 0 : i32
    %dma_wait3A_796 = arith.constant 0 : i32
    %dma_wait3A_797 = tpu.memref_slice %arg3[%dma_wait3A_795, %dma_wait3A_796] : memref<1000000x32xf32, #tpu.memory_space<hbm>> -> memref<1000000x32xf32, #tpu.memory_space<hbm>>
    tpu.wait_indirect_dma semaphore(%arg11 : memref<!tpu.dma_semaphore, #tpu.memory_space<semaphore_mem>>) src(%dma_wait3A_797 : memref<1000000x32xf32, #tpu.memory_space<hbm>>) dst(%arg8 : memref<800x32xf32, #tpu.memory_space<vmem>>)
    %scan3A_798 = arith.constant 0 : i32
    %scan3A_799 = arith.constant 0 : i32
    %scan3A_800 = arith.constant 200 : i32
    %scan3A_801 = arith.addi %scan3A_799, %scan3A_800 : i32
    %scan3A_802 = arith.constant 1 : i32
    %scan3A_803 = scf.for %scan3A_864 = %scan3A_799 to %scan3A_801 step %scan3A_802 iter_args(%scan3A_865 = %scan3A_798) -> (i32)  : i32 {
      %get3A = arith.index_cast %scan3A_864 : i32 to index
      %get3A_866 = arith.constant 0 : index
      %get3A_867 = tpu.vector_load %arg9[%get3A, %get3A_866] {strides = array<i32>} : memref<200x32xf32, #tpu.memory_space<vmem>>, vector<1x16xf32>,
      %get3A_868 = vector.shape_cast %get3A_867 : vector<1x16xf32> to vector<16xf32>
      %get3A_869 = arith.index_cast %scan3A_864 : i32 to index
      %get3A_870 = arith.constant 16 : index
      %get3A_871 = tpu.vector_load %arg9[%get3A_869, %get3A_870] {strides = array<i32>} : memref<200x32xf32, #tpu.memory_space<vmem>>, vector<1x16xf32>,
      %get3A_872 = vector.shape_cast %get3A_871 : vector<1x16xf32> to vector<16xf32>
      %add3A_873 = arith.constant 0 : i32
      %add3A_874 = arith.addi %add3A_873, %scan3A_864 : i32
      %get3A_875 = arith.index_cast %add3A_874 : i32 to index
      %get3A_876 = arith.constant 0 : index
      %get3A_877 = tpu.vector_load %arg8[%get3A_875, %get3A_876] {strides = array<i32>} : memref<800x32xf32, #tpu.memory_space<vmem>>, vector<1x16xf32>,
      %get3A_878 = vector.shape_cast %get3A_877 : vector<1x16xf32> to vector<16xf32>
      %add3A_879 = arith.addf %get3A_878, %get3A_868 : vector<16xf32>
      %swap3A = arith.index_cast %add3A_874 : i32 to index
      %swap3A_880 = arith.constant 0 : index
      %swap3A_881 = tpu.vector_load %arg8[%swap3A, %swap3A_880] {strides = array<i32>} : memref<800x32xf32, #tpu.memory_space<vmem>>, vector<1x16xf32>,
      %swap3A_882 = vector.shape_cast %swap3A_881 : vector<1x16xf32> to vector<16xf32>
      %swap3A_883 = vector.shape_cast %add3A_879 : vector<16xf32> to vector<1x16xf32>
      tpu.vector_store %arg8[%swap3A, %swap3A_880], %swap3A_883 {strides = array<i32>} : memref<800x32xf32, #tpu.memory_space<vmem>>, vector<1x16xf32>,
      %get3A_884 = arith.index_cast %add3A_874 : i32 to index
      %get3A_885 = arith.constant 16 : index
      %get3A_886 = tpu.vector_load %arg8[%get3A_884, %get3A_885] {strides = array<i32>} : memref<800x32xf32, #tpu.memory_space<vmem>>, vector<1x16xf32>,
      %get3A_887 = vector.shape_cast %get3A_886 : vector<1x16xf32> to vector<16xf32>
      %add3A_888 = arith.addf %get3A_887, %get3A_872 : vector<16xf32>
      %swap3A_889 = arith.index_cast %add3A_874 : i32 to index
      %swap3A_890 = arith.constant 16 : index
      %swap3A_891 = tpu.vector_load %arg8[%swap3A_889, %swap3A_890] {strides = array<i32>} : memref<800x32xf32, #tpu.memory_space<vmem>>, vector<1x16xf32>,
      %swap3A_892 = vector.shape_cast %swap3A_891 : vector<1x16xf32> to vector<16xf32>
      %swap3A_893 = vector.shape_cast %add3A_888 : vector<16xf32> to vector<1x16xf32>
      tpu.vector_store %arg8[%swap3A_889, %swap3A_890], %swap3A_893 {strides = array<i32>} : memref<800x32xf32, #tpu.memory_space<vmem>>, vector<1x16xf32>,
      %add3A_894 = arith.constant 200 : i32
      %add3A_895 = arith.addi %add3A_894, %scan3A_864 : i32
      %get3A_896 = arith.index_cast %add3A_895 : i32 to index
      %get3A_897 = arith.constant 0 : index
      %get3A_898 = tpu.vector_load %arg8[%get3A_896, %get3A_897] {strides = array<i32>} : memref<800x32xf32, #tpu.memory_space<vmem>>, vector<1x16xf32>,
      %get3A_899 = vector.shape_cast %get3A_898 : vector<1x16xf32> to vector<16xf32>
      %add3A_900 = arith.addf %get3A_899, %get3A_868 : vector<16xf32>
      %swap3A_901 = arith.index_cast %add3A_895 : i32 to index
      %swap3A_902 = arith.constant 0 : index
      %swap3A_903 = tpu.vector_load %arg8[%swap3A_901, %swap3A_902] {strides = array<i32>} : memref<800x32xf32, #tpu.memory_space<vmem>>, vector<1x16xf32>,
      %swap3A_904 = vector.shape_cast %swap3A_903 : vector<1x16xf32> to vector<16xf32>
      %swap3A_905 = vector.shape_cast %add3A_900 : vector<16xf32> to vector<1x16xf32>
      tpu.vector_store %arg8[%swap3A_901, %swap3A_902], %swap3A_905 {strides = array<i32>} : memref<800x32xf32, #tpu.memory_space<vmem>>, vector<1x16xf32>,
      %get3A_906 = arith.index_cast %add3A_895 : i32 to index
      %get3A_907 = arith.constant 16 : index
      %get3A_908 = tpu.vector_load %arg8[%get3A_906, %get3A_907] {strides = array<i32>} : memref<800x32xf32, #tpu.memory_space<vmem>>, vector<1x16xf32>,
      %get3A_909 = vector.shape_cast %get3A_908 : vector<1x16xf32> to vector<16xf32>
      %add3A_910 = arith.addf %get3A_909, %get3A_872 : vector<16xf32>
      %swap3A_911 = arith.index_cast %add3A_895 : i32 to index
      %swap3A_912 = arith.constant 16 : index
      %swap3A_913 = tpu.vector_load %arg8[%swap3A_911, %swap3A_912] {strides = array<i32>} : memref<800x32xf32, #tpu.memory_space<vmem>>, vector<1x16xf32>,
      %swap3A_914 = vector.shape_cast %swap3A_913 : vector<1x16xf32> to vector<16xf32>
      %swap3A_915 = vector.shape_cast %add3A_910 : vector<16xf32> to vector<1x16xf32>
      tpu.vector_store %arg8[%swap3A_911, %swap3A_912], %swap3A_915 {strides = array<i32>} : memref<800x32xf32, #tpu.memory_space<vmem>>, vector<1x16xf32>,
      %add3A_916 = arith.constant 400 : i32
      %add3A_917 = arith.addi %add3A_916, %scan3A_864 : i32
      %get3A_918 = arith.index_cast %add3A_917 : i32 to index
      %get3A_919 = arith.constant 0 : index
      %get3A_920 = tpu.vector_load %arg8[%get3A_918, %get3A_919] {strides = array<i32>} : memref<800x32xf32, #tpu.memory_space<vmem>>, vector<1x16xf32>,
      %get3A_921 = vector.shape_cast %get3A_920 : vector<1x16xf32> to vector<16xf32>
      %add3A_922 = arith.addf %get3A_921, %get3A_868 : vector<16xf32>
      %swap3A_923 = arith.index_cast %add3A_917 : i32 to index
      %swap3A_924 = arith.constant 0 : index
      %swap3A_925 = tpu.vector_load %arg8[%swap3A_923, %swap3A_924] {strides = array<i32>} : memref<800x32xf32, #tpu.memory_space<vmem>>, vector<1x16xf32>,
      %swap3A_926 = vector.shape_cast %swap3A_925 : vector<1x16xf32> to vector<16xf32>
      %swap3A_927 = vector.shape_cast %add3A_922 : vector<16xf32> to vector<1x16xf32>
      tpu.vector_store %arg8[%swap3A_923, %swap3A_924], %swap3A_927 {strides = array<i32>} : memref<800x32xf32, #tpu.memory_space<vmem>>, vector<1x16xf32>,
      %get3A_928 = arith.index_cast %add3A_917 : i32 to index
      %get3A_929 = arith.constant 16 : index
      %get3A_930 = tpu.vector_load %arg8[%get3A_928, %get3A_929] {strides = array<i32>} : memref<800x32xf32, #tpu.memory_space<vmem>>, vector<1x16xf32>,
      %get3A_931 = vector.shape_cast %get3A_930 : vector<1x16xf32> to vector<16xf32>
      %add3A_932 = arith.addf %get3A_931, %get3A_872 : vector<16xf32>
      %swap3A_933 = arith.index_cast %add3A_917 : i32 to index
      %swap3A_934 = arith.constant 16 : index
      %swap3A_935 = tpu.vector_load %arg8[%swap3A_933, %swap3A_934] {strides = array<i32>} : memref<800x32xf32, #tpu.memory_space<vmem>>, vector<1x16xf32>,
      %swap3A_936 = vector.shape_cast %swap3A_935 : vector<1x16xf32> to vector<16xf32>
      %swap3A_937 = vector.shape_cast %add3A_932 : vector<16xf32> to vector<1x16xf32>
      tpu.vector_store %arg8[%swap3A_933, %swap3A_934], %swap3A_937 {strides = array<i32>} : memref<800x32xf32, #tpu.memory_space<vmem>>, vector<1x16xf32>,
      %add3A_938 = arith.constant 600 : i32
      %add3A_939 = arith.addi %add3A_938, %scan3A_864 : i32
      %get3A_940 = arith.index_cast %add3A_939 : i32 to index
      %get3A_941 = arith.constant 0 : index
      %get3A_942 = tpu.vector_load %arg8[%get3A_940, %get3A_941] {strides = array<i32>} : memref<800x32xf32, #tpu.memory_space<vmem>>, vector<1x16xf32>,
      %get3A_943 = vector.shape_cast %get3A_942 : vector<1x16xf32> to vector<16xf32>
      %add3A_944 = arith.addf %get3A_943, %get3A_868 : vector<16xf32>
      %swap3A_945 = arith.index_cast %add3A_939 : i32 to index
      %swap3A_946 = arith.constant 0 : index
      %swap3A_947 = tpu.vector_load %arg8[%swap3A_945, %swap3A_946] {strides = array<i32>} : memref<800x32xf32, #tpu.memory_space<vmem>>, vector<1x16xf32>,
      %swap3A_948 = vector.shape_cast %swap3A_947 : vector<1x16xf32> to vector<16xf32>
      %swap3A_949 = vector.shape_cast %add3A_944 : vector<16xf32> to vector<1x16xf32>
      tpu.vector_store %arg8[%swap3A_945, %swap3A_946], %swap3A_949 {strides = array<i32>} : memref<800x32xf32, #tpu.memory_space<vmem>>, vector<1x16xf32>,
      %get3A_950 = arith.index_cast %add3A_939 : i32 to index
      %get3A_951 = arith.constant 16 : index
      %get3A_952 = tpu.vector_load %arg8[%get3A_950, %get3A_951] {strides = array<i32>} : memref<800x32xf32, #tpu.memory_space<vmem>>, vector<1x16xf32>,
      %get3A_953 = vector.shape_cast %get3A_952 : vector<1x16xf32> to vector<16xf32>
      %add3A_954 = arith.addf %get3A_953, %get3A_872 : vector<16xf32>
      %swap3A_955 = arith.index_cast %add3A_939 : i32 to index
      %swap3A_956 = arith.constant 16 : index
      %swap3A_957 = tpu.vector_load %arg8[%swap3A_955, %swap3A_956] {strides = array<i32>} : memref<800x32xf32, #tpu.memory_space<vmem>>, vector<1x16xf32>,
      %swap3A_958 = vector.shape_cast %swap3A_957 : vector<1x16xf32> to vector<16xf32>
      %swap3A_959 = vector.shape_cast %add3A_954 : vector<16xf32> to vector<1x16xf32>
      tpu.vector_store %arg8[%swap3A_955, %swap3A_956], %swap3A_959 {strides = array<i32>} : memref<800x32xf32, #tpu.memory_space<vmem>>, vector<1x16xf32>,
      %scan3A_960 = arith.constant 0 : i32
      scf.yield %scan3A_960 : i32
    }
    %scan3A_804 = arith.constant 200 : i32
    %add3A_805 = arith.constant 23200 : i32
    %add3A_806 = arith.addi %mul3A_2, %add3A_805 : i32
    %dma_start3A_807 = arith.constant 0 : i32
    %dma_start3A_808 = tpu.memref_slice %arg5[%add3A_806, %dma_start3A_807] : memref<819200x32xf32, #tpu.memory_space<hbm>> -> memref<800x32xf32, #tpu.memory_space<hbm>>
    %dma_start3A_809 = arith.constant 0 : i32
    %dma_start3A_810 = tpu.memref_slice %arg5[%add3A_806, %dma_start3A_809] : memref<819200x32xf32, #tpu.memory_space<hbm>> -> memref<800x32xf32, #tpu.memory_space<hbm>>
    tpu.enqueue_dma source(%arg8 : memref<800x32xf32, #tpu.memory_space<vmem>>) target(%dma_start3A_810 : memref<800x32xf32, #tpu.memory_space<hbm>>) target_semaphore(%arg13 : memref<!tpu.dma_semaphore, #tpu.memory_space<semaphore_mem>>)
    %dma_wait3A_811 = arith.constant 0 : i32
    %dma_wait3A_812 = tpu.memref_slice %arg5[%add3A_806, %dma_wait3A_811] : memref<819200x32xf32, #tpu.memory_space<hbm>> -> memref<800x32xf32, #tpu.memory_space<hbm>>
    %dma_wait3A_813 = arith.constant 0 : i32
    %dma_wait3A_814 = tpu.memref_slice %arg5[%add3A_806, %dma_wait3A_813] : memref<819200x32xf32, #tpu.memory_space<hbm>> -> memref<800x32xf32, #tpu.memory_space<hbm>>
    tpu.wait_dma2 semaphore(%arg13 : memref<!tpu.dma_semaphore, #tpu.memory_space<semaphore_mem>>) src(%arg8 : memref<800x32xf32, #tpu.memory_space<vmem>>) dst(%dma_wait3A_814 : memref<800x32xf32, #tpu.memory_space<hbm>>)
    %dma_start3A_815 = arith.constant 24800 : i32
    %dma_start3A_816 = tpu.memref_slice %arg6[%dma_start3A_815] : memref<25600xi32, #tpu.memory_space<vmem>> -> memref<800xi32, #tpu.memory_space<vmem>>
    %dma_start3A_817 = arith.constant 0 : i32
    %dma_start3A_818 = arith.constant 0 : i32
    %dma_start3A_819 = tpu.memref_slice %arg3[%dma_start3A_817, %dma_start3A_818] : memref<1000000x32xf32, #tpu.memory_space<hbm>> -> memref<1000000x32xf32, #tpu.memory_space<hbm>>
    tpu.enqueue_indirect_dma source(%dma_start3A_819 : memref<1000000x32xf32, #tpu.memory_space<hbm>>) target(%arg8 : memref<800x32xf32, #tpu.memory_space<vmem>>) offsets(%dma_start3A_816 : memref<800xi32, #tpu.memory_space<vmem>>) semaphore(%arg11 : memref<!tpu.dma_semaphore, #tpu.memory_space<semaphore_mem>>)
    %dma_wait3A_820 = arith.constant 24000 : i32
    %dma_wait3A_821 = tpu.memref_slice %arg6[%dma_wait3A_820] : memref<25600xi32, #tpu.memory_space<vmem>> -> memref<800xi32, #tpu.memory_space<vmem>>
    %dma_wait3A_822 = arith.constant 0 : i32
    %dma_wait3A_823 = arith.constant 0 : i32
    %dma_wait3A_824 = tpu.memref_slice %arg3[%dma_wait3A_822, %dma_wait3A_823] : memref<1000000x32xf32, #tpu.memory_space<hbm>> -> memref<1000000x32xf32, #tpu.memory_space<hbm>>
    tpu.wait_indirect_dma semaphore(%arg10 : memref<!tpu.dma_semaphore, #tpu.memory_space<semaphore_mem>>) src(%dma_wait3A_824 : memref<1000000x32xf32, #tpu.memory_space<hbm>>) dst(%arg7 : memref<800x32xf32, #tpu.memory_space<vmem>>)
    %scan3A_825 = arith.constant 0 : i32
    %scan3A_826 = arith.constant 0 : i32
    %scan3A_827 = arith.constant 200 : i32
    %scan3A_828 = arith.addi %scan3A_826, %scan3A_827 : i32
    %scan3A_829 = arith.constant 1 : i32
    %scan3A_830 = scf.for %scan3A_864 = %scan3A_826 to %scan3A_828 step %scan3A_829 iter_args(%scan3A_865 = %scan3A_825) -> (i32)  : i32 {
      %get3A = arith.index_cast %scan3A_864 : i32 to index
      %get3A_866 = arith.constant 0 : index
      %get3A_867 = tpu.vector_load %arg9[%get3A, %get3A_866] {strides = array<i32>} : memref<200x32xf32, #tpu.memory_space<vmem>>, vector<1x16xf32>,
      %get3A_868 = vector.shape_cast %get3A_867 : vector<1x16xf32> to vector<16xf32>
      %get3A_869 = arith.index_cast %scan3A_864 : i32 to index
      %get3A_870 = arith.constant 16 : index
      %get3A_871 = tpu.vector_load %arg9[%get3A_869, %get3A_870] {strides = array<i32>} : memref<200x32xf32, #tpu.memory_space<vmem>>, vector<1x16xf32>,
      %get3A_872 = vector.shape_cast %get3A_871 : vector<1x16xf32> to vector<16xf32>
      %add3A_873 = arith.constant 0 : i32
      %add3A_874 = arith.addi %add3A_873, %scan3A_864 : i32
      %get3A_875 = arith.index_cast %add3A_874 : i32 to index
      %get3A_876 = arith.constant 0 : index
      %get3A_877 = tpu.vector_load %arg7[%get3A_875, %get3A_876] {strides = array<i32>} : memref<800x32xf32, #tpu.memory_space<vmem>>, vector<1x16xf32>,
      %get3A_878 = vector.shape_cast %get3A_877 : vector<1x16xf32> to vector<16xf32>
      %add3A_879 = arith.addf %get3A_878, %get3A_868 : vector<16xf32>
      %swap3A = arith.index_cast %add3A_874 : i32 to index
      %swap3A_880 = arith.constant 0 : index
      %swap3A_881 = tpu.vector_load %arg7[%swap3A, %swap3A_880] {strides = array<i32>} : memref<800x32xf32, #tpu.memory_space<vmem>>, vector<1x16xf32>,
      %swap3A_882 = vector.shape_cast %swap3A_881 : vector<1x16xf32> to vector<16xf32>
      %swap3A_883 = vector.shape_cast %add3A_879 : vector<16xf32> to vector<1x16xf32>
      tpu.vector_store %arg7[%swap3A, %swap3A_880], %swap3A_883 {strides = array<i32>} : memref<800x32xf32, #tpu.memory_space<vmem>>, vector<1x16xf32>,
      %get3A_884 = arith.index_cast %add3A_874 : i32 to index
      %get3A_885 = arith.constant 16 : index
      %get3A_886 = tpu.vector_load %arg7[%get3A_884, %get3A_885] {strides = array<i32>} : memref<800x32xf32, #tpu.memory_space<vmem>>, vector<1x16xf32>,
      %get3A_887 = vector.shape_cast %get3A_886 : vector<1x16xf32> to vector<16xf32>
      %add3A_888 = arith.addf %get3A_887, %get3A_872 : vector<16xf32>
      %swap3A_889 = arith.index_cast %add3A_874 : i32 to index
      %swap3A_890 = arith.constant 16 : index
      %swap3A_891 = tpu.vector_load %arg7[%swap3A_889, %swap3A_890] {strides = array<i32>} : memref<800x32xf32, #tpu.memory_space<vmem>>, vector<1x16xf32>,
      %swap3A_892 = vector.shape_cast %swap3A_891 : vector<1x16xf32> to vector<16xf32>
      %swap3A_893 = vector.shape_cast %add3A_888 : vector<16xf32> to vector<1x16xf32>
      tpu.vector_store %arg7[%swap3A_889, %swap3A_890], %swap3A_893 {strides = array<i32>} : memref<800x32xf32, #tpu.memory_space<vmem>>, vector<1x16xf32>,
      %add3A_894 = arith.constant 200 : i32
      %add3A_895 = arith.addi %add3A_894, %scan3A_864 : i32
      %get3A_896 = arith.index_cast %add3A_895 : i32 to index
      %get3A_897 = arith.constant 0 : index
      %get3A_898 = tpu.vector_load %arg7[%get3A_896, %get3A_897] {strides = array<i32>} : memref<800x32xf32, #tpu.memory_space<vmem>>, vector<1x16xf32>,
      %get3A_899 = vector.shape_cast %get3A_898 : vector<1x16xf32> to vector<16xf32>
      %add3A_900 = arith.addf %get3A_899, %get3A_868 : vector<16xf32>
      %swap3A_901 = arith.index_cast %add3A_895 : i32 to index
      %swap3A_902 = arith.constant 0 : index
      %swap3A_903 = tpu.vector_load %arg7[%swap3A_901, %swap3A_902] {strides = array<i32>} : memref<800x32xf32, #tpu.memory_space<vmem>>, vector<1x16xf32>,
      %swap3A_904 = vector.shape_cast %swap3A_903 : vector<1x16xf32> to vector<16xf32>
      %swap3A_905 = vector.shape_cast %add3A_900 : vector<16xf32> to vector<1x16xf32>
      tpu.vector_store %arg7[%swap3A_901, %swap3A_902], %swap3A_905 {strides = array<i32>} : memref<800x32xf32, #tpu.memory_space<vmem>>, vector<1x16xf32>,
      %get3A_906 = arith.index_cast %add3A_895 : i32 to index
      %get3A_907 = arith.constant 16 : index
      %get3A_908 = tpu.vector_load %arg7[%get3A_906, %get3A_907] {strides = array<i32>} : memref<800x32xf32, #tpu.memory_space<vmem>>, vector<1x16xf32>,
      %get3A_909 = vector.shape_cast %get3A_908 : vector<1x16xf32> to vector<16xf32>
      %add3A_910 = arith.addf %get3A_909, %get3A_872 : vector<16xf32>
      %swap3A_911 = arith.index_cast %add3A_895 : i32 to index
      %swap3A_912 = arith.constant 16 : index
      %swap3A_913 = tpu.vector_load %arg7[%swap3A_911, %swap3A_912] {strides = array<i32>} : memref<800x32xf32, #tpu.memory_space<vmem>>, vector<1x16xf32>,
      %swap3A_914 = vector.shape_cast %swap3A_913 : vector<1x16xf32> to vector<16xf32>
      %swap3A_915 = vector.shape_cast %add3A_910 : vector<16xf32> to vector<1x16xf32>
      tpu.vector_store %arg7[%swap3A_911, %swap3A_912], %swap3A_915 {strides = array<i32>} : memref<800x32xf32, #tpu.memory_space<vmem>>, vector<1x16xf32>,
      %add3A_916 = arith.constant 400 : i32
      %add3A_917 = arith.addi %add3A_916, %scan3A_864 : i32
      %get3A_918 = arith.index_cast %add3A_917 : i32 to index
      %get3A_919 = arith.constant 0 : index
      %get3A_920 = tpu.vector_load %arg7[%get3A_918, %get3A_919] {strides = array<i32>} : memref<800x32xf32, #tpu.memory_space<vmem>>, vector<1x16xf32>,
      %get3A_921 = vector.shape_cast %get3A_920 : vector<1x16xf32> to vector<16xf32>
      %add3A_922 = arith.addf %get3A_921, %get3A_868 : vector<16xf32>
      %swap3A_923 = arith.index_cast %add3A_917 : i32 to index
      %swap3A_924 = arith.constant 0 : index
      %swap3A_925 = tpu.vector_load %arg7[%swap3A_923, %swap3A_924] {strides = array<i32>} : memref<800x32xf32, #tpu.memory_space<vmem>>, vector<1x16xf32>,
      %swap3A_926 = vector.shape_cast %swap3A_925 : vector<1x16xf32> to vector<16xf32>
      %swap3A_927 = vector.shape_cast %add3A_922 : vector<16xf32> to vector<1x16xf32>
      tpu.vector_store %arg7[%swap3A_923, %swap3A_924], %swap3A_927 {strides = array<i32>} : memref<800x32xf32, #tpu.memory_space<vmem>>, vector<1x16xf32>,
      %get3A_928 = arith.index_cast %add3A_917 : i32 to index
      %get3A_929 = arith.constant 16 : index
      %get3A_930 = tpu.vector_load %arg7[%get3A_928, %get3A_929] {strides = array<i32>} : memref<800x32xf32, #tpu.memory_space<vmem>>, vector<1x16xf32>,
      %get3A_931 = vector.shape_cast %get3A_930 : vector<1x16xf32> to vector<16xf32>
      %add3A_932 = arith.addf %get3A_931, %get3A_872 : vector<16xf32>
      %swap3A_933 = arith.index_cast %add3A_917 : i32 to index
      %swap3A_934 = arith.constant 16 : index
      %swap3A_935 = tpu.vector_load %arg7[%swap3A_933, %swap3A_934] {strides = array<i32>} : memref<800x32xf32, #tpu.memory_space<vmem>>, vector<1x16xf32>,
      %swap3A_936 = vector.shape_cast %swap3A_935 : vector<1x16xf32> to vector<16xf32>
      %swap3A_937 = vector.shape_cast %add3A_932 : vector<16xf32> to vector<1x16xf32>
      tpu.vector_store %arg7[%swap3A_933, %swap3A_934], %swap3A_937 {strides = array<i32>} : memref<800x32xf32, #tpu.memory_space<vmem>>, vector<1x16xf32>,
      %add3A_938 = arith.constant 600 : i32
      %add3A_939 = arith.addi %add3A_938, %scan3A_864 : i32
      %get3A_940 = arith.index_cast %add3A_939 : i32 to index
      %get3A_941 = arith.constant 0 : index
      %get3A_942 = tpu.vector_load %arg7[%get3A_940, %get3A_941] {strides = array<i32>} : memref<800x32xf32, #tpu.memory_space<vmem>>, vector<1x16xf32>,
      %get3A_943 = vector.shape_cast %get3A_942 : vector<1x16xf32> to vector<16xf32>
      %add3A_944 = arith.addf %get3A_943, %get3A_868 : vector<16xf32>
      %swap3A_945 = arith.index_cast %add3A_939 : i32 to index
      %swap3A_946 = arith.constant 0 : index
      %swap3A_947 = tpu.vector_load %arg7[%swap3A_945, %swap3A_946] {strides = array<i32>} : memref<800x32xf32, #tpu.memory_space<vmem>>, vector<1x16xf32>,
      %swap3A_948 = vector.shape_cast %swap3A_947 : vector<1x16xf32> to vector<16xf32>
      %swap3A_949 = vector.shape_cast %add3A_944 : vector<16xf32> to vector<1x16xf32>
      tpu.vector_store %arg7[%swap3A_945, %swap3A_946], %swap3A_949 {strides = array<i32>} : memref<800x32xf32, #tpu.memory_space<vmem>>, vector<1x16xf32>,
      %get3A_950 = arith.index_cast %add3A_939 : i32 to index
      %get3A_951 = arith.constant 16 : index
      %get3A_952 = tpu.vector_load %arg7[%get3A_950, %get3A_951] {strides = array<i32>} : memref<800x32xf32, #tpu.memory_space<vmem>>, vector<1x16xf32>,
      %get3A_953 = vector.shape_cast %get3A_952 : vector<1x16xf32> to vector<16xf32>
      %add3A_954 = arith.addf %get3A_953, %get3A_872 : vector<16xf32>
      %swap3A_955 = arith.index_cast %add3A_939 : i32 to index
      %swap3A_956 = arith.constant 16 : index
      %swap3A_957 = tpu.vector_load %arg7[%swap3A_955, %swap3A_956] {strides = array<i32>} : memref<800x32xf32, #tpu.memory_space<vmem>>, vector<1x16xf32>,
      %swap3A_958 = vector.shape_cast %swap3A_957 : vector<1x16xf32> to vector<16xf32>
      %swap3A_959 = vector.shape_cast %add3A_954 : vector<16xf32> to vector<1x16xf32>
      tpu.vector_store %arg7[%swap3A_955, %swap3A_956], %swap3A_959 {strides = array<i32>} : memref<800x32xf32, #tpu.memory_space<vmem>>, vector<1x16xf32>,
      %scan3A_960 = arith.constant 0 : i32
      scf.yield %scan3A_960 : i32
    }
    %scan3A_831 = arith.constant 200 : i32
    %add3A_832 = arith.constant 24000 : i32
    %add3A_833 = arith.addi %mul3A_2, %add3A_832 : i32
    %dma_start3A_834 = arith.constant 0 : i32
    %dma_start3A_835 = tpu.memref_slice %arg5[%add3A_833, %dma_start3A_834] : memref<819200x32xf32, #tpu.memory_space<hbm>> -> memref<800x32xf32, #tpu.memory_space<hbm>>
    %dma_start3A_836 = arith.constant 0 : i32
    %dma_start3A_837 = tpu.memref_slice %arg5[%add3A_833, %dma_start3A_836] : memref<819200x32xf32, #tpu.memory_space<hbm>> -> memref<800x32xf32, #tpu.memory_space<hbm>>
    tpu.enqueue_dma source(%arg7 : memref<800x32xf32, #tpu.memory_space<vmem>>) target(%dma_start3A_837 : memref<800x32xf32, #tpu.memory_space<hbm>>) target_semaphore(%arg12 : memref<!tpu.dma_semaphore, #tpu.memory_space<semaphore_mem>>)
    %dma_wait3A_838 = arith.constant 24800 : i32
    %dma_wait3A_839 = tpu.memref_slice %arg6[%dma_wait3A_838] : memref<25600xi32, #tpu.memory_space<vmem>> -> memref<800xi32, #tpu.memory_space<vmem>>
    %dma_wait3A_840 = arith.constant 0 : i32
    %dma_wait3A_841 = arith.constant 0 : i32
    %dma_wait3A_842 = tpu.memref_slice %arg3[%dma_wait3A_840, %dma_wait3A_841] : memref<1000000x32xf32, #tpu.memory_space<hbm>> -> memref<1000000x32xf32, #tpu.memory_space<hbm>>
    tpu.wait_indirect_dma semaphore(%arg11 : memref<!tpu.dma_semaphore, #tpu.memory_space<semaphore_mem>>) src(%dma_wait3A_842 : memref<1000000x32xf32, #tpu.memory_space<hbm>>) dst(%arg8 : memref<800x32xf32, #tpu.memory_space<vmem>>)
    %scan3A_843 = arith.constant 0 : i32
    %scan3A_844 = arith.constant 0 : i32
    %scan3A_845 = arith.constant 200 : i32
    %scan3A_846 = arith.addi %scan3A_844, %scan3A_845 : i32
    %scan3A_847 = arith.constant 1 : i32
    %scan3A_848 = scf.for %scan3A_864 = %scan3A_844 to %scan3A_846 step %scan3A_847 iter_args(%scan3A_865 = %scan3A_843) -> (i32)  : i32 {
      %get3A = arith.index_cast %scan3A_864 : i32 to index
      %get3A_866 = arith.constant 0 : index
      %get3A_867 = tpu.vector_load %arg9[%get3A, %get3A_866] {strides = array<i32>} : memref<200x32xf32, #tpu.memory_space<vmem>>, vector<1x16xf32>,
      %get3A_868 = vector.shape_cast %get3A_867 : vector<1x16xf32> to vector<16xf32>
      %get3A_869 = arith.index_cast %scan3A_864 : i32 to index
      %get3A_870 = arith.constant 16 : index
      %get3A_871 = tpu.vector_load %arg9[%get3A_869, %get3A_870] {strides = array<i32>} : memref<200x32xf32, #tpu.memory_space<vmem>>, vector<1x16xf32>,
      %get3A_872 = vector.shape_cast %get3A_871 : vector<1x16xf32> to vector<16xf32>
      %add3A_873 = arith.constant 0 : i32
      %add3A_874 = arith.addi %add3A_873, %scan3A_864 : i32
      %get3A_875 = arith.index_cast %add3A_874 : i32 to index
      %get3A_876 = arith.constant 0 : index
      %get3A_877 = tpu.vector_load %arg8[%get3A_875, %get3A_876] {strides = array<i32>} : memref<800x32xf32, #tpu.memory_space<vmem>>, vector<1x16xf32>,
      %get3A_878 = vector.shape_cast %get3A_877 : vector<1x16xf32> to vector<16xf32>
      %add3A_879 = arith.addf %get3A_878, %get3A_868 : vector<16xf32>
      %swap3A = arith.index_cast %add3A_874 : i32 to index
      %swap3A_880 = arith.constant 0 : index
      %swap3A_881 = tpu.vector_load %arg8[%swap3A, %swap3A_880] {strides = array<i32>} : memref<800x32xf32, #tpu.memory_space<vmem>>, vector<1x16xf32>,
      %swap3A_882 = vector.shape_cast %swap3A_881 : vector<1x16xf32> to vector<16xf32>
      %swap3A_883 = vector.shape_cast %add3A_879 : vector<16xf32> to vector<1x16xf32>
      tpu.vector_store %arg8[%swap3A, %swap3A_880], %swap3A_883 {strides = array<i32>} : memref<800x32xf32, #tpu.memory_space<vmem>>, vector<1x16xf32>,
      %get3A_884 = arith.index_cast %add3A_874 : i32 to index
      %get3A_885 = arith.constant 16 : index
      %get3A_886 = tpu.vector_load %arg8[%get3A_884, %get3A_885] {strides = array<i32>} : memref<800x32xf32, #tpu.memory_space<vmem>>, vector<1x16xf32>,
      %get3A_887 = vector.shape_cast %get3A_886 : vector<1x16xf32> to vector<16xf32>
      %add3A_888 = arith.addf %get3A_887, %get3A_872 : vector<16xf32>
      %swap3A_889 = arith.index_cast %add3A_874 : i32 to index
      %swap3A_890 = arith.constant 16 : index
      %swap3A_891 = tpu.vector_load %arg8[%swap3A_889, %swap3A_890] {strides = array<i32>} : memref<800x32xf32, #tpu.memory_space<vmem>>, vector<1x16xf32>,
      %swap3A_892 = vector.shape_cast %swap3A_891 : vector<1x16xf32> to vector<16xf32>
      %swap3A_893 = vector.shape_cast %add3A_888 : vector<16xf32> to vector<1x16xf32>
      tpu.vector_store %arg8[%swap3A_889, %swap3A_890], %swap3A_893 {strides = array<i32>} : memref<800x32xf32, #tpu.memory_space<vmem>>, vector<1x16xf32>,
      %add3A_894 = arith.constant 200 : i32
      %add3A_895 = arith.addi %add3A_894, %scan3A_864 : i32
      %get3A_896 = arith.index_cast %add3A_895 : i32 to index
      %get3A_897 = arith.constant 0 : index
      %get3A_898 = tpu.vector_load %arg8[%get3A_896, %get3A_897] {strides = array<i32>} : memref<800x32xf32, #tpu.memory_space<vmem>>, vector<1x16xf32>,
      %get3A_899 = vector.shape_cast %get3A_898 : vector<1x16xf32> to vector<16xf32>
      %add3A_900 = arith.addf %get3A_899, %get3A_868 : vector<16xf32>
      %swap3A_901 = arith.index_cast %add3A_895 : i32 to index
      %swap3A_902 = arith.constant 0 : index
      %swap3A_903 = tpu.vector_load %arg8[%swap3A_901, %swap3A_902] {strides = array<i32>} : memref<800x32xf32, #tpu.memory_space<vmem>>, vector<1x16xf32>,
      %swap3A_904 = vector.shape_cast %swap3A_903 : vector<1x16xf32> to vector<16xf32>
      %swap3A_905 = vector.shape_cast %add3A_900 : vector<16xf32> to vector<1x16xf32>
      tpu.vector_store %arg8[%swap3A_901, %swap3A_902], %swap3A_905 {strides = array<i32>} : memref<800x32xf32, #tpu.memory_space<vmem>>, vector<1x16xf32>,
      %get3A_906 = arith.index_cast %add3A_895 : i32 to index
      %get3A_907 = arith.constant 16 : index
      %get3A_908 = tpu.vector_load %arg8[%get3A_906, %get3A_907] {strides = array<i32>} : memref<800x32xf32, #tpu.memory_space<vmem>>, vector<1x16xf32>,
      %get3A_909 = vector.shape_cast %get3A_908 : vector<1x16xf32> to vector<16xf32>
      %add3A_910 = arith.addf %get3A_909, %get3A_872 : vector<16xf32>
      %swap3A_911 = arith.index_cast %add3A_895 : i32 to index
      %swap3A_912 = arith.constant 16 : index
      %swap3A_913 = tpu.vector_load %arg8[%swap3A_911, %swap3A_912] {strides = array<i32>} : memref<800x32xf32, #tpu.memory_space<vmem>>, vector<1x16xf32>,
      %swap3A_914 = vector.shape_cast %swap3A_913 : vector<1x16xf32> to vector<16xf32>
      %swap3A_915 = vector.shape_cast %add3A_910 : vector<16xf32> to vector<1x16xf32>
      tpu.vector_store %arg8[%swap3A_911, %swap3A_912], %swap3A_915 {strides = array<i32>} : memref<800x32xf32, #tpu.memory_space<vmem>>, vector<1x16xf32>,
      %add3A_916 = arith.constant 400 : i32
      %add3A_917 = arith.addi %add3A_916, %scan3A_864 : i32
      %get3A_918 = arith.index_cast %add3A_917 : i32 to index
      %get3A_919 = arith.constant 0 : index
      %get3A_920 = tpu.vector_load %arg8[%get3A_918, %get3A_919] {strides = array<i32>} : memref<800x32xf32, #tpu.memory_space<vmem>>, vector<1x16xf32>,
      %get3A_921 = vector.shape_cast %get3A_920 : vector<1x16xf32> to vector<16xf32>
      %add3A_922 = arith.addf %get3A_921, %get3A_868 : vector<16xf32>
      %swap3A_923 = arith.index_cast %add3A_917 : i32 to index
      %swap3A_924 = arith.constant 0 : index
      %swap3A_925 = tpu.vector_load %arg8[%swap3A_923, %swap3A_924] {strides = array<i32>} : memref<800x32xf32, #tpu.memory_space<vmem>>, vector<1x16xf32>,
      %swap3A_926 = vector.shape_cast %swap3A_925 : vector<1x16xf32> to vector<16xf32>
      %swap3A_927 = vector.shape_cast %add3A_922 : vector<16xf32> to vector<1x16xf32>
      tpu.vector_store %arg8[%swap3A_923, %swap3A_924], %swap3A_927 {strides = array<i32>} : memref<800x32xf32, #tpu.memory_space<vmem>>, vector<1x16xf32>,
      %get3A_928 = arith.index_cast %add3A_917 : i32 to index
      %get3A_929 = arith.constant 16 : index
      %get3A_930 = tpu.vector_load %arg8[%get3A_928, %get3A_929] {strides = array<i32>} : memref<800x32xf32, #tpu.memory_space<vmem>>, vector<1x16xf32>,
      %get3A_931 = vector.shape_cast %get3A_930 : vector<1x16xf32> to vector<16xf32>
      %add3A_932 = arith.addf %get3A_931, %get3A_872 : vector<16xf32>
      %swap3A_933 = arith.index_cast %add3A_917 : i32 to index
      %swap3A_934 = arith.constant 16 : index
      %swap3A_935 = tpu.vector_load %arg8[%swap3A_933, %swap3A_934] {strides = array<i32>} : memref<800x32xf32, #tpu.memory_space<vmem>>, vector<1x16xf32>,
      %swap3A_936 = vector.shape_cast %swap3A_935 : vector<1x16xf32> to vector<16xf32>
      %swap3A_937 = vector.shape_cast %add3A_932 : vector<16xf32> to vector<1x16xf32>
      tpu.vector_store %arg8[%swap3A_933, %swap3A_934], %swap3A_937 {strides = array<i32>} : memref<800x32xf32, #tpu.memory_space<vmem>>, vector<1x16xf32>,
      %add3A_938 = arith.constant 600 : i32
      %add3A_939 = arith.addi %add3A_938, %scan3A_864 : i32
      %get3A_940 = arith.index_cast %add3A_939 : i32 to index
      %get3A_941 = arith.constant 0 : index
      %get3A_942 = tpu.vector_load %arg8[%get3A_940, %get3A_941] {strides = array<i32>} : memref<800x32xf32, #tpu.memory_space<vmem>>, vector<1x16xf32>,
      %get3A_943 = vector.shape_cast %get3A_942 : vector<1x16xf32> to vector<16xf32>
      %add3A_944 = arith.addf %get3A_943, %get3A_868 : vector<16xf32>
      %swap3A_945 = arith.index_cast %add3A_939 : i32 to index
      %swap3A_946 = arith.constant 0 : index
      %swap3A_947 = tpu.vector_load %arg8[%swap3A_945, %swap3A_946] {strides = array<i32>} : memref<800x32xf32, #tpu.memory_space<vmem>>, vector<1x16xf32>,
      %swap3A_948 = vector.shape_cast %swap3A_947 : vector<1x16xf32> to vector<16xf32>
      %swap3A_949 = vector.shape_cast %add3A_944 : vector<16xf32> to vector<1x16xf32>
      tpu.vector_store %arg8[%swap3A_945, %swap3A_946], %swap3A_949 {strides = array<i32>} : memref<800x32xf32, #tpu.memory_space<vmem>>, vector<1x16xf32>,
      %get3A_950 = arith.index_cast %add3A_939 : i32 to index
      %get3A_951 = arith.constant 16 : index
      %get3A_952 = tpu.vector_load %arg8[%get3A_950, %get3A_951] {strides = array<i32>} : memref<800x32xf32, #tpu.memory_space<vmem>>, vector<1x16xf32>,
      %get3A_953 = vector.shape_cast %get3A_952 : vector<1x16xf32> to vector<16xf32>
      %add3A_954 = arith.addf %get3A_953, %get3A_872 : vector<16xf32>
      %swap3A_955 = arith.index_cast %add3A_939 : i32 to index
      %swap3A_956 = arith.constant 16 : index
      %swap3A_957 = tpu.vector_load %arg8[%swap3A_955, %swap3A_956] {strides = array<i32>} : memref<800x32xf32, #tpu.memory_space<vmem>>, vector<1x16xf32>,
      %swap3A_958 = vector.shape_cast %swap3A_957 : vector<1x16xf32> to vector<16xf32>
      %swap3A_959 = vector.shape_cast %add3A_954 : vector<16xf32> to vector<1x16xf32>
      tpu.vector_store %arg8[%swap3A_955, %swap3A_956], %swap3A_959 {strides = array<i32>} : memref<800x32xf32, #tpu.memory_space<vmem>>, vector<1x16xf32>,
      %scan3A_960 = arith.constant 0 : i32
      scf.yield %scan3A_960 : i32
    }
    %scan3A_849 = arith.constant 200 : i32
    %add3A_850 = arith.constant 24800 : i32
    %add3A_851 = arith.addi %mul3A_2, %add3A_850 : i32
    %dma_start3A_852 = arith.constant 0 : i32
    %dma_start3A_853 = tpu.memref_slice %arg5[%add3A_851, %dma_start3A_852] : memref<819200x32xf32, #tpu.memory_space<hbm>> -> memref<800x32xf32, #tpu.memory_space<hbm>>
    %dma_start3A_854 = arith.constant 0 : i32
    %dma_start3A_855 = tpu.memref_slice %arg5[%add3A_851, %dma_start3A_854] : memref<819200x32xf32, #tpu.memory_space<hbm>> -> memref<800x32xf32, #tpu.memory_space<hbm>>
    tpu.enqueue_dma source(%arg8 : memref<800x32xf32, #tpu.memory_space<vmem>>) target(%dma_start3A_855 : memref<800x32xf32, #tpu.memory_space<hbm>>) target_semaphore(%arg13 : memref<!tpu.dma_semaphore, #tpu.memory_space<semaphore_mem>>)
    %dma_wait3A_856 = arith.constant 0 : i32
    %dma_wait3A_857 = tpu.memref_slice %arg5[%add3A_833, %dma_wait3A_856] : memref<819200x32xf32, #tpu.memory_space<hbm>> -> memref<800x32xf32, #tpu.memory_space<hbm>>
    %dma_wait3A_858 = arith.constant 0 : i32
    %dma_wait3A_859 = tpu.memref_slice %arg5[%add3A_833, %dma_wait3A_858] : memref<819200x32xf32, #tpu.memory_space<hbm>> -> memref<800x32xf32, #tpu.memory_space<hbm>>
    tpu.wait_dma2 semaphore(%arg12 : memref<!tpu.dma_semaphore, #tpu.memory_space<semaphore_mem>>) src(%arg7 : memref<800x32xf32, #tpu.memory_space<vmem>>) dst(%dma_wait3A_859 : memref<800x32xf32, #tpu.memory_space<hbm>>)
    %dma_wait3A_860 = arith.constant 0 : i32
    %dma_wait3A_861 = tpu.memref_slice %arg5[%add3A_851, %dma_wait3A_860] : memref<819200x32xf32, #tpu.memory_space<hbm>> -> memref<800x32xf32, #tpu.memory_space<hbm>>
    %dma_wait3A_862 = arith.constant 0 : i32
    %dma_wait3A_863 = tpu.memref_slice %arg5[%add3A_851, %dma_wait3A_862] : memref<819200x32xf32, #tpu.memory_space<hbm>> -> memref<800x32xf32, #tpu.memory_space<hbm>>
    tpu.wait_dma2 semaphore(%arg13 : memref<!tpu.dma_semaphore, #tpu.memory_space<semaphore_mem>>) src(%arg8 : memref<800x32xf32, #tpu.memory_space<vmem>>) dst(%dma_wait3A_863 : memref<800x32xf32, #tpu.memory_space<hbm>>)
    return
  }
}

</mosaic_0001>

<sc_bundles>
// kernel: kernel.3.cloned.1.call-start
scs
__scs_entry_jumppad:
0x0: {  	(pc) =	sbr.rel $0x88, $3  }
0x1: {  	(tag) =	ssettag $0x0;
	lr =	simm.s32 $0x1  }
0x2: {  	[smem:$0x3F9E] =	sst lr;
	_ =	strace $0xD0000000  }
0x3: {  	_ = 	snop  }
0x4: {  	_ = 	snop  }
0x5: {  	_ = 	snop  }
0x6: {  	_ = 	snop  }
0x7: {  	_ = 	snop  }
__scs_overlays_trampoline_lowered:
0x8: {  	[smem:$0x3FAD] =	sst s0  }
0x9: {  	[smem:$0x3FAE] =	sst s1  }
0xa: {  	[smem:$0x3FAF] =	sst s2  }
0xb: {  	[smem:$0x3FB0] =	sst s3  }
0xc: {  	[smem:$0x3FB1] =	sst s4  }
0xd: {  	[smem:$0x3FB2] =	sst s5  }
0xe: {  	[smem:$0x3FB3] =	sst s6  }
0xf: {  	[smem:$0x3FB4] =	sst s7  }
0x10: {  	[smem:$0x3FB5] =	sst s8  }
0x11: {  	[smem:$0x3FB6] =	sst s9;
	s0 =	simm.s32 @!p0 $0x0  }
0x12: {  	s1 =	sld [smem:$0x3F9C];
	s0 =	simm.s32 @p0 $0x1  }
0x13: {  	[smem:$0x3FB7] =	sst s0;
	s0 =	simm.s32 @!p1 $0x0  }
0x14: {  	s2 =	sld [smem:$0x3F9B];
	s0 =	simm.s32 @p1 $0x1  }
0x15: {  	[smem:$0x3FB8] =	sst s0;
	s0 =	simm.s32 @!p2 $0x0  }
0x16: {  	s3 =	sld [smem:$0x3FDB];
	s0 =	simm.s32 @p2 $0x1  }
0x17: {  	s4 =	simm.s32 $0x1BF5;
	[smem:$0x3FBA] =	sst s0  }
0x18: {  	s0 =	sld [smem:$0x3F9D];
	_ =	swait.ge [sflag:s4], $0x0  }
0x19: {  	s7 =	sld [smem:$0x3F9E]  }
0x1a: {  	s8 =	sadd.s32 $0xFFFFE003, lr  }
0x1b: {  	s9 =	sadd.s32 $0xFFFFFEF7, lr;
	s5 =	simm.s32 $0xFFFFFFFF;
	p2 =	slt.u32 s8, $0xFFFFF086  }
0x1c: {  	p1 =	slt.u32 s9, $0xF7A;
	s5 =	simm.s32 @!p2 $0x0  }
0x1d: {  	s5 =	simm.s32 @p1 $0x1;
	p0 =	seq.s32 s7, s2  }
0x1e: {  	s7 =	smul.u32 @!p0 $0xF7A, s2;
	p2 =	seq.s32 @!p0 s5, $0x0  }
0x1f: {  	s9 =	smul.u32 $0xF7A, s1;
	s8 =	simm.s32 @!p0 $0x1BF5;
	p2 =	por !p2, p0  }
0x20: {  	[sflag:s8] =	ssyncset.s32 @!p0 $0xFFFFF086;
	s6 =	sadd.s32 @!p0 s3, s7;
	s7 =	simm.s32 @!p0 $0x108  }
0x21: {  	s3 =	sadd.s32 s3, s9;
	s6 =	sadd.s32 @!p0 $0x88, s6;
	s7 =	simm.s32 @p2 $0x1082  }
0x22: {  	[simem:s7], [sflag:s8] =	dma.local @!p0 [hbm:s6], $0xF7A  }
0x23: {  	s9 =	sor.u32 $0xD0000000, s2;
	s6 =	simm.s32 $0x108;
	_ =	swait.ge @!p0 [sflag:s8], $0x0  }
0x24: {  	s3 =	sadd.s32 $0x88, s3;
	s6 =	simm.s32 @!p1 $0x1082;
	[sflag:s4] =	ssyncset.s32 $0xFFFFF086  }
0x25: {  	[simem:s6], [sflag:s4] =	dma.local [hbm:s3], $0xF7A  }
0x26: {  	[smem:$0x3F9E] =	sst s1;
	(tag) =	ssettag s2;
	_ =	strace s9  }
0x27: {  	s1 =	sld [smem:$0x3FAE]  }
0x28: {  	s2 =	sld [smem:$0x3FAF]  }
0x29: {  	s4 =	sld [smem:$0x3FB1]  }
0x2a: {  	p0 =	seq.s32 s5, $0x0;
	s5 =	sld [smem:$0x3FB2]  }
0x2b: {  	s6 =	sld [smem:$0x3FB3]  }
0x2c: {  	s7 =	sld [smem:$0x3FB4]  }
0x2d: {  	s3 =	simm.s32 $0x108;
	s8 =	sld [smem:$0x3FB5]  }
0x2e: {  	s3 =	simm.s32 @!p0 $0x1082;
	s9 =	sld [smem:$0x3FB6]  }
0x2f: {  	lr =	sadd.s32 s0, s3;
	s0 =	sld [smem:$0x3FAD]  }
0x30: {  	s3 =	sld [smem:$0x3FB0]  }
0x31: {  	[smem:$0x3FB9] =	sst s10  }
0x32: {  	s10 =	sld [smem:$0x3FB7];
	_ =	sdelay $0x3  }
0x33: {  	p0 =	seq.s32 s10, $0x1;
	s10 =	sld [smem:$0x3FB9];
	_ =	sdelay $0x3  }
0x34: {  	[smem:$0x3FB9] =	sst s10  }
0x35: {  	s10 =	sld [smem:$0x3FB8];
	_ =	sdelay $0x3  }
0x36: {  	p1 =	seq.s32 s10, $0x1;
	s10 =	sld [smem:$0x3FB9];
	_ =	sdelay $0x3  }
0x37: {  	[smem:$0x3FB9] =	sst s10  }
0x38: {  	s10 =	sld [smem:$0x3FBA]  }
0x39: {  	_ = 	snop;
	(pc) =	sbr.ind lr, $3  }
0x3a: {  	_ = 	snop  }
0x3b: {  	_ = 	snop  }
0x3c: {  	p2 =	seq.s32 s10, $0x1;
	s10 =	sld [smem:$0x3FB9]  }
0x3d: {  	_ =	shalt  }
0x3e: {  	_ =	shalt  }
0x3f: {  	_ =	shalt  }
0x40: {  	_ =	shalt  }
0x41: {  	_ =	shalt  }
0x42: {  	_ =	shalt  }
0x43: {  	_ =	shalt  }
0x44: {  	_ =	shalt  }
0x45: {  	_ =	shalt  }
0x46: {  	_ =	shalt  }
0x47: {  	_ =	shalt  }
0x48: {  	_ =	shalt  }
0x49: {  	_ =	shalt  }
0x4a: {  	_ =	shalt  }
0x4b: {  	_ =	shalt  }
0x4c: {  	_ =	shalt  }
0x4d: {  	_ =	shalt  }
0x4e: {  	_ =	shalt  }
0x4f: {  	_ =	shalt  }
0x50: {  	_ =	shalt  }
0x51: {  	_ =	shalt  }
0x52: {  	_ =	shalt  }
0x53: {  	_ =	shalt  }
0x54: {  	_ =	shalt  }
0x55: {  	_ =	shalt  }
0x56: {  	_ =	shalt  }
0x57: {  	_ =	shalt  }
0x58: {  	_ =	shalt  }
0x59: {  	_ =	shalt  }
0x5a: {  	_ =	shalt  }
0x5b: {  	_ =	shalt  }
0x5c: {  	_ =	shalt  }
0x5d: {  	_ =	shalt  }
0x5e: {  	_ =	shalt  }
0x5f: {  	_ =	shalt  }
0x60: {  	_ =	shalt  }
0x61: {  	_ =	shalt  }
0x62: {  	_ =	shalt  }
0x63: {  	_ =	shalt  }
0x64: {  	_ =	shalt  }
0x65: {  	_ =	shalt  }
0x66: {  	_ =	shalt  }
0x67: {  	_ =	shalt  }
0x68: {  	_ =	shalt  }
0x69: {  	_ =	shalt  }
0x6a: {  	_ =	shalt  }
0x6b: {  	_ =	shalt  }
0x6c: {  	_ =	shalt  }
0x6d: {  	_ =	shalt  }
0x6e: {  	_ =	shalt  }
0x6f: {  	_ =	shalt  }
0x70: {  	_ =	shalt  }
0x71: {  	_ =	shalt  }
0x72: {  	_ =	shalt  }
0x73: {  	_ =	shalt  }
0x74: {  	_ =	shalt  }
0x75: {  	_ =	shalt  }
0x76: {  	_ =	shalt  }
0x77: {  	_ =	shalt  }
0x78: {  	_ =	shalt  }
0x79: {  	_ =	shalt  }
0x7a: {  	_ =	shalt  }
0x7b: {  	_ =	shalt  }
0x7c: {  	_ =	shalt  }
0x7d: {  	_ =	shalt  }
0x7e: {  	_ =	shalt  }
0x7f: {  	_ =	shalt  }
0x80: {  	_ =	shalt  }
0x81: {  	_ =	shalt  }
0x82: {  	_ =	shalt  }
0x83: {  	_ =	shalt  }
0x84: {  	_ =	shalt  }
0x85: {  	_ =	shalt  }
0x86: {  	_ =	shalt  }
0x87: {  	_ =	shalt  }
.Lfunc_end0:
.L_simem_size_0:
called_computation.1_lowered:
.L_overlay_start_0:
0x88: {  	s2 =	sld [smem:$0x3FD9]  }
0x89: {  	s3 =	sld [smem:$0x3FFE];
	_ =	sdelay $0x1  }
0x8a: {  	s1 =	srdreg.scid  }
0x8b: {  	s0 =	sand.u32 $0x1, s1  }
0x8c: {  	s17 =	sshll.u32 s0, $0xA;
	s2 =	sadd.s32 s3, s2  }
0x8d: {  	s2 =	sadd.s32 s2, s17  }
0x8e: {  	[smem:$0x3FC5] =	sst s2  }
0x8f: {  	_ = 	snop  }
0x90: {  	s2 =	sld [smem:$0x3FD0];
	(tm) =	ssettm $0x1  }
0x91: {  	s18 =	sld [smem:$0x3FFB];
	_ =	sdelay $0x3  }
0x92: {  	_ =	strace s18  }
0x93: {  	s3 =	sld [smem:$0x3FFC];
	_ =	sdelay $0x3  }
0x94: {  	_ =	strace s3  }
0x95: {  	s3 =	sld [smem:$0x3FFD];
	_ =	sdelay $0x3  }
0x96: {  	_ =	strace s3  }
0x97: {  	_ =	strace $0x8FFFFFFF  }
0x98: {  	s19 =	sld [smem:$0x3FDB];
	_ =	sdelay $0x1  }
0x99: {  	s4 =	simm.s32 $_scs_section_size  }
0x9a: {  	s5 =	simm.s32 $_size__tile_overlayer_lowered;
	s6 =	simm.s32 $_tile_overlayer_lowered  }
0x9b: {  	s22 =	simm.s32 $0x1BFF;
	s21 =	sshll.u32 s6, $0x1;
	s3 =	sadd.s32 s4, s19  }
0x9c: {  	s7 =	simm.s32 $0x0;
	s20 =	sshll.u32 s5, $0x1;
	s5 =	sadd.s32 s21, s3  }
0x9d: {  	[timem:s7], [sflag:s22] =	dma.local [hbm:s5], s20  }
0x9e: {  	_ =	swait.ge [sflag:s22], s20  }
0x9f: {  	s4 =	ssub.s32 $0x0, s20;
	[sflag:s22] =	ssyncset.done $0x0  }
0xa0: {  	[sflag:s22] =	ssyncadd.s32 s4;
	_ =	sdelay $0x1  }
0xa1: {  	s23 =	simm.s32 $0x1B8B  }
0xa2: {  	_ =	swait.ge [sflag:s23], $0x1  }
0xa3: {  	[sflag:s23] =	ssyncset.done $0x0  }
0xa4: {  	s25 =	simm.s32 $0x1B8E;
	s24 =	sld [smem:$0x3FFE];
	[sflag:s23] =	ssyncadd.s32 $0xFFFFFFFF  }
0xa5: {  	s26 =	simm.s32 $execute0_lowered;
	[smem:$0x3FD2] =	sst s25  }
0xa6: {  	s5 =	sshll.u32 s26, $0x1;
	_ =	strace $0x80000046;
	[dreg:$0x1] =	wrdreg $0xFFFFFFFF  }
0xa7: {  	s28 =	simm.s32 $_size_execute0_lowered;
	s3 =	sadd.s32 s3, s5;
	[dreg:$0x0] =	wrdreg $0x0  }
0xa8: {  	s5 =	sshll.u32 s28, $0x1;
	[dreg:$0x2] =	wrdreg s3  }
0xa9: {  	[dreg:$0x3] =	wrdreg s5  }
0xaa: {  	[dreg:$0x4] =	wrdreg $0xC0  }
0xab: {  	_ =	task [dreg:s7], $0x5FFFF  }
0xac: {  	[dreg:$0x1] =	wrdreg $0xFFFFFFFF  }
0xad: {  	[dreg:$0x0] =	wrdreg $0x60  }
0xae: {  	[dreg:$0x2] =	wrdreg s24  }
0xaf: {  	[dreg:$0x3] =	wrdreg s2  }
0xb0: {  	[dreg:$0x4] =	wrdreg $0x9  }
0xb1: {  	_ =	task.clear_ibuf [dreg:s7], $0x5FFFF;
	_ =	strace $0x90000046  }
0xb2: {  	s29 =	simm.s32 $0x9;
	_ =	strace $0x80000048  }
0xb3: {  	_ =	swait.ge [sflag:s29], $0x1  }
0xb4: {  	[sflag:s29] =	ssyncadd.s32 $0xFFFFFFFF  }
0xb5: {  	_ =	strace $0x90000048  }
0xb6: {  	_ =	sfence  }
0xb7: {  	s30 =	sld [smem:$0x0];
	_ =	sdelay $0x2  }
0xb8: {  	s31 =	sshll.u32 s1, $0xD;
	s1 =	sshrl.u32 s1, $0x2  }
0xb9: {  	s3 =	sand.u32 $0x4000, s31;
	s1 =	sadd.s32 s1, s30  }
0xba: {  	s0 =	sor.u32 s3, s0;
	s1 =	sshll.u32 s1, $0x11  }
0xbb: {  	s0 =	sor.u32 s1, s0  }
0xbc: {  	s0 =	sadd.s32 $0x8F2B, s0  }
0xbd: {  	[sflag:s0] =	ssyncadd.remote.s32 $0x1  }
0xbe: {  	_ =	sfence.sel $0xFFFF  }
0xbf: {  	[dreg:$0x0] =	wrdreg $0xFFFFFFFF;
	(pc) =	sbr.abs _section_cstart, $3  }
0xc0: {  	[dreg:$0x1] =	wrdreg $0xFFFFFFFF  }
0xc1: {  	_ =	task.clear_ibuf [dreg:s7], $0x2FFFF;
	_ =	strace $0x9FFFFFFF  }
0xc2: {  	(tm) =	ssettm $0x7FFFFFFF  }
0xc3: {  	_ =	shalt  }
tec
execute0_lowered:
.L_overlay_start_1:
0x0: {  	(tag) =	ssettag $0x1  }
0x1: {  	s1 =	srdreg.scid;
	s2 =	stileid.u32  }
0x2: {  	s0 =	rddreg [dreg:$0x0];
	s1 =	sand.u32 $0x1, s1;
	s3 =	sshll.u32 s2, $0x1  }
0x3: {  	s4 =	rddreg [dreg:$0x1];
	s5 =	sor.u32 s1, s3  }
0x4: {  	s2 =	simm.s32 $0x0;
	s1 =	ssub.s32 $0x2, s1;
	s3 =	smul.u32 $0xC80, s5  }
0x5: {  	[smem:$0x7FF] =	sst s2;
	s7 =	smul.u32 $0xC8000, s5;
	s8 =	sshrl.u32 s1, $0x1  }
0x6: {  	_ =	strace $0x80000047;
	s9 =	ssub.s32 s1, s8;
	s6 =	sadd.s32 s3, s0  }
0x7: {  	s3 =	sadd.s32 $0xF43000, s0;
	s0 =	sadd.s32 $0x19C00, s0;
	s8 =	sshrl.u32 s7, $0x3  }
0x8: {  	[dreg:$0x3] =	wrdreg s0;
	s10 =	sadd.s32 $0xC00, s6;
	s11 =	sadd.s32 s4, s8  }
0x9: {  	[dreg:$0x4] =	wrdreg s10;
	s0 =	sadd.s32 $0x1900, s11  }
0xa: {  	s12 =	sadd.s32 $0x2580, s11;
	[dreg:$0x5] =	wrdreg s0  }
0xb: {  	s13 =	sadd.s32 $0x3200, s11;
	[dreg:$0x6] =	wrdreg s12  }
0xc: {  	s5 =	smul.u32 $0x19000, s5;
	s14 =	sadd.s32 $0x3E80, s11;
	[dreg:$0x7] =	wrdreg s13  }
0xd: {  	s9 =	smax.u32 s9, $0x1;
	s15 =	sadd.s32 $0x4B00, s11;
	[dreg:$0x8] =	wrdreg s14  }
0xe: {  	s6 =	sadd.s32 s4, s5;
	s16 =	sadd.s32 $0x5780, s11;
	[dreg:$0x9] =	wrdreg s15  }
0xf: {  	s17 =	sadd.s32 $0x6400, s11;
	s18 =	sadd.s32 $0x7080, s11;
	[dreg:$0xa] =	wrdreg s16  }
0x10: {  	s19 =	sadd.s32 $0x7D00, s11;
	s20 =	sadd.s32 $0x8980, s11;
	[dreg:$0xb] =	wrdreg s17  }
0x11: {  	s21 =	sadd.s32 $0x9600, s11;
	s22 =	sadd.s32 $0xA280, s11;
	[dreg:$0xc] =	wrdreg s18  }
0x12: {  	s23 =	sadd.s32 $0xAF00, s11;
	s24 =	sadd.s32 $0xBB80, s11;
	[dreg:$0xd] =	wrdreg s19  }
0x13: {  	s25 =	sadd.s32 $0xC800, s11;
	s26 =	sadd.s32 $0xD480, s11;
	[dreg:$0xe] =	wrdreg s20  }
0x14: {  	s28 =	sadd.s32 $0x11300, s11;
	s29 =	sadd.s32 $0x11F80, s11;
	[dreg:$0xf] =	wrdreg s21  }
0x15: {  	s30 =	sadd.s32 $0x12C00, s11;
	s31 =	sadd.s32 $0x13880, s11;
	[dreg:$0x10] =	wrdreg s22  }
0x16: {  	s1 =	sadd.s32 $0x14500, s11;
	s4 =	sadd.s32 $0x15E00, s11;
	[dreg:$0x11] =	wrdreg s23  }
0x17: {  	s5 =	sadd.s32 $0x16A80, s11;
	s7 =	sadd.s32 $0x17700, s11;
	[dreg:$0x12] =	wrdreg s24  }
0x18: {  	s8 =	sadd.s32 $0x18380, s11;
	s10 =	sadd.s32 $0xC80, s6;
	[dreg:$0x13] =	wrdreg s25  }
0x19: {  	[dreg:$0x14] =	wrdreg s26;
	s23 =	sadd.s32 $0xE100, s11;
	s24 =	sadd.s32 $0xED80, s11  }
0x1a: {  	s25 =	sadd.s32 $0xFA00, s11;
	s26 =	sadd.s32 $0x10680, s11;
	s0 =	sadd.s32 $0x15180, s11  }
0x1b: {  	s11 =	simm.s32 $0x5;
	s12 =	simm.s32 $0x320;
	s13 =	simm.s32 $0x6400  }
0x1c: {  	s14 =	simm.s32 $0xC800;
	s15 =	simm.s32 $0x1;
	s16 =	simm.s32 $0x3  }
0x1d: {  	s17 =	simm.s32 $0x2;
	s18 =	simm.s32 $0x4;
	s19 =	simm.s32 $0x0  }
.LBB2_1:
0x1e: {  	s20 =	rddreg [dreg:$0x4]  }
0x1f: {  	[tilespmem:s2], [sflag:$0x5] =	stream.linear.gather [hbm4b:s20+s2], $0x6400, $0x38;
	[tilespmem:$0x14500] =	vst v63  }
0x20: {  	_ =	swait.ge [sflag:s11], $0x6400  }
0x21: {  	[sflag:s11] =	ssyncset.done $0x0  }
0x22: {  	s21 =	simm.s32 $0x12C00;
	s22 =	rddreg [dreg:$0x3];
	[sflag:s11] =	ssyncadd.s32 $0xFFFF9C00  }
0x23: {  	[tilespmem:s21], [sflag:$0x5] =	stream.linear.gather [hbm4b:s22+s2], $0x1900, $0x38;
	[tilespmem:$0x14500] =	vst v63  }
0x24: {  	_ =	swait.ge [sflag:s11], $0x1900  }
0x25: {  	[sflag:s11] =	ssyncset.done $0x0  }
0x26: {  	[sflag:s11] =	ssyncadd.s32 $0xFFFFE700  }
0x27: {  	[tilespmem:s13], [sflag:$0x1] =	stream.indirect.gather [hbm4b:s3+s12], $0x20, s2, s12, $0xb8;
	[tilespmem:$0x14500] =	vst v63  }
0x28: {  	_ = 	snop  }
0x29: {  	[tilespmem:s14], [sflag:$0x2] =	stream.indirect.gather [hbm4b:s3+s12], $0x20, s12, s12, $0xb8;
	[tilespmem:$0x14500] =	vst v63  }
0x2a: {  	_ =	swait.ge [sflag:s15], $0x6400  }
0x2b: {  	[sflag:s15] =	ssyncset.done $0x0  }
0x2c: {  	s20 =	simm.s32 $0x0;
	[sflag:s15] =	ssyncadd.s32 $0xFFFF9C00  }
0x2d: {  	v1 =	vld [tilespmem:s20+$0x12C00]  }
0x2e: {  	v0 =	vld [tilespmem:s20+$0x12C10]  }
0x2f: {  	v5 =	vld [tilespmem:s20+$0x6400]  }
0x30: {  	v7 =	vld [tilespmem:s20+$0x6410]  }
0x31: {  	v6 =	vld [tilespmem:s20+$0x7D00]  }
0x32: {  	v3 =	vld [tilespmem:s20+$0x7D10]  }
0x33: {  	v2 =	vld [tilespmem:s20+$0x9600]  }
0x34: {  	v4 =	vld [tilespmem:s20+$0x9610];
	v8 =	vadd.f32 v5, v1  }
0x35: {  	s21 =	simm.s32 $0x80;
	v7 =	vadd.f32 v7, v0;
	v5 =	vld [tilespmem:s20+$0xAF00]  }
.LBB2_2:
0x36: {  	s22 =	sshra.s32 s21, $0x2;
	p0 =	sne.s32 s21, $0x6380;
	[tilespmem:s20+$0x6400] =	vst v8;
	v6 =	vadd.f32 v6, v1;
	v8 =	vld [tilespmem:s20+$0xAF10]  }
0x37: {  	v9 =	vld [tilespmem:s22+$0x12C00];
	[tilespmem:s20+$0x6410] =	vst v7;
	v3 =	vadd.f32 v3, v0  }
0x38: {  	v7 =	vld [tilespmem:s22+$0x12C10];
	[tilespmem:s20+$0x7D00] =	vst v6;
	v2 =	vadd.f32 v2, v1  }
0x39: {  	v10 =	vld [tilespmem:s22+$0x6400];
	[tilespmem:s20+$0x7D10] =	vst v3;
	v3 =	vadd.f32 v4, v0  }
0x3a: {  	v11 =	vld [tilespmem:s22+$0x6410];
	[tilespmem:s20+$0x9600] =	vst v2;
	v2 =	vadd.f32 v5, v1  }
.Ltmp0:
0x3b: {  	v6 =	vld [tilespmem:s22+$0x7D00];
	[tilespmem:s20+$0x9610] =	vst v3;
	v4 =	vadd.f32 v8, v0;
	(pc) =	sbr.rel @p0 .LBB2_2-.Ltmp0, $4  }
0x3c: {  	v3 =	vld [tilespmem:s22+$0x7D10];
	[tilespmem:s20+$0xAF00] =	vst v2;
	v1 =	vmov v9  }
0x3d: {  	v2 =	vld [tilespmem:s22+$0x9600];
	[tilespmem:s20+$0xAF10] =	vst v4;
	v0 =	vmov v7;
	s20 =	smov.u32 s22  }
0x3e: {  	v8 =	vadd.f32 v10, v1;
	v4 =	vld [tilespmem:s20+$0x9610]  }
0x3f: {  	s21 =	sadd.s32 $0x80, s21;
	v7 =	vadd.f32 v11, v0;
	v5 =	vld [tilespmem:s20+$0xAF00]  }
0x40: {  	[tilespmem:s20+$0x6400] =	vst v8;
	v6 =	vadd.f32 v6, v1;
	v8 =	vld [tilespmem:s20+$0xAF10]  }
0x41: {  	[tilespmem:s20+$0x6410] =	vst v7;
	v3 =	vadd.f32 v3, v0  }
0x42: {  	[tilespmem:s20+$0x7D00] =	vst v6;
	v2 =	vadd.f32 v2, v1  }
0x43: {  	[tilespmem:s20+$0x7D10] =	vst v3;
	v3 =	vadd.f32 v4, v0  }
0x44: {  	[tilespmem:s20+$0x9600] =	vst v2;
	v1 =	vadd.f32 v5, v1  }
0x45: {  	[tilespmem:s20+$0x9610] =	vst v3;
	v0 =	vadd.f32 v8, v0  }
0x46: {  	[tilespmem:s20+$0xAF00] =	vst v1  }
0x47: {  	s21 =	simm.s32 $0x0;
	[tilespmem:s20+$0xAF10] =	vst v0  }
0x48: {  	[hbm4b:s6+s21] =	stream.linear.scatter [tilespmem:s13], [sflag:$0x3], $0x6400, $0x38;
	[tilespmem:$0x14500] =	vst v63  }
0x49: {  	_ =	swait.ge [sflag:s16], $0x6400  }
0x4a: {  	[sflag:s16] =	ssyncset.done $0x0  }
0x4b: {  	s22 =	simm.s32 $0x640;
	[sflag:s16] =	ssyncadd.s32 $0xFFFF9C00  }
0x4c: {  	[tilespmem:s13], [sflag:$0x1] =	stream.indirect.gather [hbm4b:s3+s12], $0x20, s22, s12, $0xb8;
	[tilespmem:$0x14500] =	vst v63  }
0x4d: {  	_ =	swait.ge [sflag:s17], $0x6400  }
0x4e: {  	[sflag:s17] =	ssyncset.done $0x0  }
0x4f: {  	s20 =	simm.s32 $0x0;
	[sflag:s17] =	ssyncadd.s32 $0xFFFF9C00  }
0x50: {  	v1 =	vld [tilespmem:s20+$0x12C00]  }
0x51: {  	v0 =	vld [tilespmem:s20+$0x12C10]  }
0x52: {  	v5 =	vld [tilespmem:s20+$0xC800]  }
0x53: {  	v7 =	vld [tilespmem:s20+$0xC810]  }
0x54: {  	v6 =	vld [tilespmem:s20+$0xE100]  }
0x55: {  	v3 =	vld [tilespmem:s20+$0xE110]  }
0x56: {  	v2 =	vld [tilespmem:s20+$0xFA00]  }
0x57: {  	v4 =	vld [tilespmem:s20+$0xFA10];
	v8 =	vadd.f32 v5, v1  }
0x58: {  	s21 =	simm.s32 $0x80;
	v7 =	vadd.f32 v7, v0;
	v5 =	vld [tilespmem:s20+$0x11300]  }
.LBB2_4:
0x59: {  	s22 =	sshra.s32 s21, $0x2;
	p0 =	sne.s32 s21, $0x6380;
	[tilespmem:s20+$0xC800] =	vst v8;
	v6 =	vadd.f32 v6, v1;
	v8 =	vld [tilespmem:s20+$0x11310]  }
0x5a: {  	v9 =	vld [tilespmem:s22+$0x12C00];
	[tilespmem:s20+$0xC810] =	vst v7;
	v3 =	vadd.f32 v3, v0  }
0x5b: {  	v7 =	vld [tilespmem:s22+$0x12C10];
	[tilespmem:s20+$0xE100] =	vst v6;
	v2 =	vadd.f32 v2, v1  }
0x5c: {  	v10 =	vld [tilespmem:s22+$0xC800];
	[tilespmem:s20+$0xE110] =	vst v3;
	v3 =	vadd.f32 v4, v0  }
0x5d: {  	v11 =	vld [tilespmem:s22+$0xC810];
	[tilespmem:s20+$0xFA00] =	vst v2;
	v2 =	vadd.f32 v5, v1  }
.Ltmp1:
0x5e: {  	v6 =	vld [tilespmem:s22+$0xE100];
	[tilespmem:s20+$0xFA10] =	vst v3;
	v4 =	vadd.f32 v8, v0;
	(pc) =	sbr.rel @p0 .LBB2_4-.Ltmp1, $4  }
0x5f: {  	v3 =	vld [tilespmem:s22+$0xE110];
	[tilespmem:s20+$0x11300] =	vst v2;
	v1 =	vmov v9  }
0x60: {  	v2 =	vld [tilespmem:s22+$0xFA00];
	[tilespmem:s20+$0x11310] =	vst v4;
	v0 =	vmov v7;
	s20 =	smov.u32 s22  }
0x61: {  	v8 =	vadd.f32 v10, v1;
	v4 =	vld [tilespmem:s20+$0xFA10]  }
0x62: {  	s21 =	sadd.s32 $0x80, s21;
	v7 =	vadd.f32 v11, v0;
	v5 =	vld [tilespmem:s20+$0x11300]  }
0x63: {  	[tilespmem:s20+$0xC800] =	vst v8;
	v6 =	vadd.f32 v6, v1;
	v8 =	vld [tilespmem:s20+$0x11310]  }
0x64: {  	[tilespmem:s20+$0xC810] =	vst v7;
	v3 =	vadd.f32 v3, v0  }
0x65: {  	[tilespmem:s20+$0xE100] =	vst v6;
	v2 =	vadd.f32 v2, v1  }
0x66: {  	[tilespmem:s20+$0xE110] =	vst v3;
	v3 =	vadd.f32 v4, v0  }
0x67: {  	[tilespmem:s20+$0xFA00] =	vst v2;
	v1 =	vadd.f32 v5, v1  }
0x68: {  	[tilespmem:s20+$0xFA10] =	vst v3;
	v0 =	vadd.f32 v8, v0  }
0x69: {  	[tilespmem:s20+$0x11300] =	vst v1  }
0x6a: {  	s21 =	simm.s32 $0x0;
	[tilespmem:s20+$0x11310] =	vst v0  }
0x6b: {  	[hbm4b:s10+s21] =	stream.linear.scatter [tilespmem:s14], [sflag:$0x4], $0x6400, $0x38;
	[tilespmem:$0x14500] =	vst v63  }
0x6c: {  	_ =	swait.ge [sflag:s18], $0x6400  }
0x6d: {  	[sflag:s18] =	ssyncset.done $0x0  }
0x6e: {  	s22 =	simm.s32 $0x960;
	[sflag:s18] =	ssyncadd.s32 $0xFFFF9C00  }
0x6f: {  	[tilespmem:s14], [sflag:$0x2] =	stream.indirect.gather [hbm4b:s3+s12], $0x20, s22, s12, $0xb8;
	[tilespmem:$0x14500] =	vst v63  }
0x70: {  	_ =	swait.ge [sflag:s15], $0x6400  }
0x71: {  	[sflag:s15] =	ssyncset.done $0x0  }
0x72: {  	s20 =	simm.s32 $0x0;
	[sflag:s15] =	ssyncadd.s32 $0xFFFF9C00  }
0x73: {  	v1 =	vld [tilespmem:s20+$0x12C00]  }
0x74: {  	v0 =	vld [tilespmem:s20+$0x12C10]  }
0x75: {  	v5 =	vld [tilespmem:s20+$0x6400]  }
0x76: {  	v7 =	vld [tilespmem:s20+$0x6410]  }
0x77: {  	v6 =	vld [tilespmem:s20+$0x7D00]  }
0x78: {  	v3 =	vld [tilespmem:s20+$0x7D10]  }
0x79: {  	v2 =	vld [tilespmem:s20+$0x9600]  }
0x7a: {  	v4 =	vld [tilespmem:s20+$0x9610];
	v8 =	vadd.f32 v5, v1  }
0x7b: {  	s21 =	simm.s32 $0x80;
	v7 =	vadd.f32 v7, v0;
	v5 =	vld [tilespmem:s20+$0xAF00]  }
.LBB2_6:
0x7c: {  	s22 =	sshra.s32 s21, $0x2;
	p0 =	sne.s32 s21, $0x6380;
	[tilespmem:s20+$0x6400] =	vst v8;
	v6 =	vadd.f32 v6, v1;
	v8 =	vld [tilespmem:s20+$0xAF10]  }
0x7d: {  	v9 =	vld [tilespmem:s22+$0x12C00];
	[tilespmem:s20+$0x6410] =	vst v7;
	v3 =	vadd.f32 v3, v0  }
0x7e: {  	v7 =	vld [tilespmem:s22+$0x12C10];
	[tilespmem:s20+$0x7D00] =	vst v6;
	v2 =	vadd.f32 v2, v1  }
0x7f: {  	v10 =	vld [tilespmem:s22+$0x6400];
	[tilespmem:s20+$0x7D10] =	vst v3;
	v3 =	vadd.f32 v4, v0  }
0x80: {  	v11 =	vld [tilespmem:s22+$0x6410];
	[tilespmem:s20+$0x9600] =	vst v2;
	v2 =	vadd.f32 v5, v1  }
.Ltmp2:
0x81: {  	v6 =	vld [tilespmem:s22+$0x7D00];
	[tilespmem:s20+$0x9610] =	vst v3;
	v4 =	vadd.f32 v8, v0;
	(pc) =	sbr.rel @p0 .LBB2_6-.Ltmp2, $4  }
0x82: {  	v3 =	vld [tilespmem:s22+$0x7D10];
	[tilespmem:s20+$0xAF00] =	vst v2;
	v1 =	vmov v9  }
0x83: {  	v2 =	vld [tilespmem:s22+$0x9600];
	[tilespmem:s20+$0xAF10] =	vst v4;
	v0 =	vmov v7;
	s20 =	smov.u32 s22  }
0x84: {  	v8 =	vadd.f32 v10, v1;
	v4 =	vld [tilespmem:s20+$0x9610]  }
0x85: {  	s21 =	sadd.s32 $0x80, s21;
	v7 =	vadd.f32 v11, v0;
	v5 =	vld [tilespmem:s20+$0xAF00]  }
0x86: {  	[tilespmem:s20+$0x6400] =	vst v8;
	v6 =	vadd.f32 v6, v1;
	v8 =	vld [tilespmem:s20+$0xAF10]  }
0x87: {  	[tilespmem:s20+$0x6410] =	vst v7;
	v3 =	vadd.f32 v3, v0  }
0x88: {  	[tilespmem:s20+$0x7D00] =	vst v6;
	v2 =	vadd.f32 v2, v1  }
0x89: {  	[tilespmem:s20+$0x7D10] =	vst v3;
	v3 =	vadd.f32 v4, v0  }
0x8a: {  	[tilespmem:s20+$0x9600] =	vst v2;
	v1 =	vadd.f32 v5, v1  }
0x8b: {  	[tilespmem:s20+$0x9610] =	vst v3;
	v0 =	vadd.f32 v8, v0  }
0x8c: {  	[tilespmem:s20+$0xAF00] =	vst v1  }
0x8d: {  	s22 =	simm.s32 $0x0;
	s21 =	rddreg [dreg:$0x5];
	[tilespmem:s20+$0xAF10] =	vst v0  }
0x8e: {  	[hbm4b:s21+s22] =	stream.linear.scatter [tilespmem:s13], [sflag:$0x3], $0x6400, $0x38;
	[tilespmem:$0x14500] =	vst v63  }
0x8f: {  	_ =	swait.ge [sflag:s16], $0x6400  }
0x90: {  	[sflag:s16] =	ssyncset.done $0x0  }
0x91: {  	s22 =	simm.s32 $0xC80;
	[sflag:s16] =	ssyncadd.s32 $0xFFFF9C00  }
0x92: {  	[tilespmem:s13], [sflag:$0x1] =	stream.indirect.gather [hbm4b:s3+s12], $0x20, s22, s12, $0xb8;
	[tilespmem:$0x14500] =	vst v63  }
0x93: {  	_ =	swait.ge [sflag:s17], $0x6400  }
0x94: {  	[sflag:s17] =	ssyncset.done $0x0  }
0x95: {  	s20 =	simm.s32 $0x0;
	[sflag:s17] =	ssyncadd.s32 $0xFFFF9C00  }
0x96: {  	v1 =	vld [tilespmem:s20+$0x12C00]  }
0x97: {  	v0 =	vld [tilespmem:s20+$0x12C10]  }
0x98: {  	v5 =	vld [tilespmem:s20+$0xC800]  }
0x99: {  	v7 =	vld [tilespmem:s20+$0xC810]  }
0x9a: {  	v6 =	vld [tilespmem:s20+$0xE100]  }
0x9b: {  	v3 =	vld [tilespmem:s20+$0xE110]  }
0x9c: {  	v2 =	vld [tilespmem:s20+$0xFA00]  }
0x9d: {  	v4 =	vld [tilespmem:s20+$0xFA10];
	v8 =	vadd.f32 v5, v1  }
0x9e: {  	s21 =	simm.s32 $0x80;
	v7 =	vadd.f32 v7, v0;
	v5 =	vld [tilespmem:s20+$0x11300]  }
.LBB2_8:
0x9f: {  	s22 =	sshra.s32 s21, $0x2;
	p0 =	sne.s32 s21, $0x6380;
	[tilespmem:s20+$0xC800] =	vst v8;
	v6 =	vadd.f32 v6, v1;
	v8 =	vld [tilespmem:s20+$0x11310]  }
0xa0: {  	v9 =	vld [tilespmem:s22+$0x12C00];
	[tilespmem:s20+$0xC810] =	vst v7;
	v3 =	vadd.f32 v3, v0  }
0xa1: {  	v7 =	vld [tilespmem:s22+$0x12C10];
	[tilespmem:s20+$0xE100] =	vst v6;
	v2 =	vadd.f32 v2, v1  }
0xa2: {  	v10 =	vld [tilespmem:s22+$0xC800];
	[tilespmem:s20+$0xE110] =	vst v3;
	v3 =	vadd.f32 v4, v0  }
0xa3: {  	v11 =	vld [tilespmem:s22+$0xC810];
	[tilespmem:s20+$0xFA00] =	vst v2;
	v2 =	vadd.f32 v5, v1  }
.Ltmp3:
0xa4: {  	v6 =	vld [tilespmem:s22+$0xE100];
	[tilespmem:s20+$0xFA10] =	vst v3;
	v4 =	vadd.f32 v8, v0;
	(pc) =	sbr.rel @p0 .LBB2_8-.Ltmp3, $4  }
0xa5: {  	v3 =	vld [tilespmem:s22+$0xE110];
	[tilespmem:s20+$0x11300] =	vst v2;
	v1 =	vmov v9  }
0xa6: {  	v2 =	vld [tilespmem:s22+$0xFA00];
	[tilespmem:s20+$0x11310] =	vst v4;
	v0 =	vmov v7;
	s20 =	smov.u32 s22  }
0xa7: {  	v8 =	vadd.f32 v10, v1;
	v4 =	vld [tilespmem:s20+$0xFA10]  }
0xa8: {  	s21 =	sadd.s32 $0x80, s21;
	v7 =	vadd.f32 v11, v0;
	v5 =	vld [tilespmem:s20+$0x11300]  }
0xa9: {  	[tilespmem:s20+$0xC800] =	vst v8;
	v6 =	vadd.f32 v6, v1;
	v8 =	vld [tilespmem:s20+$0x11310]  }
0xaa: {  	[tilespmem:s20+$0xC810] =	vst v7;
	v3 =	vadd.f32 v3, v0  }
0xab: {  	[tilespmem:s20+$0xE100] =	vst v6;
	v2 =	vadd.f32 v2, v1  }
0xac: {  	[tilespmem:s20+$0xE110] =	vst v3;
	v3 =	vadd.f32 v4, v0  }
0xad: {  	[tilespmem:s20+$0xFA00] =	vst v2;
	v1 =	vadd.f32 v5, v1  }
0xae: {  	[tilespmem:s20+$0xFA10] =	vst v3;
	v0 =	vadd.f32 v8, v0  }
0xaf: {  	[tilespmem:s20+$0x11300] =	vst v1  }
0xb0: {  	s22 =	simm.s32 $0x0;
	s21 =	rddreg [dreg:$0x6];
	[tilespmem:s20+$0x11310] =	vst v0  }
0xb1: {  	[hbm4b:s21+s22] =	stream.linear.scatter [tilespmem:s14], [sflag:$0x4], $0x6400, $0x38;
	[tilespmem:$0x14500] =	vst v63  }
0xb2: {  	_ =	swait.ge [sflag:s18], $0x6400  }
0xb3: {  	[sflag:s18] =	ssyncset.done $0x0  }
0xb4: {  	s22 =	simm.s32 $0xFA0;
	[sflag:s18] =	ssyncadd.s32 $0xFFFF9C00  }
0xb5: {  	[tilespmem:s14], [sflag:$0x2] =	stream.indirect.gather [hbm4b:s3+s12], $0x20, s22, s12, $0xb8;
	[tilespmem:$0x14500] =	vst v63  }
0xb6: {  	_ =	swait.ge [sflag:s15], $0x6400  }
0xb7: {  	[sflag:s15] =	ssyncset.done $0x0  }
0xb8: {  	s20 =	simm.s32 $0x0;
	[sflag:s15] =	ssyncadd.s32 $0xFFFF9C00  }
0xb9: {  	v1 =	vld [tilespmem:s20+$0x12C00]  }
0xba: {  	v0 =	vld [tilespmem:s20+$0x12C10]  }
0xbb: {  	v5 =	vld [tilespmem:s20+$0x6400]  }
0xbc: {  	v7 =	vld [tilespmem:s20+$0x6410]  }
0xbd: {  	v6 =	vld [tilespmem:s20+$0x7D00]  }
0xbe: {  	v3 =	vld [tilespmem:s20+$0x7D10]  }
0xbf: {  	v2 =	vld [tilespmem:s20+$0x9600]  }
0xc0: {  	v4 =	vld [tilespmem:s20+$0x9610];
	v8 =	vadd.f32 v5, v1  }
0xc1: {  	s21 =	simm.s32 $0x80;
	v7 =	vadd.f32 v7, v0;
	v5 =	vld [tilespmem:s20+$0xAF00]  }
.LBB2_10:
0xc2: {  	s22 =	sshra.s32 s21, $0x2;
	p0 =	sne.s32 s21, $0x6380;
	[tilespmem:s20+$0x6400] =	vst v8;
	v6 =	vadd.f32 v6, v1;
	v8 =	vld [tilespmem:s20+$0xAF10]  }
0xc3: {  	v9 =	vld [tilespmem:s22+$0x12C00];
	[tilespmem:s20+$0x6410] =	vst v7;
	v3 =	vadd.f32 v3, v0  }
0xc4: {  	v7 =	vld [tilespmem:s22+$0x12C10];
	[tilespmem:s20+$0x7D00] =	vst v6;
	v2 =	vadd.f32 v2, v1  }
0xc5: {  	v10 =	vld [tilespmem:s22+$0x6400];
	[tilespmem:s20+$0x7D10] =	vst v3;
	v3 =	vadd.f32 v4, v0  }
0xc6: {  	v11 =	vld [tilespmem:s22+$0x6410];
	[tilespmem:s20+$0x9600] =	vst v2;
	v2 =	vadd.f32 v5, v1  }
.Ltmp4:
0xc7: {  	v6 =	vld [tilespmem:s22+$0x7D00];
	[tilespmem:s20+$0x9610] =	vst v3;
	v4 =	vadd.f32 v8, v0;
	(pc) =	sbr.rel @p0 .LBB2_10-.Ltmp4, $4  }
0xc8: {  	v3 =	vld [tilespmem:s22+$0x7D10];
	[tilespmem:s20+$0xAF00] =	vst v2;
	v1 =	vmov v9  }
0xc9: {  	v2 =	vld [tilespmem:s22+$0x9600];
	[tilespmem:s20+$0xAF10] =	vst v4;
	v0 =	vmov v7;
	s20 =	smov.u32 s22  }
0xca: {  	v8 =	vadd.f32 v10, v1;
	v4 =	vld [tilespmem:s20+$0x9610]  }
0xcb: {  	s21 =	sadd.s32 $0x80, s21;
	v7 =	vadd.f32 v11, v0;
	v5 =	vld [tilespmem:s20+$0xAF00]  }
0xcc: {  	[tilespmem:s20+$0x6400] =	vst v8;
	v6 =	vadd.f32 v6, v1;
	v8 =	vld [tilespmem:s20+$0xAF10]  }
0xcd: {  	[tilespmem:s20+$0x6410] =	vst v7;
	v3 =	vadd.f32 v3, v0  }
0xce: {  	[tilespmem:s20+$0x7D00] =	vst v6;
	v2 =	vadd.f32 v2, v1  }
0xcf: {  	[tilespmem:s20+$0x7D10] =	vst v3;
	v3 =	vadd.f32 v4, v0  }
0xd0: {  	[tilespmem:s20+$0x9600] =	vst v2;
	v1 =	vadd.f32 v5, v1  }
0xd1: {  	[tilespmem:s20+$0x9610] =	vst v3;
	v0 =	vadd.f32 v8, v0  }
0xd2: {  	[tilespmem:s20+$0xAF00] =	vst v1  }
0xd3: {  	s22 =	simm.s32 $0x0;
	s21 =	rddreg [dreg:$0x7];
	[tilespmem:s20+$0xAF10] =	vst v0  }
0xd4: {  	[hbm4b:s21+s22] =	stream.linear.scatter [tilespmem:s13], [sflag:$0x3], $0x6400, $0x38;
	[tilespmem:$0x14500] =	vst v63  }
0xd5: {  	_ =	swait.ge [sflag:s16], $0x6400  }
0xd6: {  	[sflag:s16] =	ssyncset.done $0x0  }
0xd7: {  	s22 =	simm.s32 $0x12C0;
	[sflag:s16] =	ssyncadd.s32 $0xFFFF9C00  }
0xd8: {  	[tilespmem:s13], [sflag:$0x1] =	stream.indirect.gather [hbm4b:s3+s12], $0x20, s22, s12, $0xb8;
	[tilespmem:$0x14500] =	vst v63  }
0xd9: {  	_ =	swait.ge [sflag:s17], $0x6400  }
0xda: {  	[sflag:s17] =	ssyncset.done $0x0  }
0xdb: {  	s20 =	simm.s32 $0x0;
	[sflag:s17] =	ssyncadd.s32 $0xFFFF9C00  }
0xdc: {  	v1 =	vld [tilespmem:s20+$0x12C00]  }
0xdd: {  	v0 =	vld [tilespmem:s20+$0x12C10]  }
0xde: {  	v5 =	vld [tilespmem:s20+$0xC800]  }
0xdf: {  	v7 =	vld [tilespmem:s20+$0xC810]  }
0xe0: {  	v6 =	vld [tilespmem:s20+$0xE100]  }
0xe1: {  	v3 =	vld [tilespmem:s20+$0xE110]  }
0xe2: {  	v2 =	vld [tilespmem:s20+$0xFA00]  }
0xe3: {  	v4 =	vld [tilespmem:s20+$0xFA10];
	v8 =	vadd.f32 v5, v1  }
0xe4: {  	s21 =	simm.s32 $0x80;
	v7 =	vadd.f32 v7, v0;
	v5 =	vld [tilespmem:s20+$0x11300]  }
.LBB2_12:
0xe5: {  	s22 =	sshra.s32 s21, $0x2;
	p0 =	sne.s32 s21, $0x6380;
	[tilespmem:s20+$0xC800] =	vst v8;
	v6 =	vadd.f32 v6, v1;
	v8 =	vld [tilespmem:s20+$0x11310]  }
0xe6: {  	v9 =	vld [tilespmem:s22+$0x12C00];
	[tilespmem:s20+$0xC810] =	vst v7;
	v3 =	vadd.f32 v3, v0  }
0xe7: {  	v7 =	vld [tilespmem:s22+$0x12C10];
	[tilespmem:s20+$0xE100] =	vst v6;
	v2 =	vadd.f32 v2, v1  }
0xe8: {  	v10 =	vld [tilespmem:s22+$0xC800];
	[tilespmem:s20+$0xE110] =	vst v3;
	v3 =	vadd.f32 v4, v0  }
0xe9: {  	v11 =	vld [tilespmem:s22+$0xC810];
	[tilespmem:s20+$0xFA00] =	vst v2;
	v2 =	vadd.f32 v5, v1  }
.Ltmp5:
0xea: {  	v6 =	vld [tilespmem:s22+$0xE100];
	[tilespmem:s20+$0xFA10] =	vst v3;
	v4 =	vadd.f32 v8, v0;
	(pc) =	sbr.rel @p0 .LBB2_12-.Ltmp5, $4  }
0xeb: {  	v3 =	vld [tilespmem:s22+$0xE110];
	[tilespmem:s20+$0x11300] =	vst v2;
	v1 =	vmov v9  }
0xec: {  	v2 =	vld [tilespmem:s22+$0xFA00];
	[tilespmem:s20+$0x11310] =	vst v4;
	v0 =	vmov v7;
	s20 =	smov.u32 s22  }
0xed: {  	v8 =	vadd.f32 v10, v1;
	v4 =	vld [tilespmem:s20+$0xFA10]  }
0xee: {  	s21 =	sadd.s32 $0x80, s21;
	v7 =	vadd.f32 v11, v0;
	v5 =	vld [tilespmem:s20+$0x11300]  }
0xef: {  	[tilespmem:s20+$0xC800] =	vst v8;
	v6 =	vadd.f32 v6, v1;
	v8 =	vld [tilespmem:s20+$0x11310]  }
0xf0: {  	[tilespmem:s20+$0xC810] =	vst v7;
	v3 =	vadd.f32 v3, v0  }
0xf1: {  	[tilespmem:s20+$0xE100] =	vst v6;
	v2 =	vadd.f32 v2, v1  }
0xf2: {  	[tilespmem:s20+$0xE110] =	vst v3;
	v3 =	vadd.f32 v4, v0  }
0xf3: {  	[tilespmem:s20+$0xFA00] =	vst v2;
	v1 =	vadd.f32 v5, v1  }
0xf4: {  	[tilespmem:s20+$0xFA10] =	vst v3;
	v0 =	vadd.f32 v8, v0  }
0xf5: {  	[tilespmem:s20+$0x11300] =	vst v1  }
0xf6: {  	s22 =	simm.s32 $0x0;
	s21 =	rddreg [dreg:$0x8];
	[tilespmem:s20+$0x11310] =	vst v0  }
0xf7: {  	[hbm4b:s21+s22] =	stream.linear.scatter [tilespmem:s14], [sflag:$0x4], $0x6400, $0x38;
	[tilespmem:$0x14500] =	vst v63  }
0xf8: {  	_ =	swait.ge [sflag:s18], $0x6400  }
0xf9: {  	[sflag:s18] =	ssyncset.done $0x0  }
0xfa: {  	s22 =	simm.s32 $0x15E0;
	[sflag:s18] =	ssyncadd.s32 $0xFFFF9C00  }
0xfb: {  	[tilespmem:s14], [sflag:$0x2] =	stream.indirect.gather [hbm4b:s3+s12], $0x20, s22, s12, $0xb8;
	[tilespmem:$0x14500] =	vst v63  }
0xfc: {  	_ =	swait.ge [sflag:s15], $0x6400  }
0xfd: {  	[sflag:s15] =	ssyncset.done $0x0  }
0xfe: {  	s20 =	simm.s32 $0x0;
	[sflag:s15] =	ssyncadd.s32 $0xFFFF9C00  }
0xff: {  	v1 =	vld [tilespmem:s20+$0x12C00]  }
0x100: {  	v0 =	vld [tilespmem:s20+$0x12C10]  }
0x101: {  	v5 =	vld [tilespmem:s20+$0x6400]  }
0x102: {  	v7 =	vld [tilespmem:s20+$0x6410]  }
0x103: {  	v6 =	vld [tilespmem:s20+$0x7D00]  }
0x104: {  	v3 =	vld [tilespmem:s20+$0x7D10]  }
0x105: {  	v2 =	vld [tilespmem:s20+$0x9600]  }
0x106: {  	v4 =	vld [tilespmem:s20+$0x9610];
	v8 =	vadd.f32 v5, v1  }
0x107: {  	s21 =	simm.s32 $0x80;
	v7 =	vadd.f32 v7, v0;
	v5 =	vld [tilespmem:s20+$0xAF00]  }
.LBB2_14:
0x108: {  	s22 =	sshra.s32 s21, $0x2;
	p0 =	sne.s32 s21, $0x6380;
	[tilespmem:s20+$0x6400] =	vst v8;
	v6 =	vadd.f32 v6, v1;
	v8 =	vld [tilespmem:s20+$0xAF10]  }
0x109: {  	v9 =	vld [tilespmem:s22+$0x12C00];
	[tilespmem:s20+$0x6410] =	vst v7;
	v3 =	vadd.f32 v3, v0  }
0x10a: {  	v7 =	vld [tilespmem:s22+$0x12C10];
	[tilespmem:s20+$0x7D00] =	vst v6;
	v2 =	vadd.f32 v2, v1  }
0x10b: {  	v10 =	vld [tilespmem:s22+$0x6400];
	[tilespmem:s20+$0x7D10] =	vst v3;
	v3 =	vadd.f32 v4, v0  }
0x10c: {  	v11 =	vld [tilespmem:s22+$0x6410];
	[tilespmem:s20+$0x9600] =	vst v2;
	v2 =	vadd.f32 v5, v1  }
.Ltmp6:
0x10d: {  	v6 =	vld [tilespmem:s22+$0x7D00];
	[tilespmem:s20+$0x9610] =	vst v3;
	v4 =	vadd.f32 v8, v0;
	(pc) =	sbr.rel @p0 .LBB2_14-.Ltmp6, $4  }
0x10e: {  	v3 =	vld [tilespmem:s22+$0x7D10];
	[tilespmem:s20+$0xAF00] =	vst v2;
	v1 =	vmov v9  }
0x10f: {  	v2 =	vld [tilespmem:s22+$0x9600];
	[tilespmem:s20+$0xAF10] =	vst v4;
	v0 =	vmov v7;
	s20 =	smov.u32 s22  }
0x110: {  	v8 =	vadd.f32 v10, v1;
	v4 =	vld [tilespmem:s20+$0x9610]  }
0x111: {  	s21 =	sadd.s32 $0x80, s21;
	v7 =	vadd.f32 v11, v0;
	v5 =	vld [tilespmem:s20+$0xAF00]  }
0x112: {  	[tilespmem:s20+$0x6400] =	vst v8;
	v6 =	vadd.f32 v6, v1;
	v8 =	vld [tilespmem:s20+$0xAF10]  }
0x113: {  	[tilespmem:s20+$0x6410] =	vst v7;
	v3 =	vadd.f32 v3, v0  }
0x114: {  	[tilespmem:s20+$0x7D00] =	vst v6;
	v2 =	vadd.f32 v2, v1  }
0x115: {  	[tilespmem:s20+$0x7D10] =	vst v3;
	v3 =	vadd.f32 v4, v0  }
0x116: {  	[tilespmem:s20+$0x9600] =	vst v2;
	v1 =	vadd.f32 v5, v1  }
0x117: {  	[tilespmem:s20+$0x9610] =	vst v3;
	v0 =	vadd.f32 v8, v0  }
0x118: {  	[tilespmem:s20+$0xAF00] =	vst v1  }
0x119: {  	s22 =	simm.s32 $0x0;
	s21 =	rddreg [dreg:$0x9];
	[tilespmem:s20+$0xAF10] =	vst v0  }
0x11a: {  	[hbm4b:s21+s22] =	stream.linear.scatter [tilespmem:s13], [sflag:$0x3], $0x6400, $0x38;
	[tilespmem:$0x14500] =	vst v63  }
0x11b: {  	_ =	swait.ge [sflag:s16], $0x6400  }
0x11c: {  	[sflag:s16] =	ssyncset.done $0x0  }
0x11d: {  	s22 =	simm.s32 $0x1900;
	[sflag:s16] =	ssyncadd.s32 $0xFFFF9C00  }
0x11e: {  	[tilespmem:s13], [sflag:$0x1] =	stream.indirect.gather [hbm4b:s3+s12], $0x20, s22, s12, $0xb8;
	[tilespmem:$0x14500] =	vst v63  }
0x11f: {  	_ =	swait.ge [sflag:s17], $0x6400  }
0x120: {  	[sflag:s17] =	ssyncset.done $0x0  }
0x121: {  	s20 =	simm.s32 $0x0;
	[sflag:s17] =	ssyncadd.s32 $0xFFFF9C00  }
0x122: {  	v1 =	vld [tilespmem:s20+$0x12C00]  }
0x123: {  	v0 =	vld [tilespmem:s20+$0x12C10]  }
0x124: {  	v5 =	vld [tilespmem:s20+$0xC800]  }
0x125: {  	v7 =	vld [tilespmem:s20+$0xC810]  }
0x126: {  	v6 =	vld [tilespmem:s20+$0xE100]  }
0x127: {  	v3 =	vld [tilespmem:s20+$0xE110]  }
0x128: {  	v2 =	vld [tilespmem:s20+$0xFA00]  }
0x129: {  	v4 =	vld [tilespmem:s20+$0xFA10];
	v8 =	vadd.f32 v5, v1  }
0x12a: {  	s21 =	simm.s32 $0x80;
	v7 =	vadd.f32 v7, v0;
	v5 =	vld [tilespmem:s20+$0x11300]  }
.LBB2_16:
0x12b: {  	s22 =	sshra.s32 s21, $0x2;
	p0 =	sne.s32 s21, $0x6380;
	[tilespmem:s20+$0xC800] =	vst v8;
	v6 =	vadd.f32 v6, v1;
	v8 =	vld [tilespmem:s20+$0x11310]  }
0x12c: {  	v9 =	vld [tilespmem:s22+$0x12C00];
	[tilespmem:s20+$0xC810] =	vst v7;
	v3 =	vadd.f32 v3, v0  }
0x12d: {  	v7 =	vld [tilespmem:s22+$0x12C10];
	[tilespmem:s20+$0xE100] =	vst v6;
	v2 =	vadd.f32 v2, v1  }
0x12e: {  	v10 =	vld [tilespmem:s22+$0xC800];
	[tilespmem:s20+$0xE110] =	vst v3;
	v3 =	vadd.f32 v4, v0  }
0x12f: {  	v11 =	vld [tilespmem:s22+$0xC810];
	[tilespmem:s20+$0xFA00] =	vst v2;
	v2 =	vadd.f32 v5, v1  }
.Ltmp7:
0x130: {  	v6 =	vld [tilespmem:s22+$0xE100];
	[tilespmem:s20+$0xFA10] =	vst v3;
	v4 =	vadd.f32 v8, v0;
	(pc) =	sbr.rel @p0 .LBB2_16-.Ltmp7, $4  }
0x131: {  	v3 =	vld [tilespmem:s22+$0xE110];
	[tilespmem:s20+$0x11300] =	vst v2;
	v1 =	vmov v9  }
0x132: {  	v2 =	vld [tilespmem:s22+$0xFA00];
	[tilespmem:s20+$0x11310] =	vst v4;
	v0 =	vmov v7;
	s20 =	smov.u32 s22  }
0x133: {  	v8 =	vadd.f32 v10, v1;
	v4 =	vld [tilespmem:s20+$0xFA10]  }
0x134: {  	s21 =	sadd.s32 $0x80, s21;
	v7 =	vadd.f32 v11, v0;
	v5 =	vld [tilespmem:s20+$0x11300]  }
0x135: {  	[tilespmem:s20+$0xC800] =	vst v8;
	v6 =	vadd.f32 v6, v1;
	v8 =	vld [tilespmem:s20+$0x11310]  }
0x136: {  	[tilespmem:s20+$0xC810] =	vst v7;
	v3 =	vadd.f32 v3, v0  }
0x137: {  	[tilespmem:s20+$0xE100] =	vst v6;
	v2 =	vadd.f32 v2, v1  }
0x138: {  	[tilespmem:s20+$0xE110] =	vst v3;
	v3 =	vadd.f32 v4, v0  }
0x139: {  	[tilespmem:s20+$0xFA00] =	vst v2;
	v1 =	vadd.f32 v5, v1  }
0x13a: {  	[tilespmem:s20+$0xFA10] =	vst v3;
	v0 =	vadd.f32 v8, v0  }
0x13b: {  	[tilespmem:s20+$0x11300] =	vst v1  }
0x13c: {  	s22 =	simm.s32 $0x0;
	s21 =	rddreg [dreg:$0xa];
	[tilespmem:s20+$0x11310] =	vst v0  }
0x13d: {  	[hbm4b:s21+s22] =	stream.linear.scatter [tilespmem:s14], [sflag:$0x4], $0x6400, $0x38;
	[tilespmem:$0x14500] =	vst v63  }
0x13e: {  	_ =	swait.ge [sflag:s18], $0x6400  }
0x13f: {  	[sflag:s18] =	ssyncset.done $0x0  }
0x140: {  	s22 =	simm.s32 $0x1C20;
	[sflag:s18] =	ssyncadd.s32 $0xFFFF9C00  }
0x141: {  	[tilespmem:s14], [sflag:$0x2] =	stream.indirect.gather [hbm4b:s3+s12], $0x20, s22, s12, $0xb8;
	[tilespmem:$0x14500] =	vst v63  }
0x142: {  	_ =	swait.ge [sflag:s15], $0x6400  }
0x143: {  	[sflag:s15] =	ssyncset.done $0x0  }
0x144: {  	s20 =	simm.s32 $0x0;
	[sflag:s15] =	ssyncadd.s32 $0xFFFF9C00  }
0x145: {  	v1 =	vld [tilespmem:s20+$0x12C00]  }
0x146: {  	v0 =	vld [tilespmem:s20+$0x12C10]  }
0x147: {  	v5 =	vld [tilespmem:s20+$0x6400]  }
0x148: {  	v7 =	vld [tilespmem:s20+$0x6410]  }
0x149: {  	v6 =	vld [tilespmem:s20+$0x7D00]  }
0x14a: {  	v3 =	vld [tilespmem:s20+$0x7D10]  }
0x14b: {  	v2 =	vld [tilespmem:s20+$0x9600]  }
0x14c: {  	v4 =	vld [tilespmem:s20+$0x9610];
	v8 =	vadd.f32 v5, v1  }
0x14d: {  	s21 =	simm.s32 $0x80;
	v7 =	vadd.f32 v7, v0;
	v5 =	vld [tilespmem:s20+$0xAF00]  }
.LBB2_18:
0x14e: {  	s22 =	sshra.s32 s21, $0x2;
	p0 =	sne.s32 s21, $0x6380;
	[tilespmem:s20+$0x6400] =	vst v8;
	v6 =	vadd.f32 v6, v1;
	v8 =	vld [tilespmem:s20+$0xAF10]  }
0x14f: {  	v9 =	vld [tilespmem:s22+$0x12C00];
	[tilespmem:s20+$0x6410] =	vst v7;
	v3 =	vadd.f32 v3, v0  }
0x150: {  	v7 =	vld [tilespmem:s22+$0x12C10];
	[tilespmem:s20+$0x7D00] =	vst v6;
	v2 =	vadd.f32 v2, v1  }
0x151: {  	v10 =	vld [tilespmem:s22+$0x6400];
	[tilespmem:s20+$0x7D10] =	vst v3;
	v3 =	vadd.f32 v4, v0  }
0x152: {  	v11 =	vld [tilespmem:s22+$0x6410];
	[tilespmem:s20+$0x9600] =	vst v2;
	v2 =	vadd.f32 v5, v1  }
.Ltmp8:
0x153: {  	v6 =	vld [tilespmem:s22+$0x7D00];
	[tilespmem:s20+$0x9610] =	vst v3;
	v4 =	vadd.f32 v8, v0;
	(pc) =	sbr.rel @p0 .LBB2_18-.Ltmp8, $4  }
0x154: {  	v3 =	vld [tilespmem:s22+$0x7D10];
	[tilespmem:s20+$0xAF00] =	vst v2;
	v1 =	vmov v9  }
0x155: {  	v2 =	vld [tilespmem:s22+$0x9600];
	[tilespmem:s20+$0xAF10] =	vst v4;
	v0 =	vmov v7;
	s20 =	smov.u32 s22  }
0x156: {  	v8 =	vadd.f32 v10, v1;
	v4 =	vld [tilespmem:s20+$0x9610]  }
0x157: {  	s21 =	sadd.s32 $0x80, s21;
	v7 =	vadd.f32 v11, v0;
	v5 =	vld [tilespmem:s20+$0xAF00]  }
0x158: {  	[tilespmem:s20+$0x6400] =	vst v8;
	v6 =	vadd.f32 v6, v1;
	v8 =	vld [tilespmem:s20+$0xAF10]  }
0x159: {  	[tilespmem:s20+$0x6410] =	vst v7;
	v3 =	vadd.f32 v3, v0  }
0x15a: {  	[tilespmem:s20+$0x7D00] =	vst v6;
	v2 =	vadd.f32 v2, v1  }
0x15b: {  	[tilespmem:s20+$0x7D10] =	vst v3;
	v3 =	vadd.f32 v4, v0  }
0x15c: {  	[tilespmem:s20+$0x9600] =	vst v2;
	v1 =	vadd.f32 v5, v1  }
0x15d: {  	[tilespmem:s20+$0x9610] =	vst v3;
	v0 =	vadd.f32 v8, v0  }
0x15e: {  	[tilespmem:s20+$0xAF00] =	vst v1  }
0x15f: {  	s22 =	simm.s32 $0x0;
	s21 =	rddreg [dreg:$0xb];
	[tilespmem:s20+$0xAF10] =	vst v0  }
0x160: {  	[hbm4b:s21+s22] =	stream.linear.scatter [tilespmem:s13], [sflag:$0x3], $0x6400, $0x38;
	[tilespmem:$0x14500] =	vst v63  }
0x161: {  	_ =	swait.ge [sflag:s16], $0x6400  }
0x162: {  	[sflag:s16] =	ssyncset.done $0x0  }
0x163: {  	s22 =	simm.s32 $0x1F40;
	[sflag:s16] =	ssyncadd.s32 $0xFFFF9C00  }
0x164: {  	[tilespmem:s13], [sflag:$0x1] =	stream.indirect.gather [hbm4b:s3+s12], $0x20, s22, s12, $0xb8;
	[tilespmem:$0x14500] =	vst v63  }
0x165: {  	_ =	swait.ge [sflag:s17], $0x6400  }
0x166: {  	[sflag:s17] =	ssyncset.done $0x0  }
0x167: {  	s20 =	simm.s32 $0x0;
	[sflag:s17] =	ssyncadd.s32 $0xFFFF9C00  }
0x168: {  	v1 =	vld [tilespmem:s20+$0x12C00]  }
0x169: {  	v0 =	vld [tilespmem:s20+$0x12C10]  }
0x16a: {  	v5 =	vld [tilespmem:s20+$0xC800]  }
0x16b: {  	v7 =	vld [tilespmem:s20+$0xC810]  }
0x16c: {  	v6 =	vld [tilespmem:s20+$0xE100]  }
0x16d: {  	v3 =	vld [tilespmem:s20+$0xE110]  }
0x16e: {  	v2 =	vld [tilespmem:s20+$0xFA00]  }
0x16f: {  	v4 =	vld [tilespmem:s20+$0xFA10];
	v8 =	vadd.f32 v5, v1  }
0x170: {  	s21 =	simm.s32 $0x80;
	v7 =	vadd.f32 v7, v0;
	v5 =	vld [tilespmem:s20+$0x11300]  }
.LBB2_20:
0x171: {  	s22 =	sshra.s32 s21, $0x2;
	p0 =	sne.s32 s21, $0x6380;
	[tilespmem:s20+$0xC800] =	vst v8;
	v6 =	vadd.f32 v6, v1;
	v8 =	vld [tilespmem:s20+$0x11310]  }
0x172: {  	v9 =	vld [tilespmem:s22+$0x12C00];
	[tilespmem:s20+$0xC810] =	vst v7;
	v3 =	vadd.f32 v3, v0  }
0x173: {  	v7 =	vld [tilespmem:s22+$0x12C10];
	[tilespmem:s20+$0xE100] =	vst v6;
	v2 =	vadd.f32 v2, v1  }
0x174: {  	v10 =	vld [tilespmem:s22+$0xC800];
	[tilespmem:s20+$0xE110] =	vst v3;
	v3 =	vadd.f32 v4, v0  }
0x175: {  	v11 =	vld [tilespmem:s22+$0xC810];
	[tilespmem:s20+$0xFA00] =	vst v2;
	v2 =	vadd.f32 v5, v1  }
.Ltmp9:
0x176: {  	v6 =	vld [tilespmem:s22+$0xE100];
	[tilespmem:s20+$0xFA10] =	vst v3;
	v4 =	vadd.f32 v8, v0;
	(pc) =	sbr.rel @p0 .LBB2_20-.Ltmp9, $4  }
0x177: {  	v3 =	vld [tilespmem:s22+$0xE110];
	[tilespmem:s20+$0x11300] =	vst v2;
	v1 =	vmov v9  }
0x178: {  	v2 =	vld [tilespmem:s22+$0xFA00];
	[tilespmem:s20+$0x11310] =	vst v4;
	v0 =	vmov v7;
	s20 =	smov.u32 s22  }
0x179: {  	v8 =	vadd.f32 v10, v1;
	v4 =	vld [tilespmem:s20+$0xFA10]  }
0x17a: {  	s21 =	sadd.s32 $0x80, s21;
	v7 =	vadd.f32 v11, v0;
	v5 =	vld [tilespmem:s20+$0x11300]  }
0x17b: {  	[tilespmem:s20+$0xC800] =	vst v8;
	v6 =	vadd.f32 v6, v1;
	v8 =	vld [tilespmem:s20+$0x11310]  }
0x17c: {  	[tilespmem:s20+$0xC810] =	vst v7;
	v3 =	vadd.f32 v3, v0  }
0x17d: {  	[tilespmem:s20+$0xE100] =	vst v6;
	v2 =	vadd.f32 v2, v1  }
0x17e: {  	[tilespmem:s20+$0xE110] =	vst v3;
	v3 =	vadd.f32 v4, v0  }
0x17f: {  	[tilespmem:s20+$0xFA00] =	vst v2;
	v1 =	vadd.f32 v5, v1  }
0x180: {  	[tilespmem:s20+$0xFA10] =	vst v3;
	v0 =	vadd.f32 v8, v0  }
0x181: {  	[tilespmem:s20+$0x11300] =	vst v1  }
0x182: {  	s22 =	simm.s32 $0x0;
	s21 =	rddreg [dreg:$0xc];
	[tilespmem:s20+$0x11310] =	vst v0  }
0x183: {  	[hbm4b:s21+s22] =	stream.linear.scatter [tilespmem:s14], [sflag:$0x4], $0x6400, $0x38;
	[tilespmem:$0x14500] =	vst v63  }
0x184: {  	_ =	swait.ge [sflag:s18], $0x6400  }
0x185: {  	[sflag:s18] =	ssyncset.done $0x0  }
0x186: {  	s22 =	simm.s32 $0x2260;
	[sflag:s18] =	ssyncadd.s32 $0xFFFF9C00  }
0x187: {  	[tilespmem:s14], [sflag:$0x2] =	stream.indirect.gather [hbm4b:s3+s12], $0x20, s22, s12, $0xb8;
	[tilespmem:$0x14500] =	vst v63  }
0x188: {  	_ =	swait.ge [sflag:s15], $0x6400  }
0x189: {  	[sflag:s15] =	ssyncset.done $0x0  }
0x18a: {  	s20 =	simm.s32 $0x0;
	[sflag:s15] =	ssyncadd.s32 $0xFFFF9C00  }
0x18b: {  	v1 =	vld [tilespmem:s20+$0x12C00]  }
0x18c: {  	v0 =	vld [tilespmem:s20+$0x12C10]  }
0x18d: {  	v5 =	vld [tilespmem:s20+$0x6400]  }
0x18e: {  	v7 =	vld [tilespmem:s20+$0x6410]  }
0x18f: {  	v6 =	vld [tilespmem:s20+$0x7D00]  }
0x190: {  	v3 =	vld [tilespmem:s20+$0x7D10]  }
0x191: {  	v2 =	vld [tilespmem:s20+$0x9600]  }
0x192: {  	v4 =	vld [tilespmem:s20+$0x9610];
	v8 =	vadd.f32 v5, v1  }
0x193: {  	s21 =	simm.s32 $0x80;
	v7 =	vadd.f32 v7, v0;
	v5 =	vld [tilespmem:s20+$0xAF00]  }
.LBB2_22:
0x194: {  	s22 =	sshra.s32 s21, $0x2;
	p0 =	sne.s32 s21, $0x6380;
	[tilespmem:s20+$0x6400] =	vst v8;
	v6 =	vadd.f32 v6, v1;
	v8 =	vld [tilespmem:s20+$0xAF10]  }
0x195: {  	v9 =	vld [tilespmem:s22+$0x12C00];
	[tilespmem:s20+$0x6410] =	vst v7;
	v3 =	vadd.f32 v3, v0  }
0x196: {  	v7 =	vld [tilespmem:s22+$0x12C10];
	[tilespmem:s20+$0x7D00] =	vst v6;
	v2 =	vadd.f32 v2, v1  }
0x197: {  	v10 =	vld [tilespmem:s22+$0x6400];
	[tilespmem:s20+$0x7D10] =	vst v3;
	v3 =	vadd.f32 v4, v0  }
0x198: {  	v11 =	vld [tilespmem:s22+$0x6410];
	[tilespmem:s20+$0x9600] =	vst v2;
	v2 =	vadd.f32 v5, v1  }
.Ltmp10:
0x199: {  	v6 =	vld [tilespmem:s22+$0x7D00];
	[tilespmem:s20+$0x9610] =	vst v3;
	v4 =	vadd.f32 v8, v0;
	(pc) =	sbr.rel @p0 .LBB2_22-.Ltmp10, $4  }
0x19a: {  	v3 =	vld [tilespmem:s22+$0x7D10];
	[tilespmem:s20+$0xAF00] =	vst v2;
	v1 =	vmov v9  }
0x19b: {  	v2 =	vld [tilespmem:s22+$0x9600];
	[tilespmem:s20+$0xAF10] =	vst v4;
	v0 =	vmov v7;
	s20 =	smov.u32 s22  }
0x19c: {  	v8 =	vadd.f32 v10, v1;
	v4 =	vld [tilespmem:s20+$0x9610]  }
0x19d: {  	s21 =	sadd.s32 $0x80, s21;
	v7 =	vadd.f32 v11, v0;
	v5 =	vld [tilespmem:s20+$0xAF00]  }
0x19e: {  	[tilespmem:s20+$0x6400] =	vst v8;
	v6 =	vadd.f32 v6, v1;
	v8 =	vld [tilespmem:s20+$0xAF10]  }
0x19f: {  	[tilespmem:s20+$0x6410] =	vst v7;
	v3 =	vadd.f32 v3, v0  }
0x1a0: {  	[tilespmem:s20+$0x7D00] =	vst v6;
	v2 =	vadd.f32 v2, v1  }
0x1a1: {  	[tilespmem:s20+$0x7D10] =	vst v3;
	v3 =	vadd.f32 v4, v0  }
0x1a2: {  	[tilespmem:s20+$0x9600] =	vst v2;
	v1 =	vadd.f32 v5, v1  }
0x1a3: {  	[tilespmem:s20+$0x9610] =	vst v3;
	v0 =	vadd.f32 v8, v0  }
0x1a4: {  	[tilespmem:s20+$0xAF00] =	vst v1  }
0x1a5: {  	s22 =	simm.s32 $0x0;
	s21 =	rddreg [dreg:$0xd];
	[tilespmem:s20+$0xAF10] =	vst v0  }
0x1a6: {  	[hbm4b:s21+s22] =	stream.linear.scatter [tilespmem:s13], [sflag:$0x3], $0x6400, $0x38;
	[tilespmem:$0x14500] =	vst v63  }
0x1a7: {  	_ =	swait.ge [sflag:s16], $0x6400  }
0x1a8: {  	[sflag:s16] =	ssyncset.done $0x0  }
0x1a9: {  	s22 =	simm.s32 $0x2580;
	[sflag:s16] =	ssyncadd.s32 $0xFFFF9C00  }
0x1aa: {  	[tilespmem:s13], [sflag:$0x1] =	stream.indirect.gather [hbm4b:s3+s12], $0x20, s22, s12, $0xb8;
	[tilespmem:$0x14500] =	vst v63  }
0x1ab: {  	_ =	swait.ge [sflag:s17], $0x6400  }
0x1ac: {  	[sflag:s17] =	ssyncset.done $0x0  }
0x1ad: {  	s20 =	simm.s32 $0x0;
	[sflag:s17] =	ssyncadd.s32 $0xFFFF9C00  }
0x1ae: {  	v1 =	vld [tilespmem:s20+$0x12C00]  }
0x1af: {  	v0 =	vld [tilespmem:s20+$0x12C10]  }
0x1b0: {  	v5 =	vld [tilespmem:s20+$0xC800]  }
0x1b1: {  	v7 =	vld [tilespmem:s20+$0xC810]  }
0x1b2: {  	v6 =	vld [tilespmem:s20+$0xE100]  }
0x1b3: {  	v3 =	vld [tilespmem:s20+$0xE110]  }
0x1b4: {  	v2 =	vld [tilespmem:s20+$0xFA00]  }
0x1b5: {  	v4 =	vld [tilespmem:s20+$0xFA10];
	v8 =	vadd.f32 v5, v1  }
0x1b6: {  	s21 =	simm.s32 $0x80;
	v7 =	vadd.f32 v7, v0;
	v5 =	vld [tilespmem:s20+$0x11300]  }
.LBB2_24:
0x1b7: {  	s22 =	sshra.s32 s21, $0x2;
	p0 =	sne.s32 s21, $0x6380;
	[tilespmem:s20+$0xC800] =	vst v8;
	v6 =	vadd.f32 v6, v1;
	v8 =	vld [tilespmem:s20+$0x11310]  }
0x1b8: {  	v9 =	vld [tilespmem:s22+$0x12C00];
	[tilespmem:s20+$0xC810] =	vst v7;
	v3 =	vadd.f32 v3, v0  }
0x1b9: {  	v7 =	vld [tilespmem:s22+$0x12C10];
	[tilespmem:s20+$0xE100] =	vst v6;
	v2 =	vadd.f32 v2, v1  }
0x1ba: {  	v10 =	vld [tilespmem:s22+$0xC800];
	[tilespmem:s20+$0xE110] =	vst v3;
	v3 =	vadd.f32 v4, v0  }
0x1bb: {  	v11 =	vld [tilespmem:s22+$0xC810];
	[tilespmem:s20+$0xFA00] =	vst v2;
	v2 =	vadd.f32 v5, v1  }
.Ltmp11:
0x1bc: {  	v6 =	vld [tilespmem:s22+$0xE100];
	[tilespmem:s20+$0xFA10] =	vst v3;
	v4 =	vadd.f32 v8, v0;
	(pc) =	sbr.rel @p0 .LBB2_24-.Ltmp11, $4  }
0x1bd: {  	v3 =	vld [tilespmem:s22+$0xE110];
	[tilespmem:s20+$0x11300] =	vst v2;
	v1 =	vmov v9  }
0x1be: {  	v2 =	vld [tilespmem:s22+$0xFA00];
	[tilespmem:s20+$0x11310] =	vst v4;
	v0 =	vmov v7;
	s20 =	smov.u32 s22  }
0x1bf: {  	v8 =	vadd.f32 v10, v1;
	v4 =	vld [tilespmem:s20+$0xFA10]  }
0x1c0: {  	s21 =	sadd.s32 $0x80, s21;
	v7 =	vadd.f32 v11, v0;
	v5 =	vld [tilespmem:s20+$0x11300]  }
0x1c1: {  	[tilespmem:s20+$0xC800] =	vst v8;
	v6 =	vadd.f32 v6, v1;
	v8 =	vld [tilespmem:s20+$0x11310]  }
0x1c2: {  	[tilespmem:s20+$0xC810] =	vst v7;
	v3 =	vadd.f32 v3, v0  }
0x1c3: {  	[tilespmem:s20+$0xE100] =	vst v6;
	v2 =	vadd.f32 v2, v1  }
0x1c4: {  	[tilespmem:s20+$0xE110] =	vst v3;
	v3 =	vadd.f32 v4, v0  }
0x1c5: {  	[tilespmem:s20+$0xFA00] =	vst v2;
	v1 =	vadd.f32 v5, v1  }
0x1c6: {  	[tilespmem:s20+$0xFA10] =	vst v3;
	v0 =	vadd.f32 v8, v0  }
0x1c7: {  	[tilespmem:s20+$0x11300] =	vst v1  }
0x1c8: {  	s22 =	simm.s32 $0x0;
	s21 =	rddreg [dreg:$0xe];
	[tilespmem:s20+$0x11310] =	vst v0  }
0x1c9: {  	[hbm4b:s21+s22] =	stream.linear.scatter [tilespmem:s14], [sflag:$0x4], $0x6400, $0x38;
	[tilespmem:$0x14500] =	vst v63  }
0x1ca: {  	_ =	swait.ge [sflag:s18], $0x6400  }
0x1cb: {  	[sflag:s18] =	ssyncset.done $0x0  }
0x1cc: {  	s22 =	simm.s32 $0x28A0;
	[sflag:s18] =	ssyncadd.s32 $0xFFFF9C00  }
0x1cd: {  	[tilespmem:s14], [sflag:$0x2] =	stream.indirect.gather [hbm4b:s3+s12], $0x20, s22, s12, $0xb8;
	[tilespmem:$0x14500] =	vst v63  }
0x1ce: {  	_ =	swait.ge [sflag:s15], $0x6400  }
0x1cf: {  	[sflag:s15] =	ssyncset.done $0x0  }
0x1d0: {  	s20 =	simm.s32 $0x0;
	[sflag:s15] =	ssyncadd.s32 $0xFFFF9C00  }
0x1d1: {  	v1 =	vld [tilespmem:s20+$0x12C00]  }
0x1d2: {  	v0 =	vld [tilespmem:s20+$0x12C10]  }
0x1d3: {  	v5 =	vld [tilespmem:s20+$0x6400]  }
0x1d4: {  	v7 =	vld [tilespmem:s20+$0x6410]  }
0x1d5: {  	v6 =	vld [tilespmem:s20+$0x7D00]  }
0x1d6: {  	v3 =	vld [tilespmem:s20+$0x7D10]  }
0x1d7: {  	v2 =	vld [tilespmem:s20+$0x9600]  }
0x1d8: {  	v4 =	vld [tilespmem:s20+$0x9610];
	v8 =	vadd.f32 v5, v1  }
0x1d9: {  	s21 =	simm.s32 $0x80;
	v7 =	vadd.f32 v7, v0;
	v5 =	vld [tilespmem:s20+$0xAF00]  }
.LBB2_26:
0x1da: {  	s22 =	sshra.s32 s21, $0x2;
	p0 =	sne.s32 s21, $0x6380;
	[tilespmem:s20+$0x6400] =	vst v8;
	v6 =	vadd.f32 v6, v1;
	v8 =	vld [tilespmem:s20+$0xAF10]  }
0x1db: {  	v9 =	vld [tilespmem:s22+$0x12C00];
	[tilespmem:s20+$0x6410] =	vst v7;
	v3 =	vadd.f32 v3, v0  }
0x1dc: {  	v7 =	vld [tilespmem:s22+$0x12C10];
	[tilespmem:s20+$0x7D00] =	vst v6;
	v2 =	vadd.f32 v2, v1  }
0x1dd: {  	v10 =	vld [tilespmem:s22+$0x6400];
	[tilespmem:s20+$0x7D10] =	vst v3;
	v3 =	vadd.f32 v4, v0  }
0x1de: {  	v11 =	vld [tilespmem:s22+$0x6410];
	[tilespmem:s20+$0x9600] =	vst v2;
	v2 =	vadd.f32 v5, v1  }
.Ltmp12:
0x1df: {  	v6 =	vld [tilespmem:s22+$0x7D00];
	[tilespmem:s20+$0x9610] =	vst v3;
	v4 =	vadd.f32 v8, v0;
	(pc) =	sbr.rel @p0 .LBB2_26-.Ltmp12, $4  }
0x1e0: {  	v3 =	vld [tilespmem:s22+$0x7D10];
	[tilespmem:s20+$0xAF00] =	vst v2;
	v1 =	vmov v9  }
0x1e1: {  	v2 =	vld [tilespmem:s22+$0x9600];
	[tilespmem:s20+$0xAF10] =	vst v4;
	v0 =	vmov v7;
	s20 =	smov.u32 s22  }
0x1e2: {  	v8 =	vadd.f32 v10, v1;
	v4 =	vld [tilespmem:s20+$0x9610]  }
0x1e3: {  	s21 =	sadd.s32 $0x80, s21;
	v7 =	vadd.f32 v11, v0;
	v5 =	vld [tilespmem:s20+$0xAF00]  }
0x1e4: {  	[tilespmem:s20+$0x6400] =	vst v8;
	v6 =	vadd.f32 v6, v1;
	v8 =	vld [tilespmem:s20+$0xAF10]  }
0x1e5: {  	[tilespmem:s20+$0x6410] =	vst v7;
	v3 =	vadd.f32 v3, v0  }
0x1e6: {  	[tilespmem:s20+$0x7D00] =	vst v6;
	v2 =	vadd.f32 v2, v1  }
0x1e7: {  	[tilespmem:s20+$0x7D10] =	vst v3;
	v3 =	vadd.f32 v4, v0  }
0x1e8: {  	[tilespmem:s20+$0x9600] =	vst v2;
	v1 =	vadd.f32 v5, v1  }
0x1e9: {  	[tilespmem:s20+$0x9610] =	vst v3;
	v0 =	vadd.f32 v8, v0  }
0x1ea: {  	[tilespmem:s20+$0xAF00] =	vst v1  }
0x1eb: {  	s22 =	simm.s32 $0x0;
	s21 =	rddreg [dreg:$0xf];
	[tilespmem:s20+$0xAF10] =	vst v0  }
0x1ec: {  	[hbm4b:s21+s22] =	stream.linear.scatter [tilespmem:s13], [sflag:$0x3], $0x6400, $0x38;
	[tilespmem:$0x14500] =	vst v63  }
0x1ed: {  	_ =	swait.ge [sflag:s16], $0x6400  }
0x1ee: {  	[sflag:s16] =	ssyncset.done $0x0  }
0x1ef: {  	s22 =	simm.s32 $0x2BC0;
	[sflag:s16] =	ssyncadd.s32 $0xFFFF9C00  }
0x1f0: {  	[tilespmem:s13], [sflag:$0x1] =	stream.indirect.gather [hbm4b:s3+s12], $0x20, s22, s12, $0xb8;
	[tilespmem:$0x14500] =	vst v63  }
0x1f1: {  	_ =	swait.ge [sflag:s17], $0x6400  }
0x1f2: {  	[sflag:s17] =	ssyncset.done $0x0  }
0x1f3: {  	s20 =	simm.s32 $0x0;
	[sflag:s17] =	ssyncadd.s32 $0xFFFF9C00  }
0x1f4: {  	v1 =	vld [tilespmem:s20+$0x12C00]  }
0x1f5: {  	v0 =	vld [tilespmem:s20+$0x12C10]  }
0x1f6: {  	v5 =	vld [tilespmem:s20+$0xC800]  }
0x1f7: {  	v7 =	vld [tilespmem:s20+$0xC810]  }
0x1f8: {  	v6 =	vld [tilespmem:s20+$0xE100]  }
0x1f9: {  	v3 =	vld [tilespmem:s20+$0xE110]  }
0x1fa: {  	v2 =	vld [tilespmem:s20+$0xFA00]  }
0x1fb: {  	v4 =	vld [tilespmem:s20+$0xFA10];
	v8 =	vadd.f32 v5, v1  }
0x1fc: {  	s21 =	simm.s32 $0x80;
	v7 =	vadd.f32 v7, v0;
	v5 =	vld [tilespmem:s20+$0x11300]  }
.LBB2_28:
0x1fd: {  	s22 =	sshra.s32 s21, $0x2;
	p0 =	sne.s32 s21, $0x6380;
	[tilespmem:s20+$0xC800] =	vst v8;
	v6 =	vadd.f32 v6, v1;
	v8 =	vld [tilespmem:s20+$0x11310]  }
0x1fe: {  	v9 =	vld [tilespmem:s22+$0x12C00];
	[tilespmem:s20+$0xC810] =	vst v7;
	v3 =	vadd.f32 v3, v0  }
0x1ff: {  	v7 =	vld [tilespmem:s22+$0x12C10];
	[tilespmem:s20+$0xE100] =	vst v6;
	v2 =	vadd.f32 v2, v1  }
0x200: {  	v10 =	vld [tilespmem:s22+$0xC800];
	[tilespmem:s20+$0xE110] =	vst v3;
	v3 =	vadd.f32 v4, v0  }
0x201: {  	v11 =	vld [tilespmem:s22+$0xC810];
	[tilespmem:s20+$0xFA00] =	vst v2;
	v2 =	vadd.f32 v5, v1  }
.Ltmp13:
0x202: {  	v6 =	vld [tilespmem:s22+$0xE100];
	[tilespmem:s20+$0xFA10] =	vst v3;
	v4 =	vadd.f32 v8, v0;
	(pc) =	sbr.rel @p0 .LBB2_28-.Ltmp13, $4  }
0x203: {  	v3 =	vld [tilespmem:s22+$0xE110];
	[tilespmem:s20+$0x11300] =	vst v2;
	v1 =	vmov v9  }
0x204: {  	v2 =	vld [tilespmem:s22+$0xFA00];
	[tilespmem:s20+$0x11310] =	vst v4;
	v0 =	vmov v7;
	s20 =	smov.u32 s22  }
0x205: {  	v8 =	vadd.f32 v10, v1;
	v4 =	vld [tilespmem:s20+$0xFA10]  }
0x206: {  	s21 =	sadd.s32 $0x80, s21;
	v7 =	vadd.f32 v11, v0;
	v5 =	vld [tilespmem:s20+$0x11300]  }
0x207: {  	[tilespmem:s20+$0xC800] =	vst v8;
	v6 =	vadd.f32 v6, v1;
	v8 =	vld [tilespmem:s20+$0x11310]  }
0x208: {  	[tilespmem:s20+$0xC810] =	vst v7;
	v3 =	vadd.f32 v3, v0  }
0x209: {  	[tilespmem:s20+$0xE100] =	vst v6;
	v2 =	vadd.f32 v2, v1  }
0x20a: {  	[tilespmem:s20+$0xE110] =	vst v3;
	v3 =	vadd.f32 v4, v0  }
0x20b: {  	[tilespmem:s20+$0xFA00] =	vst v2;
	v1 =	vadd.f32 v5, v1  }
0x20c: {  	[tilespmem:s20+$0xFA10] =	vst v3;
	v0 =	vadd.f32 v8, v0  }
0x20d: {  	[tilespmem:s20+$0x11300] =	vst v1  }
0x20e: {  	s22 =	simm.s32 $0x0;
	s21 =	rddreg [dreg:$0x10];
	[tilespmem:s20+$0x11310] =	vst v0  }
0x20f: {  	[hbm4b:s21+s22] =	stream.linear.scatter [tilespmem:s14], [sflag:$0x4], $0x6400, $0x38;
	[tilespmem:$0x14500] =	vst v63  }
0x210: {  	_ =	swait.ge [sflag:s18], $0x6400  }
0x211: {  	[sflag:s18] =	ssyncset.done $0x0  }
0x212: {  	s22 =	simm.s32 $0x2EE0;
	[sflag:s18] =	ssyncadd.s32 $0xFFFF9C00  }
0x213: {  	[tilespmem:s14], [sflag:$0x2] =	stream.indirect.gather [hbm4b:s3+s12], $0x20, s22, s12, $0xb8;
	[tilespmem:$0x14500] =	vst v63  }
0x214: {  	_ =	swait.ge [sflag:s15], $0x6400  }
0x215: {  	[sflag:s15] =	ssyncset.done $0x0  }
0x216: {  	s20 =	simm.s32 $0x0;
	[sflag:s15] =	ssyncadd.s32 $0xFFFF9C00  }
0x217: {  	v1 =	vld [tilespmem:s20+$0x12C00]  }
0x218: {  	v0 =	vld [tilespmem:s20+$0x12C10]  }
0x219: {  	v5 =	vld [tilespmem:s20+$0x6400]  }
0x21a: {  	v7 =	vld [tilespmem:s20+$0x6410]  }
0x21b: {  	v6 =	vld [tilespmem:s20+$0x7D00]  }
0x21c: {  	v3 =	vld [tilespmem:s20+$0x7D10]  }
0x21d: {  	v2 =	vld [tilespmem:s20+$0x9600]  }
0x21e: {  	v4 =	vld [tilespmem:s20+$0x9610];
	v8 =	vadd.f32 v5, v1  }
0x21f: {  	s21 =	simm.s32 $0x80;
	v7 =	vadd.f32 v7, v0;
	v5 =	vld [tilespmem:s20+$0xAF00]  }
.LBB2_30:
0x220: {  	s22 =	sshra.s32 s21, $0x2;
	p0 =	sne.s32 s21, $0x6380;
	[tilespmem:s20+$0x6400] =	vst v8;
	v6 =	vadd.f32 v6, v1;
	v8 =	vld [tilespmem:s20+$0xAF10]  }
0x221: {  	v9 =	vld [tilespmem:s22+$0x12C00];
	[tilespmem:s20+$0x6410] =	vst v7;
	v3 =	vadd.f32 v3, v0  }
0x222: {  	v7 =	vld [tilespmem:s22+$0x12C10];
	[tilespmem:s20+$0x7D00] =	vst v6;
	v2 =	vadd.f32 v2, v1  }
0x223: {  	v10 =	vld [tilespmem:s22+$0x6400];
	[tilespmem:s20+$0x7D10] =	vst v3;
	v3 =	vadd.f32 v4, v0  }
0x224: {  	v11 =	vld [tilespmem:s22+$0x6410];
	[tilespmem:s20+$0x9600] =	vst v2;
	v2 =	vadd.f32 v5, v1  }
.Ltmp14:
0x225: {  	v6 =	vld [tilespmem:s22+$0x7D00];
	[tilespmem:s20+$0x9610] =	vst v3;
	v4 =	vadd.f32 v8, v0;
	(pc) =	sbr.rel @p0 .LBB2_30-.Ltmp14, $4  }
0x226: {  	v3 =	vld [tilespmem:s22+$0x7D10];
	[tilespmem:s20+$0xAF00] =	vst v2;
	v1 =	vmov v9  }
0x227: {  	v2 =	vld [tilespmem:s22+$0x9600];
	[tilespmem:s20+$0xAF10] =	vst v4;
	v0 =	vmov v7;
	s20 =	smov.u32 s22  }
0x228: {  	v8 =	vadd.f32 v10, v1;
	v4 =	vld [tilespmem:s20+$0x9610]  }
0x229: {  	s21 =	sadd.s32 $0x80, s21;
	v7 =	vadd.f32 v11, v0;
	v5 =	vld [tilespmem:s20+$0xAF00]  }
0x22a: {  	[tilespmem:s20+$0x6400] =	vst v8;
	v6 =	vadd.f32 v6, v1;
	v8 =	vld [tilespmem:s20+$0xAF10]  }
0x22b: {  	[tilespmem:s20+$0x6410] =	vst v7;
	v3 =	vadd.f32 v3, v0  }
0x22c: {  	[tilespmem:s20+$0x7D00] =	vst v6;
	v2 =	vadd.f32 v2, v1  }
0x22d: {  	[tilespmem:s20+$0x7D10] =	vst v3;
	v3 =	vadd.f32 v4, v0  }
0x22e: {  	[tilespmem:s20+$0x9600] =	vst v2;
	v1 =	vadd.f32 v5, v1  }
0x22f: {  	[tilespmem:s20+$0x9610] =	vst v3;
	v0 =	vadd.f32 v8, v0  }
0x230: {  	[tilespmem:s20+$0xAF00] =	vst v1  }
0x231: {  	s22 =	simm.s32 $0x0;
	s21 =	rddreg [dreg:$0x11];
	[tilespmem:s20+$0xAF10] =	vst v0  }
0x232: {  	[hbm4b:s21+s22] =	stream.linear.scatter [tilespmem:s13], [sflag:$0x3], $0x6400, $0x38;
	[tilespmem:$0x14500] =	vst v63  }
0x233: {  	_ =	swait.ge [sflag:s16], $0x6400  }
0x234: {  	[sflag:s16] =	ssyncset.done $0x0  }
0x235: {  	s22 =	simm.s32 $0x3200;
	[sflag:s16] =	ssyncadd.s32 $0xFFFF9C00  }
0x236: {  	[tilespmem:s13], [sflag:$0x1] =	stream.indirect.gather [hbm4b:s3+s12], $0x20, s22, s12, $0xb8;
	[tilespmem:$0x14500] =	vst v63  }
0x237: {  	_ =	swait.ge [sflag:s17], $0x6400  }
0x238: {  	[sflag:s17] =	ssyncset.done $0x0  }
0x239: {  	s20 =	simm.s32 $0x0;
	[sflag:s17] =	ssyncadd.s32 $0xFFFF9C00  }
0x23a: {  	v1 =	vld [tilespmem:s20+$0x12C00]  }
0x23b: {  	v0 =	vld [tilespmem:s20+$0x12C10]  }
0x23c: {  	v5 =	vld [tilespmem:s20+$0xC800]  }
0x23d: {  	v7 =	vld [tilespmem:s20+$0xC810]  }
0x23e: {  	v6 =	vld [tilespmem:s20+$0xE100]  }
0x23f: {  	v3 =	vld [tilespmem:s20+$0xE110]  }
0x240: {  	v2 =	vld [tilespmem:s20+$0xFA00]  }
0x241: {  	v4 =	vld [tilespmem:s20+$0xFA10];
	v8 =	vadd.f32 v5, v1  }
0x242: {  	s21 =	simm.s32 $0x80;
	v7 =	vadd.f32 v7, v0;
	v5 =	vld [tilespmem:s20+$0x11300]  }
.LBB2_32:
0x243: {  	s22 =	sshra.s32 s21, $0x2;
	p0 =	sne.s32 s21, $0x6380;
	[tilespmem:s20+$0xC800] =	vst v8;
	v6 =	vadd.f32 v6, v1;
	v8 =	vld [tilespmem:s20+$0x11310]  }
0x244: {  	v9 =	vld [tilespmem:s22+$0x12C00];
	[tilespmem:s20+$0xC810] =	vst v7;
	v3 =	vadd.f32 v3, v0  }
0x245: {  	v7 =	vld [tilespmem:s22+$0x12C10];
	[tilespmem:s20+$0xE100] =	vst v6;
	v2 =	vadd.f32 v2, v1  }
0x246: {  	v10 =	vld [tilespmem:s22+$0xC800];
	[tilespmem:s20+$0xE110] =	vst v3;
	v3 =	vadd.f32 v4, v0  }
0x247: {  	v11 =	vld [tilespmem:s22+$0xC810];
	[tilespmem:s20+$0xFA00] =	vst v2;
	v2 =	vadd.f32 v5, v1  }
.Ltmp15:
0x248: {  	v6 =	vld [tilespmem:s22+$0xE100];
	[tilespmem:s20+$0xFA10] =	vst v3;
	v4 =	vadd.f32 v8, v0;
	(pc) =	sbr.rel @p0 .LBB2_32-.Ltmp15, $4  }
0x249: {  	v3 =	vld [tilespmem:s22+$0xE110];
	[tilespmem:s20+$0x11300] =	vst v2;
	v1 =	vmov v9  }
0x24a: {  	v2 =	vld [tilespmem:s22+$0xFA00];
	[tilespmem:s20+$0x11310] =	vst v4;
	v0 =	vmov v7;
	s20 =	smov.u32 s22  }
0x24b: {  	v8 =	vadd.f32 v10, v1;
	v4 =	vld [tilespmem:s20+$0xFA10]  }
0x24c: {  	s21 =	sadd.s32 $0x80, s21;
	v7 =	vadd.f32 v11, v0;
	v5 =	vld [tilespmem:s20+$0x11300]  }
0x24d: {  	[tilespmem:s20+$0xC800] =	vst v8;
	v6 =	vadd.f32 v6, v1;
	v8 =	vld [tilespmem:s20+$0x11310]  }
0x24e: {  	[tilespmem:s20+$0xC810] =	vst v7;
	v3 =	vadd.f32 v3, v0  }
0x24f: {  	[tilespmem:s20+$0xE100] =	vst v6;
	v2 =	vadd.f32 v2, v1  }
0x250: {  	[tilespmem:s20+$0xE110] =	vst v3;
	v3 =	vadd.f32 v4, v0  }
0x251: {  	[tilespmem:s20+$0xFA00] =	vst v2;
	v1 =	vadd.f32 v5, v1  }
0x252: {  	[tilespmem:s20+$0xFA10] =	vst v3;
	v0 =	vadd.f32 v8, v0  }
0x253: {  	[tilespmem:s20+$0x11300] =	vst v1  }
0x254: {  	s22 =	simm.s32 $0x0;
	s21 =	rddreg [dreg:$0x12];
	[tilespmem:s20+$0x11310] =	vst v0  }
0x255: {  	[hbm4b:s21+s22] =	stream.linear.scatter [tilespmem:s14], [sflag:$0x4], $0x6400, $0x38;
	[tilespmem:$0x14500] =	vst v63  }
0x256: {  	_ =	swait.ge [sflag:s18], $0x6400  }
0x257: {  	[sflag:s18] =	ssyncset.done $0x0  }
0x258: {  	s22 =	simm.s32 $0x3520;
	[sflag:s18] =	ssyncadd.s32 $0xFFFF9C00  }
0x259: {  	[tilespmem:s14], [sflag:$0x2] =	stream.indirect.gather [hbm4b:s3+s12], $0x20, s22, s12, $0xb8;
	[tilespmem:$0x14500] =	vst v63  }
0x25a: {  	_ =	swait.ge [sflag:s15], $0x6400  }
0x25b: {  	[sflag:s15] =	ssyncset.done $0x0  }
0x25c: {  	s20 =	simm.s32 $0x0;
	[sflag:s15] =	ssyncadd.s32 $0xFFFF9C00  }
0x25d: {  	v1 =	vld [tilespmem:s20+$0x12C00]  }
0x25e: {  	v0 =	vld [tilespmem:s20+$0x12C10]  }
0x25f: {  	v5 =	vld [tilespmem:s20+$0x6400]  }
0x260: {  	v7 =	vld [tilespmem:s20+$0x6410]  }
0x261: {  	v6 =	vld [tilespmem:s20+$0x7D00]  }
0x262: {  	v3 =	vld [tilespmem:s20+$0x7D10]  }
0x263: {  	v2 =	vld [tilespmem:s20+$0x9600]  }
0x264: {  	v4 =	vld [tilespmem:s20+$0x9610];
	v8 =	vadd.f32 v5, v1  }
0x265: {  	s21 =	simm.s32 $0x80;
	v7 =	vadd.f32 v7, v0;
	v5 =	vld [tilespmem:s20+$0xAF00]  }
.LBB2_34:
0x266: {  	s22 =	sshra.s32 s21, $0x2;
	p0 =	sne.s32 s21, $0x6380;
	[tilespmem:s20+$0x6400] =	vst v8;
	v6 =	vadd.f32 v6, v1;
	v8 =	vld [tilespmem:s20+$0xAF10]  }
0x267: {  	v9 =	vld [tilespmem:s22+$0x12C00];
	[tilespmem:s20+$0x6410] =	vst v7;
	v3 =	vadd.f32 v3, v0  }
0x268: {  	v7 =	vld [tilespmem:s22+$0x12C10];
	[tilespmem:s20+$0x7D00] =	vst v6;
	v2 =	vadd.f32 v2, v1  }
0x269: {  	v10 =	vld [tilespmem:s22+$0x6400];
	[tilespmem:s20+$0x7D10] =	vst v3;
	v3 =	vadd.f32 v4, v0  }
0x26a: {  	v11 =	vld [tilespmem:s22+$0x6410];
	[tilespmem:s20+$0x9600] =	vst v2;
	v2 =	vadd.f32 v5, v1  }
.Ltmp16:
0x26b: {  	v6 =	vld [tilespmem:s22+$0x7D00];
	[tilespmem:s20+$0x9610] =	vst v3;
	v4 =	vadd.f32 v8, v0;
	(pc) =	sbr.rel @p0 .LBB2_34-.Ltmp16, $4  }
0x26c: {  	v3 =	vld [tilespmem:s22+$0x7D10];
	[tilespmem:s20+$0xAF00] =	vst v2;
	v1 =	vmov v9  }
0x26d: {  	v2 =	vld [tilespmem:s22+$0x9600];
	[tilespmem:s20+$0xAF10] =	vst v4;
	v0 =	vmov v7;
	s20 =	smov.u32 s22  }
0x26e: {  	v8 =	vadd.f32 v10, v1;
	v4 =	vld [tilespmem:s20+$0x9610]  }
0x26f: {  	s21 =	sadd.s32 $0x80, s21;
	v7 =	vadd.f32 v11, v0;
	v5 =	vld [tilespmem:s20+$0xAF00]  }
0x270: {  	[tilespmem:s20+$0x6400] =	vst v8;
	v6 =	vadd.f32 v6, v1;
	v8 =	vld [tilespmem:s20+$0xAF10]  }
0x271: {  	[tilespmem:s20+$0x6410] =	vst v7;
	v3 =	vadd.f32 v3, v0  }
0x272: {  	[tilespmem:s20+$0x7D00] =	vst v6;
	v2 =	vadd.f32 v2, v1  }
0x273: {  	[tilespmem:s20+$0x7D10] =	vst v3;
	v3 =	vadd.f32 v4, v0  }
0x274: {  	[tilespmem:s20+$0x9600] =	vst v2;
	v1 =	vadd.f32 v5, v1  }
0x275: {  	[tilespmem:s20+$0x9610] =	vst v3;
	v0 =	vadd.f32 v8, v0  }
0x276: {  	[tilespmem:s20+$0xAF00] =	vst v1  }
0x277: {  	s22 =	simm.s32 $0x0;
	s21 =	rddreg [dreg:$0x13];
	[tilespmem:s20+$0xAF10] =	vst v0  }
0x278: {  	[hbm4b:s21+s22] =	stream.linear.scatter [tilespmem:s13], [sflag:$0x3], $0x6400, $0x38;
	[tilespmem:$0x14500] =	vst v63  }
0x279: {  	_ =	swait.ge [sflag:s16], $0x6400  }
0x27a: {  	[sflag:s16] =	ssyncset.done $0x0  }
0x27b: {  	s22 =	simm.s32 $0x3840;
	[sflag:s16] =	ssyncadd.s32 $0xFFFF9C00  }
0x27c: {  	[tilespmem:s13], [sflag:$0x1] =	stream.indirect.gather [hbm4b:s3+s12], $0x20, s22, s12, $0xb8;
	[tilespmem:$0x14500] =	vst v63  }
0x27d: {  	_ =	swait.ge [sflag:s17], $0x6400  }
0x27e: {  	[sflag:s17] =	ssyncset.done $0x0  }
0x27f: {  	s20 =	simm.s32 $0x0;
	[sflag:s17] =	ssyncadd.s32 $0xFFFF9C00  }
0x280: {  	v1 =	vld [tilespmem:s20+$0x12C00]  }
0x281: {  	v0 =	vld [tilespmem:s20+$0x12C10]  }
0x282: {  	v5 =	vld [tilespmem:s20+$0xC800]  }
0x283: {  	v7 =	vld [tilespmem:s20+$0xC810]  }
0x284: {  	v6 =	vld [tilespmem:s20+$0xE100]  }
0x285: {  	v3 =	vld [tilespmem:s20+$0xE110]  }
0x286: {  	v2 =	vld [tilespmem:s20+$0xFA00]  }
0x287: {  	v4 =	vld [tilespmem:s20+$0xFA10];
	v8 =	vadd.f32 v5, v1  }
0x288: {  	s21 =	simm.s32 $0x80;
	v7 =	vadd.f32 v7, v0;
	v5 =	vld [tilespmem:s20+$0x11300]  }
.LBB2_36:
0x289: {  	s22 =	sshra.s32 s21, $0x2;
	p0 =	sne.s32 s21, $0x6380;
	[tilespmem:s20+$0xC800] =	vst v8;
	v6 =	vadd.f32 v6, v1;
	v8 =	vld [tilespmem:s20+$0x11310]  }
0x28a: {  	v9 =	vld [tilespmem:s22+$0x12C00];
	[tilespmem:s20+$0xC810] =	vst v7;
	v3 =	vadd.f32 v3, v0  }
0x28b: {  	v7 =	vld [tilespmem:s22+$0x12C10];
	[tilespmem:s20+$0xE100] =	vst v6;
	v2 =	vadd.f32 v2, v1  }
0x28c: {  	v10 =	vld [tilespmem:s22+$0xC800];
	[tilespmem:s20+$0xE110] =	vst v3;
	v3 =	vadd.f32 v4, v0  }
0x28d: {  	v11 =	vld [tilespmem:s22+$0xC810];
	[tilespmem:s20+$0xFA00] =	vst v2;
	v2 =	vadd.f32 v5, v1  }
.Ltmp17:
0x28e: {  	v6 =	vld [tilespmem:s22+$0xE100];
	[tilespmem:s20+$0xFA10] =	vst v3;
	v4 =	vadd.f32 v8, v0;
	(pc) =	sbr.rel @p0 .LBB2_36-.Ltmp17, $4  }
0x28f: {  	v3 =	vld [tilespmem:s22+$0xE110];
	[tilespmem:s20+$0x11300] =	vst v2;
	v1 =	vmov v9  }
0x290: {  	v2 =	vld [tilespmem:s22+$0xFA00];
	[tilespmem:s20+$0x11310] =	vst v4;
	v0 =	vmov v7;
	s20 =	smov.u32 s22  }
0x291: {  	v8 =	vadd.f32 v10, v1;
	v4 =	vld [tilespmem:s20+$0xFA10]  }
0x292: {  	s21 =	sadd.s32 $0x80, s21;
	v7 =	vadd.f32 v11, v0;
	v5 =	vld [tilespmem:s20+$0x11300]  }
0x293: {  	[tilespmem:s20+$0xC800] =	vst v8;
	v6 =	vadd.f32 v6, v1;
	v8 =	vld [tilespmem:s20+$0x11310]  }
0x294: {  	[tilespmem:s20+$0xC810] =	vst v7;
	v3 =	vadd.f32 v3, v0  }
0x295: {  	[tilespmem:s20+$0xE100] =	vst v6;
	v2 =	vadd.f32 v2, v1  }
0x296: {  	[tilespmem:s20+$0xE110] =	vst v3;
	v3 =	vadd.f32 v4, v0  }
0x297: {  	[tilespmem:s20+$0xFA00] =	vst v2;
	v1 =	vadd.f32 v5, v1  }
0x298: {  	[tilespmem:s20+$0xFA10] =	vst v3;
	v0 =	vadd.f32 v8, v0  }
0x299: {  	[tilespmem:s20+$0x11300] =	vst v1  }
0x29a: {  	s22 =	simm.s32 $0x0;
	s21 =	rddreg [dreg:$0x14];
	[tilespmem:s20+$0x11310] =	vst v0  }
0x29b: {  	[hbm4b:s21+s22] =	stream.linear.scatter [tilespmem:s14], [sflag:$0x4], $0x6400, $0x38;
	[tilespmem:$0x14500] =	vst v63  }
0x29c: {  	_ =	swait.ge [sflag:s18], $0x6400  }
0x29d: {  	[sflag:s18] =	ssyncset.done $0x0  }
0x29e: {  	s22 =	simm.s32 $0x3B60;
	[sflag:s18] =	ssyncadd.s32 $0xFFFF9C00  }
0x29f: {  	[tilespmem:s14], [sflag:$0x2] =	stream.indirect.gather [hbm4b:s3+s12], $0x20, s22, s12, $0xb8;
	[tilespmem:$0x14500] =	vst v63  }
0x2a0: {  	_ =	swait.ge [sflag:s15], $0x6400  }
0x2a1: {  	[sflag:s15] =	ssyncset.done $0x0  }
0x2a2: {  	s20 =	simm.s32 $0x0;
	[sflag:s15] =	ssyncadd.s32 $0xFFFF9C00  }
0x2a3: {  	v1 =	vld [tilespmem:s20+$0x12C00]  }
0x2a4: {  	v0 =	vld [tilespmem:s20+$0x12C10]  }
0x2a5: {  	v5 =	vld [tilespmem:s20+$0x6400]  }
0x2a6: {  	v7 =	vld [tilespmem:s20+$0x6410]  }
0x2a7: {  	v6 =	vld [tilespmem:s20+$0x7D00]  }
0x2a8: {  	v3 =	vld [tilespmem:s20+$0x7D10]  }
0x2a9: {  	v2 =	vld [tilespmem:s20+$0x9600]  }
0x2aa: {  	v4 =	vld [tilespmem:s20+$0x9610];
	v8 =	vadd.f32 v5, v1  }
0x2ab: {  	s21 =	simm.s32 $0x80;
	v7 =	vadd.f32 v7, v0;
	v5 =	vld [tilespmem:s20+$0xAF00]  }
.LBB2_38:
0x2ac: {  	s22 =	sshra.s32 s21, $0x2;
	p0 =	sne.s32 s21, $0x6380;
	[tilespmem:s20+$0x6400] =	vst v8;
	v6 =	vadd.f32 v6, v1;
	v8 =	vld [tilespmem:s20+$0xAF10]  }
0x2ad: {  	v9 =	vld [tilespmem:s22+$0x12C00];
	[tilespmem:s20+$0x6410] =	vst v7;
	v3 =	vadd.f32 v3, v0  }
0x2ae: {  	v7 =	vld [tilespmem:s22+$0x12C10];
	[tilespmem:s20+$0x7D00] =	vst v6;
	v2 =	vadd.f32 v2, v1  }
0x2af: {  	v10 =	vld [tilespmem:s22+$0x6400];
	[tilespmem:s20+$0x7D10] =	vst v3;
	v3 =	vadd.f32 v4, v0  }
0x2b0: {  	v11 =	vld [tilespmem:s22+$0x6410];
	[tilespmem:s20+$0x9600] =	vst v2;
	v2 =	vadd.f32 v5, v1  }
.Ltmp18:
0x2b1: {  	v6 =	vld [tilespmem:s22+$0x7D00];
	[tilespmem:s20+$0x9610] =	vst v3;
	v4 =	vadd.f32 v8, v0;
	(pc) =	sbr.rel @p0 .LBB2_38-.Ltmp18, $4  }
0x2b2: {  	v3 =	vld [tilespmem:s22+$0x7D10];
	[tilespmem:s20+$0xAF00] =	vst v2;
	v1 =	vmov v9  }
0x2b3: {  	v2 =	vld [tilespmem:s22+$0x9600];
	[tilespmem:s20+$0xAF10] =	vst v4;
	v0 =	vmov v7;
	s20 =	smov.u32 s22  }
0x2b4: {  	v8 =	vadd.f32 v10, v1;
	v4 =	vld [tilespmem:s20+$0x9610]  }
0x2b5: {  	s21 =	sadd.s32 $0x80, s21;
	v7 =	vadd.f32 v11, v0;
	v5 =	vld [tilespmem:s20+$0xAF00]  }
0x2b6: {  	[tilespmem:s20+$0x6400] =	vst v8;
	v6 =	vadd.f32 v6, v1;
	v8 =	vld [tilespmem:s20+$0xAF10]  }
0x2b7: {  	[tilespmem:s20+$0x6410] =	vst v7;
	v3 =	vadd.f32 v3, v0  }
0x2b8: {  	[tilespmem:s20+$0x7D00] =	vst v6;
	v2 =	vadd.f32 v2, v1  }
0x2b9: {  	[tilespmem:s20+$0x7D10] =	vst v3;
	v3 =	vadd.f32 v4, v0  }
0x2ba: {  	[tilespmem:s20+$0x9600] =	vst v2;
	v1 =	vadd.f32 v5, v1  }
0x2bb: {  	[tilespmem:s20+$0x9610] =	vst v3;
	v0 =	vadd.f32 v8, v0  }
0x2bc: {  	[tilespmem:s20+$0xAF00] =	vst v1  }
0x2bd: {  	s21 =	simm.s32 $0x0;
	[tilespmem:s20+$0xAF10] =	vst v0  }
0x2be: {  	[hbm4b:s23+s21] =	stream.linear.scatter [tilespmem:s13], [sflag:$0x3], $0x6400, $0x38;
	[tilespmem:$0x14500] =	vst v63  }
0x2bf: {  	_ =	swait.ge [sflag:s16], $0x6400  }
0x2c0: {  	[sflag:s16] =	ssyncset.done $0x0  }
0x2c1: {  	s22 =	simm.s32 $0x3E80;
	[sflag:s16] =	ssyncadd.s32 $0xFFFF9C00  }
0x2c2: {  	[tilespmem:s13], [sflag:$0x1] =	stream.indirect.gather [hbm4b:s3+s12], $0x20, s22, s12, $0xb8;
	[tilespmem:$0x14500] =	vst v63  }
0x2c3: {  	_ =	swait.ge [sflag:s17], $0x6400  }
0x2c4: {  	[sflag:s17] =	ssyncset.done $0x0  }
0x2c5: {  	s20 =	simm.s32 $0x0;
	[sflag:s17] =	ssyncadd.s32 $0xFFFF9C00  }
0x2c6: {  	v1 =	vld [tilespmem:s20+$0x12C00]  }
0x2c7: {  	v0 =	vld [tilespmem:s20+$0x12C10]  }
0x2c8: {  	v5 =	vld [tilespmem:s20+$0xC800]  }
0x2c9: {  	v7 =	vld [tilespmem:s20+$0xC810]  }
0x2ca: {  	v6 =	vld [tilespmem:s20+$0xE100]  }
0x2cb: {  	v3 =	vld [tilespmem:s20+$0xE110]  }
0x2cc: {  	v2 =	vld [tilespmem:s20+$0xFA00]  }
0x2cd: {  	v4 =	vld [tilespmem:s20+$0xFA10];
	v8 =	vadd.f32 v5, v1  }
0x2ce: {  	s21 =	simm.s32 $0x80;
	v7 =	vadd.f32 v7, v0;
	v5 =	vld [tilespmem:s20+$0x11300]  }
.LBB2_40:
0x2cf: {  	s22 =	sshra.s32 s21, $0x2;
	p0 =	sne.s32 s21, $0x6380;
	[tilespmem:s20+$0xC800] =	vst v8;
	v6 =	vadd.f32 v6, v1;
	v8 =	vld [tilespmem:s20+$0x11310]  }
0x2d0: {  	v9 =	vld [tilespmem:s22+$0x12C00];
	[tilespmem:s20+$0xC810] =	vst v7;
	v3 =	vadd.f32 v3, v0  }
0x2d1: {  	v7 =	vld [tilespmem:s22+$0x12C10];
	[tilespmem:s20+$0xE100] =	vst v6;
	v2 =	vadd.f32 v2, v1  }
0x2d2: {  	v10 =	vld [tilespmem:s22+$0xC800];
	[tilespmem:s20+$0xE110] =	vst v3;
	v3 =	vadd.f32 v4, v0  }
0x2d3: {  	v11 =	vld [tilespmem:s22+$0xC810];
	[tilespmem:s20+$0xFA00] =	vst v2;
	v2 =	vadd.f32 v5, v1  }
.Ltmp19:
0x2d4: {  	v6 =	vld [tilespmem:s22+$0xE100];
	[tilespmem:s20+$0xFA10] =	vst v3;
	v4 =	vadd.f32 v8, v0;
	(pc) =	sbr.rel @p0 .LBB2_40-.Ltmp19, $4  }
0x2d5: {  	v3 =	vld [tilespmem:s22+$0xE110];
	[tilespmem:s20+$0x11300] =	vst v2;
	v1 =	vmov v9  }
0x2d6: {  	v2 =	vld [tilespmem:s22+$0xFA00];
	[tilespmem:s20+$0x11310] =	vst v4;
	v0 =	vmov v7;
	s20 =	smov.u32 s22  }
0x2d7: {  	v8 =	vadd.f32 v10, v1;
	v4 =	vld [tilespmem:s20+$0xFA10]  }
0x2d8: {  	s21 =	sadd.s32 $0x80, s21;
	v7 =	vadd.f32 v11, v0;
	v5 =	vld [tilespmem:s20+$0x11300]  }
0x2d9: {  	[tilespmem:s20+$0xC800] =	vst v8;
	v6 =	vadd.f32 v6, v1;
	v8 =	vld [tilespmem:s20+$0x11310]  }
0x2da: {  	[tilespmem:s20+$0xC810] =	vst v7;
	v3 =	vadd.f32 v3, v0  }
0x2db: {  	[tilespmem:s20+$0xE100] =	vst v6;
	v2 =	vadd.f32 v2, v1  }
0x2dc: {  	[tilespmem:s20+$0xE110] =	vst v3;
	v3 =	vadd.f32 v4, v0  }
0x2dd: {  	[tilespmem:s20+$0xFA00] =	vst v2;
	v1 =	vadd.f32 v5, v1  }
0x2de: {  	[tilespmem:s20+$0xFA10] =	vst v3;
	v0 =	vadd.f32 v8, v0  }
0x2df: {  	[tilespmem:s20+$0x11300] =	vst v1  }
0x2e0: {  	s21 =	simm.s32 $0x0;
	[tilespmem:s20+$0x11310] =	vst v0  }
0x2e1: {  	[hbm4b:s24+s21] =	stream.linear.scatter [tilespmem:s14], [sflag:$0x4], $0x6400, $0x38;
	[tilespmem:$0x14500] =	vst v63  }
0x2e2: {  	_ =	swait.ge [sflag:s18], $0x6400  }
0x2e3: {  	[sflag:s18] =	ssyncset.done $0x0  }
0x2e4: {  	s22 =	simm.s32 $0x41A0;
	[sflag:s18] =	ssyncadd.s32 $0xFFFF9C00  }
0x2e5: {  	[tilespmem:s14], [sflag:$0x2] =	stream.indirect.gather [hbm4b:s3+s12], $0x20, s22, s12, $0xb8;
	[tilespmem:$0x14500] =	vst v63  }
0x2e6: {  	_ =	swait.ge [sflag:s15], $0x6400  }
0x2e7: {  	[sflag:s15] =	ssyncset.done $0x0  }
0x2e8: {  	s20 =	simm.s32 $0x0;
	[sflag:s15] =	ssyncadd.s32 $0xFFFF9C00  }
0x2e9: {  	v1 =	vld [tilespmem:s20+$0x12C00]  }
0x2ea: {  	v0 =	vld [tilespmem:s20+$0x12C10]  }
0x2eb: {  	v5 =	vld [tilespmem:s20+$0x6400]  }
0x2ec: {  	v7 =	vld [tilespmem:s20+$0x6410]  }
0x2ed: {  	v6 =	vld [tilespmem:s20+$0x7D00]  }
0x2ee: {  	v3 =	vld [tilespmem:s20+$0x7D10]  }
0x2ef: {  	v2 =	vld [tilespmem:s20+$0x9600]  }
0x2f0: {  	v4 =	vld [tilespmem:s20+$0x9610];
	v8 =	vadd.f32 v5, v1  }
0x2f1: {  	s21 =	simm.s32 $0x80;
	v7 =	vadd.f32 v7, v0;
	v5 =	vld [tilespmem:s20+$0xAF00]  }
.LBB2_42:
0x2f2: {  	s22 =	sshra.s32 s21, $0x2;
	p0 =	sne.s32 s21, $0x6380;
	[tilespmem:s20+$0x6400] =	vst v8;
	v6 =	vadd.f32 v6, v1;
	v8 =	vld [tilespmem:s20+$0xAF10]  }
0x2f3: {  	v9 =	vld [tilespmem:s22+$0x12C00];
	[tilespmem:s20+$0x6410] =	vst v7;
	v3 =	vadd.f32 v3, v0  }
0x2f4: {  	v7 =	vld [tilespmem:s22+$0x12C10];
	[tilespmem:s20+$0x7D00] =	vst v6;
	v2 =	vadd.f32 v2, v1  }
0x2f5: {  	v10 =	vld [tilespmem:s22+$0x6400];
	[tilespmem:s20+$0x7D10] =	vst v3;
	v3 =	vadd.f32 v4, v0  }
0x2f6: {  	v11 =	vld [tilespmem:s22+$0x6410];
	[tilespmem:s20+$0x9600] =	vst v2;
	v2 =	vadd.f32 v5, v1  }
.Ltmp20:
0x2f7: {  	v6 =	vld [tilespmem:s22+$0x7D00];
	[tilespmem:s20+$0x9610] =	vst v3;
	v4 =	vadd.f32 v8, v0;
	(pc) =	sbr.rel @p0 .LBB2_42-.Ltmp20, $4  }
0x2f8: {  	v3 =	vld [tilespmem:s22+$0x7D10];
	[tilespmem:s20+$0xAF00] =	vst v2;
	v1 =	vmov v9  }
0x2f9: {  	v2 =	vld [tilespmem:s22+$0x9600];
	[tilespmem:s20+$0xAF10] =	vst v4;
	v0 =	vmov v7;
	s20 =	smov.u32 s22  }
0x2fa: {  	v8 =	vadd.f32 v10, v1;
	v4 =	vld [tilespmem:s20+$0x9610]  }
0x2fb: {  	s21 =	sadd.s32 $0x80, s21;
	v7 =	vadd.f32 v11, v0;
	v5 =	vld [tilespmem:s20+$0xAF00]  }
0x2fc: {  	[tilespmem:s20+$0x6400] =	vst v8;
	v6 =	vadd.f32 v6, v1;
	v8 =	vld [tilespmem:s20+$0xAF10]  }
0x2fd: {  	[tilespmem:s20+$0x6410] =	vst v7;
	v3 =	vadd.f32 v3, v0  }
0x2fe: {  	[tilespmem:s20+$0x7D00] =	vst v6;
	v2 =	vadd.f32 v2, v1  }
0x2ff: {  	[tilespmem:s20+$0x7D10] =	vst v3;
	v3 =	vadd.f32 v4, v0  }
0x300: {  	[tilespmem:s20+$0x9600] =	vst v2;
	v1 =	vadd.f32 v5, v1  }
0x301: {  	[tilespmem:s20+$0x9610] =	vst v3;
	v0 =	vadd.f32 v8, v0  }
0x302: {  	[tilespmem:s20+$0xAF00] =	vst v1  }
0x303: {  	s21 =	simm.s32 $0x0;
	[tilespmem:s20+$0xAF10] =	vst v0  }
0x304: {  	[hbm4b:s25+s21] =	stream.linear.scatter [tilespmem:s13], [sflag:$0x3], $0x6400, $0x38;
	[tilespmem:$0x14500] =	vst v63  }
0x305: {  	_ =	swait.ge [sflag:s16], $0x6400  }
0x306: {  	[sflag:s16] =	ssyncset.done $0x0  }
0x307: {  	s22 =	simm.s32 $0x44C0;
	[sflag:s16] =	ssyncadd.s32 $0xFFFF9C00  }
0x308: {  	[tilespmem:s13], [sflag:$0x1] =	stream.indirect.gather [hbm4b:s3+s12], $0x20, s22, s12, $0xb8;
	[tilespmem:$0x14500] =	vst v63  }
0x309: {  	_ =	swait.ge [sflag:s17], $0x6400  }
0x30a: {  	[sflag:s17] =	ssyncset.done $0x0  }
0x30b: {  	s20 =	simm.s32 $0x0;
	[sflag:s17] =	ssyncadd.s32 $0xFFFF9C00  }
0x30c: {  	v1 =	vld [tilespmem:s20+$0x12C00]  }
0x30d: {  	v0 =	vld [tilespmem:s20+$0x12C10]  }
0x30e: {  	v5 =	vld [tilespmem:s20+$0xC800]  }
0x30f: {  	v7 =	vld [tilespmem:s20+$0xC810]  }
0x310: {  	v6 =	vld [tilespmem:s20+$0xE100]  }
0x311: {  	v3 =	vld [tilespmem:s20+$0xE110]  }
0x312: {  	v2 =	vld [tilespmem:s20+$0xFA00]  }
0x313: {  	v4 =	vld [tilespmem:s20+$0xFA10];
	v8 =	vadd.f32 v5, v1  }
0x314: {  	s21 =	simm.s32 $0x80;
	v7 =	vadd.f32 v7, v0;
	v5 =	vld [tilespmem:s20+$0x11300]  }
.LBB2_44:
0x315: {  	s22 =	sshra.s32 s21, $0x2;
	p0 =	sne.s32 s21, $0x6380;
	[tilespmem:s20+$0xC800] =	vst v8;
	v6 =	vadd.f32 v6, v1;
	v8 =	vld [tilespmem:s20+$0x11310]  }
0x316: {  	v9 =	vld [tilespmem:s22+$0x12C00];
	[tilespmem:s20+$0xC810] =	vst v7;
	v3 =	vadd.f32 v3, v0  }
0x317: {  	v7 =	vld [tilespmem:s22+$0x12C10];
	[tilespmem:s20+$0xE100] =	vst v6;
	v2 =	vadd.f32 v2, v1  }
0x318: {  	v10 =	vld [tilespmem:s22+$0xC800];
	[tilespmem:s20+$0xE110] =	vst v3;
	v3 =	vadd.f32 v4, v0  }
0x319: {  	v11 =	vld [tilespmem:s22+$0xC810];
	[tilespmem:s20+$0xFA00] =	vst v2;
	v2 =	vadd.f32 v5, v1  }
.Ltmp21:
0x31a: {  	v6 =	vld [tilespmem:s22+$0xE100];
	[tilespmem:s20+$0xFA10] =	vst v3;
	v4 =	vadd.f32 v8, v0;
	(pc) =	sbr.rel @p0 .LBB2_44-.Ltmp21, $4  }
0x31b: {  	v3 =	vld [tilespmem:s22+$0xE110];
	[tilespmem:s20+$0x11300] =	vst v2;
	v1 =	vmov v9  }
0x31c: {  	v2 =	vld [tilespmem:s22+$0xFA00];
	[tilespmem:s20+$0x11310] =	vst v4;
	v0 =	vmov v7;
	s20 =	smov.u32 s22  }
0x31d: {  	v8 =	vadd.f32 v10, v1;
	v4 =	vld [tilespmem:s20+$0xFA10]  }
0x31e: {  	s21 =	sadd.s32 $0x80, s21;
	v7 =	vadd.f32 v11, v0;
	v5 =	vld [tilespmem:s20+$0x11300]  }
0x31f: {  	[tilespmem:s20+$0xC800] =	vst v8;
	v6 =	vadd.f32 v6, v1;
	v8 =	vld [tilespmem:s20+$0x11310]  }
0x320: {  	[tilespmem:s20+$0xC810] =	vst v7;
	v3 =	vadd.f32 v3, v0  }
0x321: {  	[tilespmem:s20+$0xE100] =	vst v6;
	v2 =	vadd.f32 v2, v1  }
0x322: {  	[tilespmem:s20+$0xE110] =	vst v3;
	v3 =	vadd.f32 v4, v0  }
0x323: {  	[tilespmem:s20+$0xFA00] =	vst v2;
	v1 =	vadd.f32 v5, v1  }
0x324: {  	[tilespmem:s20+$0xFA10] =	vst v3;
	v0 =	vadd.f32 v8, v0  }
0x325: {  	[tilespmem:s20+$0x11300] =	vst v1  }
0x326: {  	s21 =	simm.s32 $0x0;
	[tilespmem:s20+$0x11310] =	vst v0  }
0x327: {  	[hbm4b:s26+s21] =	stream.linear.scatter [tilespmem:s14], [sflag:$0x4], $0x6400, $0x38;
	[tilespmem:$0x14500] =	vst v63  }
0x328: {  	_ =	swait.ge [sflag:s18], $0x6400  }
0x329: {  	[sflag:s18] =	ssyncset.done $0x0  }
0x32a: {  	s22 =	simm.s32 $0x47E0;
	[sflag:s18] =	ssyncadd.s32 $0xFFFF9C00  }
0x32b: {  	[tilespmem:s14], [sflag:$0x2] =	stream.indirect.gather [hbm4b:s3+s12], $0x20, s22, s12, $0xb8;
	[tilespmem:$0x14500] =	vst v63  }
0x32c: {  	_ =	swait.ge [sflag:s15], $0x6400  }
0x32d: {  	[sflag:s15] =	ssyncset.done $0x0  }
0x32e: {  	s20 =	simm.s32 $0x0;
	[sflag:s15] =	ssyncadd.s32 $0xFFFF9C00  }
0x32f: {  	v1 =	vld [tilespmem:s20+$0x12C00]  }
0x330: {  	v0 =	vld [tilespmem:s20+$0x12C10]  }
0x331: {  	v5 =	vld [tilespmem:s20+$0x6400]  }
0x332: {  	v7 =	vld [tilespmem:s20+$0x6410]  }
0x333: {  	v6 =	vld [tilespmem:s20+$0x7D00]  }
0x334: {  	v3 =	vld [tilespmem:s20+$0x7D10]  }
0x335: {  	v2 =	vld [tilespmem:s20+$0x9600]  }
0x336: {  	v4 =	vld [tilespmem:s20+$0x9610];
	v8 =	vadd.f32 v5, v1  }
0x337: {  	s21 =	simm.s32 $0x80;
	v7 =	vadd.f32 v7, v0;
	v5 =	vld [tilespmem:s20+$0xAF00]  }
.LBB2_46:
0x338: {  	s22 =	sshra.s32 s21, $0x2;
	p0 =	sne.s32 s21, $0x6380;
	[tilespmem:s20+$0x6400] =	vst v8;
	v6 =	vadd.f32 v6, v1;
	v8 =	vld [tilespmem:s20+$0xAF10]  }
0x339: {  	v9 =	vld [tilespmem:s22+$0x12C00];
	[tilespmem:s20+$0x6410] =	vst v7;
	v3 =	vadd.f32 v3, v0  }
0x33a: {  	v7 =	vld [tilespmem:s22+$0x12C10];
	[tilespmem:s20+$0x7D00] =	vst v6;
	v2 =	vadd.f32 v2, v1  }
0x33b: {  	v10 =	vld [tilespmem:s22+$0x6400];
	[tilespmem:s20+$0x7D10] =	vst v3;
	v3 =	vadd.f32 v4, v0  }
0x33c: {  	v11 =	vld [tilespmem:s22+$0x6410];
	[tilespmem:s20+$0x9600] =	vst v2;
	v2 =	vadd.f32 v5, v1  }
.Ltmp22:
0x33d: {  	v6 =	vld [tilespmem:s22+$0x7D00];
	[tilespmem:s20+$0x9610] =	vst v3;
	v4 =	vadd.f32 v8, v0;
	(pc) =	sbr.rel @p0 .LBB2_46-.Ltmp22, $4  }
0x33e: {  	v3 =	vld [tilespmem:s22+$0x7D10];
	[tilespmem:s20+$0xAF00] =	vst v2;
	v1 =	vmov v9  }
0x33f: {  	v2 =	vld [tilespmem:s22+$0x9600];
	[tilespmem:s20+$0xAF10] =	vst v4;
	v0 =	vmov v7;
	s20 =	smov.u32 s22  }
0x340: {  	v8 =	vadd.f32 v10, v1;
	v4 =	vld [tilespmem:s20+$0x9610]  }
0x341: {  	s21 =	sadd.s32 $0x80, s21;
	v7 =	vadd.f32 v11, v0;
	v5 =	vld [tilespmem:s20+$0xAF00]  }
0x342: {  	[tilespmem:s20+$0x6400] =	vst v8;
	v6 =	vadd.f32 v6, v1;
	v8 =	vld [tilespmem:s20+$0xAF10]  }
0x343: {  	[tilespmem:s20+$0x6410] =	vst v7;
	v3 =	vadd.f32 v3, v0  }
0x344: {  	[tilespmem:s20+$0x7D00] =	vst v6;
	v2 =	vadd.f32 v2, v1  }
0x345: {  	[tilespmem:s20+$0x7D10] =	vst v3;
	v3 =	vadd.f32 v4, v0  }
0x346: {  	[tilespmem:s20+$0x9600] =	vst v2;
	v1 =	vadd.f32 v5, v1  }
0x347: {  	[tilespmem:s20+$0x9610] =	vst v3;
	v0 =	vadd.f32 v8, v0  }
0x348: {  	[tilespmem:s20+$0xAF00] =	vst v1  }
0x349: {  	s21 =	simm.s32 $0x0;
	[tilespmem:s20+$0xAF10] =	vst v0  }
0x34a: {  	[hbm4b:s28+s21] =	stream.linear.scatter [tilespmem:s13], [sflag:$0x3], $0x6400, $0x38;
	[tilespmem:$0x14500] =	vst v63  }
0x34b: {  	_ =	swait.ge [sflag:s16], $0x6400  }
0x34c: {  	[sflag:s16] =	ssyncset.done $0x0  }
0x34d: {  	s22 =	simm.s32 $0x4B00;
	[sflag:s16] =	ssyncadd.s32 $0xFFFF9C00  }
0x34e: {  	[tilespmem:s13], [sflag:$0x1] =	stream.indirect.gather [hbm4b:s3+s12], $0x20, s22, s12, $0xb8;
	[tilespmem:$0x14500] =	vst v63  }
0x34f: {  	_ =	swait.ge [sflag:s17], $0x6400  }
0x350: {  	[sflag:s17] =	ssyncset.done $0x0  }
0x351: {  	s20 =	simm.s32 $0x0;
	[sflag:s17] =	ssyncadd.s32 $0xFFFF9C00  }
0x352: {  	v1 =	vld [tilespmem:s20+$0x12C00]  }
0x353: {  	v0 =	vld [tilespmem:s20+$0x12C10]  }
0x354: {  	v5 =	vld [tilespmem:s20+$0xC800]  }
0x355: {  	v7 =	vld [tilespmem:s20+$0xC810]  }
0x356: {  	v6 =	vld [tilespmem:s20+$0xE100]  }
0x357: {  	v3 =	vld [tilespmem:s20+$0xE110]  }
0x358: {  	v2 =	vld [tilespmem:s20+$0xFA00]  }
0x359: {  	v4 =	vld [tilespmem:s20+$0xFA10];
	v8 =	vadd.f32 v5, v1  }
0x35a: {  	s21 =	simm.s32 $0x80;
	v7 =	vadd.f32 v7, v0;
	v5 =	vld [tilespmem:s20+$0x11300]  }
.LBB2_48:
0x35b: {  	s22 =	sshra.s32 s21, $0x2;
	p0 =	sne.s32 s21, $0x6380;
	[tilespmem:s20+$0xC800] =	vst v8;
	v6 =	vadd.f32 v6, v1;
	v8 =	vld [tilespmem:s20+$0x11310]  }
0x35c: {  	v9 =	vld [tilespmem:s22+$0x12C00];
	[tilespmem:s20+$0xC810] =	vst v7;
	v3 =	vadd.f32 v3, v0  }
0x35d: {  	v7 =	vld [tilespmem:s22+$0x12C10];
	[tilespmem:s20+$0xE100] =	vst v6;
	v2 =	vadd.f32 v2, v1  }
0x35e: {  	v10 =	vld [tilespmem:s22+$0xC800];
	[tilespmem:s20+$0xE110] =	vst v3;
	v3 =	vadd.f32 v4, v0  }
0x35f: {  	v11 =	vld [tilespmem:s22+$0xC810];
	[tilespmem:s20+$0xFA00] =	vst v2;
	v2 =	vadd.f32 v5, v1  }
.Ltmp23:
0x360: {  	v6 =	vld [tilespmem:s22+$0xE100];
	[tilespmem:s20+$0xFA10] =	vst v3;
	v4 =	vadd.f32 v8, v0;
	(pc) =	sbr.rel @p0 .LBB2_48-.Ltmp23, $4  }
0x361: {  	v3 =	vld [tilespmem:s22+$0xE110];
	[tilespmem:s20+$0x11300] =	vst v2;
	v1 =	vmov v9  }
0x362: {  	v2 =	vld [tilespmem:s22+$0xFA00];
	[tilespmem:s20+$0x11310] =	vst v4;
	v0 =	vmov v7;
	s20 =	smov.u32 s22  }
0x363: {  	v8 =	vadd.f32 v10, v1;
	v4 =	vld [tilespmem:s20+$0xFA10]  }
0x364: {  	s21 =	sadd.s32 $0x80, s21;
	v7 =	vadd.f32 v11, v0;
	v5 =	vld [tilespmem:s20+$0x11300]  }
0x365: {  	[tilespmem:s20+$0xC800] =	vst v8;
	v6 =	vadd.f32 v6, v1;
	v8 =	vld [tilespmem:s20+$0x11310]  }
0x366: {  	[tilespmem:s20+$0xC810] =	vst v7;
	v3 =	vadd.f32 v3, v0  }
0x367: {  	[tilespmem:s20+$0xE100] =	vst v6;
	v2 =	vadd.f32 v2, v1  }
0x368: {  	[tilespmem:s20+$0xE110] =	vst v3;
	v3 =	vadd.f32 v4, v0  }
0x369: {  	[tilespmem:s20+$0xFA00] =	vst v2;
	v1 =	vadd.f32 v5, v1  }
0x36a: {  	[tilespmem:s20+$0xFA10] =	vst v3;
	v0 =	vadd.f32 v8, v0  }
0x36b: {  	[tilespmem:s20+$0x11300] =	vst v1  }
0x36c: {  	s21 =	simm.s32 $0x0;
	[tilespmem:s20+$0x11310] =	vst v0  }
0x36d: {  	[hbm4b:s29+s21] =	stream.linear.scatter [tilespmem:s14], [sflag:$0x4], $0x6400, $0x38;
	[tilespmem:$0x14500] =	vst v63  }
0x36e: {  	_ =	swait.ge [sflag:s18], $0x6400  }
0x36f: {  	[sflag:s18] =	ssyncset.done $0x0  }
0x370: {  	s22 =	simm.s32 $0x4E20;
	[sflag:s18] =	ssyncadd.s32 $0xFFFF9C00  }
0x371: {  	[tilespmem:s14], [sflag:$0x2] =	stream.indirect.gather [hbm4b:s3+s12], $0x20, s22, s12, $0xb8;
	[tilespmem:$0x14500] =	vst v63  }
0x372: {  	_ =	swait.ge [sflag:s15], $0x6400  }
0x373: {  	[sflag:s15] =	ssyncset.done $0x0  }
0x374: {  	s20 =	simm.s32 $0x0;
	[sflag:s15] =	ssyncadd.s32 $0xFFFF9C00  }
0x375: {  	v1 =	vld [tilespmem:s20+$0x12C00]  }
0x376: {  	v0 =	vld [tilespmem:s20+$0x12C10]  }
0x377: {  	v5 =	vld [tilespmem:s20+$0x6400]  }
0x378: {  	v7 =	vld [tilespmem:s20+$0x6410]  }
0x379: {  	v6 =	vld [tilespmem:s20+$0x7D00]  }
0x37a: {  	v3 =	vld [tilespmem:s20+$0x7D10]  }
0x37b: {  	v2 =	vld [tilespmem:s20+$0x9600]  }
0x37c: {  	v4 =	vld [tilespmem:s20+$0x9610];
	v8 =	vadd.f32 v5, v1  }
0x37d: {  	s21 =	simm.s32 $0x80;
	v7 =	vadd.f32 v7, v0;
	v5 =	vld [tilespmem:s20+$0xAF00]  }
.LBB2_50:
0x37e: {  	s22 =	sshra.s32 s21, $0x2;
	p0 =	sne.s32 s21, $0x6380;
	[tilespmem:s20+$0x6400] =	vst v8;
	v6 =	vadd.f32 v6, v1;
	v8 =	vld [tilespmem:s20+$0xAF10]  }
0x37f: {  	v9 =	vld [tilespmem:s22+$0x12C00];
	[tilespmem:s20+$0x6410] =	vst v7;
	v3 =	vadd.f32 v3, v0  }
0x380: {  	v7 =	vld [tilespmem:s22+$0x12C10];
	[tilespmem:s20+$0x7D00] =	vst v6;
	v2 =	vadd.f32 v2, v1  }
0x381: {  	v10 =	vld [tilespmem:s22+$0x6400];
	[tilespmem:s20+$0x7D10] =	vst v3;
	v3 =	vadd.f32 v4, v0  }
0x382: {  	v11 =	vld [tilespmem:s22+$0x6410];
	[tilespmem:s20+$0x9600] =	vst v2;
	v2 =	vadd.f32 v5, v1  }
.Ltmp24:
0x383: {  	v6 =	vld [tilespmem:s22+$0x7D00];
	[tilespmem:s20+$0x9610] =	vst v3;
	v4 =	vadd.f32 v8, v0;
	(pc) =	sbr.rel @p0 .LBB2_50-.Ltmp24, $4  }
0x384: {  	v3 =	vld [tilespmem:s22+$0x7D10];
	[tilespmem:s20+$0xAF00] =	vst v2;
	v1 =	vmov v9  }
0x385: {  	v2 =	vld [tilespmem:s22+$0x9600];
	[tilespmem:s20+$0xAF10] =	vst v4;
	v0 =	vmov v7;
	s20 =	smov.u32 s22  }
0x386: {  	v8 =	vadd.f32 v10, v1;
	v4 =	vld [tilespmem:s20+$0x9610]  }
0x387: {  	s21 =	sadd.s32 $0x80, s21;
	v7 =	vadd.f32 v11, v0;
	v5 =	vld [tilespmem:s20+$0xAF00]  }
0x388: {  	[tilespmem:s20+$0x6400] =	vst v8;
	v6 =	vadd.f32 v6, v1;
	v8 =	vld [tilespmem:s20+$0xAF10]  }
0x389: {  	[tilespmem:s20+$0x6410] =	vst v7;
	v3 =	vadd.f32 v3, v0  }
0x38a: {  	[tilespmem:s20+$0x7D00] =	vst v6;
	v2 =	vadd.f32 v2, v1  }
0x38b: {  	[tilespmem:s20+$0x7D10] =	vst v3;
	v3 =	vadd.f32 v4, v0  }
0x38c: {  	[tilespmem:s20+$0x9600] =	vst v2;
	v1 =	vadd.f32 v5, v1  }
0x38d: {  	[tilespmem:s20+$0x9610] =	vst v3;
	v0 =	vadd.f32 v8, v0  }
0x38e: {  	[tilespmem:s20+$0xAF00] =	vst v1  }
0x38f: {  	s21 =	simm.s32 $0x0;
	[tilespmem:s20+$0xAF10] =	vst v0  }
0x390: {  	[hbm4b:s30+s21] =	stream.linear.scatter [tilespmem:s13], [sflag:$0x3], $0x6400, $0x38;
	[tilespmem:$0x14500] =	vst v63  }
0x391: {  	_ =	swait.ge [sflag:s16], $0x6400  }
0x392: {  	[sflag:s16] =	ssyncset.done $0x0  }
0x393: {  	s22 =	simm.s32 $0x5140;
	[sflag:s16] =	ssyncadd.s32 $0xFFFF9C00  }
0x394: {  	[tilespmem:s13], [sflag:$0x1] =	stream.indirect.gather [hbm4b:s3+s12], $0x20, s22, s12, $0xb8;
	[tilespmem:$0x14500] =	vst v63  }
0x395: {  	_ =	swait.ge [sflag:s17], $0x6400  }
0x396: {  	[sflag:s17] =	ssyncset.done $0x0  }
0x397: {  	s20 =	simm.s32 $0x0;
	[sflag:s17] =	ssyncadd.s32 $0xFFFF9C00  }
0x398: {  	v1 =	vld [tilespmem:s20+$0x12C00]  }
0x399: {  	v0 =	vld [tilespmem:s20+$0x12C10]  }
0x39a: {  	v5 =	vld [tilespmem:s20+$0xC800]  }
0x39b: {  	v7 =	vld [tilespmem:s20+$0xC810]  }
0x39c: {  	v6 =	vld [tilespmem:s20+$0xE100]  }
0x39d: {  	v3 =	vld [tilespmem:s20+$0xE110]  }
0x39e: {  	v2 =	vld [tilespmem:s20+$0xFA00]  }
0x39f: {  	v4 =	vld [tilespmem:s20+$0xFA10];
	v8 =	vadd.f32 v5, v1  }
0x3a0: {  	s21 =	simm.s32 $0x80;
	v7 =	vadd.f32 v7, v0;
	v5 =	vld [tilespmem:s20+$0x11300]  }
.LBB2_52:
0x3a1: {  	s22 =	sshra.s32 s21, $0x2;
	p0 =	sne.s32 s21, $0x6380;
	[tilespmem:s20+$0xC800] =	vst v8;
	v6 =	vadd.f32 v6, v1;
	v8 =	vld [tilespmem:s20+$0x11310]  }
0x3a2: {  	v9 =	vld [tilespmem:s22+$0x12C00];
	[tilespmem:s20+$0xC810] =	vst v7;
	v3 =	vadd.f32 v3, v0  }
0x3a3: {  	v7 =	vld [tilespmem:s22+$0x12C10];
	[tilespmem:s20+$0xE100] =	vst v6;
	v2 =	vadd.f32 v2, v1  }
0x3a4: {  	v10 =	vld [tilespmem:s22+$0xC800];
	[tilespmem:s20+$0xE110] =	vst v3;
	v3 =	vadd.f32 v4, v0  }
0x3a5: {  	v11 =	vld [tilespmem:s22+$0xC810];
	[tilespmem:s20+$0xFA00] =	vst v2;
	v2 =	vadd.f32 v5, v1  }
.Ltmp25:
0x3a6: {  	v6 =	vld [tilespmem:s22+$0xE100];
	[tilespmem:s20+$0xFA10] =	vst v3;
	v4 =	vadd.f32 v8, v0;
	(pc) =	sbr.rel @p0 .LBB2_52-.Ltmp25, $4  }
0x3a7: {  	v3 =	vld [tilespmem:s22+$0xE110];
	[tilespmem:s20+$0x11300] =	vst v2;
	v1 =	vmov v9  }
0x3a8: {  	v2 =	vld [tilespmem:s22+$0xFA00];
	[tilespmem:s20+$0x11310] =	vst v4;
	v0 =	vmov v7;
	s20 =	smov.u32 s22  }
0x3a9: {  	v8 =	vadd.f32 v10, v1;
	v4 =	vld [tilespmem:s20+$0xFA10]  }
0x3aa: {  	s21 =	sadd.s32 $0x80, s21;
	v7 =	vadd.f32 v11, v0;
	v5 =	vld [tilespmem:s20+$0x11300]  }
0x3ab: {  	[tilespmem:s20+$0xC800] =	vst v8;
	v6 =	vadd.f32 v6, v1;
	v8 =	vld [tilespmem:s20+$0x11310]  }
0x3ac: {  	[tilespmem:s20+$0xC810] =	vst v7;
	v3 =	vadd.f32 v3, v0  }
0x3ad: {  	[tilespmem:s20+$0xE100] =	vst v6;
	v2 =	vadd.f32 v2, v1  }
0x3ae: {  	[tilespmem:s20+$0xE110] =	vst v3;
	v3 =	vadd.f32 v4, v0  }
0x3af: {  	[tilespmem:s20+$0xFA00] =	vst v2;
	v1 =	vadd.f32 v5, v1  }
0x3b0: {  	[tilespmem:s20+$0xFA10] =	vst v3;
	v0 =	vadd.f32 v8, v0  }
0x3b1: {  	[tilespmem:s20+$0x11300] =	vst v1  }
0x3b2: {  	s21 =	simm.s32 $0x0;
	[tilespmem:s20+$0x11310] =	vst v0  }
0x3b3: {  	[hbm4b:s31+s21] =	stream.linear.scatter [tilespmem:s14], [sflag:$0x4], $0x6400, $0x38;
	[tilespmem:$0x14500] =	vst v63  }
0x3b4: {  	_ =	swait.ge [sflag:s18], $0x6400  }
0x3b5: {  	[sflag:s18] =	ssyncset.done $0x0  }
0x3b6: {  	s22 =	simm.s32 $0x5460;
	[sflag:s18] =	ssyncadd.s32 $0xFFFF9C00  }
0x3b7: {  	[tilespmem:s14], [sflag:$0x2] =	stream.indirect.gather [hbm4b:s3+s12], $0x20, s22, s12, $0xb8;
	[tilespmem:$0x14500] =	vst v63  }
0x3b8: {  	_ =	swait.ge [sflag:s15], $0x6400  }
0x3b9: {  	[sflag:s15] =	ssyncset.done $0x0  }
0x3ba: {  	s20 =	simm.s32 $0x0;
	[sflag:s15] =	ssyncadd.s32 $0xFFFF9C00  }
0x3bb: {  	v1 =	vld [tilespmem:s20+$0x12C00]  }
0x3bc: {  	v0 =	vld [tilespmem:s20+$0x12C10]  }
0x3bd: {  	v5 =	vld [tilespmem:s20+$0x6400]  }
0x3be: {  	v7 =	vld [tilespmem:s20+$0x6410]  }
0x3bf: {  	v6 =	vld [tilespmem:s20+$0x7D00]  }
0x3c0: {  	v3 =	vld [tilespmem:s20+$0x7D10]  }
0x3c1: {  	v2 =	vld [tilespmem:s20+$0x9600]  }
0x3c2: {  	v4 =	vld [tilespmem:s20+$0x9610];
	v8 =	vadd.f32 v5, v1  }
0x3c3: {  	s21 =	simm.s32 $0x80;
	v7 =	vadd.f32 v7, v0;
	v5 =	vld [tilespmem:s20+$0xAF00]  }
.LBB2_54:
0x3c4: {  	s22 =	sshra.s32 s21, $0x2;
	p0 =	sne.s32 s21, $0x6380;
	[tilespmem:s20+$0x6400] =	vst v8;
	v6 =	vadd.f32 v6, v1;
	v8 =	vld [tilespmem:s20+$0xAF10]  }
0x3c5: {  	v9 =	vld [tilespmem:s22+$0x12C00];
	[tilespmem:s20+$0x6410] =	vst v7;
	v3 =	vadd.f32 v3, v0  }
0x3c6: {  	v7 =	vld [tilespmem:s22+$0x12C10];
	[tilespmem:s20+$0x7D00] =	vst v6;
	v2 =	vadd.f32 v2, v1  }
0x3c7: {  	v10 =	vld [tilespmem:s22+$0x6400];
	[tilespmem:s20+$0x7D10] =	vst v3;
	v3 =	vadd.f32 v4, v0  }
0x3c8: {  	v11 =	vld [tilespmem:s22+$0x6410];
	[tilespmem:s20+$0x9600] =	vst v2;
	v2 =	vadd.f32 v5, v1  }
.Ltmp26:
0x3c9: {  	v6 =	vld [tilespmem:s22+$0x7D00];
	[tilespmem:s20+$0x9610] =	vst v3;
	v4 =	vadd.f32 v8, v0;
	(pc) =	sbr.rel @p0 .LBB2_54-.Ltmp26, $4  }
0x3ca: {  	v3 =	vld [tilespmem:s22+$0x7D10];
	[tilespmem:s20+$0xAF00] =	vst v2;
	v1 =	vmov v9  }
0x3cb: {  	v2 =	vld [tilespmem:s22+$0x9600];
	[tilespmem:s20+$0xAF10] =	vst v4;
	v0 =	vmov v7;
	s20 =	smov.u32 s22  }
0x3cc: {  	v8 =	vadd.f32 v10, v1;
	v4 =	vld [tilespmem:s20+$0x9610]  }
0x3cd: {  	s21 =	sadd.s32 $0x80, s21;
	v7 =	vadd.f32 v11, v0;
	v5 =	vld [tilespmem:s20+$0xAF00]  }
0x3ce: {  	[tilespmem:s20+$0x6400] =	vst v8;
	v6 =	vadd.f32 v6, v1;
	v8 =	vld [tilespmem:s20+$0xAF10]  }
0x3cf: {  	[tilespmem:s20+$0x6410] =	vst v7;
	v3 =	vadd.f32 v3, v0  }
0x3d0: {  	[tilespmem:s20+$0x7D00] =	vst v6;
	v2 =	vadd.f32 v2, v1  }
0x3d1: {  	[tilespmem:s20+$0x7D10] =	vst v3;
	v3 =	vadd.f32 v4, v0  }
0x3d2: {  	[tilespmem:s20+$0x9600] =	vst v2;
	v1 =	vadd.f32 v5, v1  }
0x3d3: {  	[tilespmem:s20+$0x9610] =	vst v3;
	v0 =	vadd.f32 v8, v0  }
0x3d4: {  	[tilespmem:s20+$0xAF00] =	vst v1  }
0x3d5: {  	s21 =	simm.s32 $0x0;
	[tilespmem:s20+$0xAF10] =	vst v0  }
0x3d6: {  	[hbm4b:s1+s21] =	stream.linear.scatter [tilespmem:s13], [sflag:$0x3], $0x6400, $0x38;
	[tilespmem:$0x14500] =	vst v63  }
0x3d7: {  	_ =	swait.ge [sflag:s16], $0x6400  }
0x3d8: {  	[sflag:s16] =	ssyncset.done $0x0  }
0x3d9: {  	s22 =	simm.s32 $0x5780;
	[sflag:s16] =	ssyncadd.s32 $0xFFFF9C00  }
0x3da: {  	[tilespmem:s13], [sflag:$0x1] =	stream.indirect.gather [hbm4b:s3+s12], $0x20, s22, s12, $0xb8;
	[tilespmem:$0x14500] =	vst v63  }
0x3db: {  	_ =	swait.ge [sflag:s17], $0x6400  }
0x3dc: {  	[sflag:s17] =	ssyncset.done $0x0  }
0x3dd: {  	s20 =	simm.s32 $0x0;
	[sflag:s17] =	ssyncadd.s32 $0xFFFF9C00  }
0x3de: {  	v1 =	vld [tilespmem:s20+$0x12C00]  }
0x3df: {  	v0 =	vld [tilespmem:s20+$0x12C10]  }
0x3e0: {  	v5 =	vld [tilespmem:s20+$0xC800]  }
0x3e1: {  	v7 =	vld [tilespmem:s20+$0xC810]  }
0x3e2: {  	v6 =	vld [tilespmem:s20+$0xE100]  }
0x3e3: {  	v3 =	vld [tilespmem:s20+$0xE110]  }
0x3e4: {  	v2 =	vld [tilespmem:s20+$0xFA00]  }
0x3e5: {  	v4 =	vld [tilespmem:s20+$0xFA10];
	v8 =	vadd.f32 v5, v1  }
0x3e6: {  	s21 =	simm.s32 $0x80;
	v7 =	vadd.f32 v7, v0;
	v5 =	vld [tilespmem:s20+$0x11300]  }
.LBB2_56:
0x3e7: {  	s22 =	sshra.s32 s21, $0x2;
	p0 =	sne.s32 s21, $0x6380;
	[tilespmem:s20+$0xC800] =	vst v8;
	v6 =	vadd.f32 v6, v1;
	v8 =	vld [tilespmem:s20+$0x11310]  }
0x3e8: {  	v9 =	vld [tilespmem:s22+$0x12C00];
	[tilespmem:s20+$0xC810] =	vst v7;
	v3 =	vadd.f32 v3, v0  }
0x3e9: {  	v7 =	vld [tilespmem:s22+$0x12C10];
	[tilespmem:s20+$0xE100] =	vst v6;
	v2 =	vadd.f32 v2, v1  }
0x3ea: {  	v10 =	vld [tilespmem:s22+$0xC800];
	[tilespmem:s20+$0xE110] =	vst v3;
	v3 =	vadd.f32 v4, v0  }
0x3eb: {  	v11 =	vld [tilespmem:s22+$0xC810];
	[tilespmem:s20+$0xFA00] =	vst v2;
	v2 =	vadd.f32 v5, v1  }
.Ltmp27:
0x3ec: {  	v6 =	vld [tilespmem:s22+$0xE100];
	[tilespmem:s20+$0xFA10] =	vst v3;
	v4 =	vadd.f32 v8, v0;
	(pc) =	sbr.rel @p0 .LBB2_56-.Ltmp27, $4  }
0x3ed: {  	v3 =	vld [tilespmem:s22+$0xE110];
	[tilespmem:s20+$0x11300] =	vst v2;
	v1 =	vmov v9  }
0x3ee: {  	v2 =	vld [tilespmem:s22+$0xFA00];
	[tilespmem:s20+$0x11310] =	vst v4;
	v0 =	vmov v7;
	s20 =	smov.u32 s22  }
0x3ef: {  	v8 =	vadd.f32 v10, v1;
	v4 =	vld [tilespmem:s20+$0xFA10]  }
0x3f0: {  	s21 =	sadd.s32 $0x80, s21;
	v7 =	vadd.f32 v11, v0;
	v5 =	vld [tilespmem:s20+$0x11300]  }
0x3f1: {  	[tilespmem:s20+$0xC800] =	vst v8;
	v6 =	vadd.f32 v6, v1;
	v8 =	vld [tilespmem:s20+$0x11310]  }
0x3f2: {  	[tilespmem:s20+$0xC810] =	vst v7;
	v3 =	vadd.f32 v3, v0  }
0x3f3: {  	[tilespmem:s20+$0xE100] =	vst v6;
	v2 =	vadd.f32 v2, v1  }
0x3f4: {  	[tilespmem:s20+$0xE110] =	vst v3;
	v3 =	vadd.f32 v4, v0  }
0x3f5: {  	[tilespmem:s20+$0xFA00] =	vst v2;
	v1 =	vadd.f32 v5, v1  }
0x3f6: {  	[tilespmem:s20+$0xFA10] =	vst v3;
	v0 =	vadd.f32 v8, v0  }
0x3f7: {  	[tilespmem:s20+$0x11300] =	vst v1  }
0x3f8: {  	s21 =	simm.s32 $0x0;
	[tilespmem:s20+$0x11310] =	vst v0  }
0x3f9: {  	[hbm4b:s0+s21] =	stream.linear.scatter [tilespmem:s14], [sflag:$0x4], $0x6400, $0x38;
	[tilespmem:$0x14500] =	vst v63  }
0x3fa: {  	_ =	swait.ge [sflag:s18], $0x6400  }
0x3fb: {  	[sflag:s18] =	ssyncset.done $0x0  }
0x3fc: {  	s22 =	simm.s32 $0x5AA0;
	[sflag:s18] =	ssyncadd.s32 $0xFFFF9C00  }
0x3fd: {  	[tilespmem:s14], [sflag:$0x2] =	stream.indirect.gather [hbm4b:s3+s12], $0x20, s22, s12, $0xb8;
	[tilespmem:$0x14500] =	vst v63  }
0x3fe: {  	_ =	swait.ge [sflag:s15], $0x6400  }
0x3ff: {  	[sflag:s15] =	ssyncset.done $0x0  }
0x400: {  	s20 =	simm.s32 $0x0;
	[sflag:s15] =	ssyncadd.s32 $0xFFFF9C00  }
0x401: {  	v1 =	vld [tilespmem:s20+$0x12C00]  }
0x402: {  	v0 =	vld [tilespmem:s20+$0x12C10]  }
0x403: {  	v5 =	vld [tilespmem:s20+$0x6400]  }
0x404: {  	v7 =	vld [tilespmem:s20+$0x6410]  }
0x405: {  	v6 =	vld [tilespmem:s20+$0x7D00]  }
0x406: {  	v3 =	vld [tilespmem:s20+$0x7D10]  }
0x407: {  	v2 =	vld [tilespmem:s20+$0x9600]  }
0x408: {  	v4 =	vld [tilespmem:s20+$0x9610];
	v8 =	vadd.f32 v5, v1  }
0x409: {  	s21 =	simm.s32 $0x80;
	v7 =	vadd.f32 v7, v0;
	v5 =	vld [tilespmem:s20+$0xAF00]  }
.LBB2_58:
0x40a: {  	s22 =	sshra.s32 s21, $0x2;
	p0 =	sne.s32 s21, $0x6380;
	[tilespmem:s20+$0x6400] =	vst v8;
	v6 =	vadd.f32 v6, v1;
	v8 =	vld [tilespmem:s20+$0xAF10]  }
0x40b: {  	v9 =	vld [tilespmem:s22+$0x12C00];
	[tilespmem:s20+$0x6410] =	vst v7;
	v3 =	vadd.f32 v3, v0  }
0x40c: {  	v7 =	vld [tilespmem:s22+$0x12C10];
	[tilespmem:s20+$0x7D00] =	vst v6;
	v2 =	vadd.f32 v2, v1  }
0x40d: {  	v10 =	vld [tilespmem:s22+$0x6400];
	[tilespmem:s20+$0x7D10] =	vst v3;
	v3 =	vadd.f32 v4, v0  }
0x40e: {  	v11 =	vld [tilespmem:s22+$0x6410];
	[tilespmem:s20+$0x9600] =	vst v2;
	v2 =	vadd.f32 v5, v1  }
.Ltmp28:
0x40f: {  	v6 =	vld [tilespmem:s22+$0x7D00];
	[tilespmem:s20+$0x9610] =	vst v3;
	v4 =	vadd.f32 v8, v0;
	(pc) =	sbr.rel @p0 .LBB2_58-.Ltmp28, $4  }
0x410: {  	v3 =	vld [tilespmem:s22+$0x7D10];
	[tilespmem:s20+$0xAF00] =	vst v2;
	v1 =	vmov v9  }
0x411: {  	v2 =	vld [tilespmem:s22+$0x9600];
	[tilespmem:s20+$0xAF10] =	vst v4;
	v0 =	vmov v7;
	s20 =	smov.u32 s22  }
0x412: {  	v8 =	vadd.f32 v10, v1;
	v4 =	vld [tilespmem:s20+$0x9610]  }
0x413: {  	s21 =	sadd.s32 $0x80, s21;
	v7 =	vadd.f32 v11, v0;
	v5 =	vld [tilespmem:s20+$0xAF00]  }
0x414: {  	[tilespmem:s20+$0x6400] =	vst v8;
	v6 =	vadd.f32 v6, v1;
	v8 =	vld [tilespmem:s20+$0xAF10]  }
0x415: {  	[tilespmem:s20+$0x6410] =	vst v7;
	v3 =	vadd.f32 v3, v0  }
0x416: {  	[tilespmem:s20+$0x7D00] =	vst v6;
	v2 =	vadd.f32 v2, v1  }
0x417: {  	[tilespmem:s20+$0x7D10] =	vst v3;
	v3 =	vadd.f32 v4, v0  }
0x418: {  	[tilespmem:s20+$0x9600] =	vst v2;
	v1 =	vadd.f32 v5, v1  }
0x419: {  	[tilespmem:s20+$0x9610] =	vst v3;
	v0 =	vadd.f32 v8, v0  }
0x41a: {  	[tilespmem:s20+$0xAF00] =	vst v1  }
0x41b: {  	s21 =	simm.s32 $0x0;
	[tilespmem:s20+$0xAF10] =	vst v0  }
0x41c: {  	[hbm4b:s4+s21] =	stream.linear.scatter [tilespmem:s13], [sflag:$0x3], $0x6400, $0x38;
	[tilespmem:$0x14500] =	vst v63  }
0x41d: {  	_ =	swait.ge [sflag:s16], $0x6400  }
0x41e: {  	[sflag:s16] =	ssyncset.done $0x0  }
0x41f: {  	s22 =	simm.s32 $0x5DC0;
	[sflag:s16] =	ssyncadd.s32 $0xFFFF9C00  }
0x420: {  	[tilespmem:s13], [sflag:$0x1] =	stream.indirect.gather [hbm4b:s3+s12], $0x20, s22, s12, $0xb8;
	[tilespmem:$0x14500] =	vst v63  }
0x421: {  	_ =	swait.ge [sflag:s17], $0x6400  }
0x422: {  	[sflag:s17] =	ssyncset.done $0x0  }
0x423: {  	s20 =	simm.s32 $0x0;
	[sflag:s17] =	ssyncadd.s32 $0xFFFF9C00  }
0x424: {  	v1 =	vld [tilespmem:s20+$0x12C00]  }
0x425: {  	v0 =	vld [tilespmem:s20+$0x12C10]  }
0x426: {  	v5 =	vld [tilespmem:s20+$0xC800]  }
0x427: {  	v7 =	vld [tilespmem:s20+$0xC810]  }
0x428: {  	v6 =	vld [tilespmem:s20+$0xE100]  }
0x429: {  	v3 =	vld [tilespmem:s20+$0xE110]  }
0x42a: {  	v2 =	vld [tilespmem:s20+$0xFA00]  }
0x42b: {  	v4 =	vld [tilespmem:s20+$0xFA10];
	v8 =	vadd.f32 v5, v1  }
0x42c: {  	s21 =	simm.s32 $0x80;
	v7 =	vadd.f32 v7, v0;
	v5 =	vld [tilespmem:s20+$0x11300]  }
.LBB2_60:
0x42d: {  	s22 =	sshra.s32 s21, $0x2;
	p0 =	sne.s32 s21, $0x6380;
	[tilespmem:s20+$0xC800] =	vst v8;
	v6 =	vadd.f32 v6, v1;
	v8 =	vld [tilespmem:s20+$0x11310]  }
0x42e: {  	v9 =	vld [tilespmem:s22+$0x12C00];
	[tilespmem:s20+$0xC810] =	vst v7;
	v3 =	vadd.f32 v3, v0  }
0x42f: {  	v7 =	vld [tilespmem:s22+$0x12C10];
	[tilespmem:s20+$0xE100] =	vst v6;
	v2 =	vadd.f32 v2, v1  }
0x430: {  	v10 =	vld [tilespmem:s22+$0xC800];
	[tilespmem:s20+$0xE110] =	vst v3;
	v3 =	vadd.f32 v4, v0  }
0x431: {  	v11 =	vld [tilespmem:s22+$0xC810];
	[tilespmem:s20+$0xFA00] =	vst v2;
	v2 =	vadd.f32 v5, v1  }
.Ltmp29:
0x432: {  	v6 =	vld [tilespmem:s22+$0xE100];
	[tilespmem:s20+$0xFA10] =	vst v3;
	v4 =	vadd.f32 v8, v0;
	(pc) =	sbr.rel @p0 .LBB2_60-.Ltmp29, $4  }
0x433: {  	v3 =	vld [tilespmem:s22+$0xE110];
	[tilespmem:s20+$0x11300] =	vst v2;
	v1 =	vmov v9  }
0x434: {  	v2 =	vld [tilespmem:s22+$0xFA00];
	[tilespmem:s20+$0x11310] =	vst v4;
	v0 =	vmov v7;
	s20 =	smov.u32 s22  }
0x435: {  	v8 =	vadd.f32 v10, v1;
	v4 =	vld [tilespmem:s20+$0xFA10]  }
0x436: {  	s21 =	sadd.s32 $0x80, s21;
	v7 =	vadd.f32 v11, v0;
	v5 =	vld [tilespmem:s20+$0x11300]  }
0x437: {  	[tilespmem:s20+$0xC800] =	vst v8;
	v6 =	vadd.f32 v6, v1;
	v8 =	vld [tilespmem:s20+$0x11310]  }
0x438: {  	[tilespmem:s20+$0xC810] =	vst v7;
	v3 =	vadd.f32 v3, v0  }
0x439: {  	[tilespmem:s20+$0xE100] =	vst v6;
	v2 =	vadd.f32 v2, v1  }
0x43a: {  	[tilespmem:s20+$0xE110] =	vst v3;
	v3 =	vadd.f32 v4, v0  }
0x43b: {  	[tilespmem:s20+$0xFA00] =	vst v2;
	v1 =	vadd.f32 v5, v1  }
0x43c: {  	[tilespmem:s20+$0xFA10] =	vst v3;
	v0 =	vadd.f32 v8, v0  }
0x43d: {  	[tilespmem:s20+$0x11300] =	vst v1  }
0x43e: {  	s21 =	simm.s32 $0x0;
	[tilespmem:s20+$0x11310] =	vst v0  }
0x43f: {  	[hbm4b:s5+s21] =	stream.linear.scatter [tilespmem:s14], [sflag:$0x4], $0x6400, $0x38;
	[tilespmem:$0x14500] =	vst v63  }
0x440: {  	_ =	swait.ge [sflag:s18], $0x6400  }
0x441: {  	[sflag:s18] =	ssyncset.done $0x0  }
0x442: {  	s22 =	simm.s32 $0x60E0;
	[sflag:s18] =	ssyncadd.s32 $0xFFFF9C00  }
0x443: {  	[tilespmem:s14], [sflag:$0x2] =	stream.indirect.gather [hbm4b:s3+s12], $0x20, s22, s12, $0xb8;
	[tilespmem:$0x14500] =	vst v63  }
0x444: {  	_ =	swait.ge [sflag:s15], $0x6400  }
0x445: {  	[sflag:s15] =	ssyncset.done $0x0  }
0x446: {  	s20 =	simm.s32 $0x0;
	[sflag:s15] =	ssyncadd.s32 $0xFFFF9C00  }
0x447: {  	v1 =	vld [tilespmem:s20+$0x12C00]  }
0x448: {  	v0 =	vld [tilespmem:s20+$0x12C10]  }
0x449: {  	v5 =	vld [tilespmem:s20+$0x6400]  }
0x44a: {  	v7 =	vld [tilespmem:s20+$0x6410]  }
0x44b: {  	v6 =	vld [tilespmem:s20+$0x7D00]  }
0x44c: {  	v3 =	vld [tilespmem:s20+$0x7D10]  }
0x44d: {  	v2 =	vld [tilespmem:s20+$0x9600]  }
0x44e: {  	v4 =	vld [tilespmem:s20+$0x9610];
	v8 =	vadd.f32 v5, v1  }
0x44f: {  	s21 =	simm.s32 $0x80;
	v7 =	vadd.f32 v7, v0;
	v5 =	vld [tilespmem:s20+$0xAF00]  }
.LBB2_62:
0x450: {  	s22 =	sshra.s32 s21, $0x2;
	p0 =	sne.s32 s21, $0x6380;
	[tilespmem:s20+$0x6400] =	vst v8;
	v6 =	vadd.f32 v6, v1;
	v8 =	vld [tilespmem:s20+$0xAF10]  }
0x451: {  	v9 =	vld [tilespmem:s22+$0x12C00];
	[tilespmem:s20+$0x6410] =	vst v7;
	v3 =	vadd.f32 v3, v0  }
0x452: {  	v7 =	vld [tilespmem:s22+$0x12C10];
	[tilespmem:s20+$0x7D00] =	vst v6;
	v2 =	vadd.f32 v2, v1  }
0x453: {  	v10 =	vld [tilespmem:s22+$0x6400];
	[tilespmem:s20+$0x7D10] =	vst v3;
	v3 =	vadd.f32 v4, v0  }
0x454: {  	v11 =	vld [tilespmem:s22+$0x6410];
	[tilespmem:s20+$0x9600] =	vst v2;
	v2 =	vadd.f32 v5, v1  }
.Ltmp30:
0x455: {  	v6 =	vld [tilespmem:s22+$0x7D00];
	[tilespmem:s20+$0x9610] =	vst v3;
	v4 =	vadd.f32 v8, v0;
	(pc) =	sbr.rel @p0 .LBB2_62-.Ltmp30, $4  }
0x456: {  	v3 =	vld [tilespmem:s22+$0x7D10];
	[tilespmem:s20+$0xAF00] =	vst v2;
	v1 =	vmov v9  }
0x457: {  	v2 =	vld [tilespmem:s22+$0x9600];
	[tilespmem:s20+$0xAF10] =	vst v4;
	v0 =	vmov v7;
	s20 =	smov.u32 s22  }
0x458: {  	v8 =	vadd.f32 v10, v1;
	v4 =	vld [tilespmem:s20+$0x9610]  }
0x459: {  	s21 =	sadd.s32 $0x80, s21;
	v7 =	vadd.f32 v11, v0;
	v5 =	vld [tilespmem:s20+$0xAF00]  }
0x45a: {  	[tilespmem:s20+$0x6400] =	vst v8;
	v6 =	vadd.f32 v6, v1;
	v8 =	vld [tilespmem:s20+$0xAF10]  }
0x45b: {  	[tilespmem:s20+$0x6410] =	vst v7;
	v3 =	vadd.f32 v3, v0  }
0x45c: {  	[tilespmem:s20+$0x7D00] =	vst v6;
	v2 =	vadd.f32 v2, v1  }
0x45d: {  	[tilespmem:s20+$0x7D10] =	vst v3;
	v3 =	vadd.f32 v4, v0  }
0x45e: {  	[tilespmem:s20+$0x9600] =	vst v2;
	v1 =	vadd.f32 v5, v1  }
0x45f: {  	[tilespmem:s20+$0x9610] =	vst v3;
	v0 =	vadd.f32 v8, v0  }
0x460: {  	[tilespmem:s20+$0xAF00] =	vst v1  }
0x461: {  	s22 =	simm.s32 $0x0;
	[tilespmem:s20+$0xAF10] =	vst v0  }
0x462: {  	[hbm4b:s7+s22] =	stream.linear.scatter [tilespmem:s13], [sflag:$0x3], $0x6400, $0x38;
	[tilespmem:$0x14500] =	vst v63  }
0x463: {  	_ =	swait.ge [sflag:s17], $0x6400  }
0x464: {  	[sflag:s17] =	ssyncset.done $0x0  }
0x465: {  	s20 =	simm.s32 $0x0;
	[sflag:s17] =	ssyncadd.s32 $0xFFFF9C00  }
0x466: {  	v1 =	vld [tilespmem:s20+$0x12C00]  }
0x467: {  	v0 =	vld [tilespmem:s20+$0x12C10]  }
0x468: {  	v5 =	vld [tilespmem:s20+$0xC800]  }
0x469: {  	v7 =	vld [tilespmem:s20+$0xC810]  }
0x46a: {  	v6 =	vld [tilespmem:s20+$0xE100]  }
0x46b: {  	v3 =	vld [tilespmem:s20+$0xE110]  }
0x46c: {  	v2 =	vld [tilespmem:s20+$0xFA00]  }
0x46d: {  	v4 =	vld [tilespmem:s20+$0xFA10];
	v8 =	vadd.f32 v5, v1  }
0x46e: {  	s21 =	simm.s32 $0x80;
	v7 =	vadd.f32 v7, v0;
	v5 =	vld [tilespmem:s20+$0x11300]  }
.LBB2_64:
0x46f: {  	s22 =	sshra.s32 s21, $0x2;
	p0 =	sne.s32 s21, $0x6380;
	[tilespmem:s20+$0xC800] =	vst v8;
	v6 =	vadd.f32 v6, v1;
	v8 =	vld [tilespmem:s20+$0x11310]  }
0x470: {  	v9 =	vld [tilespmem:s22+$0x12C00];
	[tilespmem:s20+$0xC810] =	vst v7;
	v3 =	vadd.f32 v3, v0  }
0x471: {  	v7 =	vld [tilespmem:s22+$0x12C10];
	[tilespmem:s20+$0xE100] =	vst v6;
	v2 =	vadd.f32 v2, v1  }
0x472: {  	v10 =	vld [tilespmem:s22+$0xC800];
	[tilespmem:s20+$0xE110] =	vst v3;
	v3 =	vadd.f32 v4, v0  }
0x473: {  	v11 =	vld [tilespmem:s22+$0xC810];
	[tilespmem:s20+$0xFA00] =	vst v2;
	v2 =	vadd.f32 v5, v1  }
.Ltmp31:
0x474: {  	v6 =	vld [tilespmem:s22+$0xE100];
	[tilespmem:s20+$0xFA10] =	vst v3;
	v4 =	vadd.f32 v8, v0;
	(pc) =	sbr.rel @p0 .LBB2_64-.Ltmp31, $4  }
0x475: {  	v3 =	vld [tilespmem:s22+$0xE110];
	[tilespmem:s20+$0x11300] =	vst v2;
	v1 =	vmov v9  }
0x476: {  	v2 =	vld [tilespmem:s22+$0xFA00];
	[tilespmem:s20+$0x11310] =	vst v4;
	v0 =	vmov v7;
	s20 =	smov.u32 s22  }
0x477: {  	v8 =	vadd.f32 v10, v1;
	v4 =	vld [tilespmem:s20+$0xFA10]  }
0x478: {  	s21 =	sadd.s32 $0x80, s21;
	v7 =	vadd.f32 v11, v0;
	v5 =	vld [tilespmem:s20+$0x11300]  }
0x479: {  	[tilespmem:s20+$0xC800] =	vst v8;
	v6 =	vadd.f32 v6, v1;
	v60 =	vld [tilespmem:s20+$0x11310]  }
0x47a: {  	[tilespmem:s20+$0xC810] =	vst v7;
	v3 =	vadd.f32 v3, v0  }
0x47b: {  	[tilespmem:s20+$0xE100] =	vst v6;
	v2 =	vadd.f32 v2, v1  }
0x47c: {  	[tilespmem:s20+$0xE110] =	vst v3;
	v61 =	vadd.f32 v4, v0  }
0x47d: {  	[tilespmem:s20+$0xFA00] =	vst v2;
	v62 =	vadd.f32 v5, v1  }
0x47e: {  	[tilespmem:s20+$0xFA10] =	vst v61;
	v63 =	vadd.f32 v60, v0  }
0x47f: {  	[tilespmem:s20+$0x11300] =	vst v62  }
0x480: {  	s19 =	sadd.s32 $0x1, s19;
	[tilespmem:s20+$0x11310] =	vst v63  }
0x481: {  	[hbm4b:s8+s2] =	stream.linear.scatter [tilespmem:s14], [sflag:$0x4], $0x6400, $0x38;
	[tilespmem:$0x14500] =	vst v63  }
0x482: {  	p0 =	sne.s32 s19, s9;
	_ =	swait.ge [sflag:s16], $0x6400  }
.Ltmp32:
0x483: {  	[sflag:s16] =	ssyncset.done $0x0;
	(pc) =	sbr.rel @p0 .LBB2_1-.Ltmp32, $4  }
0x484: {  	[sflag:s16] =	ssyncadd.s32 $0xFFFF9C00  }
0x485: {  	_ =	swait.ge [sflag:s18], $0x6400  }
0x486: {  	[sflag:s18] =	ssyncset.done $0x0  }
0x487: {  	[sflag:s18] =	ssyncadd.s32 $0xFFFF9C00  }
0x488: {  	_ =	sfence.sel $0x180000  }
0x489: {  	[bflag:$0x0] =	sbarrier.arrive $0xFFFF  }
0x48a: {  	_ =	strace $0x90000047  }
0x48b: {  	s0 =	stileid.u32;
	[bflag:$0x2] =	sbarrier.arrive $0xFFFF  }
0x48c: {  	p0 =	sne.s32 s0, $0x0;
	s0 =	rddreg [dreg:$0x2]  }
0x48d: {  	s0 =	sadd.s32 @!p0 $0x100000, s0  }
0x48e: {  	[sflag:s0] =	ssyncadd.tile.s32 @!p0 $0x1;
	_ =	shalt  }
.Lfunc_end2:
_tile_overlayer_lowered:
.L_overlay_start_2:
0x48f: {  	(tag) =	ssettag $0x2  }
0x490: {  	s0 =	rddreg [dreg:$0x0];
	s2 =	stileid.u32  }
0x491: {  	s1 =	rddreg [dreg:$0x1];
	p0 =	sne.s32 s2, $0x0  }
0x492: {  	s3 =	rddreg [dreg:$0x2];
	[bflag:$0x3] =	sbarrier.arrive $0xFFFF;
	s2 =	simm.s32 @!p0 $0x1C05  }
0x493: {  	[timem:s3], [sflag:s2] =	dma.local @!p0 [hbm:s0], s1  }
0x494: {  	s0 =	simm.s32 @!p0 $0x5  }
0x495: {  	_ =	swait.ge @!p0 [sflag:s0], s1  }
0x496: {  	s1 =	ssub.s32 @!p0 $0x0, s1;
	[sflag:s0] =	ssyncset.done @!p0 $0x0  }
0x497: {  	[sflag:s0] =	ssyncadd.s32 @!p0 s1  }
0x498: {  	[bflag:$0x3] =	sbarrier.arrive $0xFFFF  }
0x499: {  	_ =	shalt  }

// kernel: sparse-core-data-format-call.cloned.1.call-start
scs
called_computation_lowered:
.L_overlay_start_0:
0x0: {  	s2 =	sld [smem:$0x3FD9]  }
0x1: {  	s3 =	sld [smem:$0x3FFE];
	_ =	sdelay $0x1  }
0x2: {  	s1 =	srdreg.scid  }
0x3: {  	s0 =	sand.u32 $0x1, s1  }
0x4: {  	s18 =	sshll.u32 s0, $0xA;
	s2 =	sadd.s32 s3, s2  }
0x5: {  	s2 =	sadd.s32 s2, s18  }
0x6: {  	[smem:$0x3FC5] =	sst s2  }
0x7: {  	_ = 	snop  }
0x8: {  	s2 =	sld [smem:$0x3FD0];
	(tm) =	ssettm $0x1  }
0x9: {  	s19 =	sld [smem:$0x3FFB];
	_ =	sdelay $0x3  }
0xa: {  	_ =	strace s19  }
0xb: {  	s3 =	sld [smem:$0x3FFC];
	_ =	sdelay $0x3  }
0xc: {  	_ =	strace s3  }
0xd: {  	s3 =	sld [smem:$0x3FFD];
	_ =	sdelay $0x3  }
0xe: {  	_ =	strace s3  }
0xf: {  	_ =	strace $0x8FFFFFFF  }
0x10: {  	s20 =	sld [smem:$0x3FDB];
	_ =	sdelay $0x1  }
0x11: {  	s4 =	simm.s32 $_scs_section_size  }
0x12: {  	s5 =	simm.s32 $_size__tile_overlayer_lowered;
	s6 =	simm.s32 $_tile_overlayer_lowered  }
0x13: {  	s23 =	simm.s32 $0x1BFF;
	s22 =	sshll.u32 s6, $0x1;
	s3 =	sadd.s32 s4, s20  }
0x14: {  	s7 =	simm.s32 $0x0;
	s21 =	sshll.u32 s5, $0x1;
	s5 =	sadd.s32 s22, s3  }
0x15: {  	[timem:s7], [sflag:s23] =	dma.local [hbm:s5], s21  }
0x16: {  	_ =	swait.ge [sflag:s23], s21  }
0x17: {  	s4 =	ssub.s32 $0x0, s21;
	[sflag:s23] =	ssyncset.done $0x0  }
0x18: {  	[sflag:s23] =	ssyncadd.s32 s4;
	_ =	sdelay $0x1  }
0x19: {  	s24 =	simm.s32 $0x1B8B  }
0x1a: {  	_ =	swait.ge [sflag:s24], $0x1  }
0x1b: {  	[sflag:s24] =	ssyncset.done $0x0  }
0x1c: {  	s26 =	simm.s32 $0x1B8E;
	s25 =	sld [smem:$0x3FFE];
	[sflag:s24] =	ssyncadd.s32 $0xFFFFFFFF  }
0x1d: {  	s27 =	simm.s32 $execute0_lowered;
	[smem:$0x3FD2] =	sst s26  }
0x1e: {  	s5 =	sshll.u32 s27, $0x1;
	_ =	strace $0x80000049;
	[dreg:$0x1] =	wrdreg $0xFFFFFFFF  }
0x1f: {  	s28 =	simm.s32 $_size_execute0_lowered;
	s3 =	sadd.s32 s3, s5;
	[dreg:$0x0] =	wrdreg $0x0  }
0x20: {  	s5 =	sshll.u32 s28, $0x1;
	[dreg:$0x2] =	wrdreg s3  }
0x21: {  	[dreg:$0x3] =	wrdreg s5  }
0x22: {  	[dreg:$0x4] =	wrdreg $0xC0  }
0x23: {  	_ =	task [dreg:s7], $0x5FFFF  }
0x24: {  	[dreg:$0x1] =	wrdreg $0xFFFFFFFF  }
0x25: {  	[dreg:$0x0] =	wrdreg $0x60  }
0x26: {  	[dreg:$0x2] =	wrdreg s25  }
0x27: {  	[dreg:$0x3] =	wrdreg s2  }
0x28: {  	[dreg:$0x4] =	wrdreg $0x9  }
0x29: {  	_ =	task.clear_ibuf [dreg:s7], $0x5FFFF;
	_ =	strace $0x90000049  }
0x2a: {  	s29 =	simm.s32 $0x9;
	_ =	strace $0x8000004B  }
0x2b: {  	_ =	swait.ge [sflag:s29], $0x1  }
0x2c: {  	[sflag:s29] =	ssyncadd.s32 $0xFFFFFFFF  }
0x2d: {  	_ =	strace $0x9000004B  }
0x2e: {  	_ =	sfence  }
0x2f: {  	s30 =	sld [smem:$0x0];
	_ =	sdelay $0x2  }
0x30: {  	s31 =	sshll.u32 s1, $0xD;
	s1 =	sshrl.u32 s1, $0x2  }
0x31: {  	s3 =	sand.u32 $0x4000, s31;
	s1 =	sadd.s32 s1, s30  }
0x32: {  	s0 =	sor.u32 s3, s0;
	s1 =	sshll.u32 s1, $0x11  }
0x33: {  	s0 =	sor.u32 s1, s0  }
0x34: {  	s0 =	sadd.s32 $0x8F2B, s0  }
0x35: {  	[sflag:s0] =	ssyncadd.remote.s32 $0x1  }
0x36: {  	_ =	sfence.sel $0xFFFF  }
0x37: {  	[dreg:$0x0] =	wrdreg $0xFFFFFFFF;
	(pc) =	sbr.abs _section_cstart, $3  }
0x38: {  	[dreg:$0x1] =	wrdreg $0xFFFFFFFF  }
0x39: {  	_ =	task.clear_ibuf [dreg:s7], $0x2FFFF;
	_ =	strace $0x9FFFFFFF  }
0x3a: {  	(tm) =	ssettm $0x7FFFFFFF  }
0x3b: {  	_ =	shalt  }
tec
execute0_lowered:
.L_overlay_start_1:
0x0: {  	(tag) =	ssettag $0x1  }
0x1: {  	s0 =	srdreg.scid  }
0x2: {  	s1 =	sshll.u32 s0, $0x4  }
0x3: {  	s0 =	stileid.u32;
	s1 =	sand.u32 $0x10, s1  }
0x4: {  	s1 =	sor.u32 s0, s1  }
0x5: {  	s6 =	rddreg [dreg:$0x0];
	s4 =	simm.s32 $0x1;
	s2 =	sshll.u32 s1, $0x7  }
0x6: {  	s7 =	simm.s32 $0x2;
	s12 =	simm.s32 $0x0;
	s1 =	ssub.s32 $0x1000, s2  }
0x7: {  	s8 =	simm.s32 $0x8000;
	s13 =	simm.s32 $0x0;
	s3 =	sand.u32 $0xF80, s1  }
0x8: {  	s9 =	simm.s32 $0x0;
	s5 =	sshrl.u32 s1, $0xC;
	p0 =	sne.s32 s3, $0x0  }
.Ltmp0:
0x9: {  	s1 =	rddreg [dreg:$0x2];
	s4 =	simm.s32 @!p0 $0x0;
	(pc) =	sbr.rel .LBB1_1-.Ltmp0, $4  }
0xa: {  	s11 =	simm.s32 $0x0;
	s3 =	rddreg [dreg:$0x1];
	s5 =	sadd.s32 s4, s5  }
0xb: {  	_ =	strace $0x8000004A;
	s4 =	simm.s32 $0x1;
	s5 =	smul.u32 $0xC8, s5  }
0xc: {  	s6 =	sadd.s32 $0xC00, s6;
	s10 =	smov.u32 s2;
	[sflag:s4] =	ssyncpa.u1 $0x0  }
0xd: {  	p0 =	por $0x0, $0x0;
	[sflag:s7] =	ssyncpa.u1 $0x0;
	s7 =	sor.u32 $0x1, s5  }
.LBB1_4:
0xe: {  	s16 =	sshll.u32 s13, $0x3;
	s17 =	sand.u32 $0x78, s13  }
0xf: {  	s30 =	sand.u32 $0x3E00, s13;
	s12 =	sshll.u32 s12, $0xE;
	s16 =	sand.u32 $0xC00, s16  }
0x10: {  	s31 =	sand.u32 $0x7, s13;
	s16 =	sor.u32 s17, s16;
	s17 =	sadd.s32 s3, s30  }
0x11: {  	s13 =	sshll.u32 s31, $0x12;
	s16 =	sshrl.u32 s16, $0x3;
	s12 =	sadd.s32 s12, s17  }
0x12: {  	[tilespmem:s15+$0x0 ss:$0x81] =	vst.msk $0xffff, v0;
	s13 =	sor.u32 $0x400, s13;
	s12 =	sadd.s32 s16, s12  }
0x13: {  	[hbm4b:s12+s13] =	stream.strided.scatter [tilespmem:s14], [sflag:$0x2], $0x1000, s8, s13, $0x20;
	[tilespmem:$0x4040] =	vst v63  }
.LBB1_5:
0x14: {  	s14 =	sadd.s32 $0x1, s9  }
0x15: {  	s12 =	sadd.s32 $0x1000, s10;
	s16 =	smov.u32 s10;
	p2 =	sgt.s32 s14, $0xC7  }
0x16: {  	s16 =	smov.u32 @p2 s12  }
0x17: {  	s14 =	simm.s32 @p2 $0x0;
	p2 =	sgt.s32 s16, $0xFFF  }
0x18: {  	s16 =	smov.u32 @p2 s2;
	p2 =	sne.s32 s11, s7  }
.Ltmp1:
0x19: {  	p1 =	slt.u32 s11, $0x2;
	(pc) =	sbr.rel @!p2 .LBB1_6-.Ltmp1, $4  }
0x1a: {  	s15 =	simm.s32 @!p1 $0x2  }
0x1b: {  	s13 =	smov.u32 s10;
	p0 =	por !p0, !p0;
	_ =	swait.ge @!p1 [sflag:s15], $0x1000  }
0x1c: {  	s12 =	smov.u32 s9;
	[sflag:s15] =	ssyncset.done @!p1 $0x0;
	s9 =	smov.u32 s14  }
0x1d: {  	s11 =	sadd.s32 $0x1, s11;
	[sflag:s15] =	ssyncadd.s32 @!p1 $0xFFFFF000;
	s10 =	smov.u32 s16  }
.LBB1_1:
0x1e: {  	p1 =	sge.u32 s11, s5  }
0x1f: {  	s14 =	sand.u32 @!p1 $0x1FFFFFF, s9  }
0x20: {  	s15 =	smulhi.u32 @!p1 $0x147AE15, s14;
	_ =	sdelay $0x1  }
0x21: {  	s15 =	smul.u32 @!p1 $0xC8, s15  }
0x22: {  	s16 =	sxor.u32 @!p1 $0xFFFFFFFF, s11;
	s17 =	smul.u32 @!p1 $0xC80, s10  }
0x23: {  	s31 =	sadd.s32 $0xFFFFFFFF, s11;
	s16 =	sshll.u32 @!p1 s16, $0xC;
	s14 =	ssub.s32 @!p1 s14, s15  }
0x24: {  	s15 =	sand.u32 @!p1 $0x1000, s16;
	s16 =	sadd.s32 @!p1 s6, s17;
	s14 =	sshll.u32 @!p1 s14, $0x4  }
0x25: {  	s17 =	simm.s32 @!p1 $0x6400;
	s14 =	sadd.s32 @!p1 s14, s16;
	s16 =	simm.s32 @!p1 $0x20  }
0x26: {  	[tilespmem:s15], [sflag:$0x1] =	stream.strided.gather @!p1 [hbm4b:s14+s16], $0x1000, s17, s16, $0x38;
	[tilespmem:$0x4040] =	vst v63  }
0x27: {  	p1 =	sge.u32 s31, s5  }
.Ltmp2:
0x28: {  	_ = 	snop;
	(pc) =	sbr.rel @p1 .LBB1_5-.Ltmp2, $1  }
0x29: {  	_ =	sdelay $0x3  }
0x2a: {  	s14 =	simm.s32 $0x1  }
0x2b: {  	_ =	swait.ge [sflag:s4], $0x1000;
	s14 =	simm.s32 @!p0 $0x0  }
0x2c: {  	[sflag:s4] =	ssyncset.done $0x0;
	s15 =	sshll.u32 s14, $0xC  }
0x2d: {  	[sflag:s4] =	ssyncadd.s32 $0xFFFFF000;
	s18 =	sor.u32 $0x10, s15  }
0x2e: {  	s14 =	smul.u32 $0x4080, s14;
	v1 =	vld [tilespmem:s18+$0x0]  }
0x2f: {  	s30 =	sand.u32 $0x1, s11;
	v0 =	vld [tilespmem:s18+$0xFFFFFFF0]  }
0x30: {  	s15 =	smul.u32 $0x4080, s30;
	s14 =	sshrl.u32 s14, $0x2  }
0x31: {  	s16 =	sor.u32 $0x2000, s14  }
0x32: {  	s31 =	sshrl.u32 s15, $0x2;
	s15 =	sadd.s32 $0x0, s16  }
0x33: {  	s17 =	simm.s32 $0x4;
	s18 =	sadd.s32 $0x20, s18;
	s14 =	sor.u32 $0x2000, s31;
	[tilespmem:s15+$0x810 ss:$0x81] =	vst.msk $0xffff, v1  }
.LBB1_3:
0x34: {  	v1 =	vld [tilespmem:s18+$0x0];
	p1 =	sne.s32 s17, $0x1FC;
	[tilespmem:s15+$0x0 ss:$0x81] =	vst.msk $0xffff, v0;
	s15 =	smov.u32 s17;
	s17 =	sadd.s32 $0x4, s17  }
.Ltmp3:
0x35: {  	v0 =	vld [tilespmem:s18+$0xFFFFFFF0];
	(pc) =	sbr.rel @p1 .LBB1_3-.Ltmp3, $4  }
0x36: {  	_ = 	snop  }
0x37: {  	s15 =	sshra.s32 s15, $0x2  }
0x38: {  	s15 =	sadd.s32 s15, s16  }
0x39: {  	s18 =	sadd.s32 $0x20, s18;
	[tilespmem:s15+$0x810 ss:$0x81] =	vst.msk $0xffff, v1  }
.Ltmp4:
0x3a: {  	_ = 	snop;
	(pc) =	sbr.rel .LBB1_4-.Ltmp4, $1  }
0x3b: {  	_ =	sdelay $0x3  }
.LBB1_6:
0x3c: {  	_ =	sfence.sel $0x180000  }
0x3d: {  	s2 =	simm.s32 $0x1;
	[bflag:$0x0] =	sbarrier.arrive $0xFFFF  }
0x3e: {  	s31 =	simm.s32 $0x2;
	[sflag:s2] =	ssyncpa.u1 $0x1  }
0x3f: {  	[sflag:s31] =	ssyncpa.u1 $0x1  }
0x40: {  	p0 =	sne.s32 s0, $0x0;
	_ =	strace $0x9000004A  }
0x41: {  	s0 =	sadd.s32 @!p0 $0x100000, s1;
	[bflag:$0x2] =	sbarrier.arrive $0xFFFF  }
0x42: {  	[sflag:s0] =	ssyncadd.tile.s32 @!p0 $0x1;
	_ =	shalt  }
.Lfunc_end1:
_tile_overlayer_lowered:
.L_overlay_start_2:
0x43: {  	(tag) =	ssettag $0x2  }
0x44: {  	s0 =	rddreg [dreg:$0x0];
	s2 =	stileid.u32  }
0x45: {  	s1 =	rddreg [dreg:$0x1];
	p0 =	sne.s32 s2, $0x0  }
0x46: {  	s3 =	rddreg [dreg:$0x2];
	[bflag:$0x3] =	sbarrier.arrive $0xFFFF;
	s2 =	simm.s32 @!p0 $0x1C01  }
0x47: {  	[timem:s3], [sflag:s2] =	dma.local @!p0 [hbm:s0], s1  }
0x48: {  	s0 =	simm.s32 @!p0 $0x1  }
0x49: {  	_ =	swait.ge @!p0 [sflag:s0], s1  }
0x4a: {  	s1 =	ssub.s32 @!p0 $0x0, s1;
	[sflag:s0] =	ssyncset.done @!p0 $0x0  }
0x4b: {  	[sflag:s0] =	ssyncadd.s32 @!p0 s1  }
0x4c: {  	[bflag:$0x3] =	sbarrier.arrive $0xFFFF  }
0x4d: {  	_ =	shalt  }

</sc_bundles>
